<compile_context>
chip_gen: v7x
topology: tpu7x:2x2x1
jax: 0.10.2.dev20260603
libtpu: 0.0.44.dev20260713+nightly
codegen_flags: <defaults>
</compile_context>

<pallas_src>
import functools

import jax
import jax.numpy as jnp
import numpy as np
from jax import lax
from jax.experimental import pallas as pl
from jax.experimental.pallas import tpu as pltpu
from jax.experimental.pallas import tpu_sc as plsc

NUM_GRAPHS = 256
NUM_TIMESTEPS = 1000
N_PROTEIN = 100000
N_LIGAND = 20000

NC = 2
NS = 16
NW = NC * NS
L = 16

CP = 3136
CL = 640
NP_PAD = NW * CP
NL_PAD = NW * CL
NV_P = CP // L
NV_L = CL // L

G = NUM_GRAPHS


def _cosine_schedule_tables():
    steps = NUM_TIMESTEPS + 1
    x = np.linspace(0, steps, steps)
    ac = np.cos((x / steps + 0.01) / 1.01 * np.pi * 0.5) ** 2
    ac = ac / ac[0]
    alphas = np.clip(ac[1:] / ac[:-1], a_min=0.001, a_max=1.0)
    acp = np.cumprod(alphas, axis=0)
    sa = np.sqrt(acp).astype(np.float32)
    som = np.sqrt(1.0 - acp).astype(np.float32)
    return sa, som


_SA_NP, _SOM_NP = _cosine_schedule_tables()


def _protein_body(pp_hbm, bp_hbm, part_hbm,
                  idx_v, pos_v,
                  ex_v, ey_v, ez_v, sx_v, sy_v, sz_v, ep_v, sp_v,
                  res_v, red_v, out_v, sh_s):
    c = lax.axis_index("c")
    s = lax.axis_index("s")
    wid = c * NS + s
    base = wid * CP

    pltpu.sync_copy(bp_hbm.at[pl.ds(base, CP)], idx_v.at[pl.ds(0, CP)])
    pltpu.sync_copy(pp_hbm.at[pl.ds(base * 3, CP * 3)], pos_v)
    idx_v[pl.ds(CP, L)] = jnp.full((L,), G, dtype=jnp.int32)

    zf = jnp.zeros((L,), dtype=jnp.float32)
    zi = jnp.zeros((L,), dtype=jnp.int32)
    for j in range(G // L):
        sl = pl.ds(j * L, L)
        ex_v[sl] = zf
        ey_v[sl] = zf
        ez_v[sl] = zf
        sx_v[sl] = zf
        sy_v[sl] = zf
        sz_v[sl] = zf
        ep_v[sl] = zi
        sp_v[sl] = zi

    lane = lax.iota(jnp.int32, L)
    lane3 = lane * 3

    def body(i, carry):
        cxc, cyc, czc = carry
        b = i * L
        idxv = idx_v[pl.ds(b, L)]
        idxn = plsc.load_gather(idx_v, [lane + (b + 1)])
        x = plsc.load_gather(pos_v, [lane3 + b * 3])
        y = plsc.load_gather(pos_v, [lane3 + (b * 3 + 1)])
        z = plsc.load_gather(pos_v, [lane3 + (b * 3 + 2)])
        cx = plsc.cumsum(x) + cxc
        cy = plsc.cumsum(y) + cyc
        cz = plsc.cumsum(z) + czc
        pos1 = b + lane + 1
        m = idxv != idxn
        m_end = jnp.logical_and(m, idxv < G)
        idxv_c = jnp.minimum(idxv, G - 1)
        m_sta = jnp.logical_and(m, idxn < G)
        idxn_c = jnp.minimum(idxn, G - 1)
        plsc.store_scatter(ex_v, [idxv_c], cx, mask=m_end)
        plsc.store_scatter(ey_v, [idxv_c], cy, mask=m_end)
        plsc.store_scatter(ez_v, [idxv_c], cz, mask=m_end)
        plsc.store_scatter(ep_v, [idxv_c], pos1, mask=m_end)
        plsc.store_scatter(sx_v, [idxn_c], cx, mask=m_sta)
        plsc.store_scatter(sy_v, [idxn_c], cy, mask=m_sta)
        plsc.store_scatter(sz_v, [idxn_c], cz, mask=m_sta)
        plsc.store_scatter(sp_v, [idxn_c], pos1, mask=m_sta)
        return (cxc + jnp.sum(x), cyc + jnp.sum(y), czc + jnp.sum(z))

    zero = jnp.float32(0.0)
    lax.fori_loop(0, NV_P, body, (zero, zero, zero), unroll=4)

    for j in range(G // L):
        sl = pl.ds(j * L, L)
        res_v[j, 0] = ex_v[sl] - sx_v[sl]
        res_v[j, 1] = ey_v[sl] - sy_v[sl]
        res_v[j, 2] = ez_v[sl] - sz_v[sl]
        res_v[j, 3] = (ep_v[sl] - sp_v[sl]).astype(jnp.float32)

    pltpu.sync_copy(res_v, sh_s.at[s])
    plsc.subcore_barrier()
    for k in range(NS):
        pltpu.sync_copy(sh_s.at[k, s], red_v.at[k])
    for ch in range(4):
        acc = red_v[0, ch]
        for k in range(1, NS):
            acc = acc + red_v[k, ch]
        out_v[ch] = acc
    pltpu.sync_copy(out_v, part_hbm.at[c, s])


def _ligand_body(part_hbm, lp_hbm, ns_hbm, bl_hbm, ts_hbm, sa_hbm, som_hbm,
                 out_hbm,
                 pv, blv, lpv, nsv, tsv, sav, somv,
                 offx_v, offy_v, offz_v, av, bv, outv):
    c = lax.axis_index("c")
    s = lax.axis_index("s")
    wid = c * NS + s
    base = wid * CL

    pltpu.sync_copy(part_hbm, pv)
    pltpu.sync_copy(ts_hbm, tsv)
    pltpu.sync_copy(sa_hbm, sav)
    pltpu.sync_copy(som_hbm, somv)
    pltpu.sync_copy(bl_hbm.at[pl.ds(base, CL)], blv)
    pltpu.sync_copy(lp_hbm.at[pl.ds(base * 3, CL * 3)], lpv)
    pltpu.sync_copy(ns_hbm.at[pl.ds(base * 3, CL * 3)], nsv)

    one = jnp.float32(1.0)
    for j in range(G // L):
        sl = pl.ds(j * L, L)
        sx = pv[0, j, 0] + pv[1, j, 0]
        sy = pv[0, j, 1] + pv[1, j, 1]
        sz = pv[0, j, 2] + pv[1, j, 2]
        cn = pv[0, j, 3] + pv[1, j, 3]
        inv = one / jnp.maximum(cn, one)
        offx_v[sl] = sx * inv
        offy_v[sl] = sy * inv
        offz_v[sl] = sz * inv
        t16 = tsv[sl]
        av[sl] = plsc.load_gather(sav, [t16])
        bv[sl] = plsc.load_gather(somv, [t16])

    lane = lax.iota(jnp.int32, L)
    lane3 = lane * 3

    def body(i, carry):
        b = i * L
        idxv = blv[pl.ds(b, L)]
        ox = plsc.load_gather(offx_v, [idxv])
        oy = plsc.load_gather(offy_v, [idxv])
        oz = plsc.load_gather(offz_v, [idxv])
        a16 = plsc.load_gather(av, [idxv])
        b16 = plsc.load_gather(bv, [idxv])
        x = plsc.load_gather(lpv, [lane3 + b * 3])
        y = plsc.load_gather(lpv, [lane3 + (b * 3 + 1)])
        z = plsc.load_gather(lpv, [lane3 + (b * 3 + 2)])
        nx = plsc.load_gather(nsv, [lane3 + b * 3])
        ny = plsc.load_gather(nsv, [lane3 + (b * 3 + 1)])
        nz = plsc.load_gather(nsv, [lane3 + (b * 3 + 2)])
        plsc.store_scatter(outv, [lane3 + b * 3], a16 * (x - ox) + b16 * nx)
        plsc.store_scatter(outv, [lane3 + (b * 3 + 1)], a16 * (y - oy) + b16 * ny)
        plsc.store_scatter(outv, [lane3 + (b * 3 + 2)], a16 * (z - oz) + b16 * nz)
        return carry

    lax.fori_loop(0, NV_L, body, 0, unroll=4)
    pltpu.sync_copy(outv, out_hbm.at[pl.ds(base * 3, CL * 3)])


def kernel(protein_pos, ligand_pos, pos_noise, batch_protein, batch_ligand, time_step):
    f32 = jnp.float32
    pp = protein_pos.reshape(-1)
    pp = jnp.concatenate([pp, jnp.zeros((NP_PAD * 3 - pp.shape[0],), f32)])
    bp = batch_protein.astype(jnp.int32)
    bp = jnp.concatenate([bp, jnp.full((NP_PAD - N_PROTEIN,), G, jnp.int32)])
    lp = ligand_pos.reshape(-1)
    lp = jnp.concatenate([lp, jnp.zeros((NL_PAD * 3 - lp.shape[0],), f32)])
    ns = pos_noise.reshape(-1)
    ns = jnp.concatenate([ns, jnp.zeros((NL_PAD * 3 - ns.shape[0],), f32)])
    bl = batch_ligand.astype(jnp.int32)
    bl = jnp.concatenate([bl, jnp.zeros((NL_PAD - N_LIGAND,), jnp.int32)])
    ts = time_step.astype(jnp.int32)
    sa = jnp.asarray(_SA_NP)
    som = jnp.asarray(_SOM_NP)

    mesh = plsc.VectorSubcoreMesh(core_axis_name="c", subcore_axis_name="s")
    cparams = pltpu.CompilerParams(needs_layout_passes=False)

    k1 = pl.kernel(
        _protein_body,
        out_type=jax.ShapeDtypeStruct((NC, G // L, 4, L), f32),
        mesh=mesh,
        compiler_params=cparams,
        scratch_types=[
            pltpu.VMEM((CP + L,), jnp.int32),
            pltpu.VMEM((CP * 3,), f32),
            pltpu.VMEM((G,), f32),
            pltpu.VMEM((G,), f32),
            pltpu.VMEM((G,), f32),
            pltpu.VMEM((G,), f32),
            pltpu.VMEM((G,), f32),
            pltpu.VMEM((G,), f32),
            pltpu.VMEM((G,), jnp.int32),
            pltpu.VMEM((G,), jnp.int32),
            pltpu.VMEM((G // L, 4, L), f32),
            pltpu.VMEM((NS, 4, L), f32),
            pltpu.VMEM((4, L), f32),
            pltpu.VMEM_SHARED((NS, G // L, 4, L), f32),
        ],
    )
    part = k1(pp, bp)

    k2 = pl.kernel(
        _ligand_body,
        out_type=jax.ShapeDtypeStruct((NL_PAD * 3,), f32),
        mesh=mesh,
        compiler_params=cparams,
        scratch_types=[
            pltpu.VMEM((NC, G // L, 4, L), f32),
            pltpu.VMEM((CL,), jnp.int32),
            pltpu.VMEM((CL * 3,), f32),
            pltpu.VMEM((CL * 3,), f32),
            pltpu.VMEM((G,), jnp.int32),
            pltpu.VMEM((NUM_TIMESTEPS,), f32),
            pltpu.VMEM((NUM_TIMESTEPS,), f32),
            pltpu.VMEM((G,), f32),
            pltpu.VMEM((G,), f32),
            pltpu.VMEM((G,), f32),
            pltpu.VMEM((G,), f32),
            pltpu.VMEM((G,), f32),
            pltpu.VMEM((CL * 3,), f32),
        ],
    )
    out = k2(part, lp, ns, bl, ts, sa, som)
    return out[: N_LIGAND * 3].reshape(N_LIGAND, 3)

# --- scband reference (transcript-rebuilt; emitter-appended) ---
"""Pipeline reference for scband-score-pos-net3-d-8555574853658 (READ-ONLY COPY).

The authoritative reference and input builder live on the scoring server;
editing this copy changes nothing except your own understanding.
"""

import jax, jax.numpy as jnp
import numpy as np

NUM_GRAPHS = 256
NUM_TIMESTEPS = 1000
N_PROTEIN = 100000
N_LIGAND = 20000

def _cosine_beta_schedule(timesteps, s=0.01):
    steps = timesteps + 1
    x = np.linspace(0, steps, steps)
    alphas_cumprod = np.cos((x / steps + s) / (1 + s) * np.pi * 0.5) ** 2
    alphas_cumprod = alphas_cumprod / alphas_cumprod[0]
    alphas = alphas_cumprod[1:] / alphas_cumprod[:-1]
    alphas = np.clip(alphas, a_min=0.001, a_max=1.0)
    alphas = np.sqrt(alphas)
    return alphas

_alphas = _cosine_beta_schedule(NUM_TIMESTEPS) ** 2
_alphas_cumprod = np.cumprod(_alphas, axis=0)
SQRT_ALPHAS_CUMPROD = jnp.asarray(np.sqrt(_alphas_cumprod), dtype=jnp.float32)
SQRT_ONE_MINUS_ALPHAS_CUMPROD = jnp.asarray(np.sqrt(1.0 - _alphas_cumprod), dtype=jnp.float32)


def setup_inputs(seed: int = 0) -> dict:
    key = jax.random.key(seed)
    k1, k2, k3, k4, k5, k6 = jax.random.split(key, 6)
    protein_pos = jax.random.normal(k1, (N_PROTEIN, 3), dtype=jnp.float32)
    ligand_pos = jax.random.normal(k2, (N_LIGAND, 3), dtype=jnp.float32)
    pos_noise = jax.random.normal(k3, (N_LIGAND, 3), dtype=jnp.float32)
    batch_protein = jnp.sort(jax.random.randint(k4, (N_PROTEIN,), 0, NUM_GRAPHS, dtype=jnp.int64) if jax.config.jax_enable_x64 else jax.random.randint(k4, (N_PROTEIN,), 0, NUM_GRAPHS).astype(jnp.int32))
    batch_ligand = jnp.sort(jax.random.randint(k5, (N_LIGAND,), 0, NUM_GRAPHS).astype(jnp.int32))
    time_step = jax.random.randint(k6, (NUM_GRAPHS,), 0, NUM_TIMESTEPS).astype(jnp.int32)
    return {
        'protein_pos': protein_pos,
        'ligand_pos': ligand_pos,
        'pos_noise': pos_noise,
        'batch_protein': batch_protein,
        'batch_ligand': batch_ligand,
        'time_step': time_step,
    }


def _extract(coef, t, batch):
    # coef[t][batch].unsqueeze(-1)
    return coef[t][batch][:, None]


def reference(protein_pos, ligand_pos, pos_noise, batch_protein, batch_ligand, time_step):
    # center_pos(mode='protein'): offset = scatter_mean(protein_pos, batch_protein, dim=0)
    sums = jax.ops.segment_sum(protein_pos, batch_protein, num_segments=NUM_GRAPHS)
    counts = jax.ops.segment_sum(jnp.ones((protein_pos.shape[0],), dtype=protein_pos.dtype), batch_protein, num_segments=NUM_GRAPHS)
    offset = sums / jnp.clip(counts, 1.0)[:, None]
    ligand_pos_c = ligand_pos - offset[batch_ligand]
    # forward diffusion perturbation q(x_t | x_0) on centered ligand positions
    a_pos = _extract(SQRT_ALPHAS_CUMPROD, time_step, batch_ligand)
    b_pos = _extract(SQRT_ONE_MINUS_ALPHAS_CUMPROD, time_step, batch_ligand)
    ligand_pos_perturbed = a_pos * ligand_pos_c + b_pos * pos_noise
    return ligand_pos_perturbed

if __name__ == "__main__":
    import jax
    _d = setup_inputs()
    print(jax.jit(kernel)(*tuple(_d.values())))

</pallas_src>

<mosaic_0001>
#map = affine_map<(d0, d1) -> (0, 0, 0, 0)>
#map1 = affine_map<(d0, d1) -> (0)>
module attributes {stable_mosaic.version = 14 : i64} {
  func.func @_ligand_body(%arg0: i32, %arg1: i32, %arg2: memref<2x16x4x16xf32, #tpu.memory_space<hbm>>, %arg3: memref<61440xf32, #tpu.memory_space<hbm>>, %arg4: memref<61440xf32, #tpu.memory_space<hbm>>, %arg5: memref<20480xi32, #tpu.memory_space<hbm>>, %arg6: memref<256xi32, #tpu.memory_space<hbm>>, %arg7: memref<1000xf32, #tpu.memory_space<hbm>>, %arg8: memref<1000xf32, #tpu.memory_space<hbm>>, %arg9: memref<61440xf32, #tpu.memory_space<hbm>>, %arg10: memref<2x16x4x16xf32, #tpu.memory_space<vmem>>, %arg11: memref<640xi32, #tpu.memory_space<vmem>>, %arg12: memref<1920xf32, #tpu.memory_space<vmem>>, %arg13: memref<1920xf32, #tpu.memory_space<vmem>>, %arg14: memref<256xi32, #tpu.memory_space<vmem>>, %arg15: memref<1000xf32, #tpu.memory_space<vmem>>, %arg16: memref<1000xf32, #tpu.memory_space<vmem>>, %arg17: memref<256xf32, #tpu.memory_space<vmem>>, %arg18: memref<256xf32, #tpu.memory_space<vmem>>, %arg19: memref<256xf32, #tpu.memory_space<vmem>>, %arg20: memref<256xf32, #tpu.memory_space<vmem>>, %arg21: memref<256xf32, #tpu.memory_space<vmem>>, %arg22: memref<1920xf32, #tpu.memory_space<vmem>>) attributes {dimension_semantics = [#tpu.dimension_semantics<core_parallel>, #tpu.dimension_semantics<subcore_parallel>], iteration_bounds = array<i64: 2, 16>, scalar_prefetch = 0 : i64, scratch_operands = 13 : i64, tpu.core_type = #tpu.core_type<sc_vector_subcore>, window_params = [{transform_indices = #map}, {transform_indices = #map1}, {transform_indices = #map1}, {transform_indices = #map1}, {transform_indices = #map1}, {transform_indices = #map1}, {transform_indices = #map1}, {transform_indices = #map1}]} {
    %mul3A = arith.constant 16 : i32
    %mul3A_0 = arith.muli %arg0, %mul3A : i32
    %add3A = arith.addi %mul3A_0, %arg1 : i32
    %mul3A_1 = arith.constant 640 : i32
    %mul3A_2 = arith.muli %add3A, %mul3A_1 : i32
    "tpu.region"() ({
      %run_scoped3A = tpu.sem_alloc : memref<!tpu.dma_semaphore, #tpu.memory_space<semaphore_mem>>
      tpu.enqueue_dma source(%arg2 : memref<2x16x4x16xf32, #tpu.memory_space<hbm>>) target(%arg10 : memref<2x16x4x16xf32, #tpu.memory_space<vmem>>) target_semaphore(%run_scoped3A : memref<!tpu.dma_semaphore, #tpu.memory_space<semaphore_mem>>)
      tpu.wait_dma2 semaphore(%run_scoped3A : memref<!tpu.dma_semaphore, #tpu.memory_space<semaphore_mem>>) src(%arg2 : memref<2x16x4x16xf32, #tpu.memory_space<hbm>>) dst(%arg10 : memref<2x16x4x16xf32, #tpu.memory_space<vmem>>)
      tpu.yield
    }) : () -> ()
    "tpu.region"() ({
      %run_scoped3A = tpu.sem_alloc : memref<!tpu.dma_semaphore, #tpu.memory_space<semaphore_mem>>
      tpu.enqueue_dma source(%arg6 : memref<256xi32, #tpu.memory_space<hbm>>) target(%arg14 : memref<256xi32, #tpu.memory_space<vmem>>) target_semaphore(%run_scoped3A : memref<!tpu.dma_semaphore, #tpu.memory_space<semaphore_mem>>)
      tpu.wait_dma2 semaphore(%run_scoped3A : memref<!tpu.dma_semaphore, #tpu.memory_space<semaphore_mem>>) src(%arg6 : memref<256xi32, #tpu.memory_space<hbm>>) dst(%arg14 : memref<256xi32, #tpu.memory_space<vmem>>)
      tpu.yield
    }) : () -> ()
    "tpu.region"() ({
      %run_scoped3A = tpu.sem_alloc : memref<!tpu.dma_semaphore, #tpu.memory_space<semaphore_mem>>
      tpu.enqueue_dma source(%arg7 : memref<1000xf32, #tpu.memory_space<hbm>>) target(%arg15 : memref<1000xf32, #tpu.memory_space<vmem>>) target_semaphore(%run_scoped3A : memref<!tpu.dma_semaphore, #tpu.memory_space<semaphore_mem>>)
      tpu.wait_dma2 semaphore(%run_scoped3A : memref<!tpu.dma_semaphore, #tpu.memory_space<semaphore_mem>>) src(%arg7 : memref<1000xf32, #tpu.memory_space<hbm>>) dst(%arg15 : memref<1000xf32, #tpu.memory_space<vmem>>)
      tpu.yield
    }) : () -> ()
    "tpu.region"() ({
      %run_scoped3A = tpu.sem_alloc : memref<!tpu.dma_semaphore, #tpu.memory_space<semaphore_mem>>
      tpu.enqueue_dma source(%arg8 : memref<1000xf32, #tpu.memory_space<hbm>>) target(%arg16 : memref<1000xf32, #tpu.memory_space<vmem>>) target_semaphore(%run_scoped3A : memref<!tpu.dma_semaphore, #tpu.memory_space<semaphore_mem>>)
      tpu.wait_dma2 semaphore(%run_scoped3A : memref<!tpu.dma_semaphore, #tpu.memory_space<semaphore_mem>>) src(%arg8 : memref<1000xf32, #tpu.memory_space<hbm>>) dst(%arg16 : memref<1000xf32, #tpu.memory_space<vmem>>)
      tpu.yield
    }) : () -> ()
    "tpu.region"() ({
      %run_scoped3A = tpu.sem_alloc : memref<!tpu.dma_semaphore, #tpu.memory_space<semaphore_mem>>
      %dma_start3A = tpu.memref_slice %arg5[%mul3A_2] : memref<20480xi32, #tpu.memory_space<hbm>> -> memref<640xi32, #tpu.memory_space<hbm>>
      %dma_start3A_1468 = tpu.memref_slice %arg5[%mul3A_2] : memref<20480xi32, #tpu.memory_space<hbm>> -> memref<640xi32, #tpu.memory_space<hbm>>
      tpu.enqueue_dma source(%dma_start3A_1468 : memref<640xi32, #tpu.memory_space<hbm>>) target(%arg11 : memref<640xi32, #tpu.memory_space<vmem>>) target_semaphore(%run_scoped3A : memref<!tpu.dma_semaphore, #tpu.memory_space<semaphore_mem>>)
      %dma_wait3A = tpu.memref_slice %arg5[%mul3A_2] : memref<20480xi32, #tpu.memory_space<hbm>> -> memref<640xi32, #tpu.memory_space<hbm>>
      %dma_wait3A_1469 = tpu.memref_slice %arg5[%mul3A_2] : memref<20480xi32, #tpu.memory_space<hbm>> -> memref<640xi32, #tpu.memory_space<hbm>>
      tpu.wait_dma2 semaphore(%run_scoped3A : memref<!tpu.dma_semaphore, #tpu.memory_space<semaphore_mem>>) src(%dma_wait3A_1469 : memref<640xi32, #tpu.memory_space<hbm>>) dst(%arg11 : memref<640xi32, #tpu.memory_space<vmem>>)
      tpu.yield
    }) : () -> ()
    %mul3A_3 = arith.constant 3 : i32
    %mul3A_4 = arith.muli %mul3A_2, %mul3A_3 : i32
    "tpu.region"() ({
      %run_scoped3A = tpu.sem_alloc : memref<!tpu.dma_semaphore, #tpu.memory_space<semaphore_mem>>
      %dma_start3A = tpu.memref_slice %arg3[%mul3A_4] : memref<61440xf32, #tpu.memory_space<hbm>> -> memref<1920xf32, #tpu.memory_space<hbm>>
      %dma_start3A_1468 = tpu.memref_slice %arg3[%mul3A_4] : memref<61440xf32, #tpu.memory_space<hbm>> -> memref<1920xf32, #tpu.memory_space<hbm>>
      tpu.enqueue_dma source(%dma_start3A_1468 : memref<1920xf32, #tpu.memory_space<hbm>>) target(%arg12 : memref<1920xf32, #tpu.memory_space<vmem>>) target_semaphore(%run_scoped3A : memref<!tpu.dma_semaphore, #tpu.memory_space<semaphore_mem>>)
      %dma_wait3A = tpu.memref_slice %arg3[%mul3A_4] : memref<61440xf32, #tpu.memory_space<hbm>> -> memref<1920xf32, #tpu.memory_space<hbm>>
      %dma_wait3A_1469 = tpu.memref_slice %arg3[%mul3A_4] : memref<61440xf32, #tpu.memory_space<hbm>> -> memref<1920xf32, #tpu.memory_space<hbm>>
      tpu.wait_dma2 semaphore(%run_scoped3A : memref<!tpu.dma_semaphore, #tpu.memory_space<semaphore_mem>>) src(%dma_wait3A_1469 : memref<1920xf32, #tpu.memory_space<hbm>>) dst(%arg12 : memref<1920xf32, #tpu.memory_space<vmem>>)
      tpu.yield
    }) : () -> ()
    %mul3A_5 = arith.constant 3 : i32
    %mul3A_6 = arith.muli %mul3A_2, %mul3A_5 : i32
    "tpu.region"() ({
      %run_scoped3A = tpu.sem_alloc : memref<!tpu.dma_semaphore, #tpu.memory_space<semaphore_mem>>
      %dma_start3A = tpu.memref_slice %arg4[%mul3A_6] : memref<61440xf32, #tpu.memory_space<hbm>> -> memref<1920xf32, #tpu.memory_space<hbm>>
      %dma_start3A_1468 = tpu.memref_slice %arg4[%mul3A_6] : memref<61440xf32, #tpu.memory_space<hbm>> -> memref<1920xf32, #tpu.memory_space<hbm>>
      tpu.enqueue_dma source(%dma_start3A_1468 : memref<1920xf32, #tpu.memory_space<hbm>>) target(%arg13 : memref<1920xf32, #tpu.memory_space<vmem>>) target_semaphore(%run_scoped3A : memref<!tpu.dma_semaphore, #tpu.memory_space<semaphore_mem>>)
      %dma_wait3A = tpu.memref_slice %arg4[%mul3A_6] : memref<61440xf32, #tpu.memory_space<hbm>> -> memref<1920xf32, #tpu.memory_space<hbm>>
      %dma_wait3A_1469 = tpu.memref_slice %arg4[%mul3A_6] : memref<61440xf32, #tpu.memory_space<hbm>> -> memref<1920xf32, #tpu.memory_space<hbm>>
      tpu.wait_dma2 semaphore(%run_scoped3A : memref<!tpu.dma_semaphore, #tpu.memory_space<semaphore_mem>>) src(%dma_wait3A_1469 : memref<1920xf32, #tpu.memory_space<hbm>>) dst(%arg13 : memref<1920xf32, #tpu.memory_space<vmem>>)
      tpu.yield
    }) : () -> ()
    %get3A = arith.constant 0 : i32
    %get3A_7 = arith.constant 0 : i32
    %get3A_8 = arith.constant 0 : i32
    %get3A_9 = arith.index_cast %get3A : i32 to index
    %get3A_10 = arith.index_cast %get3A_7 : i32 to index
    %get3A_11 = arith.index_cast %get3A_8 : i32 to index
    %get3A_12 = arith.constant 0 : index
    %get3A_13 = tpu.vector_load %arg10[%get3A_9, %get3A_10, %get3A_11, %get3A_12] {strides = array<i32>} : memref<2x16x4x16xf32, #tpu.memory_space<vmem>>, vector<16xf32>,
    %get3A_14 = arith.constant 1 : i32
    %get3A_15 = arith.constant 0 : i32
    %get3A_16 = arith.constant 0 : i32
    %get3A_17 = arith.index_cast %get3A_14 : i32 to index
    %get3A_18 = arith.index_cast %get3A_15 : i32 to index
    %get3A_19 = arith.index_cast %get3A_16 : i32 to index
    %get3A_20 = arith.constant 0 : index
    %get3A_21 = tpu.vector_load %arg10[%get3A_17, %get3A_18, %get3A_19, %get3A_20] {strides = array<i32>} : memref<2x16x4x16xf32, #tpu.memory_space<vmem>>, vector<16xf32>,
    %add3A_22 = arith.addf %get3A_13, %get3A_21 : vector<16xf32>
    %get3A_23 = arith.constant 0 : i32
    %get3A_24 = arith.constant 0 : i32
    %get3A_25 = arith.constant 1 : i32
    %get3A_26 = arith.index_cast %get3A_23 : i32 to index
    %get3A_27 = arith.index_cast %get3A_24 : i32 to index
    %get3A_28 = arith.index_cast %get3A_25 : i32 to index
    %get3A_29 = arith.constant 0 : index
    %get3A_30 = tpu.vector_load %arg10[%get3A_26, %get3A_27, %get3A_28, %get3A_29] {strides = array<i32>} : memref<2x16x4x16xf32, #tpu.memory_space<vmem>>, vector<16xf32>,
    %get3A_31 = arith.constant 1 : i32
    %get3A_32 = arith.constant 0 : i32
    %get3A_33 = arith.constant 1 : i32
    %get3A_34 = arith.index_cast %get3A_31 : i32 to index
    %get3A_35 = arith.index_cast %get3A_32 : i32 to index
    %get3A_36 = arith.index_cast %get3A_33 : i32 to index
    %get3A_37 = arith.constant 0 : index
    %get3A_38 = tpu.vector_load %arg10[%get3A_34, %get3A_35, %get3A_36, %get3A_37] {strides = array<i32>} : memref<2x16x4x16xf32, #tpu.memory_space<vmem>>, vector<16xf32>,
    %add3A_39 = arith.addf %get3A_30, %get3A_38 : vector<16xf32>
    %get3A_40 = arith.constant 0 : i32
    %get3A_41 = arith.constant 0 : i32
    %get3A_42 = arith.constant 2 : i32
    %get3A_43 = arith.index_cast %get3A_40 : i32 to index
    %get3A_44 = arith.index_cast %get3A_41 : i32 to index
    %get3A_45 = arith.index_cast %get3A_42 : i32 to index
    %get3A_46 = arith.constant 0 : index
    %get3A_47 = tpu.vector_load %arg10[%get3A_43, %get3A_44, %get3A_45, %get3A_46] {strides = array<i32>} : memref<2x16x4x16xf32, #tpu.memory_space<vmem>>, vector<16xf32>,
    %get3A_48 = arith.constant 1 : i32
    %get3A_49 = arith.constant 0 : i32
    %get3A_50 = arith.constant 2 : i32
    %get3A_51 = arith.index_cast %get3A_48 : i32 to index
    %get3A_52 = arith.index_cast %get3A_49 : i32 to index
    %get3A_53 = arith.index_cast %get3A_50 : i32 to index
    %get3A_54 = arith.constant 0 : index
    %get3A_55 = tpu.vector_load %arg10[%get3A_51, %get3A_52, %get3A_53, %get3A_54] {strides = array<i32>} : memref<2x16x4x16xf32, #tpu.memory_space<vmem>>, vector<16xf32>,
    %add3A_56 = arith.addf %get3A_47, %get3A_55 : vector<16xf32>
    %get3A_57 = arith.constant 0 : i32
    %get3A_58 = arith.constant 0 : i32
    %get3A_59 = arith.constant 3 : i32
    %get3A_60 = arith.index_cast %get3A_57 : i32 to index
    %get3A_61 = arith.index_cast %get3A_58 : i32 to index
    %get3A_62 = arith.index_cast %get3A_59 : i32 to index
    %get3A_63 = arith.constant 0 : index
    %get3A_64 = tpu.vector_load %arg10[%get3A_60, %get3A_61, %get3A_62, %get3A_63] {strides = array<i32>} : memref<2x16x4x16xf32, #tpu.memory_space<vmem>>, vector<16xf32>,
    %get3A_65 = arith.constant 1 : i32
    %get3A_66 = arith.constant 0 : i32
    %get3A_67 = arith.constant 3 : i32
    %get3A_68 = arith.index_cast %get3A_65 : i32 to index
    %get3A_69 = arith.index_cast %get3A_66 : i32 to index
    %get3A_70 = arith.index_cast %get3A_67 : i32 to index
    %get3A_71 = arith.constant 0 : index
    %get3A_72 = tpu.vector_load %arg10[%get3A_68, %get3A_69, %get3A_70, %get3A_71] {strides = array<i32>} : memref<2x16x4x16xf32, #tpu.memory_space<vmem>>, vector<16xf32>,
    %add3A_73 = arith.addf %get3A_64, %get3A_72 : vector<16xf32>
    %max3A = arith.constant 1.000000e+00 : f32
    %max3A_74 = vector.broadcast %max3A : f32 to vector<16xf32>
    %max3A_75 = arith.maximumf %add3A_73, %max3A_74 : vector<16xf32>
    %div3A = arith.constant 1.000000e+00 : f32
    %div3A_76 = vector.broadcast %div3A : f32 to vector<16xf32>
    %div3A_77 = arith.divf %div3A_76, %max3A_75 : vector<16xf32>
    %mul3A_78 = arith.mulf %add3A_22, %div3A_77 : vector<16xf32>
    %swap3A = arith.constant 0 : index
    %swap3A_79 = tpu.vector_load %arg17[%swap3A] {strides = array<i32>} : memref<256xf32, #tpu.memory_space<vmem>>, vector<16xf32>,
    tpu.vector_store %arg17[%swap3A], %mul3A_78 {strides = array<i32>} : memref<256xf32, #tpu.memory_space<vmem>>, vector<16xf32>,
    %mul3A_80 = arith.mulf %add3A_39, %div3A_77 : vector<16xf32>
    %swap3A_81 = arith.constant 0 : index
    %swap3A_82 = tpu.vector_load %arg18[%swap3A_81] {strides = array<i32>} : memref<256xf32, #tpu.memory_space<vmem>>, vector<16xf32>,
    tpu.vector_store %arg18[%swap3A_81], %mul3A_80 {strides = array<i32>} : memref<256xf32, #tpu.memory_space<vmem>>, vector<16xf32>,
    %mul3A_83 = arith.mulf %add3A_56, %div3A_77 : vector<16xf32>
    %swap3A_84 = arith.constant 0 : index
    %swap3A_85 = tpu.vector_load %arg19[%swap3A_84] {strides = array<i32>} : memref<256xf32, #tpu.memory_space<vmem>>, vector<16xf32>,
    tpu.vector_store %arg19[%swap3A_84], %mul3A_83 {strides = array<i32>} : memref<256xf32, #tpu.memory_space<vmem>>, vector<16xf32>,
    %get3A_86 = arith.constant 0 : index
    %get3A_87 = tpu.vector_load %arg14[%get3A_86] {strides = array<i32>} : memref<256xi32, #tpu.memory_space<vmem>>, vector<16xi32>,
    %gather3A = tpu.vector_load_idx %arg15[%get3A_87] : memref<1000xf32, #tpu.memory_space<vmem>>[vector<16xi32>], vector<16xf32>,
    %swap3A_88 = arith.constant 0 : index
    %swap3A_89 = tpu.vector_load %arg20[%swap3A_88] {strides = array<i32>} : memref<256xf32, #tpu.memory_space<vmem>>, vector<16xf32>,
    tpu.vector_store %arg20[%swap3A_88], %gather3A {strides = array<i32>} : memref<256xf32, #tpu.memory_space<vmem>>, vector<16xf32>,
    %gather3A_90 = tpu.vector_load_idx %arg16[%get3A_87] : memref<1000xf32, #tpu.memory_space<vmem>>[vector<16xi32>], vector<16xf32>,
    %swap3A_91 = arith.constant 0 : index
    %swap3A_92 = tpu.vector_load %arg21[%swap3A_91] {strides = array<i32>} : memref<256xf32, #tpu.memory_space<vmem>>, vector<16xf32>,
    tpu.vector_store %arg21[%swap3A_91], %gather3A_90 {strides = array<i32>} : memref<256xf32, #tpu.memory_space<vmem>>, vector<16xf32>,
    %get3A_93 = arith.constant 0 : i32
    %get3A_94 = arith.constant 1 : i32
    %get3A_95 = arith.constant 0 : i32
    %get3A_96 = arith.index_cast %get3A_93 : i32 to index
    %get3A_97 = arith.index_cast %get3A_94 : i32 to index
    %get3A_98 = arith.index_cast %get3A_95 : i32 to index
    %get3A_99 = arith.constant 0 : index
    %get3A_100 = tpu.vector_load %arg10[%get3A_96, %get3A_97, %get3A_98, %get3A_99] {strides = array<i32>} : memref<2x16x4x16xf32, #tpu.memory_space<vmem>>, vector<16xf32>,
    %get3A_101 = arith.constant 1 : i32
    %get3A_102 = arith.constant 1 : i32
    %get3A_103 = arith.constant 0 : i32
    %get3A_104 = arith.index_cast %get3A_101 : i32 to index
    %get3A_105 = arith.index_cast %get3A_102 : i32 to index
    %get3A_106 = arith.index_cast %get3A_103 : i32 to index
    %get3A_107 = arith.constant 0 : index
    %get3A_108 = tpu.vector_load %arg10[%get3A_104, %get3A_105, %get3A_106, %get3A_107] {strides = array<i32>} : memref<2x16x4x16xf32, #tpu.memory_space<vmem>>, vector<16xf32>,
    %add3A_109 = arith.addf %get3A_100, %get3A_108 : vector<16xf32>
    %get3A_110 = arith.constant 0 : i32
    %get3A_111 = arith.constant 1 : i32
    %get3A_112 = arith.constant 1 : i32
    %get3A_113 = arith.index_cast %get3A_110 : i32 to index
    %get3A_114 = arith.index_cast %get3A_111 : i32 to index
    %get3A_115 = arith.index_cast %get3A_112 : i32 to index
    %get3A_116 = arith.constant 0 : index
    %get3A_117 = tpu.vector_load %arg10[%get3A_113, %get3A_114, %get3A_115, %get3A_116] {strides = array<i32>} : memref<2x16x4x16xf32, #tpu.memory_space<vmem>>, vector<16xf32>,
    %get3A_118 = arith.constant 1 : i32
    %get3A_119 = arith.constant 1 : i32
    %get3A_120 = arith.constant 1 : i32
    %get3A_121 = arith.index_cast %get3A_118 : i32 to index
    %get3A_122 = arith.index_cast %get3A_119 : i32 to index
    %get3A_123 = arith.index_cast %get3A_120 : i32 to index
    %get3A_124 = arith.constant 0 : index
    %get3A_125 = tpu.vector_load %arg10[%get3A_121, %get3A_122, %get3A_123, %get3A_124] {strides = array<i32>} : memref<2x16x4x16xf32, #tpu.memory_space<vmem>>, vector<16xf32>,
    %add3A_126 = arith.addf %get3A_117, %get3A_125 : vector<16xf32>
    %get3A_127 = arith.constant 0 : i32
    %get3A_128 = arith.constant 1 : i32
    %get3A_129 = arith.constant 2 : i32
    %get3A_130 = arith.index_cast %get3A_127 : i32 to index
    %get3A_131 = arith.index_cast %get3A_128 : i32 to index
    %get3A_132 = arith.index_cast %get3A_129 : i32 to index
    %get3A_133 = arith.constant 0 : index
    %get3A_134 = tpu.vector_load %arg10[%get3A_130, %get3A_131, %get3A_132, %get3A_133] {strides = array<i32>} : memref<2x16x4x16xf32, #tpu.memory_space<vmem>>, vector<16xf32>,
    %get3A_135 = arith.constant 1 : i32
    %get3A_136 = arith.constant 1 : i32
    %get3A_137 = arith.constant 2 : i32
    %get3A_138 = arith.index_cast %get3A_135 : i32 to index
    %get3A_139 = arith.index_cast %get3A_136 : i32 to index
    %get3A_140 = arith.index_cast %get3A_137 : i32 to index
    %get3A_141 = arith.constant 0 : index
    %get3A_142 = tpu.vector_load %arg10[%get3A_138, %get3A_139, %get3A_140, %get3A_141] {strides = array<i32>} : memref<2x16x4x16xf32, #tpu.memory_space<vmem>>, vector<16xf32>,
    %add3A_143 = arith.addf %get3A_134, %get3A_142 : vector<16xf32>
    %get3A_144 = arith.constant 0 : i32
    %get3A_145 = arith.constant 1 : i32
    %get3A_146 = arith.constant 3 : i32
    %get3A_147 = arith.index_cast %get3A_144 : i32 to index
    %get3A_148 = arith.index_cast %get3A_145 : i32 to index
    %get3A_149 = arith.index_cast %get3A_146 : i32 to index
    %get3A_150 = arith.constant 0 : index
    %get3A_151 = tpu.vector_load %arg10[%get3A_147, %get3A_148, %get3A_149, %get3A_150] {strides = array<i32>} : memref<2x16x4x16xf32, #tpu.memory_space<vmem>>, vector<16xf32>,
    %get3A_152 = arith.constant 1 : i32
    %get3A_153 = arith.constant 1 : i32
    %get3A_154 = arith.constant 3 : i32
    %get3A_155 = arith.index_cast %get3A_152 : i32 to index
    %get3A_156 = arith.index_cast %get3A_153 : i32 to index
    %get3A_157 = arith.index_cast %get3A_154 : i32 to index
    %get3A_158 = arith.constant 0 : index
    %get3A_159 = tpu.vector_load %arg10[%get3A_155, %get3A_156, %get3A_157, %get3A_158] {strides = array<i32>} : memref<2x16x4x16xf32, #tpu.memory_space<vmem>>, vector<16xf32>,
    %add3A_160 = arith.addf %get3A_151, %get3A_159 : vector<16xf32>
    %max3A_161 = arith.constant 1.000000e+00 : f32
    %max3A_162 = vector.broadcast %max3A_161 : f32 to vector<16xf32>
    %max3A_163 = arith.maximumf %add3A_160, %max3A_162 : vector<16xf32>
    %div3A_164 = arith.constant 1.000000e+00 : f32
    %div3A_165 = vector.broadcast %div3A_164 : f32 to vector<16xf32>
    %div3A_166 = arith.divf %div3A_165, %max3A_163 : vector<16xf32>
    %mul3A_167 = arith.mulf %add3A_109, %div3A_166 : vector<16xf32>
    %swap3A_168 = arith.constant 16 : index
    %swap3A_169 = tpu.vector_load %arg17[%swap3A_168] {strides = array<i32>} : memref<256xf32, #tpu.memory_space<vmem>>, vector<16xf32>,
    tpu.vector_store %arg17[%swap3A_168], %mul3A_167 {strides = array<i32>} : memref<256xf32, #tpu.memory_space<vmem>>, vector<16xf32>,
    %mul3A_170 = arith.mulf %add3A_126, %div3A_166 : vector<16xf32>
    %swap3A_171 = arith.constant 16 : index
    %swap3A_172 = tpu.vector_load %arg18[%swap3A_171] {strides = array<i32>} : memref<256xf32, #tpu.memory_space<vmem>>, vector<16xf32>,
    tpu.vector_store %arg18[%swap3A_171], %mul3A_170 {strides = array<i32>} : memref<256xf32, #tpu.memory_space<vmem>>, vector<16xf32>,
    %mul3A_173 = arith.mulf %add3A_143, %div3A_166 : vector<16xf32>
    %swap3A_174 = arith.constant 16 : index
    %swap3A_175 = tpu.vector_load %arg19[%swap3A_174] {strides = array<i32>} : memref<256xf32, #tpu.memory_space<vmem>>, vector<16xf32>,
    tpu.vector_store %arg19[%swap3A_174], %mul3A_173 {strides = array<i32>} : memref<256xf32, #tpu.memory_space<vmem>>, vector<16xf32>,
    %get3A_176 = arith.constant 16 : index
    %get3A_177 = tpu.vector_load %arg14[%get3A_176] {strides = array<i32>} : memref<256xi32, #tpu.memory_space<vmem>>, vector<16xi32>,
    %gather3A_178 = tpu.vector_load_idx %arg15[%get3A_177] : memref<1000xf32, #tpu.memory_space<vmem>>[vector<16xi32>], vector<16xf32>,
    %swap3A_179 = arith.constant 16 : index
    %swap3A_180 = tpu.vector_load %arg20[%swap3A_179] {strides = array<i32>} : memref<256xf32, #tpu.memory_space<vmem>>, vector<16xf32>,
    tpu.vector_store %arg20[%swap3A_179], %gather3A_178 {strides = array<i32>} : memref<256xf32, #tpu.memory_space<vmem>>, vector<16xf32>,
    %gather3A_181 = tpu.vector_load_idx %arg16[%get3A_177] : memref<1000xf32, #tpu.memory_space<vmem>>[vector<16xi32>], vector<16xf32>,
    %swap3A_182 = arith.constant 16 : index
    %swap3A_183 = tpu.vector_load %arg21[%swap3A_182] {strides = array<i32>} : memref<256xf32, #tpu.memory_space<vmem>>, vector<16xf32>,
    tpu.vector_store %arg21[%swap3A_182], %gather3A_181 {strides = array<i32>} : memref<256xf32, #tpu.memory_space<vmem>>, vector<16xf32>,
    %get3A_184 = arith.constant 0 : i32
    %get3A_185 = arith.constant 2 : i32
    %get3A_186 = arith.constant 0 : i32
    %get3A_187 = arith.index_cast %get3A_184 : i32 to index
    %get3A_188 = arith.index_cast %get3A_185 : i32 to index
    %get3A_189 = arith.index_cast %get3A_186 : i32 to index
    %get3A_190 = arith.constant 0 : index
    %get3A_191 = tpu.vector_load %arg10[%get3A_187, %get3A_188, %get3A_189, %get3A_190] {strides = array<i32>} : memref<2x16x4x16xf32, #tpu.memory_space<vmem>>, vector<16xf32>,
    %get3A_192 = arith.constant 1 : i32
    %get3A_193 = arith.constant 2 : i32
    %get3A_194 = arith.constant 0 : i32
    %get3A_195 = arith.index_cast %get3A_192 : i32 to index
    %get3A_196 = arith.index_cast %get3A_193 : i32 to index
    %get3A_197 = arith.index_cast %get3A_194 : i32 to index
    %get3A_198 = arith.constant 0 : index
    %get3A_199 = tpu.vector_load %arg10[%get3A_195, %get3A_196, %get3A_197, %get3A_198] {strides = array<i32>} : memref<2x16x4x16xf32, #tpu.memory_space<vmem>>, vector<16xf32>,
    %add3A_200 = arith.addf %get3A_191, %get3A_199 : vector<16xf32>
    %get3A_201 = arith.constant 0 : i32
    %get3A_202 = arith.constant 2 : i32
    %get3A_203 = arith.constant 1 : i32
    %get3A_204 = arith.index_cast %get3A_201 : i32 to index
    %get3A_205 = arith.index_cast %get3A_202 : i32 to index
    %get3A_206 = arith.index_cast %get3A_203 : i32 to index
    %get3A_207 = arith.constant 0 : index
    %get3A_208 = tpu.vector_load %arg10[%get3A_204, %get3A_205, %get3A_206, %get3A_207] {strides = array<i32>} : memref<2x16x4x16xf32, #tpu.memory_space<vmem>>, vector<16xf32>,
    %get3A_209 = arith.constant 1 : i32
    %get3A_210 = arith.constant 2 : i32
    %get3A_211 = arith.constant 1 : i32
    %get3A_212 = arith.index_cast %get3A_209 : i32 to index
    %get3A_213 = arith.index_cast %get3A_210 : i32 to index
    %get3A_214 = arith.index_cast %get3A_211 : i32 to index
    %get3A_215 = arith.constant 0 : index
    %get3A_216 = tpu.vector_load %arg10[%get3A_212, %get3A_213, %get3A_214, %get3A_215] {strides = array<i32>} : memref<2x16x4x16xf32, #tpu.memory_space<vmem>>, vector<16xf32>,
    %add3A_217 = arith.addf %get3A_208, %get3A_216 : vector<16xf32>
    %get3A_218 = arith.constant 0 : i32
    %get3A_219 = arith.constant 2 : i32
    %get3A_220 = arith.constant 2 : i32
    %get3A_221 = arith.index_cast %get3A_218 : i32 to index
    %get3A_222 = arith.index_cast %get3A_219 : i32 to index
    %get3A_223 = arith.index_cast %get3A_220 : i32 to index
    %get3A_224 = arith.constant 0 : index
    %get3A_225 = tpu.vector_load %arg10[%get3A_221, %get3A_222, %get3A_223, %get3A_224] {strides = array<i32>} : memref<2x16x4x16xf32, #tpu.memory_space<vmem>>, vector<16xf32>,
    %get3A_226 = arith.constant 1 : i32
    %get3A_227 = arith.constant 2 : i32
    %get3A_228 = arith.constant 2 : i32
    %get3A_229 = arith.index_cast %get3A_226 : i32 to index
    %get3A_230 = arith.index_cast %get3A_227 : i32 to index
    %get3A_231 = arith.index_cast %get3A_228 : i32 to index
    %get3A_232 = arith.constant 0 : index
    %get3A_233 = tpu.vector_load %arg10[%get3A_229, %get3A_230, %get3A_231, %get3A_232] {strides = array<i32>} : memref<2x16x4x16xf32, #tpu.memory_space<vmem>>, vector<16xf32>,
    %add3A_234 = arith.addf %get3A_225, %get3A_233 : vector<16xf32>
    %get3A_235 = arith.constant 0 : i32
    %get3A_236 = arith.constant 2 : i32
    %get3A_237 = arith.constant 3 : i32
    %get3A_238 = arith.index_cast %get3A_235 : i32 to index
    %get3A_239 = arith.index_cast %get3A_236 : i32 to index
    %get3A_240 = arith.index_cast %get3A_237 : i32 to index
    %get3A_241 = arith.constant 0 : index
    %get3A_242 = tpu.vector_load %arg10[%get3A_238, %get3A_239, %get3A_240, %get3A_241] {strides = array<i32>} : memref<2x16x4x16xf32, #tpu.memory_space<vmem>>, vector<16xf32>,
    %get3A_243 = arith.constant 1 : i32
    %get3A_244 = arith.constant 2 : i32
    %get3A_245 = arith.constant 3 : i32
    %get3A_246 = arith.index_cast %get3A_243 : i32 to index
    %get3A_247 = arith.index_cast %get3A_244 : i32 to index
    %get3A_248 = arith.index_cast %get3A_245 : i32 to index
    %get3A_249 = arith.constant 0 : index
    %get3A_250 = tpu.vector_load %arg10[%get3A_246, %get3A_247, %get3A_248, %get3A_249] {strides = array<i32>} : memref<2x16x4x16xf32, #tpu.memory_space<vmem>>, vector<16xf32>,
    %add3A_251 = arith.addf %get3A_242, %get3A_250 : vector<16xf32>
    %max3A_252 = arith.constant 1.000000e+00 : f32
    %max3A_253 = vector.broadcast %max3A_252 : f32 to vector<16xf32>
    %max3A_254 = arith.maximumf %add3A_251, %max3A_253 : vector<16xf32>
    %div3A_255 = arith.constant 1.000000e+00 : f32
    %div3A_256 = vector.broadcast %div3A_255 : f32 to vector<16xf32>
    %div3A_257 = arith.divf %div3A_256, %max3A_254 : vector<16xf32>
    %mul3A_258 = arith.mulf %add3A_200, %div3A_257 : vector<16xf32>
    %swap3A_259 = arith.constant 32 : index
    %swap3A_260 = tpu.vector_load %arg17[%swap3A_259] {strides = array<i32>} : memref<256xf32, #tpu.memory_space<vmem>>, vector<16xf32>,
    tpu.vector_store %arg17[%swap3A_259], %mul3A_258 {strides = array<i32>} : memref<256xf32, #tpu.memory_space<vmem>>, vector<16xf32>,
    %mul3A_261 = arith.mulf %add3A_217, %div3A_257 : vector<16xf32>
    %swap3A_262 = arith.constant 32 : index
    %swap3A_263 = tpu.vector_load %arg18[%swap3A_262] {strides = array<i32>} : memref<256xf32, #tpu.memory_space<vmem>>, vector<16xf32>,
    tpu.vector_store %arg18[%swap3A_262], %mul3A_261 {strides = array<i32>} : memref<256xf32, #tpu.memory_space<vmem>>, vector<16xf32>,
    %mul3A_264 = arith.mulf %add3A_234, %div3A_257 : vector<16xf32>
    %swap3A_265 = arith.constant 32 : index
    %swap3A_266 = tpu.vector_load %arg19[%swap3A_265] {strides = array<i32>} : memref<256xf32, #tpu.memory_space<vmem>>, vector<16xf32>,
    tpu.vector_store %arg19[%swap3A_265], %mul3A_264 {strides = array<i32>} : memref<256xf32, #tpu.memory_space<vmem>>, vector<16xf32>,
    %get3A_267 = arith.constant 32 : index
    %get3A_268 = tpu.vector_load %arg14[%get3A_267] {strides = array<i32>} : memref<256xi32, #tpu.memory_space<vmem>>, vector<16xi32>,
    %gather3A_269 = tpu.vector_load_idx %arg15[%get3A_268] : memref<1000xf32, #tpu.memory_space<vmem>>[vector<16xi32>], vector<16xf32>,
    %swap3A_270 = arith.constant 32 : index
    %swap3A_271 = tpu.vector_load %arg20[%swap3A_270] {strides = array<i32>} : memref<256xf32, #tpu.memory_space<vmem>>, vector<16xf32>,
    tpu.vector_store %arg20[%swap3A_270], %gather3A_269 {strides = array<i32>} : memref<256xf32, #tpu.memory_space<vmem>>, vector<16xf32>,
    %gather3A_272 = tpu.vector_load_idx %arg16[%get3A_268] : memref<1000xf32, #tpu.memory_space<vmem>>[vector<16xi32>], vector<16xf32>,
    %swap3A_273 = arith.constant 32 : index
    %swap3A_274 = tpu.vector_load %arg21[%swap3A_273] {strides = array<i32>} : memref<256xf32, #tpu.memory_space<vmem>>, vector<16xf32>,
    tpu.vector_store %arg21[%swap3A_273], %gather3A_272 {strides = array<i32>} : memref<256xf32, #tpu.memory_space<vmem>>, vector<16xf32>,
    %get3A_275 = arith.constant 0 : i32
    %get3A_276 = arith.constant 3 : i32
    %get3A_277 = arith.constant 0 : i32
    %get3A_278 = arith.index_cast %get3A_275 : i32 to index
    %get3A_279 = arith.index_cast %get3A_276 : i32 to index
    %get3A_280 = arith.index_cast %get3A_277 : i32 to index
    %get3A_281 = arith.constant 0 : index
    %get3A_282 = tpu.vector_load %arg10[%get3A_278, %get3A_279, %get3A_280, %get3A_281] {strides = array<i32>} : memref<2x16x4x16xf32, #tpu.memory_space<vmem>>, vector<16xf32>,
    %get3A_283 = arith.constant 1 : i32
    %get3A_284 = arith.constant 3 : i32
    %get3A_285 = arith.constant 0 : i32
    %get3A_286 = arith.index_cast %get3A_283 : i32 to index
    %get3A_287 = arith.index_cast %get3A_284 : i32 to index
    %get3A_288 = arith.index_cast %get3A_285 : i32 to index
    %get3A_289 = arith.constant 0 : index
    %get3A_290 = tpu.vector_load %arg10[%get3A_286, %get3A_287, %get3A_288, %get3A_289] {strides = array<i32>} : memref<2x16x4x16xf32, #tpu.memory_space<vmem>>, vector<16xf32>,
    %add3A_291 = arith.addf %get3A_282, %get3A_290 : vector<16xf32>
    %get3A_292 = arith.constant 0 : i32
    %get3A_293 = arith.constant 3 : i32
    %get3A_294 = arith.constant 1 : i32
    %get3A_295 = arith.index_cast %get3A_292 : i32 to index
    %get3A_296 = arith.index_cast %get3A_293 : i32 to index
    %get3A_297 = arith.index_cast %get3A_294 : i32 to index
    %get3A_298 = arith.constant 0 : index
    %get3A_299 = tpu.vector_load %arg10[%get3A_295, %get3A_296, %get3A_297, %get3A_298] {strides = array<i32>} : memref<2x16x4x16xf32, #tpu.memory_space<vmem>>, vector<16xf32>,
    %get3A_300 = arith.constant 1 : i32
    %get3A_301 = arith.constant 3 : i32
    %get3A_302 = arith.constant 1 : i32
    %get3A_303 = arith.index_cast %get3A_300 : i32 to index
    %get3A_304 = arith.index_cast %get3A_301 : i32 to index
    %get3A_305 = arith.index_cast %get3A_302 : i32 to index
    %get3A_306 = arith.constant 0 : index
    %get3A_307 = tpu.vector_load %arg10[%get3A_303, %get3A_304, %get3A_305, %get3A_306] {strides = array<i32>} : memref<2x16x4x16xf32, #tpu.memory_space<vmem>>, vector<16xf32>,
    %add3A_308 = arith.addf %get3A_299, %get3A_307 : vector<16xf32>
    %get3A_309 = arith.constant 0 : i32
    %get3A_310 = arith.constant 3 : i32
    %get3A_311 = arith.constant 2 : i32
    %get3A_312 = arith.index_cast %get3A_309 : i32 to index
    %get3A_313 = arith.index_cast %get3A_310 : i32 to index
    %get3A_314 = arith.index_cast %get3A_311 : i32 to index
    %get3A_315 = arith.constant 0 : index
    %get3A_316 = tpu.vector_load %arg10[%get3A_312, %get3A_313, %get3A_314, %get3A_315] {strides = array<i32>} : memref<2x16x4x16xf32, #tpu.memory_space<vmem>>, vector<16xf32>,
    %get3A_317 = arith.constant 1 : i32
    %get3A_318 = arith.constant 3 : i32
    %get3A_319 = arith.constant 2 : i32
    %get3A_320 = arith.index_cast %get3A_317 : i32 to index
    %get3A_321 = arith.index_cast %get3A_318 : i32 to index
    %get3A_322 = arith.index_cast %get3A_319 : i32 to index
    %get3A_323 = arith.constant 0 : index
    %get3A_324 = tpu.vector_load %arg10[%get3A_320, %get3A_321, %get3A_322, %get3A_323] {strides = array<i32>} : memref<2x16x4x16xf32, #tpu.memory_space<vmem>>, vector<16xf32>,
    %add3A_325 = arith.addf %get3A_316, %get3A_324 : vector<16xf32>
    %get3A_326 = arith.constant 0 : i32
    %get3A_327 = arith.constant 3 : i32
    %get3A_328 = arith.constant 3 : i32
    %get3A_329 = arith.index_cast %get3A_326 : i32 to index
    %get3A_330 = arith.index_cast %get3A_327 : i32 to index
    %get3A_331 = arith.index_cast %get3A_328 : i32 to index
    %get3A_332 = arith.constant 0 : index
    %get3A_333 = tpu.vector_load %arg10[%get3A_329, %get3A_330, %get3A_331, %get3A_332] {strides = array<i32>} : memref<2x16x4x16xf32, #tpu.memory_space<vmem>>, vector<16xf32>,
    %get3A_334 = arith.constant 1 : i32
    %get3A_335 = arith.constant 3 : i32
    %get3A_336 = arith.constant 3 : i32
    %get3A_337 = arith.index_cast %get3A_334 : i32 to index
    %get3A_338 = arith.index_cast %get3A_335 : i32 to index
    %get3A_339 = arith.index_cast %get3A_336 : i32 to index
    %get3A_340 = arith.constant 0 : index
    %get3A_341 = tpu.vector_load %arg10[%get3A_337, %get3A_338, %get3A_339, %get3A_340] {strides = array<i32>} : memref<2x16x4x16xf32, #tpu.memory_space<vmem>>, vector<16xf32>,
    %add3A_342 = arith.addf %get3A_333, %get3A_341 : vector<16xf32>
    %max3A_343 = arith.constant 1.000000e+00 : f32
    %max3A_344 = vector.broadcast %max3A_343 : f32 to vector<16xf32>
    %max3A_345 = arith.maximumf %add3A_342, %max3A_344 : vector<16xf32>
    %div3A_346 = arith.constant 1.000000e+00 : f32
    %div3A_347 = vector.broadcast %div3A_346 : f32 to vector<16xf32>
    %div3A_348 = arith.divf %div3A_347, %max3A_345 : vector<16xf32>
    %mul3A_349 = arith.mulf %add3A_291, %div3A_348 : vector<16xf32>
    %swap3A_350 = arith.constant 48 : index
    %swap3A_351 = tpu.vector_load %arg17[%swap3A_350] {strides = array<i32>} : memref<256xf32, #tpu.memory_space<vmem>>, vector<16xf32>,
    tpu.vector_store %arg17[%swap3A_350], %mul3A_349 {strides = array<i32>} : memref<256xf32, #tpu.memory_space<vmem>>, vector<16xf32>,
    %mul3A_352 = arith.mulf %add3A_308, %div3A_348 : vector<16xf32>
    %swap3A_353 = arith.constant 48 : index
    %swap3A_354 = tpu.vector_load %arg18[%swap3A_353] {strides = array<i32>} : memref<256xf32, #tpu.memory_space<vmem>>, vector<16xf32>,
    tpu.vector_store %arg18[%swap3A_353], %mul3A_352 {strides = array<i32>} : memref<256xf32, #tpu.memory_space<vmem>>, vector<16xf32>,
    %mul3A_355 = arith.mulf %add3A_325, %div3A_348 : vector<16xf32>
    %swap3A_356 = arith.constant 48 : index
    %swap3A_357 = tpu.vector_load %arg19[%swap3A_356] {strides = array<i32>} : memref<256xf32, #tpu.memory_space<vmem>>, vector<16xf32>,
    tpu.vector_store %arg19[%swap3A_356], %mul3A_355 {strides = array<i32>} : memref<256xf32, #tpu.memory_space<vmem>>, vector<16xf32>,
    %get3A_358 = arith.constant 48 : index
    %get3A_359 = tpu.vector_load %arg14[%get3A_358] {strides = array<i32>} : memref<256xi32, #tpu.memory_space<vmem>>, vector<16xi32>,
    %gather3A_360 = tpu.vector_load_idx %arg15[%get3A_359] : memref<1000xf32, #tpu.memory_space<vmem>>[vector<16xi32>], vector<16xf32>,
    %swap3A_361 = arith.constant 48 : index
    %swap3A_362 = tpu.vector_load %arg20[%swap3A_361] {strides = array<i32>} : memref<256xf32, #tpu.memory_space<vmem>>, vector<16xf32>,
    tpu.vector_store %arg20[%swap3A_361], %gather3A_360 {strides = array<i32>} : memref<256xf32, #tpu.memory_space<vmem>>, vector<16xf32>,
    %gather3A_363 = tpu.vector_load_idx %arg16[%get3A_359] : memref<1000xf32, #tpu.memory_space<vmem>>[vector<16xi32>], vector<16xf32>,
    %swap3A_364 = arith.constant 48 : index
    %swap3A_365 = tpu.vector_load %arg21[%swap3A_364] {strides = array<i32>} : memref<256xf32, #tpu.memory_space<vmem>>, vector<16xf32>,
    tpu.vector_store %arg21[%swap3A_364], %gather3A_363 {strides = array<i32>} : memref<256xf32, #tpu.memory_space<vmem>>, vector<16xf32>,
    %get3A_366 = arith.constant 0 : i32
    %get3A_367 = arith.constant 4 : i32
    %get3A_368 = arith.constant 0 : i32
    %get3A_369 = arith.index_cast %get3A_366 : i32 to index
    %get3A_370 = arith.index_cast %get3A_367 : i32 to index
    %get3A_371 = arith.index_cast %get3A_368 : i32 to index
    %get3A_372 = arith.constant 0 : index
    %get3A_373 = tpu.vector_load %arg10[%get3A_369, %get3A_370, %get3A_371, %get3A_372] {strides = array<i32>} : memref<2x16x4x16xf32, #tpu.memory_space<vmem>>, vector<16xf32>,
    %get3A_374 = arith.constant 1 : i32
    %get3A_375 = arith.constant 4 : i32
    %get3A_376 = arith.constant 0 : i32
    %get3A_377 = arith.index_cast %get3A_374 : i32 to index
    %get3A_378 = arith.index_cast %get3A_375 : i32 to index
    %get3A_379 = arith.index_cast %get3A_376 : i32 to index
    %get3A_380 = arith.constant 0 : index
    %get3A_381 = tpu.vector_load %arg10[%get3A_377, %get3A_378, %get3A_379, %get3A_380] {strides = array<i32>} : memref<2x16x4x16xf32, #tpu.memory_space<vmem>>, vector<16xf32>,
    %add3A_382 = arith.addf %get3A_373, %get3A_381 : vector<16xf32>
    %get3A_383 = arith.constant 0 : i32
    %get3A_384 = arith.constant 4 : i32
    %get3A_385 = arith.constant 1 : i32
    %get3A_386 = arith.index_cast %get3A_383 : i32 to index
    %get3A_387 = arith.index_cast %get3A_384 : i32 to index
    %get3A_388 = arith.index_cast %get3A_385 : i32 to index
    %get3A_389 = arith.constant 0 : index
    %get3A_390 = tpu.vector_load %arg10[%get3A_386, %get3A_387, %get3A_388, %get3A_389] {strides = array<i32>} : memref<2x16x4x16xf32, #tpu.memory_space<vmem>>, vector<16xf32>,
    %get3A_391 = arith.constant 1 : i32
    %get3A_392 = arith.constant 4 : i32
    %get3A_393 = arith.constant 1 : i32
    %get3A_394 = arith.index_cast %get3A_391 : i32 to index
    %get3A_395 = arith.index_cast %get3A_392 : i32 to index
    %get3A_396 = arith.index_cast %get3A_393 : i32 to index
    %get3A_397 = arith.constant 0 : index
    %get3A_398 = tpu.vector_load %arg10[%get3A_394, %get3A_395, %get3A_396, %get3A_397] {strides = array<i32>} : memref<2x16x4x16xf32, #tpu.memory_space<vmem>>, vector<16xf32>,
    %add3A_399 = arith.addf %get3A_390, %get3A_398 : vector<16xf32>
    %get3A_400 = arith.constant 0 : i32
    %get3A_401 = arith.constant 4 : i32
    %get3A_402 = arith.constant 2 : i32
    %get3A_403 = arith.index_cast %get3A_400 : i32 to index
    %get3A_404 = arith.index_cast %get3A_401 : i32 to index
    %get3A_405 = arith.index_cast %get3A_402 : i32 to index
    %get3A_406 = arith.constant 0 : index
    %get3A_407 = tpu.vector_load %arg10[%get3A_403, %get3A_404, %get3A_405, %get3A_406] {strides = array<i32>} : memref<2x16x4x16xf32, #tpu.memory_space<vmem>>, vector<16xf32>,
    %get3A_408 = arith.constant 1 : i32
    %get3A_409 = arith.constant 4 : i32
    %get3A_410 = arith.constant 2 : i32
    %get3A_411 = arith.index_cast %get3A_408 : i32 to index
    %get3A_412 = arith.index_cast %get3A_409 : i32 to index
    %get3A_413 = arith.index_cast %get3A_410 : i32 to index
    %get3A_414 = arith.constant 0 : index
    %get3A_415 = tpu.vector_load %arg10[%get3A_411, %get3A_412, %get3A_413, %get3A_414] {strides = array<i32>} : memref<2x16x4x16xf32, #tpu.memory_space<vmem>>, vector<16xf32>,
    %add3A_416 = arith.addf %get3A_407, %get3A_415 : vector<16xf32>
    %get3A_417 = arith.constant 0 : i32
    %get3A_418 = arith.constant 4 : i32
    %get3A_419 = arith.constant 3 : i32
    %get3A_420 = arith.index_cast %get3A_417 : i32 to index
    %get3A_421 = arith.index_cast %get3A_418 : i32 to index
    %get3A_422 = arith.index_cast %get3A_419 : i32 to index
    %get3A_423 = arith.constant 0 : index
    %get3A_424 = tpu.vector_load %arg10[%get3A_420, %get3A_421, %get3A_422, %get3A_423] {strides = array<i32>} : memref<2x16x4x16xf32, #tpu.memory_space<vmem>>, vector<16xf32>,
    %get3A_425 = arith.constant 1 : i32
    %get3A_426 = arith.constant 4 : i32
    %get3A_427 = arith.constant 3 : i32
    %get3A_428 = arith.index_cast %get3A_425 : i32 to index
    %get3A_429 = arith.index_cast %get3A_426 : i32 to index
    %get3A_430 = arith.index_cast %get3A_427 : i32 to index
    %get3A_431 = arith.constant 0 : index
    %get3A_432 = tpu.vector_load %arg10[%get3A_428, %get3A_429, %get3A_430, %get3A_431] {strides = array<i32>} : memref<2x16x4x16xf32, #tpu.memory_space<vmem>>, vector<16xf32>,
    %add3A_433 = arith.addf %get3A_424, %get3A_432 : vector<16xf32>
    %max3A_434 = arith.constant 1.000000e+00 : f32
    %max3A_435 = vector.broadcast %max3A_434 : f32 to vector<16xf32>
    %max3A_436 = arith.maximumf %add3A_433, %max3A_435 : vector<16xf32>
    %div3A_437 = arith.constant 1.000000e+00 : f32
    %div3A_438 = vector.broadcast %div3A_437 : f32 to vector<16xf32>
    %div3A_439 = arith.divf %div3A_438, %max3A_436 : vector<16xf32>
    %mul3A_440 = arith.mulf %add3A_382, %div3A_439 : vector<16xf32>
    %swap3A_441 = arith.constant 64 : index
    %swap3A_442 = tpu.vector_load %arg17[%swap3A_441] {strides = array<i32>} : memref<256xf32, #tpu.memory_space<vmem>>, vector<16xf32>,
    tpu.vector_store %arg17[%swap3A_441], %mul3A_440 {strides = array<i32>} : memref<256xf32, #tpu.memory_space<vmem>>, vector<16xf32>,
    %mul3A_443 = arith.mulf %add3A_399, %div3A_439 : vector<16xf32>
    %swap3A_444 = arith.constant 64 : index
    %swap3A_445 = tpu.vector_load %arg18[%swap3A_444] {strides = array<i32>} : memref<256xf32, #tpu.memory_space<vmem>>, vector<16xf32>,
    tpu.vector_store %arg18[%swap3A_444], %mul3A_443 {strides = array<i32>} : memref<256xf32, #tpu.memory_space<vmem>>, vector<16xf32>,
    %mul3A_446 = arith.mulf %add3A_416, %div3A_439 : vector<16xf32>
    %swap3A_447 = arith.constant 64 : index
    %swap3A_448 = tpu.vector_load %arg19[%swap3A_447] {strides = array<i32>} : memref<256xf32, #tpu.memory_space<vmem>>, vector<16xf32>,
    tpu.vector_store %arg19[%swap3A_447], %mul3A_446 {strides = array<i32>} : memref<256xf32, #tpu.memory_space<vmem>>, vector<16xf32>,
    %get3A_449 = arith.constant 64 : index
    %get3A_450 = tpu.vector_load %arg14[%get3A_449] {strides = array<i32>} : memref<256xi32, #tpu.memory_space<vmem>>, vector<16xi32>,
    %gather3A_451 = tpu.vector_load_idx %arg15[%get3A_450] : memref<1000xf32, #tpu.memory_space<vmem>>[vector<16xi32>], vector<16xf32>,
    %swap3A_452 = arith.constant 64 : index
    %swap3A_453 = tpu.vector_load %arg20[%swap3A_452] {strides = array<i32>} : memref<256xf32, #tpu.memory_space<vmem>>, vector<16xf32>,
    tpu.vector_store %arg20[%swap3A_452], %gather3A_451 {strides = array<i32>} : memref<256xf32, #tpu.memory_space<vmem>>, vector<16xf32>,
    %gather3A_454 = tpu.vector_load_idx %arg16[%get3A_450] : memref<1000xf32, #tpu.memory_space<vmem>>[vector<16xi32>], vector<16xf32>,
    %swap3A_455 = arith.constant 64 : index
    %swap3A_456 = tpu.vector_load %arg21[%swap3A_455] {strides = array<i32>} : memref<256xf32, #tpu.memory_space<vmem>>, vector<16xf32>,
    tpu.vector_store %arg21[%swap3A_455], %gather3A_454 {strides = array<i32>} : memref<256xf32, #tpu.memory_space<vmem>>, vector<16xf32>,
    %get3A_457 = arith.constant 0 : i32
    %get3A_458 = arith.constant 5 : i32
    %get3A_459 = arith.constant 0 : i32
    %get3A_460 = arith.index_cast %get3A_457 : i32 to index
    %get3A_461 = arith.index_cast %get3A_458 : i32 to index
    %get3A_462 = arith.index_cast %get3A_459 : i32 to index
    %get3A_463 = arith.constant 0 : index
    %get3A_464 = tpu.vector_load %arg10[%get3A_460, %get3A_461, %get3A_462, %get3A_463] {strides = array<i32>} : memref<2x16x4x16xf32, #tpu.memory_space<vmem>>, vector<16xf32>,
    %get3A_465 = arith.constant 1 : i32
    %get3A_466 = arith.constant 5 : i32
    %get3A_467 = arith.constant 0 : i32
    %get3A_468 = arith.index_cast %get3A_465 : i32 to index
    %get3A_469 = arith.index_cast %get3A_466 : i32 to index
    %get3A_470 = arith.index_cast %get3A_467 : i32 to index
    %get3A_471 = arith.constant 0 : index
    %get3A_472 = tpu.vector_load %arg10[%get3A_468, %get3A_469, %get3A_470, %get3A_471] {strides = array<i32>} : memref<2x16x4x16xf32, #tpu.memory_space<vmem>>, vector<16xf32>,
    %add3A_473 = arith.addf %get3A_464, %get3A_472 : vector<16xf32>
    %get3A_474 = arith.constant 0 : i32
    %get3A_475 = arith.constant 5 : i32
    %get3A_476 = arith.constant 1 : i32
    %get3A_477 = arith.index_cast %get3A_474 : i32 to index
    %get3A_478 = arith.index_cast %get3A_475 : i32 to index
    %get3A_479 = arith.index_cast %get3A_476 : i32 to index
    %get3A_480 = arith.constant 0 : index
    %get3A_481 = tpu.vector_load %arg10[%get3A_477, %get3A_478, %get3A_479, %get3A_480] {strides = array<i32>} : memref<2x16x4x16xf32, #tpu.memory_space<vmem>>, vector<16xf32>,
    %get3A_482 = arith.constant 1 : i32
    %get3A_483 = arith.constant 5 : i32
    %get3A_484 = arith.constant 1 : i32
    %get3A_485 = arith.index_cast %get3A_482 : i32 to index
    %get3A_486 = arith.index_cast %get3A_483 : i32 to index
    %get3A_487 = arith.index_cast %get3A_484 : i32 to index
    %get3A_488 = arith.constant 0 : index
    %get3A_489 = tpu.vector_load %arg10[%get3A_485, %get3A_486, %get3A_487, %get3A_488] {strides = array<i32>} : memref<2x16x4x16xf32, #tpu.memory_space<vmem>>, vector<16xf32>,
    %add3A_490 = arith.addf %get3A_481, %get3A_489 : vector<16xf32>
    %get3A_491 = arith.constant 0 : i32
    %get3A_492 = arith.constant 5 : i32
    %get3A_493 = arith.constant 2 : i32
    %get3A_494 = arith.index_cast %get3A_491 : i32 to index
    %get3A_495 = arith.index_cast %get3A_492 : i32 to index
    %get3A_496 = arith.index_cast %get3A_493 : i32 to index
    %get3A_497 = arith.constant 0 : index
    %get3A_498 = tpu.vector_load %arg10[%get3A_494, %get3A_495, %get3A_496, %get3A_497] {strides = array<i32>} : memref<2x16x4x16xf32, #tpu.memory_space<vmem>>, vector<16xf32>,
    %get3A_499 = arith.constant 1 : i32
    %get3A_500 = arith.constant 5 : i32
    %get3A_501 = arith.constant 2 : i32
    %get3A_502 = arith.index_cast %get3A_499 : i32 to index
    %get3A_503 = arith.index_cast %get3A_500 : i32 to index
    %get3A_504 = arith.index_cast %get3A_501 : i32 to index
    %get3A_505 = arith.constant 0 : index
    %get3A_506 = tpu.vector_load %arg10[%get3A_502, %get3A_503, %get3A_504, %get3A_505] {strides = array<i32>} : memref<2x16x4x16xf32, #tpu.memory_space<vmem>>, vector<16xf32>,
    %add3A_507 = arith.addf %get3A_498, %get3A_506 : vector<16xf32>
    %get3A_508 = arith.constant 0 : i32
    %get3A_509 = arith.constant 5 : i32
    %get3A_510 = arith.constant 3 : i32
    %get3A_511 = arith.index_cast %get3A_508 : i32 to index
    %get3A_512 = arith.index_cast %get3A_509 : i32 to index
    %get3A_513 = arith.index_cast %get3A_510 : i32 to index
    %get3A_514 = arith.constant 0 : index
    %get3A_515 = tpu.vector_load %arg10[%get3A_511, %get3A_512, %get3A_513, %get3A_514] {strides = array<i32>} : memref<2x16x4x16xf32, #tpu.memory_space<vmem>>, vector<16xf32>,
    %get3A_516 = arith.constant 1 : i32
    %get3A_517 = arith.constant 5 : i32
    %get3A_518 = arith.constant 3 : i32
    %get3A_519 = arith.index_cast %get3A_516 : i32 to index
    %get3A_520 = arith.index_cast %get3A_517 : i32 to index
    %get3A_521 = arith.index_cast %get3A_518 : i32 to index
    %get3A_522 = arith.constant 0 : index
    %get3A_523 = tpu.vector_load %arg10[%get3A_519, %get3A_520, %get3A_521, %get3A_522] {strides = array<i32>} : memref<2x16x4x16xf32, #tpu.memory_space<vmem>>, vector<16xf32>,
    %add3A_524 = arith.addf %get3A_515, %get3A_523 : vector<16xf32>
    %max3A_525 = arith.constant 1.000000e+00 : f32
    %max3A_526 = vector.broadcast %max3A_525 : f32 to vector<16xf32>
    %max3A_527 = arith.maximumf %add3A_524, %max3A_526 : vector<16xf32>
    %div3A_528 = arith.constant 1.000000e+00 : f32
    %div3A_529 = vector.broadcast %div3A_528 : f32 to vector<16xf32>
    %div3A_530 = arith.divf %div3A_529, %max3A_527 : vector<16xf32>
    %mul3A_531 = arith.mulf %add3A_473, %div3A_530 : vector<16xf32>
    %swap3A_532 = arith.constant 80 : index
    %swap3A_533 = tpu.vector_load %arg17[%swap3A_532] {strides = array<i32>} : memref<256xf32, #tpu.memory_space<vmem>>, vector<16xf32>,
    tpu.vector_store %arg17[%swap3A_532], %mul3A_531 {strides = array<i32>} : memref<256xf32, #tpu.memory_space<vmem>>, vector<16xf32>,
    %mul3A_534 = arith.mulf %add3A_490, %div3A_530 : vector<16xf32>
    %swap3A_535 = arith.constant 80 : index
    %swap3A_536 = tpu.vector_load %arg18[%swap3A_535] {strides = array<i32>} : memref<256xf32, #tpu.memory_space<vmem>>, vector<16xf32>,
    tpu.vector_store %arg18[%swap3A_535], %mul3A_534 {strides = array<i32>} : memref<256xf32, #tpu.memory_space<vmem>>, vector<16xf32>,
    %mul3A_537 = arith.mulf %add3A_507, %div3A_530 : vector<16xf32>
    %swap3A_538 = arith.constant 80 : index
    %swap3A_539 = tpu.vector_load %arg19[%swap3A_538] {strides = array<i32>} : memref<256xf32, #tpu.memory_space<vmem>>, vector<16xf32>,
    tpu.vector_store %arg19[%swap3A_538], %mul3A_537 {strides = array<i32>} : memref<256xf32, #tpu.memory_space<vmem>>, vector<16xf32>,
    %get3A_540 = arith.constant 80 : index
    %get3A_541 = tpu.vector_load %arg14[%get3A_540] {strides = array<i32>} : memref<256xi32, #tpu.memory_space<vmem>>, vector<16xi32>,
    %gather3A_542 = tpu.vector_load_idx %arg15[%get3A_541] : memref<1000xf32, #tpu.memory_space<vmem>>[vector<16xi32>], vector<16xf32>,
    %swap3A_543 = arith.constant 80 : index
    %swap3A_544 = tpu.vector_load %arg20[%swap3A_543] {strides = array<i32>} : memref<256xf32, #tpu.memory_space<vmem>>, vector<16xf32>,
    tpu.vector_store %arg20[%swap3A_543], %gather3A_542 {strides = array<i32>} : memref<256xf32, #tpu.memory_space<vmem>>, vector<16xf32>,
    %gather3A_545 = tpu.vector_load_idx %arg16[%get3A_541] : memref<1000xf32, #tpu.memory_space<vmem>>[vector<16xi32>], vector<16xf32>,
    %swap3A_546 = arith.constant 80 : index
    %swap3A_547 = tpu.vector_load %arg21[%swap3A_546] {strides = array<i32>} : memref<256xf32, #tpu.memory_space<vmem>>, vector<16xf32>,
    tpu.vector_store %arg21[%swap3A_546], %gather3A_545 {strides = array<i32>} : memref<256xf32, #tpu.memory_space<vmem>>, vector<16xf32>,
    %get3A_548 = arith.constant 0 : i32
    %get3A_549 = arith.constant 6 : i32
    %get3A_550 = arith.constant 0 : i32
    %get3A_551 = arith.index_cast %get3A_548 : i32 to index
    %get3A_552 = arith.index_cast %get3A_549 : i32 to index
    %get3A_553 = arith.index_cast %get3A_550 : i32 to index
    %get3A_554 = arith.constant 0 : index
    %get3A_555 = tpu.vector_load %arg10[%get3A_551, %get3A_552, %get3A_553, %get3A_554] {strides = array<i32>} : memref<2x16x4x16xf32, #tpu.memory_space<vmem>>, vector<16xf32>,
    %get3A_556 = arith.constant 1 : i32
    %get3A_557 = arith.constant 6 : i32
    %get3A_558 = arith.constant 0 : i32
    %get3A_559 = arith.index_cast %get3A_556 : i32 to index
    %get3A_560 = arith.index_cast %get3A_557 : i32 to index
    %get3A_561 = arith.index_cast %get3A_558 : i32 to index
    %get3A_562 = arith.constant 0 : index
    %get3A_563 = tpu.vector_load %arg10[%get3A_559, %get3A_560, %get3A_561, %get3A_562] {strides = array<i32>} : memref<2x16x4x16xf32, #tpu.memory_space<vmem>>, vector<16xf32>,
    %add3A_564 = arith.addf %get3A_555, %get3A_563 : vector<16xf32>
    %get3A_565 = arith.constant 0 : i32
    %get3A_566 = arith.constant 6 : i32
    %get3A_567 = arith.constant 1 : i32
    %get3A_568 = arith.index_cast %get3A_565 : i32 to index
    %get3A_569 = arith.index_cast %get3A_566 : i32 to index
    %get3A_570 = arith.index_cast %get3A_567 : i32 to index
    %get3A_571 = arith.constant 0 : index
    %get3A_572 = tpu.vector_load %arg10[%get3A_568, %get3A_569, %get3A_570, %get3A_571] {strides = array<i32>} : memref<2x16x4x16xf32, #tpu.memory_space<vmem>>, vector<16xf32>,
    %get3A_573 = arith.constant 1 : i32
    %get3A_574 = arith.constant 6 : i32
    %get3A_575 = arith.constant 1 : i32
    %get3A_576 = arith.index_cast %get3A_573 : i32 to index
    %get3A_577 = arith.index_cast %get3A_574 : i32 to index
    %get3A_578 = arith.index_cast %get3A_575 : i32 to index
    %get3A_579 = arith.constant 0 : index
    %get3A_580 = tpu.vector_load %arg10[%get3A_576, %get3A_577, %get3A_578, %get3A_579] {strides = array<i32>} : memref<2x16x4x16xf32, #tpu.memory_space<vmem>>, vector<16xf32>,
    %add3A_581 = arith.addf %get3A_572, %get3A_580 : vector<16xf32>
    %get3A_582 = arith.constant 0 : i32
    %get3A_583 = arith.constant 6 : i32
    %get3A_584 = arith.constant 2 : i32
    %get3A_585 = arith.index_cast %get3A_582 : i32 to index
    %get3A_586 = arith.index_cast %get3A_583 : i32 to index
    %get3A_587 = arith.index_cast %get3A_584 : i32 to index
    %get3A_588 = arith.constant 0 : index
    %get3A_589 = tpu.vector_load %arg10[%get3A_585, %get3A_586, %get3A_587, %get3A_588] {strides = array<i32>} : memref<2x16x4x16xf32, #tpu.memory_space<vmem>>, vector<16xf32>,
    %get3A_590 = arith.constant 1 : i32
    %get3A_591 = arith.constant 6 : i32
    %get3A_592 = arith.constant 2 : i32
    %get3A_593 = arith.index_cast %get3A_590 : i32 to index
    %get3A_594 = arith.index_cast %get3A_591 : i32 to index
    %get3A_595 = arith.index_cast %get3A_592 : i32 to index
    %get3A_596 = arith.constant 0 : index
    %get3A_597 = tpu.vector_load %arg10[%get3A_593, %get3A_594, %get3A_595, %get3A_596] {strides = array<i32>} : memref<2x16x4x16xf32, #tpu.memory_space<vmem>>, vector<16xf32>,
    %add3A_598 = arith.addf %get3A_589, %get3A_597 : vector<16xf32>
    %get3A_599 = arith.constant 0 : i32
    %get3A_600 = arith.constant 6 : i32
    %get3A_601 = arith.constant 3 : i32
    %get3A_602 = arith.index_cast %get3A_599 : i32 to index
    %get3A_603 = arith.index_cast %get3A_600 : i32 to index
    %get3A_604 = arith.index_cast %get3A_601 : i32 to index
    %get3A_605 = arith.constant 0 : index
    %get3A_606 = tpu.vector_load %arg10[%get3A_602, %get3A_603, %get3A_604, %get3A_605] {strides = array<i32>} : memref<2x16x4x16xf32, #tpu.memory_space<vmem>>, vector<16xf32>,
    %get3A_607 = arith.constant 1 : i32
    %get3A_608 = arith.constant 6 : i32
    %get3A_609 = arith.constant 3 : i32
    %get3A_610 = arith.index_cast %get3A_607 : i32 to index
    %get3A_611 = arith.index_cast %get3A_608 : i32 to index
    %get3A_612 = arith.index_cast %get3A_609 : i32 to index
    %get3A_613 = arith.constant 0 : index
    %get3A_614 = tpu.vector_load %arg10[%get3A_610, %get3A_611, %get3A_612, %get3A_613] {strides = array<i32>} : memref<2x16x4x16xf32, #tpu.memory_space<vmem>>, vector<16xf32>,
    %add3A_615 = arith.addf %get3A_606, %get3A_614 : vector<16xf32>
    %max3A_616 = arith.constant 1.000000e+00 : f32
    %max3A_617 = vector.broadcast %max3A_616 : f32 to vector<16xf32>
    %max3A_618 = arith.maximumf %add3A_615, %max3A_617 : vector<16xf32>
    %div3A_619 = arith.constant 1.000000e+00 : f32
    %div3A_620 = vector.broadcast %div3A_619 : f32 to vector<16xf32>
    %div3A_621 = arith.divf %div3A_620, %max3A_618 : vector<16xf32>
    %mul3A_622 = arith.mulf %add3A_564, %div3A_621 : vector<16xf32>
    %swap3A_623 = arith.constant 96 : index
    %swap3A_624 = tpu.vector_load %arg17[%swap3A_623] {strides = array<i32>} : memref<256xf32, #tpu.memory_space<vmem>>, vector<16xf32>,
    tpu.vector_store %arg17[%swap3A_623], %mul3A_622 {strides = array<i32>} : memref<256xf32, #tpu.memory_space<vmem>>, vector<16xf32>,
    %mul3A_625 = arith.mulf %add3A_581, %div3A_621 : vector<16xf32>
    %swap3A_626 = arith.constant 96 : index
    %swap3A_627 = tpu.vector_load %arg18[%swap3A_626] {strides = array<i32>} : memref<256xf32, #tpu.memory_space<vmem>>, vector<16xf32>,
    tpu.vector_store %arg18[%swap3A_626], %mul3A_625 {strides = array<i32>} : memref<256xf32, #tpu.memory_space<vmem>>, vector<16xf32>,
    %mul3A_628 = arith.mulf %add3A_598, %div3A_621 : vector<16xf32>
    %swap3A_629 = arith.constant 96 : index
    %swap3A_630 = tpu.vector_load %arg19[%swap3A_629] {strides = array<i32>} : memref<256xf32, #tpu.memory_space<vmem>>, vector<16xf32>,
    tpu.vector_store %arg19[%swap3A_629], %mul3A_628 {strides = array<i32>} : memref<256xf32, #tpu.memory_space<vmem>>, vector<16xf32>,
    %get3A_631 = arith.constant 96 : index
    %get3A_632 = tpu.vector_load %arg14[%get3A_631] {strides = array<i32>} : memref<256xi32, #tpu.memory_space<vmem>>, vector<16xi32>,
    %gather3A_633 = tpu.vector_load_idx %arg15[%get3A_632] : memref<1000xf32, #tpu.memory_space<vmem>>[vector<16xi32>], vector<16xf32>,
    %swap3A_634 = arith.constant 96 : index
    %swap3A_635 = tpu.vector_load %arg20[%swap3A_634] {strides = array<i32>} : memref<256xf32, #tpu.memory_space<vmem>>, vector<16xf32>,
    tpu.vector_store %arg20[%swap3A_634], %gather3A_633 {strides = array<i32>} : memref<256xf32, #tpu.memory_space<vmem>>, vector<16xf32>,
    %gather3A_636 = tpu.vector_load_idx %arg16[%get3A_632] : memref<1000xf32, #tpu.memory_space<vmem>>[vector<16xi32>], vector<16xf32>,
    %swap3A_637 = arith.constant 96 : index
    %swap3A_638 = tpu.vector_load %arg21[%swap3A_637] {strides = array<i32>} : memref<256xf32, #tpu.memory_space<vmem>>, vector<16xf32>,
    tpu.vector_store %arg21[%swap3A_637], %gather3A_636 {strides = array<i32>} : memref<256xf32, #tpu.memory_space<vmem>>, vector<16xf32>,
    %get3A_639 = arith.constant 0 : i32
    %get3A_640 = arith.constant 7 : i32
    %get3A_641 = arith.constant 0 : i32
    %get3A_642 = arith.index_cast %get3A_639 : i32 to index
    %get3A_643 = arith.index_cast %get3A_640 : i32 to index
    %get3A_644 = arith.index_cast %get3A_641 : i32 to index
    %get3A_645 = arith.constant 0 : index
    %get3A_646 = tpu.vector_load %arg10[%get3A_642, %get3A_643, %get3A_644, %get3A_645] {strides = array<i32>} : memref<2x16x4x16xf32, #tpu.memory_space<vmem>>, vector<16xf32>,
    %get3A_647 = arith.constant 1 : i32
    %get3A_648 = arith.constant 7 : i32
    %get3A_649 = arith.constant 0 : i32
    %get3A_650 = arith.index_cast %get3A_647 : i32 to index
    %get3A_651 = arith.index_cast %get3A_648 : i32 to index
    %get3A_652 = arith.index_cast %get3A_649 : i32 to index
    %get3A_653 = arith.constant 0 : index
    %get3A_654 = tpu.vector_load %arg10[%get3A_650, %get3A_651, %get3A_652, %get3A_653] {strides = array<i32>} : memref<2x16x4x16xf32, #tpu.memory_space<vmem>>, vector<16xf32>,
    %add3A_655 = arith.addf %get3A_646, %get3A_654 : vector<16xf32>
    %get3A_656 = arith.constant 0 : i32
    %get3A_657 = arith.constant 7 : i32
    %get3A_658 = arith.constant 1 : i32
    %get3A_659 = arith.index_cast %get3A_656 : i32 to index
    %get3A_660 = arith.index_cast %get3A_657 : i32 to index
    %get3A_661 = arith.index_cast %get3A_658 : i32 to index
    %get3A_662 = arith.constant 0 : index
    %get3A_663 = tpu.vector_load %arg10[%get3A_659, %get3A_660, %get3A_661, %get3A_662] {strides = array<i32>} : memref<2x16x4x16xf32, #tpu.memory_space<vmem>>, vector<16xf32>,
    %get3A_664 = arith.constant 1 : i32
    %get3A_665 = arith.constant 7 : i32
    %get3A_666 = arith.constant 1 : i32
    %get3A_667 = arith.index_cast %get3A_664 : i32 to index
    %get3A_668 = arith.index_cast %get3A_665 : i32 to index
    %get3A_669 = arith.index_cast %get3A_666 : i32 to index
    %get3A_670 = arith.constant 0 : index
    %get3A_671 = tpu.vector_load %arg10[%get3A_667, %get3A_668, %get3A_669, %get3A_670] {strides = array<i32>} : memref<2x16x4x16xf32, #tpu.memory_space<vmem>>, vector<16xf32>,
    %add3A_672 = arith.addf %get3A_663, %get3A_671 : vector<16xf32>
    %get3A_673 = arith.constant 0 : i32
    %get3A_674 = arith.constant 7 : i32
    %get3A_675 = arith.constant 2 : i32
    %get3A_676 = arith.index_cast %get3A_673 : i32 to index
    %get3A_677 = arith.index_cast %get3A_674 : i32 to index
    %get3A_678 = arith.index_cast %get3A_675 : i32 to index
    %get3A_679 = arith.constant 0 : index
    %get3A_680 = tpu.vector_load %arg10[%get3A_676, %get3A_677, %get3A_678, %get3A_679] {strides = array<i32>} : memref<2x16x4x16xf32, #tpu.memory_space<vmem>>, vector<16xf32>,
    %get3A_681 = arith.constant 1 : i32
    %get3A_682 = arith.constant 7 : i32
    %get3A_683 = arith.constant 2 : i32
    %get3A_684 = arith.index_cast %get3A_681 : i32 to index
    %get3A_685 = arith.index_cast %get3A_682 : i32 to index
    %get3A_686 = arith.index_cast %get3A_683 : i32 to index
    %get3A_687 = arith.constant 0 : index
    %get3A_688 = tpu.vector_load %arg10[%get3A_684, %get3A_685, %get3A_686, %get3A_687] {strides = array<i32>} : memref<2x16x4x16xf32, #tpu.memory_space<vmem>>, vector<16xf32>,
    %add3A_689 = arith.addf %get3A_680, %get3A_688 : vector<16xf32>
    %get3A_690 = arith.constant 0 : i32
    %get3A_691 = arith.constant 7 : i32
    %get3A_692 = arith.constant 3 : i32
    %get3A_693 = arith.index_cast %get3A_690 : i32 to index
    %get3A_694 = arith.index_cast %get3A_691 : i32 to index
    %get3A_695 = arith.index_cast %get3A_692 : i32 to index
    %get3A_696 = arith.constant 0 : index
    %get3A_697 = tpu.vector_load %arg10[%get3A_693, %get3A_694, %get3A_695, %get3A_696] {strides = array<i32>} : memref<2x16x4x16xf32, #tpu.memory_space<vmem>>, vector<16xf32>,
    %get3A_698 = arith.constant 1 : i32
    %get3A_699 = arith.constant 7 : i32
    %get3A_700 = arith.constant 3 : i32
    %get3A_701 = arith.index_cast %get3A_698 : i32 to index
    %get3A_702 = arith.index_cast %get3A_699 : i32 to index
    %get3A_703 = arith.index_cast %get3A_700 : i32 to index
    %get3A_704 = arith.constant 0 : index
    %get3A_705 = tpu.vector_load %arg10[%get3A_701, %get3A_702, %get3A_703, %get3A_704] {strides = array<i32>} : memref<2x16x4x16xf32, #tpu.memory_space<vmem>>, vector<16xf32>,
    %add3A_706 = arith.addf %get3A_697, %get3A_705 : vector<16xf32>
    %max3A_707 = arith.constant 1.000000e+00 : f32
    %max3A_708 = vector.broadcast %max3A_707 : f32 to vector<16xf32>
    %max3A_709 = arith.maximumf %add3A_706, %max3A_708 : vector<16xf32>
    %div3A_710 = arith.constant 1.000000e+00 : f32
    %div3A_711 = vector.broadcast %div3A_710 : f32 to vector<16xf32>
    %div3A_712 = arith.divf %div3A_711, %max3A_709 : vector<16xf32>
    %mul3A_713 = arith.mulf %add3A_655, %div3A_712 : vector<16xf32>
    %swap3A_714 = arith.constant 112 : index
    %swap3A_715 = tpu.vector_load %arg17[%swap3A_714] {strides = array<i32>} : memref<256xf32, #tpu.memory_space<vmem>>, vector<16xf32>,
    tpu.vector_store %arg17[%swap3A_714], %mul3A_713 {strides = array<i32>} : memref<256xf32, #tpu.memory_space<vmem>>, vector<16xf32>,
    %mul3A_716 = arith.mulf %add3A_672, %div3A_712 : vector<16xf32>
    %swap3A_717 = arith.constant 112 : index
    %swap3A_718 = tpu.vector_load %arg18[%swap3A_717] {strides = array<i32>} : memref<256xf32, #tpu.memory_space<vmem>>, vector<16xf32>,
    tpu.vector_store %arg18[%swap3A_717], %mul3A_716 {strides = array<i32>} : memref<256xf32, #tpu.memory_space<vmem>>, vector<16xf32>,
    %mul3A_719 = arith.mulf %add3A_689, %div3A_712 : vector<16xf32>
    %swap3A_720 = arith.constant 112 : index
    %swap3A_721 = tpu.vector_load %arg19[%swap3A_720] {strides = array<i32>} : memref<256xf32, #tpu.memory_space<vmem>>, vector<16xf32>,
    tpu.vector_store %arg19[%swap3A_720], %mul3A_719 {strides = array<i32>} : memref<256xf32, #tpu.memory_space<vmem>>, vector<16xf32>,
    %get3A_722 = arith.constant 112 : index
    %get3A_723 = tpu.vector_load %arg14[%get3A_722] {strides = array<i32>} : memref<256xi32, #tpu.memory_space<vmem>>, vector<16xi32>,
    %gather3A_724 = tpu.vector_load_idx %arg15[%get3A_723] : memref<1000xf32, #tpu.memory_space<vmem>>[vector<16xi32>], vector<16xf32>,
    %swap3A_725 = arith.constant 112 : index
    %swap3A_726 = tpu.vector_load %arg20[%swap3A_725] {strides = array<i32>} : memref<256xf32, #tpu.memory_space<vmem>>, vector<16xf32>,
    tpu.vector_store %arg20[%swap3A_725], %gather3A_724 {strides = array<i32>} : memref<256xf32, #tpu.memory_space<vmem>>, vector<16xf32>,
    %gather3A_727 = tpu.vector_load_idx %arg16[%get3A_723] : memref<1000xf32, #tpu.memory_space<vmem>>[vector<16xi32>], vector<16xf32>,
    %swap3A_728 = arith.constant 112 : index
    %swap3A_729 = tpu.vector_load %arg21[%swap3A_728] {strides = array<i32>} : memref<256xf32, #tpu.memory_space<vmem>>, vector<16xf32>,
    tpu.vector_store %arg21[%swap3A_728], %gather3A_727 {strides = array<i32>} : memref<256xf32, #tpu.memory_space<vmem>>, vector<16xf32>,
    %get3A_730 = arith.constant 0 : i32
    %get3A_731 = arith.constant 8 : i32
    %get3A_732 = arith.constant 0 : i32
    %get3A_733 = arith.index_cast %get3A_730 : i32 to index
    %get3A_734 = arith.index_cast %get3A_731 : i32 to index
    %get3A_735 = arith.index_cast %get3A_732 : i32 to index
    %get3A_736 = arith.constant 0 : index
    %get3A_737 = tpu.vector_load %arg10[%get3A_733, %get3A_734, %get3A_735, %get3A_736] {strides = array<i32>} : memref<2x16x4x16xf32, #tpu.memory_space<vmem>>, vector<16xf32>,
    %get3A_738 = arith.constant 1 : i32
    %get3A_739 = arith.constant 8 : i32
    %get3A_740 = arith.constant 0 : i32
    %get3A_741 = arith.index_cast %get3A_738 : i32 to index
    %get3A_742 = arith.index_cast %get3A_739 : i32 to index
    %get3A_743 = arith.index_cast %get3A_740 : i32 to index
    %get3A_744 = arith.constant 0 : index
    %get3A_745 = tpu.vector_load %arg10[%get3A_741, %get3A_742, %get3A_743, %get3A_744] {strides = array<i32>} : memref<2x16x4x16xf32, #tpu.memory_space<vmem>>, vector<16xf32>,
    %add3A_746 = arith.addf %get3A_737, %get3A_745 : vector<16xf32>
    %get3A_747 = arith.constant 0 : i32
    %get3A_748 = arith.constant 8 : i32
    %get3A_749 = arith.constant 1 : i32
    %get3A_750 = arith.index_cast %get3A_747 : i32 to index
    %get3A_751 = arith.index_cast %get3A_748 : i32 to index
    %get3A_752 = arith.index_cast %get3A_749 : i32 to index
    %get3A_753 = arith.constant 0 : index
    %get3A_754 = tpu.vector_load %arg10[%get3A_750, %get3A_751, %get3A_752, %get3A_753] {strides = array<i32>} : memref<2x16x4x16xf32, #tpu.memory_space<vmem>>, vector<16xf32>,
    %get3A_755 = arith.constant 1 : i32
    %get3A_756 = arith.constant 8 : i32
    %get3A_757 = arith.constant 1 : i32
    %get3A_758 = arith.index_cast %get3A_755 : i32 to index
    %get3A_759 = arith.index_cast %get3A_756 : i32 to index
    %get3A_760 = arith.index_cast %get3A_757 : i32 to index
    %get3A_761 = arith.constant 0 : index
    %get3A_762 = tpu.vector_load %arg10[%get3A_758, %get3A_759, %get3A_760, %get3A_761] {strides = array<i32>} : memref<2x16x4x16xf32, #tpu.memory_space<vmem>>, vector<16xf32>,
    %add3A_763 = arith.addf %get3A_754, %get3A_762 : vector<16xf32>
    %get3A_764 = arith.constant 0 : i32
    %get3A_765 = arith.constant 8 : i32
    %get3A_766 = arith.constant 2 : i32
    %get3A_767 = arith.index_cast %get3A_764 : i32 to index
    %get3A_768 = arith.index_cast %get3A_765 : i32 to index
    %get3A_769 = arith.index_cast %get3A_766 : i32 to index
    %get3A_770 = arith.constant 0 : index
    %get3A_771 = tpu.vector_load %arg10[%get3A_767, %get3A_768, %get3A_769, %get3A_770] {strides = array<i32>} : memref<2x16x4x16xf32, #tpu.memory_space<vmem>>, vector<16xf32>,
    %get3A_772 = arith.constant 1 : i32
    %get3A_773 = arith.constant 8 : i32
    %get3A_774 = arith.constant 2 : i32
    %get3A_775 = arith.index_cast %get3A_772 : i32 to index
    %get3A_776 = arith.index_cast %get3A_773 : i32 to index
    %get3A_777 = arith.index_cast %get3A_774 : i32 to index
    %get3A_778 = arith.constant 0 : index
    %get3A_779 = tpu.vector_load %arg10[%get3A_775, %get3A_776, %get3A_777, %get3A_778] {strides = array<i32>} : memref<2x16x4x16xf32, #tpu.memory_space<vmem>>, vector<16xf32>,
    %add3A_780 = arith.addf %get3A_771, %get3A_779 : vector<16xf32>
    %get3A_781 = arith.constant 0 : i32
    %get3A_782 = arith.constant 8 : i32
    %get3A_783 = arith.constant 3 : i32
    %get3A_784 = arith.index_cast %get3A_781 : i32 to index
    %get3A_785 = arith.index_cast %get3A_782 : i32 to index
    %get3A_786 = arith.index_cast %get3A_783 : i32 to index
    %get3A_787 = arith.constant 0 : index
    %get3A_788 = tpu.vector_load %arg10[%get3A_784, %get3A_785, %get3A_786, %get3A_787] {strides = array<i32>} : memref<2x16x4x16xf32, #tpu.memory_space<vmem>>, vector<16xf32>,
    %get3A_789 = arith.constant 1 : i32
    %get3A_790 = arith.constant 8 : i32
    %get3A_791 = arith.constant 3 : i32
    %get3A_792 = arith.index_cast %get3A_789 : i32 to index
    %get3A_793 = arith.index_cast %get3A_790 : i32 to index
    %get3A_794 = arith.index_cast %get3A_791 : i32 to index
    %get3A_795 = arith.constant 0 : index
    %get3A_796 = tpu.vector_load %arg10[%get3A_792, %get3A_793, %get3A_794, %get3A_795] {strides = array<i32>} : memref<2x16x4x16xf32, #tpu.memory_space<vmem>>, vector<16xf32>,
    %add3A_797 = arith.addf %get3A_788, %get3A_796 : vector<16xf32>
    %max3A_798 = arith.constant 1.000000e+00 : f32
    %max3A_799 = vector.broadcast %max3A_798 : f32 to vector<16xf32>
    %max3A_800 = arith.maximumf %add3A_797, %max3A_799 : vector<16xf32>
    %div3A_801 = arith.constant 1.000000e+00 : f32
    %div3A_802 = vector.broadcast %div3A_801 : f32 to vector<16xf32>
    %div3A_803 = arith.divf %div3A_802, %max3A_800 : vector<16xf32>
    %mul3A_804 = arith.mulf %add3A_746, %div3A_803 : vector<16xf32>
    %swap3A_805 = arith.constant 128 : index
    %swap3A_806 = tpu.vector_load %arg17[%swap3A_805] {strides = array<i32>} : memref<256xf32, #tpu.memory_space<vmem>>, vector<16xf32>,
    tpu.vector_store %arg17[%swap3A_805], %mul3A_804 {strides = array<i32>} : memref<256xf32, #tpu.memory_space<vmem>>, vector<16xf32>,
    %mul3A_807 = arith.mulf %add3A_763, %div3A_803 : vector<16xf32>
    %swap3A_808 = arith.constant 128 : index
    %swap3A_809 = tpu.vector_load %arg18[%swap3A_808] {strides = array<i32>} : memref<256xf32, #tpu.memory_space<vmem>>, vector<16xf32>,
    tpu.vector_store %arg18[%swap3A_808], %mul3A_807 {strides = array<i32>} : memref<256xf32, #tpu.memory_space<vmem>>, vector<16xf32>,
    %mul3A_810 = arith.mulf %add3A_780, %div3A_803 : vector<16xf32>
    %swap3A_811 = arith.constant 128 : index
    %swap3A_812 = tpu.vector_load %arg19[%swap3A_811] {strides = array<i32>} : memref<256xf32, #tpu.memory_space<vmem>>, vector<16xf32>,
    tpu.vector_store %arg19[%swap3A_811], %mul3A_810 {strides = array<i32>} : memref<256xf32, #tpu.memory_space<vmem>>, vector<16xf32>,
    %get3A_813 = arith.constant 128 : index
    %get3A_814 = tpu.vector_load %arg14[%get3A_813] {strides = array<i32>} : memref<256xi32, #tpu.memory_space<vmem>>, vector<16xi32>,
    %gather3A_815 = tpu.vector_load_idx %arg15[%get3A_814] : memref<1000xf32, #tpu.memory_space<vmem>>[vector<16xi32>], vector<16xf32>,
    %swap3A_816 = arith.constant 128 : index
    %swap3A_817 = tpu.vector_load %arg20[%swap3A_816] {strides = array<i32>} : memref<256xf32, #tpu.memory_space<vmem>>, vector<16xf32>,
    tpu.vector_store %arg20[%swap3A_816], %gather3A_815 {strides = array<i32>} : memref<256xf32, #tpu.memory_space<vmem>>, vector<16xf32>,
    %gather3A_818 = tpu.vector_load_idx %arg16[%get3A_814] : memref<1000xf32, #tpu.memory_space<vmem>>[vector<16xi32>], vector<16xf32>,
    %swap3A_819 = arith.constant 128 : index
    %swap3A_820 = tpu.vector_load %arg21[%swap3A_819] {strides = array<i32>} : memref<256xf32, #tpu.memory_space<vmem>>, vector<16xf32>,
    tpu.vector_store %arg21[%swap3A_819], %gather3A_818 {strides = array<i32>} : memref<256xf32, #tpu.memory_space<vmem>>, vector<16xf32>,
    %get3A_821 = arith.constant 0 : i32
    %get3A_822 = arith.constant 9 : i32
    %get3A_823 = arith.constant 0 : i32
    %get3A_824 = arith.index_cast %get3A_821 : i32 to index
    %get3A_825 = arith.index_cast %get3A_822 : i32 to index
    %get3A_826 = arith.index_cast %get3A_823 : i32 to index
    %get3A_827 = arith.constant 0 : index
    %get3A_828 = tpu.vector_load %arg10[%get3A_824, %get3A_825, %get3A_826, %get3A_827] {strides = array<i32>} : memref<2x16x4x16xf32, #tpu.memory_space<vmem>>, vector<16xf32>,
    %get3A_829 = arith.constant 1 : i32
    %get3A_830 = arith.constant 9 : i32
    %get3A_831 = arith.constant 0 : i32
    %get3A_832 = arith.index_cast %get3A_829 : i32 to index
    %get3A_833 = arith.index_cast %get3A_830 : i32 to index
    %get3A_834 = arith.index_cast %get3A_831 : i32 to index
    %get3A_835 = arith.constant 0 : index
    %get3A_836 = tpu.vector_load %arg10[%get3A_832, %get3A_833, %get3A_834, %get3A_835] {strides = array<i32>} : memref<2x16x4x16xf32, #tpu.memory_space<vmem>>, vector<16xf32>,
    %add3A_837 = arith.addf %get3A_828, %get3A_836 : vector<16xf32>
    %get3A_838 = arith.constant 0 : i32
    %get3A_839 = arith.constant 9 : i32
    %get3A_840 = arith.constant 1 : i32
    %get3A_841 = arith.index_cast %get3A_838 : i32 to index
    %get3A_842 = arith.index_cast %get3A_839 : i32 to index
    %get3A_843 = arith.index_cast %get3A_840 : i32 to index
    %get3A_844 = arith.constant 0 : index
    %get3A_845 = tpu.vector_load %arg10[%get3A_841, %get3A_842, %get3A_843, %get3A_844] {strides = array<i32>} : memref<2x16x4x16xf32, #tpu.memory_space<vmem>>, vector<16xf32>,
    %get3A_846 = arith.constant 1 : i32
    %get3A_847 = arith.constant 9 : i32
    %get3A_848 = arith.constant 1 : i32
    %get3A_849 = arith.index_cast %get3A_846 : i32 to index
    %get3A_850 = arith.index_cast %get3A_847 : i32 to index
    %get3A_851 = arith.index_cast %get3A_848 : i32 to index
    %get3A_852 = arith.constant 0 : index
    %get3A_853 = tpu.vector_load %arg10[%get3A_849, %get3A_850, %get3A_851, %get3A_852] {strides = array<i32>} : memref<2x16x4x16xf32, #tpu.memory_space<vmem>>, vector<16xf32>,
    %add3A_854 = arith.addf %get3A_845, %get3A_853 : vector<16xf32>
    %get3A_855 = arith.constant 0 : i32
    %get3A_856 = arith.constant 9 : i32
    %get3A_857 = arith.constant 2 : i32
    %get3A_858 = arith.index_cast %get3A_855 : i32 to index
    %get3A_859 = arith.index_cast %get3A_856 : i32 to index
    %get3A_860 = arith.index_cast %get3A_857 : i32 to index
    %get3A_861 = arith.constant 0 : index
    %get3A_862 = tpu.vector_load %arg10[%get3A_858, %get3A_859, %get3A_860, %get3A_861] {strides = array<i32>} : memref<2x16x4x16xf32, #tpu.memory_space<vmem>>, vector<16xf32>,
    %get3A_863 = arith.constant 1 : i32
    %get3A_864 = arith.constant 9 : i32
    %get3A_865 = arith.constant 2 : i32
    %get3A_866 = arith.index_cast %get3A_863 : i32 to index
    %get3A_867 = arith.index_cast %get3A_864 : i32 to index
    %get3A_868 = arith.index_cast %get3A_865 : i32 to index
    %get3A_869 = arith.constant 0 : index
    %get3A_870 = tpu.vector_load %arg10[%get3A_866, %get3A_867, %get3A_868, %get3A_869] {strides = array<i32>} : memref<2x16x4x16xf32, #tpu.memory_space<vmem>>, vector<16xf32>,
    %add3A_871 = arith.addf %get3A_862, %get3A_870 : vector<16xf32>
    %get3A_872 = arith.constant 0 : i32
    %get3A_873 = arith.constant 9 : i32
    %get3A_874 = arith.constant 3 : i32
    %get3A_875 = arith.index_cast %get3A_872 : i32 to index
    %get3A_876 = arith.index_cast %get3A_873 : i32 to index
    %get3A_877 = arith.index_cast %get3A_874 : i32 to index
    %get3A_878 = arith.constant 0 : index
    %get3A_879 = tpu.vector_load %arg10[%get3A_875, %get3A_876, %get3A_877, %get3A_878] {strides = array<i32>} : memref<2x16x4x16xf32, #tpu.memory_space<vmem>>, vector<16xf32>,
    %get3A_880 = arith.constant 1 : i32
    %get3A_881 = arith.constant 9 : i32
    %get3A_882 = arith.constant 3 : i32
    %get3A_883 = arith.index_cast %get3A_880 : i32 to index
    %get3A_884 = arith.index_cast %get3A_881 : i32 to index
    %get3A_885 = arith.index_cast %get3A_882 : i32 to index
    %get3A_886 = arith.constant 0 : index
    %get3A_887 = tpu.vector_load %arg10[%get3A_883, %get3A_884, %get3A_885, %get3A_886] {strides = array<i32>} : memref<2x16x4x16xf32, #tpu.memory_space<vmem>>, vector<16xf32>,
    %add3A_888 = arith.addf %get3A_879, %get3A_887 : vector<16xf32>
    %max3A_889 = arith.constant 1.000000e+00 : f32
    %max3A_890 = vector.broadcast %max3A_889 : f32 to vector<16xf32>
    %max3A_891 = arith.maximumf %add3A_888, %max3A_890 : vector<16xf32>
    %div3A_892 = arith.constant 1.000000e+00 : f32
    %div3A_893 = vector.broadcast %div3A_892 : f32 to vector<16xf32>
    %div3A_894 = arith.divf %div3A_893, %max3A_891 : vector<16xf32>
    %mul3A_895 = arith.mulf %add3A_837, %div3A_894 : vector<16xf32>
    %swap3A_896 = arith.constant 144 : index
    %swap3A_897 = tpu.vector_load %arg17[%swap3A_896] {strides = array<i32>} : memref<256xf32, #tpu.memory_space<vmem>>, vector<16xf32>,
    tpu.vector_store %arg17[%swap3A_896], %mul3A_895 {strides = array<i32>} : memref<256xf32, #tpu.memory_space<vmem>>, vector<16xf32>,
    %mul3A_898 = arith.mulf %add3A_854, %div3A_894 : vector<16xf32>
    %swap3A_899 = arith.constant 144 : index
    %swap3A_900 = tpu.vector_load %arg18[%swap3A_899] {strides = array<i32>} : memref<256xf32, #tpu.memory_space<vmem>>, vector<16xf32>,
    tpu.vector_store %arg18[%swap3A_899], %mul3A_898 {strides = array<i32>} : memref<256xf32, #tpu.memory_space<vmem>>, vector<16xf32>,
    %mul3A_901 = arith.mulf %add3A_871, %div3A_894 : vector<16xf32>
    %swap3A_902 = arith.constant 144 : index
    %swap3A_903 = tpu.vector_load %arg19[%swap3A_902] {strides = array<i32>} : memref<256xf32, #tpu.memory_space<vmem>>, vector<16xf32>,
    tpu.vector_store %arg19[%swap3A_902], %mul3A_901 {strides = array<i32>} : memref<256xf32, #tpu.memory_space<vmem>>, vector<16xf32>,
    %get3A_904 = arith.constant 144 : index
    %get3A_905 = tpu.vector_load %arg14[%get3A_904] {strides = array<i32>} : memref<256xi32, #tpu.memory_space<vmem>>, vector<16xi32>,
    %gather3A_906 = tpu.vector_load_idx %arg15[%get3A_905] : memref<1000xf32, #tpu.memory_space<vmem>>[vector<16xi32>], vector<16xf32>,
    %swap3A_907 = arith.constant 144 : index
    %swap3A_908 = tpu.vector_load %arg20[%swap3A_907] {strides = array<i32>} : memref<256xf32, #tpu.memory_space<vmem>>, vector<16xf32>,
    tpu.vector_store %arg20[%swap3A_907], %gather3A_906 {strides = array<i32>} : memref<256xf32, #tpu.memory_space<vmem>>, vector<16xf32>,
    %gather3A_909 = tpu.vector_load_idx %arg16[%get3A_905] : memref<1000xf32, #tpu.memory_space<vmem>>[vector<16xi32>], vector<16xf32>,
    %swap3A_910 = arith.constant 144 : index
    %swap3A_911 = tpu.vector_load %arg21[%swap3A_910] {strides = array<i32>} : memref<256xf32, #tpu.memory_space<vmem>>, vector<16xf32>,
    tpu.vector_store %arg21[%swap3A_910], %gather3A_909 {strides = array<i32>} : memref<256xf32, #tpu.memory_space<vmem>>, vector<16xf32>,
    %get3A_912 = arith.constant 0 : i32
    %get3A_913 = arith.constant 10 : i32
    %get3A_914 = arith.constant 0 : i32
    %get3A_915 = arith.index_cast %get3A_912 : i32 to index
    %get3A_916 = arith.index_cast %get3A_913 : i32 to index
    %get3A_917 = arith.index_cast %get3A_914 : i32 to index
    %get3A_918 = arith.constant 0 : index
    %get3A_919 = tpu.vector_load %arg10[%get3A_915, %get3A_916, %get3A_917, %get3A_918] {strides = array<i32>} : memref<2x16x4x16xf32, #tpu.memory_space<vmem>>, vector<16xf32>,
    %get3A_920 = arith.constant 1 : i32
    %get3A_921 = arith.constant 10 : i32
    %get3A_922 = arith.constant 0 : i32
    %get3A_923 = arith.index_cast %get3A_920 : i32 to index
    %get3A_924 = arith.index_cast %get3A_921 : i32 to index
    %get3A_925 = arith.index_cast %get3A_922 : i32 to index
    %get3A_926 = arith.constant 0 : index
    %get3A_927 = tpu.vector_load %arg10[%get3A_923, %get3A_924, %get3A_925, %get3A_926] {strides = array<i32>} : memref<2x16x4x16xf32, #tpu.memory_space<vmem>>, vector<16xf32>,
    %add3A_928 = arith.addf %get3A_919, %get3A_927 : vector<16xf32>
    %get3A_929 = arith.constant 0 : i32
    %get3A_930 = arith.constant 10 : i32
    %get3A_931 = arith.constant 1 : i32
    %get3A_932 = arith.index_cast %get3A_929 : i32 to index
    %get3A_933 = arith.index_cast %get3A_930 : i32 to index
    %get3A_934 = arith.index_cast %get3A_931 : i32 to index
    %get3A_935 = arith.constant 0 : index
    %get3A_936 = tpu.vector_load %arg10[%get3A_932, %get3A_933, %get3A_934, %get3A_935] {strides = array<i32>} : memref<2x16x4x16xf32, #tpu.memory_space<vmem>>, vector<16xf32>,
    %get3A_937 = arith.constant 1 : i32
    %get3A_938 = arith.constant 10 : i32
    %get3A_939 = arith.constant 1 : i32
    %get3A_940 = arith.index_cast %get3A_937 : i32 to index
    %get3A_941 = arith.index_cast %get3A_938 : i32 to index
    %get3A_942 = arith.index_cast %get3A_939 : i32 to index
    %get3A_943 = arith.constant 0 : index
    %get3A_944 = tpu.vector_load %arg10[%get3A_940, %get3A_941, %get3A_942, %get3A_943] {strides = array<i32>} : memref<2x16x4x16xf32, #tpu.memory_space<vmem>>, vector<16xf32>,
    %add3A_945 = arith.addf %get3A_936, %get3A_944 : vector<16xf32>
    %get3A_946 = arith.constant 0 : i32
    %get3A_947 = arith.constant 10 : i32
    %get3A_948 = arith.constant 2 : i32
    %get3A_949 = arith.index_cast %get3A_946 : i32 to index
    %get3A_950 = arith.index_cast %get3A_947 : i32 to index
    %get3A_951 = arith.index_cast %get3A_948 : i32 to index
    %get3A_952 = arith.constant 0 : index
    %get3A_953 = tpu.vector_load %arg10[%get3A_949, %get3A_950, %get3A_951, %get3A_952] {strides = array<i32>} : memref<2x16x4x16xf32, #tpu.memory_space<vmem>>, vector<16xf32>,
    %get3A_954 = arith.constant 1 : i32
    %get3A_955 = arith.constant 10 : i32
    %get3A_956 = arith.constant 2 : i32
    %get3A_957 = arith.index_cast %get3A_954 : i32 to index
    %get3A_958 = arith.index_cast %get3A_955 : i32 to index
    %get3A_959 = arith.index_cast %get3A_956 : i32 to index
    %get3A_960 = arith.constant 0 : index
    %get3A_961 = tpu.vector_load %arg10[%get3A_957, %get3A_958, %get3A_959, %get3A_960] {strides = array<i32>} : memref<2x16x4x16xf32, #tpu.memory_space<vmem>>, vector<16xf32>,
    %add3A_962 = arith.addf %get3A_953, %get3A_961 : vector<16xf32>
    %get3A_963 = arith.constant 0 : i32
    %get3A_964 = arith.constant 10 : i32
    %get3A_965 = arith.constant 3 : i32
    %get3A_966 = arith.index_cast %get3A_963 : i32 to index
    %get3A_967 = arith.index_cast %get3A_964 : i32 to index
    %get3A_968 = arith.index_cast %get3A_965 : i32 to index
    %get3A_969 = arith.constant 0 : index
    %get3A_970 = tpu.vector_load %arg10[%get3A_966, %get3A_967, %get3A_968, %get3A_969] {strides = array<i32>} : memref<2x16x4x16xf32, #tpu.memory_space<vmem>>, vector<16xf32>,
    %get3A_971 = arith.constant 1 : i32
    %get3A_972 = arith.constant 10 : i32
    %get3A_973 = arith.constant 3 : i32
    %get3A_974 = arith.index_cast %get3A_971 : i32 to index
    %get3A_975 = arith.index_cast %get3A_972 : i32 to index
    %get3A_976 = arith.index_cast %get3A_973 : i32 to index
    %get3A_977 = arith.constant 0 : index
    %get3A_978 = tpu.vector_load %arg10[%get3A_974, %get3A_975, %get3A_976, %get3A_977] {strides = array<i32>} : memref<2x16x4x16xf32, #tpu.memory_space<vmem>>, vector<16xf32>,
    %add3A_979 = arith.addf %get3A_970, %get3A_978 : vector<16xf32>
    %max3A_980 = arith.constant 1.000000e+00 : f32
    %max3A_981 = vector.broadcast %max3A_980 : f32 to vector<16xf32>
    %max3A_982 = arith.maximumf %add3A_979, %max3A_981 : vector<16xf32>
    %div3A_983 = arith.constant 1.000000e+00 : f32
    %div3A_984 = vector.broadcast %div3A_983 : f32 to vector<16xf32>
    %div3A_985 = arith.divf %div3A_984, %max3A_982 : vector<16xf32>
    %mul3A_986 = arith.mulf %add3A_928, %div3A_985 : vector<16xf32>
    %swap3A_987 = arith.constant 160 : index
    %swap3A_988 = tpu.vector_load %arg17[%swap3A_987] {strides = array<i32>} : memref<256xf32, #tpu.memory_space<vmem>>, vector<16xf32>,
    tpu.vector_store %arg17[%swap3A_987], %mul3A_986 {strides = array<i32>} : memref<256xf32, #tpu.memory_space<vmem>>, vector<16xf32>,
    %mul3A_989 = arith.mulf %add3A_945, %div3A_985 : vector<16xf32>
    %swap3A_990 = arith.constant 160 : index
    %swap3A_991 = tpu.vector_load %arg18[%swap3A_990] {strides = array<i32>} : memref<256xf32, #tpu.memory_space<vmem>>, vector<16xf32>,
    tpu.vector_store %arg18[%swap3A_990], %mul3A_989 {strides = array<i32>} : memref<256xf32, #tpu.memory_space<vmem>>, vector<16xf32>,
    %mul3A_992 = arith.mulf %add3A_962, %div3A_985 : vector<16xf32>
    %swap3A_993 = arith.constant 160 : index
    %swap3A_994 = tpu.vector_load %arg19[%swap3A_993] {strides = array<i32>} : memref<256xf32, #tpu.memory_space<vmem>>, vector<16xf32>,
    tpu.vector_store %arg19[%swap3A_993], %mul3A_992 {strides = array<i32>} : memref<256xf32, #tpu.memory_space<vmem>>, vector<16xf32>,
    %get3A_995 = arith.constant 160 : index
    %get3A_996 = tpu.vector_load %arg14[%get3A_995] {strides = array<i32>} : memref<256xi32, #tpu.memory_space<vmem>>, vector<16xi32>,
    %gather3A_997 = tpu.vector_load_idx %arg15[%get3A_996] : memref<1000xf32, #tpu.memory_space<vmem>>[vector<16xi32>], vector<16xf32>,
    %swap3A_998 = arith.constant 160 : index
    %swap3A_999 = tpu.vector_load %arg20[%swap3A_998] {strides = array<i32>} : memref<256xf32, #tpu.memory_space<vmem>>, vector<16xf32>,
    tpu.vector_store %arg20[%swap3A_998], %gather3A_997 {strides = array<i32>} : memref<256xf32, #tpu.memory_space<vmem>>, vector<16xf32>,
    %gather3A_1000 = tpu.vector_load_idx %arg16[%get3A_996] : memref<1000xf32, #tpu.memory_space<vmem>>[vector<16xi32>], vector<16xf32>,
    %swap3A_1001 = arith.constant 160 : index
    %swap3A_1002 = tpu.vector_load %arg21[%swap3A_1001] {strides = array<i32>} : memref<256xf32, #tpu.memory_space<vmem>>, vector<16xf32>,
    tpu.vector_store %arg21[%swap3A_1001], %gather3A_1000 {strides = array<i32>} : memref<256xf32, #tpu.memory_space<vmem>>, vector<16xf32>,
    %get3A_1003 = arith.constant 0 : i32
    %get3A_1004 = arith.constant 11 : i32
    %get3A_1005 = arith.constant 0 : i32
    %get3A_1006 = arith.index_cast %get3A_1003 : i32 to index
    %get3A_1007 = arith.index_cast %get3A_1004 : i32 to index
    %get3A_1008 = arith.index_cast %get3A_1005 : i32 to index
    %get3A_1009 = arith.constant 0 : index
    %get3A_1010 = tpu.vector_load %arg10[%get3A_1006, %get3A_1007, %get3A_1008, %get3A_1009] {strides = array<i32>} : memref<2x16x4x16xf32, #tpu.memory_space<vmem>>, vector<16xf32>,
    %get3A_1011 = arith.constant 1 : i32
    %get3A_1012 = arith.constant 11 : i32
    %get3A_1013 = arith.constant 0 : i32
    %get3A_1014 = arith.index_cast %get3A_1011 : i32 to index
    %get3A_1015 = arith.index_cast %get3A_1012 : i32 to index
    %get3A_1016 = arith.index_cast %get3A_1013 : i32 to index
    %get3A_1017 = arith.constant 0 : index
    %get3A_1018 = tpu.vector_load %arg10[%get3A_1014, %get3A_1015, %get3A_1016, %get3A_1017] {strides = array<i32>} : memref<2x16x4x16xf32, #tpu.memory_space<vmem>>, vector<16xf32>,
    %add3A_1019 = arith.addf %get3A_1010, %get3A_1018 : vector<16xf32>
    %get3A_1020 = arith.constant 0 : i32
    %get3A_1021 = arith.constant 11 : i32
    %get3A_1022 = arith.constant 1 : i32
    %get3A_1023 = arith.index_cast %get3A_1020 : i32 to index
    %get3A_1024 = arith.index_cast %get3A_1021 : i32 to index
    %get3A_1025 = arith.index_cast %get3A_1022 : i32 to index
    %get3A_1026 = arith.constant 0 : index
    %get3A_1027 = tpu.vector_load %arg10[%get3A_1023, %get3A_1024, %get3A_1025, %get3A_1026] {strides = array<i32>} : memref<2x16x4x16xf32, #tpu.memory_space<vmem>>, vector<16xf32>,
    %get3A_1028 = arith.constant 1 : i32
    %get3A_1029 = arith.constant 11 : i32
    %get3A_1030 = arith.constant 1 : i32
    %get3A_1031 = arith.index_cast %get3A_1028 : i32 to index
    %get3A_1032 = arith.index_cast %get3A_1029 : i32 to index
    %get3A_1033 = arith.index_cast %get3A_1030 : i32 to index
    %get3A_1034 = arith.constant 0 : index
    %get3A_1035 = tpu.vector_load %arg10[%get3A_1031, %get3A_1032, %get3A_1033, %get3A_1034] {strides = array<i32>} : memref<2x16x4x16xf32, #tpu.memory_space<vmem>>, vector<16xf32>,
    %add3A_1036 = arith.addf %get3A_1027, %get3A_1035 : vector<16xf32>
    %get3A_1037 = arith.constant 0 : i32
    %get3A_1038 = arith.constant 11 : i32
    %get3A_1039 = arith.constant 2 : i32
    %get3A_1040 = arith.index_cast %get3A_1037 : i32 to index
    %get3A_1041 = arith.index_cast %get3A_1038 : i32 to index
    %get3A_1042 = arith.index_cast %get3A_1039 : i32 to index
    %get3A_1043 = arith.constant 0 : index
    %get3A_1044 = tpu.vector_load %arg10[%get3A_1040, %get3A_1041, %get3A_1042, %get3A_1043] {strides = array<i32>} : memref<2x16x4x16xf32, #tpu.memory_space<vmem>>, vector<16xf32>,
    %get3A_1045 = arith.constant 1 : i32
    %get3A_1046 = arith.constant 11 : i32
    %get3A_1047 = arith.constant 2 : i32
    %get3A_1048 = arith.index_cast %get3A_1045 : i32 to index
    %get3A_1049 = arith.index_cast %get3A_1046 : i32 to index
    %get3A_1050 = arith.index_cast %get3A_1047 : i32 to index
    %get3A_1051 = arith.constant 0 : index
    %get3A_1052 = tpu.vector_load %arg10[%get3A_1048, %get3A_1049, %get3A_1050, %get3A_1051] {strides = array<i32>} : memref<2x16x4x16xf32, #tpu.memory_space<vmem>>, vector<16xf32>,
    %add3A_1053 = arith.addf %get3A_1044, %get3A_1052 : vector<16xf32>
    %get3A_1054 = arith.constant 0 : i32
    %get3A_1055 = arith.constant 11 : i32
    %get3A_1056 = arith.constant 3 : i32
    %get3A_1057 = arith.index_cast %get3A_1054 : i32 to index
    %get3A_1058 = arith.index_cast %get3A_1055 : i32 to index
    %get3A_1059 = arith.index_cast %get3A_1056 : i32 to index
    %get3A_1060 = arith.constant 0 : index
    %get3A_1061 = tpu.vector_load %arg10[%get3A_1057, %get3A_1058, %get3A_1059, %get3A_1060] {strides = array<i32>} : memref<2x16x4x16xf32, #tpu.memory_space<vmem>>, vector<16xf32>,
    %get3A_1062 = arith.constant 1 : i32
    %get3A_1063 = arith.constant 11 : i32
    %get3A_1064 = arith.constant 3 : i32
    %get3A_1065 = arith.index_cast %get3A_1062 : i32 to index
    %get3A_1066 = arith.index_cast %get3A_1063 : i32 to index
    %get3A_1067 = arith.index_cast %get3A_1064 : i32 to index
    %get3A_1068 = arith.constant 0 : index
    %get3A_1069 = tpu.vector_load %arg10[%get3A_1065, %get3A_1066, %get3A_1067, %get3A_1068] {strides = array<i32>} : memref<2x16x4x16xf32, #tpu.memory_space<vmem>>, vector<16xf32>,
    %add3A_1070 = arith.addf %get3A_1061, %get3A_1069 : vector<16xf32>
    %max3A_1071 = arith.constant 1.000000e+00 : f32
    %max3A_1072 = vector.broadcast %max3A_1071 : f32 to vector<16xf32>
    %max3A_1073 = arith.maximumf %add3A_1070, %max3A_1072 : vector<16xf32>
    %div3A_1074 = arith.constant 1.000000e+00 : f32
    %div3A_1075 = vector.broadcast %div3A_1074 : f32 to vector<16xf32>
    %div3A_1076 = arith.divf %div3A_1075, %max3A_1073 : vector<16xf32>
    %mul3A_1077 = arith.mulf %add3A_1019, %div3A_1076 : vector<16xf32>
    %swap3A_1078 = arith.constant 176 : index
    %swap3A_1079 = tpu.vector_load %arg17[%swap3A_1078] {strides = array<i32>} : memref<256xf32, #tpu.memory_space<vmem>>, vector<16xf32>,
    tpu.vector_store %arg17[%swap3A_1078], %mul3A_1077 {strides = array<i32>} : memref<256xf32, #tpu.memory_space<vmem>>, vector<16xf32>,
    %mul3A_1080 = arith.mulf %add3A_1036, %div3A_1076 : vector<16xf32>
    %swap3A_1081 = arith.constant 176 : index
    %swap3A_1082 = tpu.vector_load %arg18[%swap3A_1081] {strides = array<i32>} : memref<256xf32, #tpu.memory_space<vmem>>, vector<16xf32>,
    tpu.vector_store %arg18[%swap3A_1081], %mul3A_1080 {strides = array<i32>} : memref<256xf32, #tpu.memory_space<vmem>>, vector<16xf32>,
    %mul3A_1083 = arith.mulf %add3A_1053, %div3A_1076 : vector<16xf32>
    %swap3A_1084 = arith.constant 176 : index
    %swap3A_1085 = tpu.vector_load %arg19[%swap3A_1084] {strides = array<i32>} : memref<256xf32, #tpu.memory_space<vmem>>, vector<16xf32>,
    tpu.vector_store %arg19[%swap3A_1084], %mul3A_1083 {strides = array<i32>} : memref<256xf32, #tpu.memory_space<vmem>>, vector<16xf32>,
    %get3A_1086 = arith.constant 176 : index
    %get3A_1087 = tpu.vector_load %arg14[%get3A_1086] {strides = array<i32>} : memref<256xi32, #tpu.memory_space<vmem>>, vector<16xi32>,
    %gather3A_1088 = tpu.vector_load_idx %arg15[%get3A_1087] : memref<1000xf32, #tpu.memory_space<vmem>>[vector<16xi32>], vector<16xf32>,
    %swap3A_1089 = arith.constant 176 : index
    %swap3A_1090 = tpu.vector_load %arg20[%swap3A_1089] {strides = array<i32>} : memref<256xf32, #tpu.memory_space<vmem>>, vector<16xf32>,
    tpu.vector_store %arg20[%swap3A_1089], %gather3A_1088 {strides = array<i32>} : memref<256xf32, #tpu.memory_space<vmem>>, vector<16xf32>,
    %gather3A_1091 = tpu.vector_load_idx %arg16[%get3A_1087] : memref<1000xf32, #tpu.memory_space<vmem>>[vector<16xi32>], vector<16xf32>,
    %swap3A_1092 = arith.constant 176 : index
    %swap3A_1093 = tpu.vector_load %arg21[%swap3A_1092] {strides = array<i32>} : memref<256xf32, #tpu.memory_space<vmem>>, vector<16xf32>,
    tpu.vector_store %arg21[%swap3A_1092], %gather3A_1091 {strides = array<i32>} : memref<256xf32, #tpu.memory_space<vmem>>, vector<16xf32>,
    %get3A_1094 = arith.constant 0 : i32
    %get3A_1095 = arith.constant 12 : i32
    %get3A_1096 = arith.constant 0 : i32
    %get3A_1097 = arith.index_cast %get3A_1094 : i32 to index
    %get3A_1098 = arith.index_cast %get3A_1095 : i32 to index
    %get3A_1099 = arith.index_cast %get3A_1096 : i32 to index
    %get3A_1100 = arith.constant 0 : index
    %get3A_1101 = tpu.vector_load %arg10[%get3A_1097, %get3A_1098, %get3A_1099, %get3A_1100] {strides = array<i32>} : memref<2x16x4x16xf32, #tpu.memory_space<vmem>>, vector<16xf32>,
    %get3A_1102 = arith.constant 1 : i32
    %get3A_1103 = arith.constant 12 : i32
    %get3A_1104 = arith.constant 0 : i32
    %get3A_1105 = arith.index_cast %get3A_1102 : i32 to index
    %get3A_1106 = arith.index_cast %get3A_1103 : i32 to index
    %get3A_1107 = arith.index_cast %get3A_1104 : i32 to index
    %get3A_1108 = arith.constant 0 : index
    %get3A_1109 = tpu.vector_load %arg10[%get3A_1105, %get3A_1106, %get3A_1107, %get3A_1108] {strides = array<i32>} : memref<2x16x4x16xf32, #tpu.memory_space<vmem>>, vector<16xf32>,
    %add3A_1110 = arith.addf %get3A_1101, %get3A_1109 : vector<16xf32>
    %get3A_1111 = arith.constant 0 : i32
    %get3A_1112 = arith.constant 12 : i32
    %get3A_1113 = arith.constant 1 : i32
    %get3A_1114 = arith.index_cast %get3A_1111 : i32 to index
    %get3A_1115 = arith.index_cast %get3A_1112 : i32 to index
    %get3A_1116 = arith.index_cast %get3A_1113 : i32 to index
    %get3A_1117 = arith.constant 0 : index
    %get3A_1118 = tpu.vector_load %arg10[%get3A_1114, %get3A_1115, %get3A_1116, %get3A_1117] {strides = array<i32>} : memref<2x16x4x16xf32, #tpu.memory_space<vmem>>, vector<16xf32>,
    %get3A_1119 = arith.constant 1 : i32
    %get3A_1120 = arith.constant 12 : i32
    %get3A_1121 = arith.constant 1 : i32
    %get3A_1122 = arith.index_cast %get3A_1119 : i32 to index
    %get3A_1123 = arith.index_cast %get3A_1120 : i32 to index
    %get3A_1124 = arith.index_cast %get3A_1121 : i32 to index
    %get3A_1125 = arith.constant 0 : index
    %get3A_1126 = tpu.vector_load %arg10[%get3A_1122, %get3A_1123, %get3A_1124, %get3A_1125] {strides = array<i32>} : memref<2x16x4x16xf32, #tpu.memory_space<vmem>>, vector<16xf32>,
    %add3A_1127 = arith.addf %get3A_1118, %get3A_1126 : vector<16xf32>
    %get3A_1128 = arith.constant 0 : i32
    %get3A_1129 = arith.constant 12 : i32
    %get3A_1130 = arith.constant 2 : i32
    %get3A_1131 = arith.index_cast %get3A_1128 : i32 to index
    %get3A_1132 = arith.index_cast %get3A_1129 : i32 to index
    %get3A_1133 = arith.index_cast %get3A_1130 : i32 to index
    %get3A_1134 = arith.constant 0 : index
    %get3A_1135 = tpu.vector_load %arg10[%get3A_1131, %get3A_1132, %get3A_1133, %get3A_1134] {strides = array<i32>} : memref<2x16x4x16xf32, #tpu.memory_space<vmem>>, vector<16xf32>,
    %get3A_1136 = arith.constant 1 : i32
    %get3A_1137 = arith.constant 12 : i32
    %get3A_1138 = arith.constant 2 : i32
    %get3A_1139 = arith.index_cast %get3A_1136 : i32 to index
    %get3A_1140 = arith.index_cast %get3A_1137 : i32 to index
    %get3A_1141 = arith.index_cast %get3A_1138 : i32 to index
    %get3A_1142 = arith.constant 0 : index
    %get3A_1143 = tpu.vector_load %arg10[%get3A_1139, %get3A_1140, %get3A_1141, %get3A_1142] {strides = array<i32>} : memref<2x16x4x16xf32, #tpu.memory_space<vmem>>, vector<16xf32>,
    %add3A_1144 = arith.addf %get3A_1135, %get3A_1143 : vector<16xf32>
    %get3A_1145 = arith.constant 0 : i32
    %get3A_1146 = arith.constant 12 : i32
    %get3A_1147 = arith.constant 3 : i32
    %get3A_1148 = arith.index_cast %get3A_1145 : i32 to index
    %get3A_1149 = arith.index_cast %get3A_1146 : i32 to index
    %get3A_1150 = arith.index_cast %get3A_1147 : i32 to index
    %get3A_1151 = arith.constant 0 : index
    %get3A_1152 = tpu.vector_load %arg10[%get3A_1148, %get3A_1149, %get3A_1150, %get3A_1151] {strides = array<i32>} : memref<2x16x4x16xf32, #tpu.memory_space<vmem>>, vector<16xf32>,
    %get3A_1153 = arith.constant 1 : i32
    %get3A_1154 = arith.constant 12 : i32
    %get3A_1155 = arith.constant 3 : i32
    %get3A_1156 = arith.index_cast %get3A_1153 : i32 to index
    %get3A_1157 = arith.index_cast %get3A_1154 : i32 to index
    %get3A_1158 = arith.index_cast %get3A_1155 : i32 to index
    %get3A_1159 = arith.constant 0 : index
    %get3A_1160 = tpu.vector_load %arg10[%get3A_1156, %get3A_1157, %get3A_1158, %get3A_1159] {strides = array<i32>} : memref<2x16x4x16xf32, #tpu.memory_space<vmem>>, vector<16xf32>,
    %add3A_1161 = arith.addf %get3A_1152, %get3A_1160 : vector<16xf32>
    %max3A_1162 = arith.constant 1.000000e+00 : f32
    %max3A_1163 = vector.broadcast %max3A_1162 : f32 to vector<16xf32>
    %max3A_1164 = arith.maximumf %add3A_1161, %max3A_1163 : vector<16xf32>
    %div3A_1165 = arith.constant 1.000000e+00 : f32
    %div3A_1166 = vector.broadcast %div3A_1165 : f32 to vector<16xf32>
    %div3A_1167 = arith.divf %div3A_1166, %max3A_1164 : vector<16xf32>
    %mul3A_1168 = arith.mulf %add3A_1110, %div3A_1167 : vector<16xf32>
    %swap3A_1169 = arith.constant 192 : index
    %swap3A_1170 = tpu.vector_load %arg17[%swap3A_1169] {strides = array<i32>} : memref<256xf32, #tpu.memory_space<vmem>>, vector<16xf32>,
    tpu.vector_store %arg17[%swap3A_1169], %mul3A_1168 {strides = array<i32>} : memref<256xf32, #tpu.memory_space<vmem>>, vector<16xf32>,
    %mul3A_1171 = arith.mulf %add3A_1127, %div3A_1167 : vector<16xf32>
    %swap3A_1172 = arith.constant 192 : index
    %swap3A_1173 = tpu.vector_load %arg18[%swap3A_1172] {strides = array<i32>} : memref<256xf32, #tpu.memory_space<vmem>>, vector<16xf32>,
    tpu.vector_store %arg18[%swap3A_1172], %mul3A_1171 {strides = array<i32>} : memref<256xf32, #tpu.memory_space<vmem>>, vector<16xf32>,
    %mul3A_1174 = arith.mulf %add3A_1144, %div3A_1167 : vector<16xf32>
    %swap3A_1175 = arith.constant 192 : index
    %swap3A_1176 = tpu.vector_load %arg19[%swap3A_1175] {strides = array<i32>} : memref<256xf32, #tpu.memory_space<vmem>>, vector<16xf32>,
    tpu.vector_store %arg19[%swap3A_1175], %mul3A_1174 {strides = array<i32>} : memref<256xf32, #tpu.memory_space<vmem>>, vector<16xf32>,
    %get3A_1177 = arith.constant 192 : index
    %get3A_1178 = tpu.vector_load %arg14[%get3A_1177] {strides = array<i32>} : memref<256xi32, #tpu.memory_space<vmem>>, vector<16xi32>,
    %gather3A_1179 = tpu.vector_load_idx %arg15[%get3A_1178] : memref<1000xf32, #tpu.memory_space<vmem>>[vector<16xi32>], vector<16xf32>,
    %swap3A_1180 = arith.constant 192 : index
    %swap3A_1181 = tpu.vector_load %arg20[%swap3A_1180] {strides = array<i32>} : memref<256xf32, #tpu.memory_space<vmem>>, vector<16xf32>,
    tpu.vector_store %arg20[%swap3A_1180], %gather3A_1179 {strides = array<i32>} : memref<256xf32, #tpu.memory_space<vmem>>, vector<16xf32>,
    %gather3A_1182 = tpu.vector_load_idx %arg16[%get3A_1178] : memref<1000xf32, #tpu.memory_space<vmem>>[vector<16xi32>], vector<16xf32>,
    %swap3A_1183 = arith.constant 192 : index
    %swap3A_1184 = tpu.vector_load %arg21[%swap3A_1183] {strides = array<i32>} : memref<256xf32, #tpu.memory_space<vmem>>, vector<16xf32>,
    tpu.vector_store %arg21[%swap3A_1183], %gather3A_1182 {strides = array<i32>} : memref<256xf32, #tpu.memory_space<vmem>>, vector<16xf32>,
    %get3A_1185 = arith.constant 0 : i32
    %get3A_1186 = arith.constant 13 : i32
    %get3A_1187 = arith.constant 0 : i32
    %get3A_1188 = arith.index_cast %get3A_1185 : i32 to index
    %get3A_1189 = arith.index_cast %get3A_1186 : i32 to index
    %get3A_1190 = arith.index_cast %get3A_1187 : i32 to index
    %get3A_1191 = arith.constant 0 : index
    %get3A_1192 = tpu.vector_load %arg10[%get3A_1188, %get3A_1189, %get3A_1190, %get3A_1191] {strides = array<i32>} : memref<2x16x4x16xf32, #tpu.memory_space<vmem>>, vector<16xf32>,
    %get3A_1193 = arith.constant 1 : i32
    %get3A_1194 = arith.constant 13 : i32
    %get3A_1195 = arith.constant 0 : i32
    %get3A_1196 = arith.index_cast %get3A_1193 : i32 to index
    %get3A_1197 = arith.index_cast %get3A_1194 : i32 to index
    %get3A_1198 = arith.index_cast %get3A_1195 : i32 to index
    %get3A_1199 = arith.constant 0 : index
    %get3A_1200 = tpu.vector_load %arg10[%get3A_1196, %get3A_1197, %get3A_1198, %get3A_1199] {strides = array<i32>} : memref<2x16x4x16xf32, #tpu.memory_space<vmem>>, vector<16xf32>,
    %add3A_1201 = arith.addf %get3A_1192, %get3A_1200 : vector<16xf32>
    %get3A_1202 = arith.constant 0 : i32
    %get3A_1203 = arith.constant 13 : i32
    %get3A_1204 = arith.constant 1 : i32
    %get3A_1205 = arith.index_cast %get3A_1202 : i32 to index
    %get3A_1206 = arith.index_cast %get3A_1203 : i32 to index
    %get3A_1207 = arith.index_cast %get3A_1204 : i32 to index
    %get3A_1208 = arith.constant 0 : index
    %get3A_1209 = tpu.vector_load %arg10[%get3A_1205, %get3A_1206, %get3A_1207, %get3A_1208] {strides = array<i32>} : memref<2x16x4x16xf32, #tpu.memory_space<vmem>>, vector<16xf32>,
    %get3A_1210 = arith.constant 1 : i32
    %get3A_1211 = arith.constant 13 : i32
    %get3A_1212 = arith.constant 1 : i32
    %get3A_1213 = arith.index_cast %get3A_1210 : i32 to index
    %get3A_1214 = arith.index_cast %get3A_1211 : i32 to index
    %get3A_1215 = arith.index_cast %get3A_1212 : i32 to index
    %get3A_1216 = arith.constant 0 : index
    %get3A_1217 = tpu.vector_load %arg10[%get3A_1213, %get3A_1214, %get3A_1215, %get3A_1216] {strides = array<i32>} : memref<2x16x4x16xf32, #tpu.memory_space<vmem>>, vector<16xf32>,
    %add3A_1218 = arith.addf %get3A_1209, %get3A_1217 : vector<16xf32>
    %get3A_1219 = arith.constant 0 : i32
    %get3A_1220 = arith.constant 13 : i32
    %get3A_1221 = arith.constant 2 : i32
    %get3A_1222 = arith.index_cast %get3A_1219 : i32 to index
    %get3A_1223 = arith.index_cast %get3A_1220 : i32 to index
    %get3A_1224 = arith.index_cast %get3A_1221 : i32 to index
    %get3A_1225 = arith.constant 0 : index
    %get3A_1226 = tpu.vector_load %arg10[%get3A_1222, %get3A_1223, %get3A_1224, %get3A_1225] {strides = array<i32>} : memref<2x16x4x16xf32, #tpu.memory_space<vmem>>, vector<16xf32>,
    %get3A_1227 = arith.constant 1 : i32
    %get3A_1228 = arith.constant 13 : i32
    %get3A_1229 = arith.constant 2 : i32
    %get3A_1230 = arith.index_cast %get3A_1227 : i32 to index
    %get3A_1231 = arith.index_cast %get3A_1228 : i32 to index
    %get3A_1232 = arith.index_cast %get3A_1229 : i32 to index
    %get3A_1233 = arith.constant 0 : index
    %get3A_1234 = tpu.vector_load %arg10[%get3A_1230, %get3A_1231, %get3A_1232, %get3A_1233] {strides = array<i32>} : memref<2x16x4x16xf32, #tpu.memory_space<vmem>>, vector<16xf32>,
    %add3A_1235 = arith.addf %get3A_1226, %get3A_1234 : vector<16xf32>
    %get3A_1236 = arith.constant 0 : i32
    %get3A_1237 = arith.constant 13 : i32
    %get3A_1238 = arith.constant 3 : i32
    %get3A_1239 = arith.index_cast %get3A_1236 : i32 to index
    %get3A_1240 = arith.index_cast %get3A_1237 : i32 to index
    %get3A_1241 = arith.index_cast %get3A_1238 : i32 to index
    %get3A_1242 = arith.constant 0 : index
    %get3A_1243 = tpu.vector_load %arg10[%get3A_1239, %get3A_1240, %get3A_1241, %get3A_1242] {strides = array<i32>} : memref<2x16x4x16xf32, #tpu.memory_space<vmem>>, vector<16xf32>,
    %get3A_1244 = arith.constant 1 : i32
    %get3A_1245 = arith.constant 13 : i32
    %get3A_1246 = arith.constant 3 : i32
    %get3A_1247 = arith.index_cast %get3A_1244 : i32 to index
    %get3A_1248 = arith.index_cast %get3A_1245 : i32 to index
    %get3A_1249 = arith.index_cast %get3A_1246 : i32 to index
    %get3A_1250 = arith.constant 0 : index
    %get3A_1251 = tpu.vector_load %arg10[%get3A_1247, %get3A_1248, %get3A_1249, %get3A_1250] {strides = array<i32>} : memref<2x16x4x16xf32, #tpu.memory_space<vmem>>, vector<16xf32>,
    %add3A_1252 = arith.addf %get3A_1243, %get3A_1251 : vector<16xf32>
    %max3A_1253 = arith.constant 1.000000e+00 : f32
    %max3A_1254 = vector.broadcast %max3A_1253 : f32 to vector<16xf32>
    %max3A_1255 = arith.maximumf %add3A_1252, %max3A_1254 : vector<16xf32>
    %div3A_1256 = arith.constant 1.000000e+00 : f32
    %div3A_1257 = vector.broadcast %div3A_1256 : f32 to vector<16xf32>
    %div3A_1258 = arith.divf %div3A_1257, %max3A_1255 : vector<16xf32>
    %mul3A_1259 = arith.mulf %add3A_1201, %div3A_1258 : vector<16xf32>
    %swap3A_1260 = arith.constant 208 : index
    %swap3A_1261 = tpu.vector_load %arg17[%swap3A_1260] {strides = array<i32>} : memref<256xf32, #tpu.memory_space<vmem>>, vector<16xf32>,
    tpu.vector_store %arg17[%swap3A_1260], %mul3A_1259 {strides = array<i32>} : memref<256xf32, #tpu.memory_space<vmem>>, vector<16xf32>,
    %mul3A_1262 = arith.mulf %add3A_1218, %div3A_1258 : vector<16xf32>
    %swap3A_1263 = arith.constant 208 : index
    %swap3A_1264 = tpu.vector_load %arg18[%swap3A_1263] {strides = array<i32>} : memref<256xf32, #tpu.memory_space<vmem>>, vector<16xf32>,
    tpu.vector_store %arg18[%swap3A_1263], %mul3A_1262 {strides = array<i32>} : memref<256xf32, #tpu.memory_space<vmem>>, vector<16xf32>,
    %mul3A_1265 = arith.mulf %add3A_1235, %div3A_1258 : vector<16xf32>
    %swap3A_1266 = arith.constant 208 : index
    %swap3A_1267 = tpu.vector_load %arg19[%swap3A_1266] {strides = array<i32>} : memref<256xf32, #tpu.memory_space<vmem>>, vector<16xf32>,
    tpu.vector_store %arg19[%swap3A_1266], %mul3A_1265 {strides = array<i32>} : memref<256xf32, #tpu.memory_space<vmem>>, vector<16xf32>,
    %get3A_1268 = arith.constant 208 : index
    %get3A_1269 = tpu.vector_load %arg14[%get3A_1268] {strides = array<i32>} : memref<256xi32, #tpu.memory_space<vmem>>, vector<16xi32>,
    %gather3A_1270 = tpu.vector_load_idx %arg15[%get3A_1269] : memref<1000xf32, #tpu.memory_space<vmem>>[vector<16xi32>], vector<16xf32>,
    %swap3A_1271 = arith.constant 208 : index
    %swap3A_1272 = tpu.vector_load %arg20[%swap3A_1271] {strides = array<i32>} : memref<256xf32, #tpu.memory_space<vmem>>, vector<16xf32>,
    tpu.vector_store %arg20[%swap3A_1271], %gather3A_1270 {strides = array<i32>} : memref<256xf32, #tpu.memory_space<vmem>>, vector<16xf32>,
    %gather3A_1273 = tpu.vector_load_idx %arg16[%get3A_1269] : memref<1000xf32, #tpu.memory_space<vmem>>[vector<16xi32>], vector<16xf32>,
    %swap3A_1274 = arith.constant 208 : index
    %swap3A_1275 = tpu.vector_load %arg21[%swap3A_1274] {strides = array<i32>} : memref<256xf32, #tpu.memory_space<vmem>>, vector<16xf32>,
    tpu.vector_store %arg21[%swap3A_1274], %gather3A_1273 {strides = array<i32>} : memref<256xf32, #tpu.memory_space<vmem>>, vector<16xf32>,
    %get3A_1276 = arith.constant 0 : i32
    %get3A_1277 = arith.constant 14 : i32
    %get3A_1278 = arith.constant 0 : i32
    %get3A_1279 = arith.index_cast %get3A_1276 : i32 to index
    %get3A_1280 = arith.index_cast %get3A_1277 : i32 to index
    %get3A_1281 = arith.index_cast %get3A_1278 : i32 to index
    %get3A_1282 = arith.constant 0 : index
    %get3A_1283 = tpu.vector_load %arg10[%get3A_1279, %get3A_1280, %get3A_1281, %get3A_1282] {strides = array<i32>} : memref<2x16x4x16xf32, #tpu.memory_space<vmem>>, vector<16xf32>,
    %get3A_1284 = arith.constant 1 : i32
    %get3A_1285 = arith.constant 14 : i32
    %get3A_1286 = arith.constant 0 : i32
    %get3A_1287 = arith.index_cast %get3A_1284 : i32 to index
    %get3A_1288 = arith.index_cast %get3A_1285 : i32 to index
    %get3A_1289 = arith.index_cast %get3A_1286 : i32 to index
    %get3A_1290 = arith.constant 0 : index
    %get3A_1291 = tpu.vector_load %arg10[%get3A_1287, %get3A_1288, %get3A_1289, %get3A_1290] {strides = array<i32>} : memref<2x16x4x16xf32, #tpu.memory_space<vmem>>, vector<16xf32>,
    %add3A_1292 = arith.addf %get3A_1283, %get3A_1291 : vector<16xf32>
    %get3A_1293 = arith.constant 0 : i32
    %get3A_1294 = arith.constant 14 : i32
    %get3A_1295 = arith.constant 1 : i32
    %get3A_1296 = arith.index_cast %get3A_1293 : i32 to index
    %get3A_1297 = arith.index_cast %get3A_1294 : i32 to index
    %get3A_1298 = arith.index_cast %get3A_1295 : i32 to index
    %get3A_1299 = arith.constant 0 : index
    %get3A_1300 = tpu.vector_load %arg10[%get3A_1296, %get3A_1297, %get3A_1298, %get3A_1299] {strides = array<i32>} : memref<2x16x4x16xf32, #tpu.memory_space<vmem>>, vector<16xf32>,
    %get3A_1301 = arith.constant 1 : i32
    %get3A_1302 = arith.constant 14 : i32
    %get3A_1303 = arith.constant 1 : i32
    %get3A_1304 = arith.index_cast %get3A_1301 : i32 to index
    %get3A_1305 = arith.index_cast %get3A_1302 : i32 to index
    %get3A_1306 = arith.index_cast %get3A_1303 : i32 to index
    %get3A_1307 = arith.constant 0 : index
    %get3A_1308 = tpu.vector_load %arg10[%get3A_1304, %get3A_1305, %get3A_1306, %get3A_1307] {strides = array<i32>} : memref<2x16x4x16xf32, #tpu.memory_space<vmem>>, vector<16xf32>,
    %add3A_1309 = arith.addf %get3A_1300, %get3A_1308 : vector<16xf32>
    %get3A_1310 = arith.constant 0 : i32
    %get3A_1311 = arith.constant 14 : i32
    %get3A_1312 = arith.constant 2 : i32
    %get3A_1313 = arith.index_cast %get3A_1310 : i32 to index
    %get3A_1314 = arith.index_cast %get3A_1311 : i32 to index
    %get3A_1315 = arith.index_cast %get3A_1312 : i32 to index
    %get3A_1316 = arith.constant 0 : index
    %get3A_1317 = tpu.vector_load %arg10[%get3A_1313, %get3A_1314, %get3A_1315, %get3A_1316] {strides = array<i32>} : memref<2x16x4x16xf32, #tpu.memory_space<vmem>>, vector<16xf32>,
    %get3A_1318 = arith.constant 1 : i32
    %get3A_1319 = arith.constant 14 : i32
    %get3A_1320 = arith.constant 2 : i32
    %get3A_1321 = arith.index_cast %get3A_1318 : i32 to index
    %get3A_1322 = arith.index_cast %get3A_1319 : i32 to index
    %get3A_1323 = arith.index_cast %get3A_1320 : i32 to index
    %get3A_1324 = arith.constant 0 : index
    %get3A_1325 = tpu.vector_load %arg10[%get3A_1321, %get3A_1322, %get3A_1323, %get3A_1324] {strides = array<i32>} : memref<2x16x4x16xf32, #tpu.memory_space<vmem>>, vector<16xf32>,
    %add3A_1326 = arith.addf %get3A_1317, %get3A_1325 : vector<16xf32>
    %get3A_1327 = arith.constant 0 : i32
    %get3A_1328 = arith.constant 14 : i32
    %get3A_1329 = arith.constant 3 : i32
    %get3A_1330 = arith.index_cast %get3A_1327 : i32 to index
    %get3A_1331 = arith.index_cast %get3A_1328 : i32 to index
    %get3A_1332 = arith.index_cast %get3A_1329 : i32 to index
    %get3A_1333 = arith.constant 0 : index
    %get3A_1334 = tpu.vector_load %arg10[%get3A_1330, %get3A_1331, %get3A_1332, %get3A_1333] {strides = array<i32>} : memref<2x16x4x16xf32, #tpu.memory_space<vmem>>, vector<16xf32>,
    %get3A_1335 = arith.constant 1 : i32
    %get3A_1336 = arith.constant 14 : i32
    %get3A_1337 = arith.constant 3 : i32
    %get3A_1338 = arith.index_cast %get3A_1335 : i32 to index
    %get3A_1339 = arith.index_cast %get3A_1336 : i32 to index
    %get3A_1340 = arith.index_cast %get3A_1337 : i32 to index
    %get3A_1341 = arith.constant 0 : index
    %get3A_1342 = tpu.vector_load %arg10[%get3A_1338, %get3A_1339, %get3A_1340, %get3A_1341] {strides = array<i32>} : memref<2x16x4x16xf32, #tpu.memory_space<vmem>>, vector<16xf32>,
    %add3A_1343 = arith.addf %get3A_1334, %get3A_1342 : vector<16xf32>
    %max3A_1344 = arith.constant 1.000000e+00 : f32
    %max3A_1345 = vector.broadcast %max3A_1344 : f32 to vector<16xf32>
    %max3A_1346 = arith.maximumf %add3A_1343, %max3A_1345 : vector<16xf32>
    %div3A_1347 = arith.constant 1.000000e+00 : f32
    %div3A_1348 = vector.broadcast %div3A_1347 : f32 to vector<16xf32>
    %div3A_1349 = arith.divf %div3A_1348, %max3A_1346 : vector<16xf32>
    %mul3A_1350 = arith.mulf %add3A_1292, %div3A_1349 : vector<16xf32>
    %swap3A_1351 = arith.constant 224 : index
    %swap3A_1352 = tpu.vector_load %arg17[%swap3A_1351] {strides = array<i32>} : memref<256xf32, #tpu.memory_space<vmem>>, vector<16xf32>,
    tpu.vector_store %arg17[%swap3A_1351], %mul3A_1350 {strides = array<i32>} : memref<256xf32, #tpu.memory_space<vmem>>, vector<16xf32>,
    %mul3A_1353 = arith.mulf %add3A_1309, %div3A_1349 : vector<16xf32>
    %swap3A_1354 = arith.constant 224 : index
    %swap3A_1355 = tpu.vector_load %arg18[%swap3A_1354] {strides = array<i32>} : memref<256xf32, #tpu.memory_space<vmem>>, vector<16xf32>,
    tpu.vector_store %arg18[%swap3A_1354], %mul3A_1353 {strides = array<i32>} : memref<256xf32, #tpu.memory_space<vmem>>, vector<16xf32>,
    %mul3A_1356 = arith.mulf %add3A_1326, %div3A_1349 : vector<16xf32>
    %swap3A_1357 = arith.constant 224 : index
    %swap3A_1358 = tpu.vector_load %arg19[%swap3A_1357] {strides = array<i32>} : memref<256xf32, #tpu.memory_space<vmem>>, vector<16xf32>,
    tpu.vector_store %arg19[%swap3A_1357], %mul3A_1356 {strides = array<i32>} : memref<256xf32, #tpu.memory_space<vmem>>, vector<16xf32>,
    %get3A_1359 = arith.constant 224 : index
    %get3A_1360 = tpu.vector_load %arg14[%get3A_1359] {strides = array<i32>} : memref<256xi32, #tpu.memory_space<vmem>>, vector<16xi32>,
    %gather3A_1361 = tpu.vector_load_idx %arg15[%get3A_1360] : memref<1000xf32, #tpu.memory_space<vmem>>[vector<16xi32>], vector<16xf32>,
    %swap3A_1362 = arith.constant 224 : index
    %swap3A_1363 = tpu.vector_load %arg20[%swap3A_1362] {strides = array<i32>} : memref<256xf32, #tpu.memory_space<vmem>>, vector<16xf32>,
    tpu.vector_store %arg20[%swap3A_1362], %gather3A_1361 {strides = array<i32>} : memref<256xf32, #tpu.memory_space<vmem>>, vector<16xf32>,
    %gather3A_1364 = tpu.vector_load_idx %arg16[%get3A_1360] : memref<1000xf32, #tpu.memory_space<vmem>>[vector<16xi32>], vector<16xf32>,
    %swap3A_1365 = arith.constant 224 : index
    %swap3A_1366 = tpu.vector_load %arg21[%swap3A_1365] {strides = array<i32>} : memref<256xf32, #tpu.memory_space<vmem>>, vector<16xf32>,
    tpu.vector_store %arg21[%swap3A_1365], %gather3A_1364 {strides = array<i32>} : memref<256xf32, #tpu.memory_space<vmem>>, vector<16xf32>,
    %get3A_1367 = arith.constant 0 : i32
    %get3A_1368 = arith.constant 15 : i32
    %get3A_1369 = arith.constant 0 : i32
    %get3A_1370 = arith.index_cast %get3A_1367 : i32 to index
    %get3A_1371 = arith.index_cast %get3A_1368 : i32 to index
    %get3A_1372 = arith.index_cast %get3A_1369 : i32 to index
    %get3A_1373 = arith.constant 0 : index
    %get3A_1374 = tpu.vector_load %arg10[%get3A_1370, %get3A_1371, %get3A_1372, %get3A_1373] {strides = array<i32>} : memref<2x16x4x16xf32, #tpu.memory_space<vmem>>, vector<16xf32>,
    %get3A_1375 = arith.constant 1 : i32
    %get3A_1376 = arith.constant 15 : i32
    %get3A_1377 = arith.constant 0 : i32
    %get3A_1378 = arith.index_cast %get3A_1375 : i32 to index
    %get3A_1379 = arith.index_cast %get3A_1376 : i32 to index
    %get3A_1380 = arith.index_cast %get3A_1377 : i32 to index
    %get3A_1381 = arith.constant 0 : index
    %get3A_1382 = tpu.vector_load %arg10[%get3A_1378, %get3A_1379, %get3A_1380, %get3A_1381] {strides = array<i32>} : memref<2x16x4x16xf32, #tpu.memory_space<vmem>>, vector<16xf32>,
    %add3A_1383 = arith.addf %get3A_1374, %get3A_1382 : vector<16xf32>
    %get3A_1384 = arith.constant 0 : i32
    %get3A_1385 = arith.constant 15 : i32
    %get3A_1386 = arith.constant 1 : i32
    %get3A_1387 = arith.index_cast %get3A_1384 : i32 to index
    %get3A_1388 = arith.index_cast %get3A_1385 : i32 to index
    %get3A_1389 = arith.index_cast %get3A_1386 : i32 to index
    %get3A_1390 = arith.constant 0 : index
    %get3A_1391 = tpu.vector_load %arg10[%get3A_1387, %get3A_1388, %get3A_1389, %get3A_1390] {strides = array<i32>} : memref<2x16x4x16xf32, #tpu.memory_space<vmem>>, vector<16xf32>,
    %get3A_1392 = arith.constant 1 : i32
    %get3A_1393 = arith.constant 15 : i32
    %get3A_1394 = arith.constant 1 : i32
    %get3A_1395 = arith.index_cast %get3A_1392 : i32 to index
    %get3A_1396 = arith.index_cast %get3A_1393 : i32 to index
    %get3A_1397 = arith.index_cast %get3A_1394 : i32 to index
    %get3A_1398 = arith.constant 0 : index
    %get3A_1399 = tpu.vector_load %arg10[%get3A_1395, %get3A_1396, %get3A_1397, %get3A_1398] {strides = array<i32>} : memref<2x16x4x16xf32, #tpu.memory_space<vmem>>, vector<16xf32>,
    %add3A_1400 = arith.addf %get3A_1391, %get3A_1399 : vector<16xf32>
    %get3A_1401 = arith.constant 0 : i32
    %get3A_1402 = arith.constant 15 : i32
    %get3A_1403 = arith.constant 2 : i32
    %get3A_1404 = arith.index_cast %get3A_1401 : i32 to index
    %get3A_1405 = arith.index_cast %get3A_1402 : i32 to index
    %get3A_1406 = arith.index_cast %get3A_1403 : i32 to index
    %get3A_1407 = arith.constant 0 : index
    %get3A_1408 = tpu.vector_load %arg10[%get3A_1404, %get3A_1405, %get3A_1406, %get3A_1407] {strides = array<i32>} : memref<2x16x4x16xf32, #tpu.memory_space<vmem>>, vector<16xf32>,
    %get3A_1409 = arith.constant 1 : i32
    %get3A_1410 = arith.constant 15 : i32
    %get3A_1411 = arith.constant 2 : i32
    %get3A_1412 = arith.index_cast %get3A_1409 : i32 to index
    %get3A_1413 = arith.index_cast %get3A_1410 : i32 to index
    %get3A_1414 = arith.index_cast %get3A_1411 : i32 to index
    %get3A_1415 = arith.constant 0 : index
    %get3A_1416 = tpu.vector_load %arg10[%get3A_1412, %get3A_1413, %get3A_1414, %get3A_1415] {strides = array<i32>} : memref<2x16x4x16xf32, #tpu.memory_space<vmem>>, vector<16xf32>,
    %add3A_1417 = arith.addf %get3A_1408, %get3A_1416 : vector<16xf32>
    %get3A_1418 = arith.constant 0 : i32
    %get3A_1419 = arith.constant 15 : i32
    %get3A_1420 = arith.constant 3 : i32
    %get3A_1421 = arith.index_cast %get3A_1418 : i32 to index
    %get3A_1422 = arith.index_cast %get3A_1419 : i32 to index
    %get3A_1423 = arith.index_cast %get3A_1420 : i32 to index
    %get3A_1424 = arith.constant 0 : index
    %get3A_1425 = tpu.vector_load %arg10[%get3A_1421, %get3A_1422, %get3A_1423, %get3A_1424] {strides = array<i32>} : memref<2x16x4x16xf32, #tpu.memory_space<vmem>>, vector<16xf32>,
    %get3A_1426 = arith.constant 1 : i32
    %get3A_1427 = arith.constant 15 : i32
    %get3A_1428 = arith.constant 3 : i32
    %get3A_1429 = arith.index_cast %get3A_1426 : i32 to index
    %get3A_1430 = arith.index_cast %get3A_1427 : i32 to index
    %get3A_1431 = arith.index_cast %get3A_1428 : i32 to index
    %get3A_1432 = arith.constant 0 : index
    %get3A_1433 = tpu.vector_load %arg10[%get3A_1429, %get3A_1430, %get3A_1431, %get3A_1432] {strides = array<i32>} : memref<2x16x4x16xf32, #tpu.memory_space<vmem>>, vector<16xf32>,
    %add3A_1434 = arith.addf %get3A_1425, %get3A_1433 : vector<16xf32>
    %max3A_1435 = arith.constant 1.000000e+00 : f32
    %max3A_1436 = vector.broadcast %max3A_1435 : f32 to vector<16xf32>
    %max3A_1437 = arith.maximumf %add3A_1434, %max3A_1436 : vector<16xf32>
    %div3A_1438 = arith.constant 1.000000e+00 : f32
    %div3A_1439 = vector.broadcast %div3A_1438 : f32 to vector<16xf32>
    %div3A_1440 = arith.divf %div3A_1439, %max3A_1437 : vector<16xf32>
    %mul3A_1441 = arith.mulf %add3A_1383, %div3A_1440 : vector<16xf32>
    %swap3A_1442 = arith.constant 240 : index
    %swap3A_1443 = tpu.vector_load %arg17[%swap3A_1442] {strides = array<i32>} : memref<256xf32, #tpu.memory_space<vmem>>, vector<16xf32>,
    tpu.vector_store %arg17[%swap3A_1442], %mul3A_1441 {strides = array<i32>} : memref<256xf32, #tpu.memory_space<vmem>>, vector<16xf32>,
    %mul3A_1444 = arith.mulf %add3A_1400, %div3A_1440 : vector<16xf32>
    %swap3A_1445 = arith.constant 240 : index
    %swap3A_1446 = tpu.vector_load %arg18[%swap3A_1445] {strides = array<i32>} : memref<256xf32, #tpu.memory_space<vmem>>, vector<16xf32>,
    tpu.vector_store %arg18[%swap3A_1445], %mul3A_1444 {strides = array<i32>} : memref<256xf32, #tpu.memory_space<vmem>>, vector<16xf32>,
    %mul3A_1447 = arith.mulf %add3A_1417, %div3A_1440 : vector<16xf32>
    %swap3A_1448 = arith.constant 240 : index
    %swap3A_1449 = tpu.vector_load %arg19[%swap3A_1448] {strides = array<i32>} : memref<256xf32, #tpu.memory_space<vmem>>, vector<16xf32>,
    tpu.vector_store %arg19[%swap3A_1448], %mul3A_1447 {strides = array<i32>} : memref<256xf32, #tpu.memory_space<vmem>>, vector<16xf32>,
    %get3A_1450 = arith.constant 240 : index
    %get3A_1451 = tpu.vector_load %arg14[%get3A_1450] {strides = array<i32>} : memref<256xi32, #tpu.memory_space<vmem>>, vector<16xi32>,
    %gather3A_1452 = tpu.vector_load_idx %arg15[%get3A_1451] : memref<1000xf32, #tpu.memory_space<vmem>>[vector<16xi32>], vector<16xf32>,
    %swap3A_1453 = arith.constant 240 : index
    %swap3A_1454 = tpu.vector_load %arg20[%swap3A_1453] {strides = array<i32>} : memref<256xf32, #tpu.memory_space<vmem>>, vector<16xf32>,
    tpu.vector_store %arg20[%swap3A_1453], %gather3A_1452 {strides = array<i32>} : memref<256xf32, #tpu.memory_space<vmem>>, vector<16xf32>,
    %gather3A_1455 = tpu.vector_load_idx %arg16[%get3A_1451] : memref<1000xf32, #tpu.memory_space<vmem>>[vector<16xi32>], vector<16xf32>,
    %swap3A_1456 = arith.constant 240 : index
    %swap3A_1457 = tpu.vector_load %arg21[%swap3A_1456] {strides = array<i32>} : memref<256xf32, #tpu.memory_space<vmem>>, vector<16xf32>,
    tpu.vector_store %arg21[%swap3A_1456], %gather3A_1455 {strides = array<i32>} : memref<256xf32, #tpu.memory_space<vmem>>, vector<16xf32>,
    %iota3A = tpu.iota {dimensions = array<i32: 0>} : vector<16xi32>
    %mul3A_1458 = arith.constant 3 : i32
    %mul3A_1459 = vector.broadcast %mul3A_1458 : i32 to vector<16xi32>
    %mul3A_1460 = arith.muli %iota3A, %mul3A_1459 : vector<16xi32>
    %scan3A = arith.constant 0 : i32
    %scan3A_1461 = arith.constant 0 : i32
    %scan3A_1462 = arith.constant 40 : i32
    %scan3A_1463 = arith.addi %scan3A_1461, %scan3A_1462 : i32
    %scan3A_1464 = arith.constant 4 : i32
    scf.for %scan3A_1468 = %scan3A_1461 to %scan3A_1463 step %scan3A_1464  : i32 {
      %mul3A_1469 = arith.constant 16 : i32
      %mul3A_1470 = arith.muli %scan3A_1468, %mul3A_1469 : i32
      %get3A_1471 = arith.index_cast %mul3A_1470 : i32 to index
      %get3A_1472 = tpu.vector_load %arg11[%get3A_1471] {strides = array<i32>} : memref<640xi32, #tpu.memory_space<vmem>>, vector<16xi32>,
      %gather3A_1473 = tpu.vector_load_idx %arg17[%get3A_1472] : memref<256xf32, #tpu.memory_space<vmem>>[vector<16xi32>], vector<16xf32>,
      %gather3A_1474 = tpu.vector_load_idx %arg18[%get3A_1472] : memref<256xf32, #tpu.memory_space<vmem>>[vector<16xi32>], vector<16xf32>,
      %gather3A_1475 = tpu.vector_load_idx %arg19[%get3A_1472] : memref<256xf32, #tpu.memory_space<vmem>>[vector<16xi32>], vector<16xf32>,
      %gather3A_1476 = tpu.vector_load_idx %arg20[%get3A_1472] : memref<256xf32, #tpu.memory_space<vmem>>[vector<16xi32>], vector<16xf32>,
      %gather3A_1477 = tpu.vector_load_idx %arg21[%get3A_1472] : memref<256xf32, #tpu.memory_space<vmem>>[vector<16xi32>], vector<16xf32>,
      %mul3A_1478 = arith.constant 3 : i32
      %mul3A_1479 = arith.muli %mul3A_1470, %mul3A_1478 : i32
      %add3A_1480 = vector.broadcast %mul3A_1479 : i32 to vector<16xi32>
      %add3A_1481 = arith.addi %mul3A_1460, %add3A_1480 : vector<16xi32>
      %gather3A_1482 = tpu.vector_load_idx %arg12[%add3A_1481] : memref<1920xf32, #tpu.memory_space<vmem>>[vector<16xi32>], vector<16xf32>,
      %mul3A_1483 = arith.constant 3 : i32
      %mul3A_1484 = arith.muli %mul3A_1470, %mul3A_1483 : i32
      %add3A_1485 = arith.constant 1 : i32
      %add3A_1486 = arith.addi %mul3A_1484, %add3A_1485 : i32
      %add3A_1487 = vector.broadcast %add3A_1486 : i32 to vector<16xi32>
      %add3A_1488 = arith.addi %mul3A_1460, %add3A_1487 : vector<16xi32>
      %gather3A_1489 = tpu.vector_load_idx %arg12[%add3A_1488] : memref<1920xf32, #tpu.memory_space<vmem>>[vector<16xi32>], vector<16xf32>,
      %mul3A_1490 = arith.constant 3 : i32
      %mul3A_1491 = arith.muli %mul3A_1470, %mul3A_1490 : i32
      %add3A_1492 = arith.constant 2 : i32
      %add3A_1493 = arith.addi %mul3A_1491, %add3A_1492 : i32
      %add3A_1494 = vector.broadcast %add3A_1493 : i32 to vector<16xi32>
      %add3A_1495 = arith.addi %mul3A_1460, %add3A_1494 : vector<16xi32>
      %gather3A_1496 = tpu.vector_load_idx %arg12[%add3A_1495] : memref<1920xf32, #tpu.memory_space<vmem>>[vector<16xi32>], vector<16xf32>,
      %mul3A_1497 = arith.constant 3 : i32
      %mul3A_1498 = arith.muli %mul3A_1470, %mul3A_1497 : i32
      %add3A_1499 = vector.broadcast %mul3A_1498 : i32 to vector<16xi32>
      %add3A_1500 = arith.addi %mul3A_1460, %add3A_1499 : vector<16xi32>
      %gather3A_1501 = tpu.vector_load_idx %arg13[%add3A_1500] : memref<1920xf32, #tpu.memory_space<vmem>>[vector<16xi32>], vector<16xf32>,
      %mul3A_1502 = arith.constant 3 : i32
      %mul3A_1503 = arith.muli %mul3A_1470, %mul3A_1502 : i32
      %add3A_1504 = arith.constant 1 : i32
      %add3A_1505 = arith.addi %mul3A_1503, %add3A_1504 : i32
      %add3A_1506 = vector.broadcast %add3A_1505 : i32 to vector<16xi32>
      %add3A_1507 = arith.addi %mul3A_1460, %add3A_1506 : vector<16xi32>
      %gather3A_1508 = tpu.vector_load_idx %arg13[%add3A_1507] : memref<1920xf32, #tpu.memory_space<vmem>>[vector<16xi32>], vector<16xf32>,
      %mul3A_1509 = arith.constant 3 : i32
      %mul3A_1510 = arith.muli %mul3A_1470, %mul3A_1509 : i32
      %add3A_1511 = arith.constant 2 : i32
      %add3A_1512 = arith.addi %mul3A_1510, %add3A_1511 : i32
      %add3A_1513 = vector.broadcast %add3A_1512 : i32 to vector<16xi32>
      %add3A_1514 = arith.addi %mul3A_1460, %add3A_1513 : vector<16xi32>
      %gather3A_1515 = tpu.vector_load_idx %arg13[%add3A_1514] : memref<1920xf32, #tpu.memory_space<vmem>>[vector<16xi32>], vector<16xf32>,
      %mul3A_1516 = arith.constant 3 : i32
      %mul3A_1517 = arith.muli %mul3A_1470, %mul3A_1516 : i32
      %add3A_1518 = vector.broadcast %mul3A_1517 : i32 to vector<16xi32>
      %add3A_1519 = arith.addi %mul3A_1460, %add3A_1518 : vector<16xi32>
      %sub3A = arith.subf %gather3A_1482, %gather3A_1473 : vector<16xf32>
      %mul3A_1520 = arith.mulf %gather3A_1476, %sub3A : vector<16xf32>
      %mul3A_1521 = arith.mulf %gather3A_1477, %gather3A_1501 : vector<16xf32>
      %add3A_1522 = arith.addf %mul3A_1520, %mul3A_1521 : vector<16xf32>
      tpu.vector_store_idx %arg22[%add3A_1519], %add3A_1522 : memref<1920xf32, #tpu.memory_space<vmem>>[vector<16xi32>], vector<16xf32>,
      %mul3A_1523 = arith.constant 3 : i32
      %mul3A_1524 = arith.muli %mul3A_1470, %mul3A_1523 : i32
      %add3A_1525 = arith.constant 1 : i32
      %add3A_1526 = arith.addi %mul3A_1524, %add3A_1525 : i32
      %add3A_1527 = vector.broadcast %add3A_1526 : i32 to vector<16xi32>
      %add3A_1528 = arith.addi %mul3A_1460, %add3A_1527 : vector<16xi32>
      %sub3A_1529 = arith.subf %gather3A_1489, %gather3A_1474 : vector<16xf32>
      %mul3A_1530 = arith.mulf %gather3A_1476, %sub3A_1529 : vector<16xf32>
      %mul3A_1531 = arith.mulf %gather3A_1477, %gather3A_1508 : vector<16xf32>
      %add3A_1532 = arith.addf %mul3A_1530, %mul3A_1531 : vector<16xf32>
      tpu.vector_store_idx %arg22[%add3A_1528], %add3A_1532 : memref<1920xf32, #tpu.memory_space<vmem>>[vector<16xi32>], vector<16xf32>,
      %mul3A_1533 = arith.constant 3 : i32
      %mul3A_1534 = arith.muli %mul3A_1470, %mul3A_1533 : i32
      %add3A_1535 = arith.constant 2 : i32
      %add3A_1536 = arith.addi %mul3A_1534, %add3A_1535 : i32
      %add3A_1537 = vector.broadcast %add3A_1536 : i32 to vector<16xi32>
      %add3A_1538 = arith.addi %mul3A_1460, %add3A_1537 : vector<16xi32>
      %sub3A_1539 = arith.subf %gather3A_1496, %gather3A_1475 : vector<16xf32>
      %mul3A_1540 = arith.mulf %gather3A_1476, %sub3A_1539 : vector<16xf32>
      %mul3A_1541 = arith.mulf %gather3A_1477, %gather3A_1515 : vector<16xf32>
      %add3A_1542 = arith.addf %mul3A_1540, %mul3A_1541 : vector<16xf32>
      tpu.vector_store_idx %arg22[%add3A_1538], %add3A_1542 : memref<1920xf32, #tpu.memory_space<vmem>>[vector<16xi32>], vector<16xf32>,
      %scan3A_1543 = arith.constant 1 : i32
      %scan3A_1544 = arith.addi %scan3A_1468, %scan3A_1543 : i32
      %mul3A_1545 = arith.constant 16 : i32
      %mul3A_1546 = arith.muli %scan3A_1544, %mul3A_1545 : i32
      %get3A_1547 = arith.index_cast %mul3A_1546 : i32 to index
      %get3A_1548 = tpu.vector_load %arg11[%get3A_1547] {strides = array<i32>} : memref<640xi32, #tpu.memory_space<vmem>>, vector<16xi32>,
      %gather3A_1549 = tpu.vector_load_idx %arg17[%get3A_1548] : memref<256xf32, #tpu.memory_space<vmem>>[vector<16xi32>], vector<16xf32>,
      %gather3A_1550 = tpu.vector_load_idx %arg18[%get3A_1548] : memref<256xf32, #tpu.memory_space<vmem>>[vector<16xi32>], vector<16xf32>,
      %gather3A_1551 = tpu.vector_load_idx %arg19[%get3A_1548] : memref<256xf32, #tpu.memory_space<vmem>>[vector<16xi32>], vector<16xf32>,
      %gather3A_1552 = tpu.vector_load_idx %arg20[%get3A_1548] : memref<256xf32, #tpu.memory_space<vmem>>[vector<16xi32>], vector<16xf32>,
      %gather3A_1553 = tpu.vector_load_idx %arg21[%get3A_1548] : memref<256xf32, #tpu.memory_space<vmem>>[vector<16xi32>], vector<16xf32>,
      %mul3A_1554 = arith.constant 3 : i32
      %mul3A_1555 = arith.muli %mul3A_1546, %mul3A_1554 : i32
      %add3A_1556 = vector.broadcast %mul3A_1555 : i32 to vector<16xi32>
      %add3A_1557 = arith.addi %mul3A_1460, %add3A_1556 : vector<16xi32>
      %gather3A_1558 = tpu.vector_load_idx %arg12[%add3A_1557] : memref<1920xf32, #tpu.memory_space<vmem>>[vector<16xi32>], vector<16xf32>,
      %mul3A_1559 = arith.constant 3 : i32
      %mul3A_1560 = arith.muli %mul3A_1546, %mul3A_1559 : i32
      %add3A_1561 = arith.constant 1 : i32
      %add3A_1562 = arith.addi %mul3A_1560, %add3A_1561 : i32
      %add3A_1563 = vector.broadcast %add3A_1562 : i32 to vector<16xi32>
      %add3A_1564 = arith.addi %mul3A_1460, %add3A_1563 : vector<16xi32>
      %gather3A_1565 = tpu.vector_load_idx %arg12[%add3A_1564] : memref<1920xf32, #tpu.memory_space<vmem>>[vector<16xi32>], vector<16xf32>,
      %mul3A_1566 = arith.constant 3 : i32
      %mul3A_1567 = arith.muli %mul3A_1546, %mul3A_1566 : i32
      %add3A_1568 = arith.constant 2 : i32
      %add3A_1569 = arith.addi %mul3A_1567, %add3A_1568 : i32
      %add3A_1570 = vector.broadcast %add3A_1569 : i32 to vector<16xi32>
      %add3A_1571 = arith.addi %mul3A_1460, %add3A_1570 : vector<16xi32>
      %gather3A_1572 = tpu.vector_load_idx %arg12[%add3A_1571] : memref<1920xf32, #tpu.memory_space<vmem>>[vector<16xi32>], vector<16xf32>,
      %mul3A_1573 = arith.constant 3 : i32
      %mul3A_1574 = arith.muli %mul3A_1546, %mul3A_1573 : i32
      %add3A_1575 = vector.broadcast %mul3A_1574 : i32 to vector<16xi32>
      %add3A_1576 = arith.addi %mul3A_1460, %add3A_1575 : vector<16xi32>
      %gather3A_1577 = tpu.vector_load_idx %arg13[%add3A_1576] : memref<1920xf32, #tpu.memory_space<vmem>>[vector<16xi32>], vector<16xf32>,
      %mul3A_1578 = arith.constant 3 : i32
      %mul3A_1579 = arith.muli %mul3A_1546, %mul3A_1578 : i32
      %add3A_1580 = arith.constant 1 : i32
      %add3A_1581 = arith.addi %mul3A_1579, %add3A_1580 : i32
      %add3A_1582 = vector.broadcast %add3A_1581 : i32 to vector<16xi32>
      %add3A_1583 = arith.addi %mul3A_1460, %add3A_1582 : vector<16xi32>
      %gather3A_1584 = tpu.vector_load_idx %arg13[%add3A_1583] : memref<1920xf32, #tpu.memory_space<vmem>>[vector<16xi32>], vector<16xf32>,
      %mul3A_1585 = arith.constant 3 : i32
      %mul3A_1586 = arith.muli %mul3A_1546, %mul3A_1585 : i32
      %add3A_1587 = arith.constant 2 : i32
      %add3A_1588 = arith.addi %mul3A_1586, %add3A_1587 : i32
      %add3A_1589 = vector.broadcast %add3A_1588 : i32 to vector<16xi32>
      %add3A_1590 = arith.addi %mul3A_1460, %add3A_1589 : vector<16xi32>
      %gather3A_1591 = tpu.vector_load_idx %arg13[%add3A_1590] : memref<1920xf32, #tpu.memory_space<vmem>>[vector<16xi32>], vector<16xf32>,
      %mul3A_1592 = arith.constant 3 : i32
      %mul3A_1593 = arith.muli %mul3A_1546, %mul3A_1592 : i32
      %add3A_1594 = vector.broadcast %mul3A_1593 : i32 to vector<16xi32>
      %add3A_1595 = arith.addi %mul3A_1460, %add3A_1594 : vector<16xi32>
      %sub3A_1596 = arith.subf %gather3A_1558, %gather3A_1549 : vector<16xf32>
      %mul3A_1597 = arith.mulf %gather3A_1552, %sub3A_1596 : vector<16xf32>
      %mul3A_1598 = arith.mulf %gather3A_1553, %gather3A_1577 : vector<16xf32>
      %add3A_1599 = arith.addf %mul3A_1597, %mul3A_1598 : vector<16xf32>
      tpu.vector_store_idx %arg22[%add3A_1595], %add3A_1599 : memref<1920xf32, #tpu.memory_space<vmem>>[vector<16xi32>], vector<16xf32>,
      %mul3A_1600 = arith.constant 3 : i32
      %mul3A_1601 = arith.muli %mul3A_1546, %mul3A_1600 : i32
      %add3A_1602 = arith.constant 1 : i32
      %add3A_1603 = arith.addi %mul3A_1601, %add3A_1602 : i32
      %add3A_1604 = vector.broadcast %add3A_1603 : i32 to vector<16xi32>
      %add3A_1605 = arith.addi %mul3A_1460, %add3A_1604 : vector<16xi32>
      %sub3A_1606 = arith.subf %gather3A_1565, %gather3A_1550 : vector<16xf32>
      %mul3A_1607 = arith.mulf %gather3A_1552, %sub3A_1606 : vector<16xf32>
      %mul3A_1608 = arith.mulf %gather3A_1553, %gather3A_1584 : vector<16xf32>
      %add3A_1609 = arith.addf %mul3A_1607, %mul3A_1608 : vector<16xf32>
      tpu.vector_store_idx %arg22[%add3A_1605], %add3A_1609 : memref<1920xf32, #tpu.memory_space<vmem>>[vector<16xi32>], vector<16xf32>,
      %mul3A_1610 = arith.constant 3 : i32
      %mul3A_1611 = arith.muli %mul3A_1546, %mul3A_1610 : i32
      %add3A_1612 = arith.constant 2 : i32
      %add3A_1613 = arith.addi %mul3A_1611, %add3A_1612 : i32
      %add3A_1614 = vector.broadcast %add3A_1613 : i32 to vector<16xi32>
      %add3A_1615 = arith.addi %mul3A_1460, %add3A_1614 : vector<16xi32>
      %sub3A_1616 = arith.subf %gather3A_1572, %gather3A_1551 : vector<16xf32>
      %mul3A_1617 = arith.mulf %gather3A_1552, %sub3A_1616 : vector<16xf32>
      %mul3A_1618 = arith.mulf %gather3A_1553, %gather3A_1591 : vector<16xf32>
      %add3A_1619 = arith.addf %mul3A_1617, %mul3A_1618 : vector<16xf32>
      tpu.vector_store_idx %arg22[%add3A_1615], %add3A_1619 : memref<1920xf32, #tpu.memory_space<vmem>>[vector<16xi32>], vector<16xf32>,
      %scan3A_1620 = arith.constant 2 : i32
      %scan3A_1621 = arith.addi %scan3A_1468, %scan3A_1620 : i32
      %mul3A_1622 = arith.constant 16 : i32
      %mul3A_1623 = arith.muli %scan3A_1621, %mul3A_1622 : i32
      %get3A_1624 = arith.index_cast %mul3A_1623 : i32 to index
      %get3A_1625 = tpu.vector_load %arg11[%get3A_1624] {strides = array<i32>} : memref<640xi32, #tpu.memory_space<vmem>>, vector<16xi32>,
      %gather3A_1626 = tpu.vector_load_idx %arg17[%get3A_1625] : memref<256xf32, #tpu.memory_space<vmem>>[vector<16xi32>], vector<16xf32>,
      %gather3A_1627 = tpu.vector_load_idx %arg18[%get3A_1625] : memref<256xf32, #tpu.memory_space<vmem>>[vector<16xi32>], vector<16xf32>,
      %gather3A_1628 = tpu.vector_load_idx %arg19[%get3A_1625] : memref<256xf32, #tpu.memory_space<vmem>>[vector<16xi32>], vector<16xf32>,
      %gather3A_1629 = tpu.vector_load_idx %arg20[%get3A_1625] : memref<256xf32, #tpu.memory_space<vmem>>[vector<16xi32>], vector<16xf32>,
      %gather3A_1630 = tpu.vector_load_idx %arg21[%get3A_1625] : memref<256xf32, #tpu.memory_space<vmem>>[vector<16xi32>], vector<16xf32>,
      %mul3A_1631 = arith.constant 3 : i32
      %mul3A_1632 = arith.muli %mul3A_1623, %mul3A_1631 : i32
      %add3A_1633 = vector.broadcast %mul3A_1632 : i32 to vector<16xi32>
      %add3A_1634 = arith.addi %mul3A_1460, %add3A_1633 : vector<16xi32>
      %gather3A_1635 = tpu.vector_load_idx %arg12[%add3A_1634] : memref<1920xf32, #tpu.memory_space<vmem>>[vector<16xi32>], vector<16xf32>,
      %mul3A_1636 = arith.constant 3 : i32
      %mul3A_1637 = arith.muli %mul3A_1623, %mul3A_1636 : i32
      %add3A_1638 = arith.constant 1 : i32
      %add3A_1639 = arith.addi %mul3A_1637, %add3A_1638 : i32
      %add3A_1640 = vector.broadcast %add3A_1639 : i32 to vector<16xi32>
      %add3A_1641 = arith.addi %mul3A_1460, %add3A_1640 : vector<16xi32>
      %gather3A_1642 = tpu.vector_load_idx %arg12[%add3A_1641] : memref<1920xf32, #tpu.memory_space<vmem>>[vector<16xi32>], vector<16xf32>,
      %mul3A_1643 = arith.constant 3 : i32
      %mul3A_1644 = arith.muli %mul3A_1623, %mul3A_1643 : i32
      %add3A_1645 = arith.constant 2 : i32
      %add3A_1646 = arith.addi %mul3A_1644, %add3A_1645 : i32
      %add3A_1647 = vector.broadcast %add3A_1646 : i32 to vector<16xi32>
      %add3A_1648 = arith.addi %mul3A_1460, %add3A_1647 : vector<16xi32>
      %gather3A_1649 = tpu.vector_load_idx %arg12[%add3A_1648] : memref<1920xf32, #tpu.memory_space<vmem>>[vector<16xi32>], vector<16xf32>,
      %mul3A_1650 = arith.constant 3 : i32
      %mul3A_1651 = arith.muli %mul3A_1623, %mul3A_1650 : i32
      %add3A_1652 = vector.broadcast %mul3A_1651 : i32 to vector<16xi32>
      %add3A_1653 = arith.addi %mul3A_1460, %add3A_1652 : vector<16xi32>
      %gather3A_1654 = tpu.vector_load_idx %arg13[%add3A_1653] : memref<1920xf32, #tpu.memory_space<vmem>>[vector<16xi32>], vector<16xf32>,
      %mul3A_1655 = arith.constant 3 : i32
      %mul3A_1656 = arith.muli %mul3A_1623, %mul3A_1655 : i32
      %add3A_1657 = arith.constant 1 : i32
      %add3A_1658 = arith.addi %mul3A_1656, %add3A_1657 : i32
      %add3A_1659 = vector.broadcast %add3A_1658 : i32 to vector<16xi32>
      %add3A_1660 = arith.addi %mul3A_1460, %add3A_1659 : vector<16xi32>
      %gather3A_1661 = tpu.vector_load_idx %arg13[%add3A_1660] : memref<1920xf32, #tpu.memory_space<vmem>>[vector<16xi32>], vector<16xf32>,
      %mul3A_1662 = arith.constant 3 : i32
      %mul3A_1663 = arith.muli %mul3A_1623, %mul3A_1662 : i32
      %add3A_1664 = arith.constant 2 : i32
      %add3A_1665 = arith.addi %mul3A_1663, %add3A_1664 : i32
      %add3A_1666 = vector.broadcast %add3A_1665 : i32 to vector<16xi32>
      %add3A_1667 = arith.addi %mul3A_1460, %add3A_1666 : vector<16xi32>
      %gather3A_1668 = tpu.vector_load_idx %arg13[%add3A_1667] : memref<1920xf32, #tpu.memory_space<vmem>>[vector<16xi32>], vector<16xf32>,
      %mul3A_1669 = arith.constant 3 : i32
      %mul3A_1670 = arith.muli %mul3A_1623, %mul3A_1669 : i32
      %add3A_1671 = vector.broadcast %mul3A_1670 : i32 to vector<16xi32>
      %add3A_1672 = arith.addi %mul3A_1460, %add3A_1671 : vector<16xi32>
      %sub3A_1673 = arith.subf %gather3A_1635, %gather3A_1626 : vector<16xf32>
      %mul3A_1674 = arith.mulf %gather3A_1629, %sub3A_1673 : vector<16xf32>
      %mul3A_1675 = arith.mulf %gather3A_1630, %gather3A_1654 : vector<16xf32>
      %add3A_1676 = arith.addf %mul3A_1674, %mul3A_1675 : vector<16xf32>
      tpu.vector_store_idx %arg22[%add3A_1672], %add3A_1676 : memref<1920xf32, #tpu.memory_space<vmem>>[vector<16xi32>], vector<16xf32>,
      %mul3A_1677 = arith.constant 3 : i32
      %mul3A_1678 = arith.muli %mul3A_1623, %mul3A_1677 : i32
      %add3A_1679 = arith.constant 1 : i32
      %add3A_1680 = arith.addi %mul3A_1678, %add3A_1679 : i32
      %add3A_1681 = vector.broadcast %add3A_1680 : i32 to vector<16xi32>
      %add3A_1682 = arith.addi %mul3A_1460, %add3A_1681 : vector<16xi32>
      %sub3A_1683 = arith.subf %gather3A_1642, %gather3A_1627 : vector<16xf32>
      %mul3A_1684 = arith.mulf %gather3A_1629, %sub3A_1683 : vector<16xf32>
      %mul3A_1685 = arith.mulf %gather3A_1630, %gather3A_1661 : vector<16xf32>
      %add3A_1686 = arith.addf %mul3A_1684, %mul3A_1685 : vector<16xf32>
      tpu.vector_store_idx %arg22[%add3A_1682], %add3A_1686 : memref<1920xf32, #tpu.memory_space<vmem>>[vector<16xi32>], vector<16xf32>,
      %mul3A_1687 = arith.constant 3 : i32
      %mul3A_1688 = arith.muli %mul3A_1623, %mul3A_1687 : i32
      %add3A_1689 = arith.constant 2 : i32
      %add3A_1690 = arith.addi %mul3A_1688, %add3A_1689 : i32
      %add3A_1691 = vector.broadcast %add3A_1690 : i32 to vector<16xi32>
      %add3A_1692 = arith.addi %mul3A_1460, %add3A_1691 : vector<16xi32>
      %sub3A_1693 = arith.subf %gather3A_1649, %gather3A_1628 : vector<16xf32>
      %mul3A_1694 = arith.mulf %gather3A_1629, %sub3A_1693 : vector<16xf32>
      %mul3A_1695 = arith.mulf %gather3A_1630, %gather3A_1668 : vector<16xf32>
      %add3A_1696 = arith.addf %mul3A_1694, %mul3A_1695 : vector<16xf32>
      tpu.vector_store_idx %arg22[%add3A_1692], %add3A_1696 : memref<1920xf32, #tpu.memory_space<vmem>>[vector<16xi32>], vector<16xf32>,
      %scan3A_1697 = arith.constant 3 : i32
      %scan3A_1698 = arith.addi %scan3A_1468, %scan3A_1697 : i32
      %mul3A_1699 = arith.constant 16 : i32
      %mul3A_1700 = arith.muli %scan3A_1698, %mul3A_1699 : i32
      %get3A_1701 = arith.index_cast %mul3A_1700 : i32 to index
      %get3A_1702 = tpu.vector_load %arg11[%get3A_1701] {strides = array<i32>} : memref<640xi32, #tpu.memory_space<vmem>>, vector<16xi32>,
      %gather3A_1703 = tpu.vector_load_idx %arg17[%get3A_1702] : memref<256xf32, #tpu.memory_space<vmem>>[vector<16xi32>], vector<16xf32>,
      %gather3A_1704 = tpu.vector_load_idx %arg18[%get3A_1702] : memref<256xf32, #tpu.memory_space<vmem>>[vector<16xi32>], vector<16xf32>,
      %gather3A_1705 = tpu.vector_load_idx %arg19[%get3A_1702] : memref<256xf32, #tpu.memory_space<vmem>>[vector<16xi32>], vector<16xf32>,
      %gather3A_1706 = tpu.vector_load_idx %arg20[%get3A_1702] : memref<256xf32, #tpu.memory_space<vmem>>[vector<16xi32>], vector<16xf32>,
      %gather3A_1707 = tpu.vector_load_idx %arg21[%get3A_1702] : memref<256xf32, #tpu.memory_space<vmem>>[vector<16xi32>], vector<16xf32>,
      %mul3A_1708 = arith.constant 3 : i32
      %mul3A_1709 = arith.muli %mul3A_1700, %mul3A_1708 : i32
      %add3A_1710 = vector.broadcast %mul3A_1709 : i32 to vector<16xi32>
      %add3A_1711 = arith.addi %mul3A_1460, %add3A_1710 : vector<16xi32>
      %gather3A_1712 = tpu.vector_load_idx %arg12[%add3A_1711] : memref<1920xf32, #tpu.memory_space<vmem>>[vector<16xi32>], vector<16xf32>,
      %mul3A_1713 = arith.constant 3 : i32
      %mul3A_1714 = arith.muli %mul3A_1700, %mul3A_1713 : i32
      %add3A_1715 = arith.constant 1 : i32
      %add3A_1716 = arith.addi %mul3A_1714, %add3A_1715 : i32
      %add3A_1717 = vector.broadcast %add3A_1716 : i32 to vector<16xi32>
      %add3A_1718 = arith.addi %mul3A_1460, %add3A_1717 : vector<16xi32>
      %gather3A_1719 = tpu.vector_load_idx %arg12[%add3A_1718] : memref<1920xf32, #tpu.memory_space<vmem>>[vector<16xi32>], vector<16xf32>,
      %mul3A_1720 = arith.constant 3 : i32
      %mul3A_1721 = arith.muli %mul3A_1700, %mul3A_1720 : i32
      %add3A_1722 = arith.constant 2 : i32
      %add3A_1723 = arith.addi %mul3A_1721, %add3A_1722 : i32
      %add3A_1724 = vector.broadcast %add3A_1723 : i32 to vector<16xi32>
      %add3A_1725 = arith.addi %mul3A_1460, %add3A_1724 : vector<16xi32>
      %gather3A_1726 = tpu.vector_load_idx %arg12[%add3A_1725] : memref<1920xf32, #tpu.memory_space<vmem>>[vector<16xi32>], vector<16xf32>,
      %mul3A_1727 = arith.constant 3 : i32
      %mul3A_1728 = arith.muli %mul3A_1700, %mul3A_1727 : i32
      %add3A_1729 = vector.broadcast %mul3A_1728 : i32 to vector<16xi32>
      %add3A_1730 = arith.addi %mul3A_1460, %add3A_1729 : vector<16xi32>
      %gather3A_1731 = tpu.vector_load_idx %arg13[%add3A_1730] : memref<1920xf32, #tpu.memory_space<vmem>>[vector<16xi32>], vector<16xf32>,
      %mul3A_1732 = arith.constant 3 : i32
      %mul3A_1733 = arith.muli %mul3A_1700, %mul3A_1732 : i32
      %add3A_1734 = arith.constant 1 : i32
      %add3A_1735 = arith.addi %mul3A_1733, %add3A_1734 : i32
      %add3A_1736 = vector.broadcast %add3A_1735 : i32 to vector<16xi32>
      %add3A_1737 = arith.addi %mul3A_1460, %add3A_1736 : vector<16xi32>
      %gather3A_1738 = tpu.vector_load_idx %arg13[%add3A_1737] : memref<1920xf32, #tpu.memory_space<vmem>>[vector<16xi32>], vector<16xf32>,
      %mul3A_1739 = arith.constant 3 : i32
      %mul3A_1740 = arith.muli %mul3A_1700, %mul3A_1739 : i32
      %add3A_1741 = arith.constant 2 : i32
      %add3A_1742 = arith.addi %mul3A_1740, %add3A_1741 : i32
      %add3A_1743 = vector.broadcast %add3A_1742 : i32 to vector<16xi32>
      %add3A_1744 = arith.addi %mul3A_1460, %add3A_1743 : vector<16xi32>
      %gather3A_1745 = tpu.vector_load_idx %arg13[%add3A_1744] : memref<1920xf32, #tpu.memory_space<vmem>>[vector<16xi32>], vector<16xf32>,
      %mul3A_1746 = arith.constant 3 : i32
      %mul3A_1747 = arith.muli %mul3A_1700, %mul3A_1746 : i32
      %add3A_1748 = vector.broadcast %mul3A_1747 : i32 to vector<16xi32>
      %add3A_1749 = arith.addi %mul3A_1460, %add3A_1748 : vector<16xi32>
      %sub3A_1750 = arith.subf %gather3A_1712, %gather3A_1703 : vector<16xf32>
      %mul3A_1751 = arith.mulf %gather3A_1706, %sub3A_1750 : vector<16xf32>
      %mul3A_1752 = arith.mulf %gather3A_1707, %gather3A_1731 : vector<16xf32>
      %add3A_1753 = arith.addf %mul3A_1751, %mul3A_1752 : vector<16xf32>
      tpu.vector_store_idx %arg22[%add3A_1749], %add3A_1753 : memref<1920xf32, #tpu.memory_space<vmem>>[vector<16xi32>], vector<16xf32>,
      %mul3A_1754 = arith.constant 3 : i32
      %mul3A_1755 = arith.muli %mul3A_1700, %mul3A_1754 : i32
      %add3A_1756 = arith.constant 1 : i32
      %add3A_1757 = arith.addi %mul3A_1755, %add3A_1756 : i32
      %add3A_1758 = vector.broadcast %add3A_1757 : i32 to vector<16xi32>
      %add3A_1759 = arith.addi %mul3A_1460, %add3A_1758 : vector<16xi32>
      %sub3A_1760 = arith.subf %gather3A_1719, %gather3A_1704 : vector<16xf32>
      %mul3A_1761 = arith.mulf %gather3A_1706, %sub3A_1760 : vector<16xf32>
      %mul3A_1762 = arith.mulf %gather3A_1707, %gather3A_1738 : vector<16xf32>
      %add3A_1763 = arith.addf %mul3A_1761, %mul3A_1762 : vector<16xf32>
      tpu.vector_store_idx %arg22[%add3A_1759], %add3A_1763 : memref<1920xf32, #tpu.memory_space<vmem>>[vector<16xi32>], vector<16xf32>,
      %mul3A_1764 = arith.constant 3 : i32
      %mul3A_1765 = arith.muli %mul3A_1700, %mul3A_1764 : i32
      %add3A_1766 = arith.constant 2 : i32
      %add3A_1767 = arith.addi %mul3A_1765, %add3A_1766 : i32
      %add3A_1768 = vector.broadcast %add3A_1767 : i32 to vector<16xi32>
      %add3A_1769 = arith.addi %mul3A_1460, %add3A_1768 : vector<16xi32>
      %sub3A_1770 = arith.subf %gather3A_1726, %gather3A_1705 : vector<16xf32>
      %mul3A_1771 = arith.mulf %gather3A_1706, %sub3A_1770 : vector<16xf32>
      %mul3A_1772 = arith.mulf %gather3A_1707, %gather3A_1745 : vector<16xf32>
      %add3A_1773 = arith.addf %mul3A_1771, %mul3A_1772 : vector<16xf32>
      tpu.vector_store_idx %arg22[%add3A_1769], %add3A_1773 : memref<1920xf32, #tpu.memory_space<vmem>>[vector<16xi32>], vector<16xf32>,
    }
    %scan3A_1465 = arith.constant 40 : i32
    %mul3A_1466 = arith.constant 3 : i32
    %mul3A_1467 = arith.muli %mul3A_2, %mul3A_1466 : i32
    "tpu.region"() ({
      %run_scoped3A = tpu.sem_alloc : memref<!tpu.dma_semaphore, #tpu.memory_space<semaphore_mem>>
      %dma_start3A = tpu.memref_slice %arg9[%mul3A_1467] : memref<61440xf32, #tpu.memory_space<hbm>> -> memref<1920xf32, #tpu.memory_space<hbm>>
      %dma_start3A_1468 = tpu.memref_slice %arg9[%mul3A_1467] : memref<61440xf32, #tpu.memory_space<hbm>> -> memref<1920xf32, #tpu.memory_space<hbm>>
      tpu.enqueue_dma source(%arg22 : memref<1920xf32, #tpu.memory_space<vmem>>) target(%dma_start3A_1468 : memref<1920xf32, #tpu.memory_space<hbm>>) target_semaphore(%run_scoped3A : memref<!tpu.dma_semaphore, #tpu.memory_space<semaphore_mem>>)
      %dma_wait3A = tpu.memref_slice %arg9[%mul3A_1467] : memref<61440xf32, #tpu.memory_space<hbm>> -> memref<1920xf32, #tpu.memory_space<hbm>>
      %dma_wait3A_1469 = tpu.memref_slice %arg9[%mul3A_1467] : memref<61440xf32, #tpu.memory_space<hbm>> -> memref<1920xf32, #tpu.memory_space<hbm>>
      tpu.wait_dma2 semaphore(%run_scoped3A : memref<!tpu.dma_semaphore, #tpu.memory_space<semaphore_mem>>) src(%arg22 : memref<1920xf32, #tpu.memory_space<vmem>>) dst(%dma_wait3A_1469 : memref<1920xf32, #tpu.memory_space<hbm>>)
      tpu.yield
    }) : () -> ()
    return
  }
}

#map = affine_map<(d0, d1) -> (0)>
#map1 = affine_map<(d0, d1) -> (0, 0, 0, 0)>
module attributes {stable_mosaic.version = 14 : i64} {
  func.func @_protein_body(%arg0: i32, %arg1: i32, %arg2: memref<301056xf32, #tpu.memory_space<hbm>>, %arg3: memref<100352xi32, #tpu.memory_space<hbm>>, %arg4: memref<2x16x4x16xf32, #tpu.memory_space<hbm>>, %arg5: memref<3152xi32, #tpu.memory_space<vmem>>, %arg6: memref<9408xf32, #tpu.memory_space<vmem>>, %arg7: memref<256xf32, #tpu.memory_space<vmem>>, %arg8: memref<256xf32, #tpu.memory_space<vmem>>, %arg9: memref<256xf32, #tpu.memory_space<vmem>>, %arg10: memref<256xf32, #tpu.memory_space<vmem>>, %arg11: memref<256xf32, #tpu.memory_space<vmem>>, %arg12: memref<256xf32, #tpu.memory_space<vmem>>, %arg13: memref<256xi32, #tpu.memory_space<vmem>>, %arg14: memref<256xi32, #tpu.memory_space<vmem>>, %arg15: memref<16x4x16xf32, #tpu.memory_space<vmem>>, %arg16: memref<16x4x16xf32, #tpu.memory_space<vmem>>, %arg17: memref<4x16xf32, #tpu.memory_space<vmem>>, %arg18: memref<16x16x4x16xf32, #tpu.memory_space<vmem_shared>>) attributes {dimension_semantics = [#tpu.dimension_semantics<core_parallel>, #tpu.dimension_semantics<subcore_parallel>], iteration_bounds = array<i64: 2, 16>, scalar_prefetch = 0 : i64, scratch_operands = 14 : i64, tpu.core_type = #tpu.core_type<sc_vector_subcore>, window_params = [{transform_indices = #map}, {transform_indices = #map}, {transform_indices = #map1}]} {
    %mul3A = arith.constant 16 : i32
    %mul3A_0 = arith.muli %arg0, %mul3A : i32
    %add3A = arith.addi %mul3A_0, %arg1 : i32
    %mul3A_1 = arith.constant 3136 : i32
    %mul3A_2 = arith.muli %add3A, %mul3A_1 : i32
    "tpu.region"() ({
      %run_scoped3A_1486 = tpu.sem_alloc : memref<!tpu.dma_semaphore, #tpu.memory_space<semaphore_mem>>
      %dma_start3A = arith.constant 0 : i32
      %dma_start3A_1487 = tpu.memref_slice %arg5[%dma_start3A] : memref<3152xi32, #tpu.memory_space<vmem>> -> memref<3136xi32, #tpu.memory_space<vmem>>
      %dma_start3A_1488 = tpu.memref_slice %arg3[%mul3A_2] : memref<100352xi32, #tpu.memory_space<hbm>> -> memref<3136xi32, #tpu.memory_space<hbm>>
      %dma_start3A_1489 = arith.constant 0 : i32
      %dma_start3A_1490 = tpu.memref_slice %arg5[%dma_start3A_1489] : memref<3152xi32, #tpu.memory_space<vmem>> -> memref<3136xi32, #tpu.memory_space<vmem>>
      %dma_start3A_1491 = tpu.memref_slice %arg3[%mul3A_2] : memref<100352xi32, #tpu.memory_space<hbm>> -> memref<3136xi32, #tpu.memory_space<hbm>>
      tpu.enqueue_dma source(%dma_start3A_1491 : memref<3136xi32, #tpu.memory_space<hbm>>) target(%dma_start3A_1490 : memref<3136xi32, #tpu.memory_space<vmem>>) target_semaphore(%run_scoped3A_1486 : memref<!tpu.dma_semaphore, #tpu.memory_space<semaphore_mem>>)
      %dma_wait3A = arith.constant 0 : i32
      %dma_wait3A_1492 = tpu.memref_slice %arg5[%dma_wait3A] : memref<3152xi32, #tpu.memory_space<vmem>> -> memref<3136xi32, #tpu.memory_space<vmem>>
      %dma_wait3A_1493 = tpu.memref_slice %arg3[%mul3A_2] : memref<100352xi32, #tpu.memory_space<hbm>> -> memref<3136xi32, #tpu.memory_space<hbm>>
      %dma_wait3A_1494 = arith.constant 0 : i32
      %dma_wait3A_1495 = tpu.memref_slice %arg5[%dma_wait3A_1494] : memref<3152xi32, #tpu.memory_space<vmem>> -> memref<3136xi32, #tpu.memory_space<vmem>>
      %dma_wait3A_1496 = tpu.memref_slice %arg3[%mul3A_2] : memref<100352xi32, #tpu.memory_space<hbm>> -> memref<3136xi32, #tpu.memory_space<hbm>>
      tpu.wait_dma2 semaphore(%run_scoped3A_1486 : memref<!tpu.dma_semaphore, #tpu.memory_space<semaphore_mem>>) src(%dma_wait3A_1496 : memref<3136xi32, #tpu.memory_space<hbm>>) dst(%dma_wait3A_1495 : memref<3136xi32, #tpu.memory_space<vmem>>)
      tpu.yield
    }) : () -> ()
    %mul3A_3 = arith.constant 3 : i32
    %mul3A_4 = arith.muli %mul3A_2, %mul3A_3 : i32
    "tpu.region"() ({
      %run_scoped3A_1486 = tpu.sem_alloc : memref<!tpu.dma_semaphore, #tpu.memory_space<semaphore_mem>>
      %dma_start3A = tpu.memref_slice %arg2[%mul3A_4] : memref<301056xf32, #tpu.memory_space<hbm>> -> memref<9408xf32, #tpu.memory_space<hbm>>
      %dma_start3A_1487 = tpu.memref_slice %arg2[%mul3A_4] : memref<301056xf32, #tpu.memory_space<hbm>> -> memref<9408xf32, #tpu.memory_space<hbm>>
      tpu.enqueue_dma source(%dma_start3A_1487 : memref<9408xf32, #tpu.memory_space<hbm>>) target(%arg6 : memref<9408xf32, #tpu.memory_space<vmem>>) target_semaphore(%run_scoped3A_1486 : memref<!tpu.dma_semaphore, #tpu.memory_space<semaphore_mem>>)
      %dma_wait3A = tpu.memref_slice %arg2[%mul3A_4] : memref<301056xf32, #tpu.memory_space<hbm>> -> memref<9408xf32, #tpu.memory_space<hbm>>
      %dma_wait3A_1488 = tpu.memref_slice %arg2[%mul3A_4] : memref<301056xf32, #tpu.memory_space<hbm>> -> memref<9408xf32, #tpu.memory_space<hbm>>
      tpu.wait_dma2 semaphore(%run_scoped3A_1486 : memref<!tpu.dma_semaphore, #tpu.memory_space<semaphore_mem>>) src(%dma_wait3A_1488 : memref<9408xf32, #tpu.memory_space<hbm>>) dst(%arg6 : memref<9408xf32, #tpu.memory_space<vmem>>)
      tpu.yield
    }) : () -> ()
    %broadcast_in_dim3A = arith.constant 256 : i32
    %broadcast_in_dim3A_5 = vector.broadcast %broadcast_in_dim3A : i32 to vector<16xi32>
    %swap3A = arith.constant 3136 : index
    %swap3A_6 = tpu.vector_load %arg5[%swap3A] {strides = array<i32>} : memref<3152xi32, #tpu.memory_space<vmem>>, vector<16xi32>,
    tpu.vector_store %arg5[%swap3A], %broadcast_in_dim3A_5 {strides = array<i32>} : memref<3152xi32, #tpu.memory_space<vmem>>, vector<16xi32>,
    %broadcast_in_dim3A_7 = arith.constant 0.000000e+00 : f32
    %broadcast_in_dim3A_8 = vector.broadcast %broadcast_in_dim3A_7 : f32 to vector<16xf32>
    %broadcast_in_dim3A_9 = arith.constant 0 : i32
    %broadcast_in_dim3A_10 = vector.broadcast %broadcast_in_dim3A_9 : i32 to vector<16xi32>
    %swap3A_11 = arith.constant 0 : index
    %swap3A_12 = tpu.vector_load %arg7[%swap3A_11] {strides = array<i32>} : memref<256xf32, #tpu.memory_space<vmem>>, vector<16xf32>,
    tpu.vector_store %arg7[%swap3A_11], %broadcast_in_dim3A_8 {strides = array<i32>} : memref<256xf32, #tpu.memory_space<vmem>>, vector<16xf32>,
    %swap3A_13 = arith.constant 0 : index
    %swap3A_14 = tpu.vector_load %arg8[%swap3A_13] {strides = array<i32>} : memref<256xf32, #tpu.memory_space<vmem>>, vector<16xf32>,
    tpu.vector_store %arg8[%swap3A_13], %broadcast_in_dim3A_8 {strides = array<i32>} : memref<256xf32, #tpu.memory_space<vmem>>, vector<16xf32>,
    %swap3A_15 = arith.constant 0 : index
    %swap3A_16 = tpu.vector_load %arg9[%swap3A_15] {strides = array<i32>} : memref<256xf32, #tpu.memory_space<vmem>>, vector<16xf32>,
    tpu.vector_store %arg9[%swap3A_15], %broadcast_in_dim3A_8 {strides = array<i32>} : memref<256xf32, #tpu.memory_space<vmem>>, vector<16xf32>,
    %swap3A_17 = arith.constant 0 : index
    %swap3A_18 = tpu.vector_load %arg10[%swap3A_17] {strides = array<i32>} : memref<256xf32, #tpu.memory_space<vmem>>, vector<16xf32>,
    tpu.vector_store %arg10[%swap3A_17], %broadcast_in_dim3A_8 {strides = array<i32>} : memref<256xf32, #tpu.memory_space<vmem>>, vector<16xf32>,
    %swap3A_19 = arith.constant 0 : index
    %swap3A_20 = tpu.vector_load %arg11[%swap3A_19] {strides = array<i32>} : memref<256xf32, #tpu.memory_space<vmem>>, vector<16xf32>,
    tpu.vector_store %arg11[%swap3A_19], %broadcast_in_dim3A_8 {strides = array<i32>} : memref<256xf32, #tpu.memory_space<vmem>>, vector<16xf32>,
    %swap3A_21 = arith.constant 0 : index
    %swap3A_22 = tpu.vector_load %arg12[%swap3A_21] {strides = array<i32>} : memref<256xf32, #tpu.memory_space<vmem>>, vector<16xf32>,
    tpu.vector_store %arg12[%swap3A_21], %broadcast_in_dim3A_8 {strides = array<i32>} : memref<256xf32, #tpu.memory_space<vmem>>, vector<16xf32>,
    %swap3A_23 = arith.constant 0 : index
    %swap3A_24 = tpu.vector_load %arg13[%swap3A_23] {strides = array<i32>} : memref<256xi32, #tpu.memory_space<vmem>>, vector<16xi32>,
    tpu.vector_store %arg13[%swap3A_23], %broadcast_in_dim3A_10 {strides = array<i32>} : memref<256xi32, #tpu.memory_space<vmem>>, vector<16xi32>,
    %swap3A_25 = arith.constant 0 : index
    %swap3A_26 = tpu.vector_load %arg14[%swap3A_25] {strides = array<i32>} : memref<256xi32, #tpu.memory_space<vmem>>, vector<16xi32>,
    tpu.vector_store %arg14[%swap3A_25], %broadcast_in_dim3A_10 {strides = array<i32>} : memref<256xi32, #tpu.memory_space<vmem>>, vector<16xi32>,
    %swap3A_27 = arith.constant 16 : index
    %swap3A_28 = tpu.vector_load %arg7[%swap3A_27] {strides = array<i32>} : memref<256xf32, #tpu.memory_space<vmem>>, vector<16xf32>,
    tpu.vector_store %arg7[%swap3A_27], %broadcast_in_dim3A_8 {strides = array<i32>} : memref<256xf32, #tpu.memory_space<vmem>>, vector<16xf32>,
    %swap3A_29 = arith.constant 16 : index
    %swap3A_30 = tpu.vector_load %arg8[%swap3A_29] {strides = array<i32>} : memref<256xf32, #tpu.memory_space<vmem>>, vector<16xf32>,
    tpu.vector_store %arg8[%swap3A_29], %broadcast_in_dim3A_8 {strides = array<i32>} : memref<256xf32, #tpu.memory_space<vmem>>, vector<16xf32>,
    %swap3A_31 = arith.constant 16 : index
    %swap3A_32 = tpu.vector_load %arg9[%swap3A_31] {strides = array<i32>} : memref<256xf32, #tpu.memory_space<vmem>>, vector<16xf32>,
    tpu.vector_store %arg9[%swap3A_31], %broadcast_in_dim3A_8 {strides = array<i32>} : memref<256xf32, #tpu.memory_space<vmem>>, vector<16xf32>,
    %swap3A_33 = arith.constant 16 : index
    %swap3A_34 = tpu.vector_load %arg10[%swap3A_33] {strides = array<i32>} : memref<256xf32, #tpu.memory_space<vmem>>, vector<16xf32>,
    tpu.vector_store %arg10[%swap3A_33], %broadcast_in_dim3A_8 {strides = array<i32>} : memref<256xf32, #tpu.memory_space<vmem>>, vector<16xf32>,
    %swap3A_35 = arith.constant 16 : index
    %swap3A_36 = tpu.vector_load %arg11[%swap3A_35] {strides = array<i32>} : memref<256xf32, #tpu.memory_space<vmem>>, vector<16xf32>,
    tpu.vector_store %arg11[%swap3A_35], %broadcast_in_dim3A_8 {strides = array<i32>} : memref<256xf32, #tpu.memory_space<vmem>>, vector<16xf32>,
    %swap3A_37 = arith.constant 16 : index
    %swap3A_38 = tpu.vector_load %arg12[%swap3A_37] {strides = array<i32>} : memref<256xf32, #tpu.memory_space<vmem>>, vector<16xf32>,
    tpu.vector_store %arg12[%swap3A_37], %broadcast_in_dim3A_8 {strides = array<i32>} : memref<256xf32, #tpu.memory_space<vmem>>, vector<16xf32>,
    %swap3A_39 = arith.constant 16 : index
    %swap3A_40 = tpu.vector_load %arg13[%swap3A_39] {strides = array<i32>} : memref<256xi32, #tpu.memory_space<vmem>>, vector<16xi32>,
    tpu.vector_store %arg13[%swap3A_39], %broadcast_in_dim3A_10 {strides = array<i32>} : memref<256xi32, #tpu.memory_space<vmem>>, vector<16xi32>,
    %swap3A_41 = arith.constant 16 : index
    %swap3A_42 = tpu.vector_load %arg14[%swap3A_41] {strides = array<i32>} : memref<256xi32, #tpu.memory_space<vmem>>, vector<16xi32>,
    tpu.vector_store %arg14[%swap3A_41], %broadcast_in_dim3A_10 {strides = array<i32>} : memref<256xi32, #tpu.memory_space<vmem>>, vector<16xi32>,
    %swap3A_43 = arith.constant 32 : index
    %swap3A_44 = tpu.vector_load %arg7[%swap3A_43] {strides = array<i32>} : memref<256xf32, #tpu.memory_space<vmem>>, vector<16xf32>,
    tpu.vector_store %arg7[%swap3A_43], %broadcast_in_dim3A_8 {strides = array<i32>} : memref<256xf32, #tpu.memory_space<vmem>>, vector<16xf32>,
    %swap3A_45 = arith.constant 32 : index
    %swap3A_46 = tpu.vector_load %arg8[%swap3A_45] {strides = array<i32>} : memref<256xf32, #tpu.memory_space<vmem>>, vector<16xf32>,
    tpu.vector_store %arg8[%swap3A_45], %broadcast_in_dim3A_8 {strides = array<i32>} : memref<256xf32, #tpu.memory_space<vmem>>, vector<16xf32>,
    %swap3A_47 = arith.constant 32 : index
    %swap3A_48 = tpu.vector_load %arg9[%swap3A_47] {strides = array<i32>} : memref<256xf32, #tpu.memory_space<vmem>>, vector<16xf32>,
    tpu.vector_store %arg9[%swap3A_47], %broadcast_in_dim3A_8 {strides = array<i32>} : memref<256xf32, #tpu.memory_space<vmem>>, vector<16xf32>,
    %swap3A_49 = arith.constant 32 : index
    %swap3A_50 = tpu.vector_load %arg10[%swap3A_49] {strides = array<i32>} : memref<256xf32, #tpu.memory_space<vmem>>, vector<16xf32>,
    tpu.vector_store %arg10[%swap3A_49], %broadcast_in_dim3A_8 {strides = array<i32>} : memref<256xf32, #tpu.memory_space<vmem>>, vector<16xf32>,
    %swap3A_51 = arith.constant 32 : index
    %swap3A_52 = tpu.vector_load %arg11[%swap3A_51] {strides = array<i32>} : memref<256xf32, #tpu.memory_space<vmem>>, vector<16xf32>,
    tpu.vector_store %arg11[%swap3A_51], %broadcast_in_dim3A_8 {strides = array<i32>} : memref<256xf32, #tpu.memory_space<vmem>>, vector<16xf32>,
    %swap3A_53 = arith.constant 32 : index
    %swap3A_54 = tpu.vector_load %arg12[%swap3A_53] {strides = array<i32>} : memref<256xf32, #tpu.memory_space<vmem>>, vector<16xf32>,
    tpu.vector_store %arg12[%swap3A_53], %broadcast_in_dim3A_8 {strides = array<i32>} : memref<256xf32, #tpu.memory_space<vmem>>, vector<16xf32>,
    %swap3A_55 = arith.constant 32 : index
    %swap3A_56 = tpu.vector_load %arg13[%swap3A_55] {strides = array<i32>} : memref<256xi32, #tpu.memory_space<vmem>>, vector<16xi32>,
    tpu.vector_store %arg13[%swap3A_55], %broadcast_in_dim3A_10 {strides = array<i32>} : memref<256xi32, #tpu.memory_space<vmem>>, vector<16xi32>,
    %swap3A_57 = arith.constant 32 : index
    %swap3A_58 = tpu.vector_load %arg14[%swap3A_57] {strides = array<i32>} : memref<256xi32, #tpu.memory_space<vmem>>, vector<16xi32>,
    tpu.vector_store %arg14[%swap3A_57], %broadcast_in_dim3A_10 {strides = array<i32>} : memref<256xi32, #tpu.memory_space<vmem>>, vector<16xi32>,
    %swap3A_59 = arith.constant 48 : index
    %swap3A_60 = tpu.vector_load %arg7[%swap3A_59] {strides = array<i32>} : memref<256xf32, #tpu.memory_space<vmem>>, vector<16xf32>,
    tpu.vector_store %arg7[%swap3A_59], %broadcast_in_dim3A_8 {strides = array<i32>} : memref<256xf32, #tpu.memory_space<vmem>>, vector<16xf32>,
    %swap3A_61 = arith.constant 48 : index
    %swap3A_62 = tpu.vector_load %arg8[%swap3A_61] {strides = array<i32>} : memref<256xf32, #tpu.memory_space<vmem>>, vector<16xf32>,
    tpu.vector_store %arg8[%swap3A_61], %broadcast_in_dim3A_8 {strides = array<i32>} : memref<256xf32, #tpu.memory_space<vmem>>, vector<16xf32>,
    %swap3A_63 = arith.constant 48 : index
    %swap3A_64 = tpu.vector_load %arg9[%swap3A_63] {strides = array<i32>} : memref<256xf32, #tpu.memory_space<vmem>>, vector<16xf32>,
    tpu.vector_store %arg9[%swap3A_63], %broadcast_in_dim3A_8 {strides = array<i32>} : memref<256xf32, #tpu.memory_space<vmem>>, vector<16xf32>,
    %swap3A_65 = arith.constant 48 : index
    %swap3A_66 = tpu.vector_load %arg10[%swap3A_65] {strides = array<i32>} : memref<256xf32, #tpu.memory_space<vmem>>, vector<16xf32>,
    tpu.vector_store %arg10[%swap3A_65], %broadcast_in_dim3A_8 {strides = array<i32>} : memref<256xf32, #tpu.memory_space<vmem>>, vector<16xf32>,
    %swap3A_67 = arith.constant 48 : index
    %swap3A_68 = tpu.vector_load %arg11[%swap3A_67] {strides = array<i32>} : memref<256xf32, #tpu.memory_space<vmem>>, vector<16xf32>,
    tpu.vector_store %arg11[%swap3A_67], %broadcast_in_dim3A_8 {strides = array<i32>} : memref<256xf32, #tpu.memory_space<vmem>>, vector<16xf32>,
    %swap3A_69 = arith.constant 48 : index
    %swap3A_70 = tpu.vector_load %arg12[%swap3A_69] {strides = array<i32>} : memref<256xf32, #tpu.memory_space<vmem>>, vector<16xf32>,
    tpu.vector_store %arg12[%swap3A_69], %broadcast_in_dim3A_8 {strides = array<i32>} : memref<256xf32, #tpu.memory_space<vmem>>, vector<16xf32>,
    %swap3A_71 = arith.constant 48 : index
    %swap3A_72 = tpu.vector_load %arg13[%swap3A_71] {strides = array<i32>} : memref<256xi32, #tpu.memory_space<vmem>>, vector<16xi32>,
    tpu.vector_store %arg13[%swap3A_71], %broadcast_in_dim3A_10 {strides = array<i32>} : memref<256xi32, #tpu.memory_space<vmem>>, vector<16xi32>,
    %swap3A_73 = arith.constant 48 : index
    %swap3A_74 = tpu.vector_load %arg14[%swap3A_73] {strides = array<i32>} : memref<256xi32, #tpu.memory_space<vmem>>, vector<16xi32>,
    tpu.vector_store %arg14[%swap3A_73], %broadcast_in_dim3A_10 {strides = array<i32>} : memref<256xi32, #tpu.memory_space<vmem>>, vector<16xi32>,
    %swap3A_75 = arith.constant 64 : index
    %swap3A_76 = tpu.vector_load %arg7[%swap3A_75] {strides = array<i32>} : memref<256xf32, #tpu.memory_space<vmem>>, vector<16xf32>,
    tpu.vector_store %arg7[%swap3A_75], %broadcast_in_dim3A_8 {strides = array<i32>} : memref<256xf32, #tpu.memory_space<vmem>>, vector<16xf32>,
    %swap3A_77 = arith.constant 64 : index
    %swap3A_78 = tpu.vector_load %arg8[%swap3A_77] {strides = array<i32>} : memref<256xf32, #tpu.memory_space<vmem>>, vector<16xf32>,
    tpu.vector_store %arg8[%swap3A_77], %broadcast_in_dim3A_8 {strides = array<i32>} : memref<256xf32, #tpu.memory_space<vmem>>, vector<16xf32>,
    %swap3A_79 = arith.constant 64 : index
    %swap3A_80 = tpu.vector_load %arg9[%swap3A_79] {strides = array<i32>} : memref<256xf32, #tpu.memory_space<vmem>>, vector<16xf32>,
    tpu.vector_store %arg9[%swap3A_79], %broadcast_in_dim3A_8 {strides = array<i32>} : memref<256xf32, #tpu.memory_space<vmem>>, vector<16xf32>,
    %swap3A_81 = arith.constant 64 : index
    %swap3A_82 = tpu.vector_load %arg10[%swap3A_81] {strides = array<i32>} : memref<256xf32, #tpu.memory_space<vmem>>, vector<16xf32>,
    tpu.vector_store %arg10[%swap3A_81], %broadcast_in_dim3A_8 {strides = array<i32>} : memref<256xf32, #tpu.memory_space<vmem>>, vector<16xf32>,
    %swap3A_83 = arith.constant 64 : index
    %swap3A_84 = tpu.vector_load %arg11[%swap3A_83] {strides = array<i32>} : memref<256xf32, #tpu.memory_space<vmem>>, vector<16xf32>,
    tpu.vector_store %arg11[%swap3A_83], %broadcast_in_dim3A_8 {strides = array<i32>} : memref<256xf32, #tpu.memory_space<vmem>>, vector<16xf32>,
    %swap3A_85 = arith.constant 64 : index
    %swap3A_86 = tpu.vector_load %arg12[%swap3A_85] {strides = array<i32>} : memref<256xf32, #tpu.memory_space<vmem>>, vector<16xf32>,
    tpu.vector_store %arg12[%swap3A_85], %broadcast_in_dim3A_8 {strides = array<i32>} : memref<256xf32, #tpu.memory_space<vmem>>, vector<16xf32>,
    %swap3A_87 = arith.constant 64 : index
    %swap3A_88 = tpu.vector_load %arg13[%swap3A_87] {strides = array<i32>} : memref<256xi32, #tpu.memory_space<vmem>>, vector<16xi32>,
    tpu.vector_store %arg13[%swap3A_87], %broadcast_in_dim3A_10 {strides = array<i32>} : memref<256xi32, #tpu.memory_space<vmem>>, vector<16xi32>,
    %swap3A_89 = arith.constant 64 : index
    %swap3A_90 = tpu.vector_load %arg14[%swap3A_89] {strides = array<i32>} : memref<256xi32, #tpu.memory_space<vmem>>, vector<16xi32>,
    tpu.vector_store %arg14[%swap3A_89], %broadcast_in_dim3A_10 {strides = array<i32>} : memref<256xi32, #tpu.memory_space<vmem>>, vector<16xi32>,
    %swap3A_91 = arith.constant 80 : index
    %swap3A_92 = tpu.vector_load %arg7[%swap3A_91] {strides = array<i32>} : memref<256xf32, #tpu.memory_space<vmem>>, vector<16xf32>,
    tpu.vector_store %arg7[%swap3A_91], %broadcast_in_dim3A_8 {strides = array<i32>} : memref<256xf32, #tpu.memory_space<vmem>>, vector<16xf32>,
    %swap3A_93 = arith.constant 80 : index
    %swap3A_94 = tpu.vector_load %arg8[%swap3A_93] {strides = array<i32>} : memref<256xf32, #tpu.memory_space<vmem>>, vector<16xf32>,
    tpu.vector_store %arg8[%swap3A_93], %broadcast_in_dim3A_8 {strides = array<i32>} : memref<256xf32, #tpu.memory_space<vmem>>, vector<16xf32>,
    %swap3A_95 = arith.constant 80 : index
    %swap3A_96 = tpu.vector_load %arg9[%swap3A_95] {strides = array<i32>} : memref<256xf32, #tpu.memory_space<vmem>>, vector<16xf32>,
    tpu.vector_store %arg9[%swap3A_95], %broadcast_in_dim3A_8 {strides = array<i32>} : memref<256xf32, #tpu.memory_space<vmem>>, vector<16xf32>,
    %swap3A_97 = arith.constant 80 : index
    %swap3A_98 = tpu.vector_load %arg10[%swap3A_97] {strides = array<i32>} : memref<256xf32, #tpu.memory_space<vmem>>, vector<16xf32>,
    tpu.vector_store %arg10[%swap3A_97], %broadcast_in_dim3A_8 {strides = array<i32>} : memref<256xf32, #tpu.memory_space<vmem>>, vector<16xf32>,
    %swap3A_99 = arith.constant 80 : index
    %swap3A_100 = tpu.vector_load %arg11[%swap3A_99] {strides = array<i32>} : memref<256xf32, #tpu.memory_space<vmem>>, vector<16xf32>,
    tpu.vector_store %arg11[%swap3A_99], %broadcast_in_dim3A_8 {strides = array<i32>} : memref<256xf32, #tpu.memory_space<vmem>>, vector<16xf32>,
    %swap3A_101 = arith.constant 80 : index
    %swap3A_102 = tpu.vector_load %arg12[%swap3A_101] {strides = array<i32>} : memref<256xf32, #tpu.memory_space<vmem>>, vector<16xf32>,
    tpu.vector_store %arg12[%swap3A_101], %broadcast_in_dim3A_8 {strides = array<i32>} : memref<256xf32, #tpu.memory_space<vmem>>, vector<16xf32>,
    %swap3A_103 = arith.constant 80 : index
    %swap3A_104 = tpu.vector_load %arg13[%swap3A_103] {strides = array<i32>} : memref<256xi32, #tpu.memory_space<vmem>>, vector<16xi32>,
    tpu.vector_store %arg13[%swap3A_103], %broadcast_in_dim3A_10 {strides = array<i32>} : memref<256xi32, #tpu.memory_space<vmem>>, vector<16xi32>,
    %swap3A_105 = arith.constant 80 : index
    %swap3A_106 = tpu.vector_load %arg14[%swap3A_105] {strides = array<i32>} : memref<256xi32, #tpu.memory_space<vmem>>, vector<16xi32>,
    tpu.vector_store %arg14[%swap3A_105], %broadcast_in_dim3A_10 {strides = array<i32>} : memref<256xi32, #tpu.memory_space<vmem>>, vector<16xi32>,
    %swap3A_107 = arith.constant 96 : index
    %swap3A_108 = tpu.vector_load %arg7[%swap3A_107] {strides = array<i32>} : memref<256xf32, #tpu.memory_space<vmem>>, vector<16xf32>,
    tpu.vector_store %arg7[%swap3A_107], %broadcast_in_dim3A_8 {strides = array<i32>} : memref<256xf32, #tpu.memory_space<vmem>>, vector<16xf32>,
    %swap3A_109 = arith.constant 96 : index
    %swap3A_110 = tpu.vector_load %arg8[%swap3A_109] {strides = array<i32>} : memref<256xf32, #tpu.memory_space<vmem>>, vector<16xf32>,
    tpu.vector_store %arg8[%swap3A_109], %broadcast_in_dim3A_8 {strides = array<i32>} : memref<256xf32, #tpu.memory_space<vmem>>, vector<16xf32>,
    %swap3A_111 = arith.constant 96 : index
    %swap3A_112 = tpu.vector_load %arg9[%swap3A_111] {strides = array<i32>} : memref<256xf32, #tpu.memory_space<vmem>>, vector<16xf32>,
    tpu.vector_store %arg9[%swap3A_111], %broadcast_in_dim3A_8 {strides = array<i32>} : memref<256xf32, #tpu.memory_space<vmem>>, vector<16xf32>,
    %swap3A_113 = arith.constant 96 : index
    %swap3A_114 = tpu.vector_load %arg10[%swap3A_113] {strides = array<i32>} : memref<256xf32, #tpu.memory_space<vmem>>, vector<16xf32>,
    tpu.vector_store %arg10[%swap3A_113], %broadcast_in_dim3A_8 {strides = array<i32>} : memref<256xf32, #tpu.memory_space<vmem>>, vector<16xf32>,
    %swap3A_115 = arith.constant 96 : index
    %swap3A_116 = tpu.vector_load %arg11[%swap3A_115] {strides = array<i32>} : memref<256xf32, #tpu.memory_space<vmem>>, vector<16xf32>,
    tpu.vector_store %arg11[%swap3A_115], %broadcast_in_dim3A_8 {strides = array<i32>} : memref<256xf32, #tpu.memory_space<vmem>>, vector<16xf32>,
    %swap3A_117 = arith.constant 96 : index
    %swap3A_118 = tpu.vector_load %arg12[%swap3A_117] {strides = array<i32>} : memref<256xf32, #tpu.memory_space<vmem>>, vector<16xf32>,
    tpu.vector_store %arg12[%swap3A_117], %broadcast_in_dim3A_8 {strides = array<i32>} : memref<256xf32, #tpu.memory_space<vmem>>, vector<16xf32>,
    %swap3A_119 = arith.constant 96 : index
    %swap3A_120 = tpu.vector_load %arg13[%swap3A_119] {strides = array<i32>} : memref<256xi32, #tpu.memory_space<vmem>>, vector<16xi32>,
    tpu.vector_store %arg13[%swap3A_119], %broadcast_in_dim3A_10 {strides = array<i32>} : memref<256xi32, #tpu.memory_space<vmem>>, vector<16xi32>,
    %swap3A_121 = arith.constant 96 : index
    %swap3A_122 = tpu.vector_load %arg14[%swap3A_121] {strides = array<i32>} : memref<256xi32, #tpu.memory_space<vmem>>, vector<16xi32>,
    tpu.vector_store %arg14[%swap3A_121], %broadcast_in_dim3A_10 {strides = array<i32>} : memref<256xi32, #tpu.memory_space<vmem>>, vector<16xi32>,
    %swap3A_123 = arith.constant 112 : index
    %swap3A_124 = tpu.vector_load %arg7[%swap3A_123] {strides = array<i32>} : memref<256xf32, #tpu.memory_space<vmem>>, vector<16xf32>,
    tpu.vector_store %arg7[%swap3A_123], %broadcast_in_dim3A_8 {strides = array<i32>} : memref<256xf32, #tpu.memory_space<vmem>>, vector<16xf32>,
    %swap3A_125 = arith.constant 112 : index
    %swap3A_126 = tpu.vector_load %arg8[%swap3A_125] {strides = array<i32>} : memref<256xf32, #tpu.memory_space<vmem>>, vector<16xf32>,
    tpu.vector_store %arg8[%swap3A_125], %broadcast_in_dim3A_8 {strides = array<i32>} : memref<256xf32, #tpu.memory_space<vmem>>, vector<16xf32>,
    %swap3A_127 = arith.constant 112 : index
    %swap3A_128 = tpu.vector_load %arg9[%swap3A_127] {strides = array<i32>} : memref<256xf32, #tpu.memory_space<vmem>>, vector<16xf32>,
    tpu.vector_store %arg9[%swap3A_127], %broadcast_in_dim3A_8 {strides = array<i32>} : memref<256xf32, #tpu.memory_space<vmem>>, vector<16xf32>,
    %swap3A_129 = arith.constant 112 : index
    %swap3A_130 = tpu.vector_load %arg10[%swap3A_129] {strides = array<i32>} : memref<256xf32, #tpu.memory_space<vmem>>, vector<16xf32>,
    tpu.vector_store %arg10[%swap3A_129], %broadcast_in_dim3A_8 {strides = array<i32>} : memref<256xf32, #tpu.memory_space<vmem>>, vector<16xf32>,
    %swap3A_131 = arith.constant 112 : index
    %swap3A_132 = tpu.vector_load %arg11[%swap3A_131] {strides = array<i32>} : memref<256xf32, #tpu.memory_space<vmem>>, vector<16xf32>,
    tpu.vector_store %arg11[%swap3A_131], %broadcast_in_dim3A_8 {strides = array<i32>} : memref<256xf32, #tpu.memory_space<vmem>>, vector<16xf32>,
    %swap3A_133 = arith.constant 112 : index
    %swap3A_134 = tpu.vector_load %arg12[%swap3A_133] {strides = array<i32>} : memref<256xf32, #tpu.memory_space<vmem>>, vector<16xf32>,
    tpu.vector_store %arg12[%swap3A_133], %broadcast_in_dim3A_8 {strides = array<i32>} : memref<256xf32, #tpu.memory_space<vmem>>, vector<16xf32>,
    %swap3A_135 = arith.constant 112 : index
    %swap3A_136 = tpu.vector_load %arg13[%swap3A_135] {strides = array<i32>} : memref<256xi32, #tpu.memory_space<vmem>>, vector<16xi32>,
    tpu.vector_store %arg13[%swap3A_135], %broadcast_in_dim3A_10 {strides = array<i32>} : memref<256xi32, #tpu.memory_space<vmem>>, vector<16xi32>,
    %swap3A_137 = arith.constant 112 : index
    %swap3A_138 = tpu.vector_load %arg14[%swap3A_137] {strides = array<i32>} : memref<256xi32, #tpu.memory_space<vmem>>, vector<16xi32>,
    tpu.vector_store %arg14[%swap3A_137], %broadcast_in_dim3A_10 {strides = array<i32>} : memref<256xi32, #tpu.memory_space<vmem>>, vector<16xi32>,
    %swap3A_139 = arith.constant 128 : index
    %swap3A_140 = tpu.vector_load %arg7[%swap3A_139] {strides = array<i32>} : memref<256xf32, #tpu.memory_space<vmem>>, vector<16xf32>,
    tpu.vector_store %arg7[%swap3A_139], %broadcast_in_dim3A_8 {strides = array<i32>} : memref<256xf32, #tpu.memory_space<vmem>>, vector<16xf32>,
    %swap3A_141 = arith.constant 128 : index
    %swap3A_142 = tpu.vector_load %arg8[%swap3A_141] {strides = array<i32>} : memref<256xf32, #tpu.memory_space<vmem>>, vector<16xf32>,
    tpu.vector_store %arg8[%swap3A_141], %broadcast_in_dim3A_8 {strides = array<i32>} : memref<256xf32, #tpu.memory_space<vmem>>, vector<16xf32>,
    %swap3A_143 = arith.constant 128 : index
    %swap3A_144 = tpu.vector_load %arg9[%swap3A_143] {strides = array<i32>} : memref<256xf32, #tpu.memory_space<vmem>>, vector<16xf32>,
    tpu.vector_store %arg9[%swap3A_143], %broadcast_in_dim3A_8 {strides = array<i32>} : memref<256xf32, #tpu.memory_space<vmem>>, vector<16xf32>,
    %swap3A_145 = arith.constant 128 : index
    %swap3A_146 = tpu.vector_load %arg10[%swap3A_145] {strides = array<i32>} : memref<256xf32, #tpu.memory_space<vmem>>, vector<16xf32>,
    tpu.vector_store %arg10[%swap3A_145], %broadcast_in_dim3A_8 {strides = array<i32>} : memref<256xf32, #tpu.memory_space<vmem>>, vector<16xf32>,
    %swap3A_147 = arith.constant 128 : index
    %swap3A_148 = tpu.vector_load %arg11[%swap3A_147] {strides = array<i32>} : memref<256xf32, #tpu.memory_space<vmem>>, vector<16xf32>,
    tpu.vector_store %arg11[%swap3A_147], %broadcast_in_dim3A_8 {strides = array<i32>} : memref<256xf32, #tpu.memory_space<vmem>>, vector<16xf32>,
    %swap3A_149 = arith.constant 128 : index
    %swap3A_150 = tpu.vector_load %arg12[%swap3A_149] {strides = array<i32>} : memref<256xf32, #tpu.memory_space<vmem>>, vector<16xf32>,
    tpu.vector_store %arg12[%swap3A_149], %broadcast_in_dim3A_8 {strides = array<i32>} : memref<256xf32, #tpu.memory_space<vmem>>, vector<16xf32>,
    %swap3A_151 = arith.constant 128 : index
    %swap3A_152 = tpu.vector_load %arg13[%swap3A_151] {strides = array<i32>} : memref<256xi32, #tpu.memory_space<vmem>>, vector<16xi32>,
    tpu.vector_store %arg13[%swap3A_151], %broadcast_in_dim3A_10 {strides = array<i32>} : memref<256xi32, #tpu.memory_space<vmem>>, vector<16xi32>,
    %swap3A_153 = arith.constant 128 : index
    %swap3A_154 = tpu.vector_load %arg14[%swap3A_153] {strides = array<i32>} : memref<256xi32, #tpu.memory_space<vmem>>, vector<16xi32>,
    tpu.vector_store %arg14[%swap3A_153], %broadcast_in_dim3A_10 {strides = array<i32>} : memref<256xi32, #tpu.memory_space<vmem>>, vector<16xi32>,
    %swap3A_155 = arith.constant 144 : index
    %swap3A_156 = tpu.vector_load %arg7[%swap3A_155] {strides = array<i32>} : memref<256xf32, #tpu.memory_space<vmem>>, vector<16xf32>,
    tpu.vector_store %arg7[%swap3A_155], %broadcast_in_dim3A_8 {strides = array<i32>} : memref<256xf32, #tpu.memory_space<vmem>>, vector<16xf32>,
    %swap3A_157 = arith.constant 144 : index
    %swap3A_158 = tpu.vector_load %arg8[%swap3A_157] {strides = array<i32>} : memref<256xf32, #tpu.memory_space<vmem>>, vector<16xf32>,
    tpu.vector_store %arg8[%swap3A_157], %broadcast_in_dim3A_8 {strides = array<i32>} : memref<256xf32, #tpu.memory_space<vmem>>, vector<16xf32>,
    %swap3A_159 = arith.constant 144 : index
    %swap3A_160 = tpu.vector_load %arg9[%swap3A_159] {strides = array<i32>} : memref<256xf32, #tpu.memory_space<vmem>>, vector<16xf32>,
    tpu.vector_store %arg9[%swap3A_159], %broadcast_in_dim3A_8 {strides = array<i32>} : memref<256xf32, #tpu.memory_space<vmem>>, vector<16xf32>,
    %swap3A_161 = arith.constant 144 : index
    %swap3A_162 = tpu.vector_load %arg10[%swap3A_161] {strides = array<i32>} : memref<256xf32, #tpu.memory_space<vmem>>, vector<16xf32>,
    tpu.vector_store %arg10[%swap3A_161], %broadcast_in_dim3A_8 {strides = array<i32>} : memref<256xf32, #tpu.memory_space<vmem>>, vector<16xf32>,
    %swap3A_163 = arith.constant 144 : index
    %swap3A_164 = tpu.vector_load %arg11[%swap3A_163] {strides = array<i32>} : memref<256xf32, #tpu.memory_space<vmem>>, vector<16xf32>,
    tpu.vector_store %arg11[%swap3A_163], %broadcast_in_dim3A_8 {strides = array<i32>} : memref<256xf32, #tpu.memory_space<vmem>>, vector<16xf32>,
    %swap3A_165 = arith.constant 144 : index
    %swap3A_166 = tpu.vector_load %arg12[%swap3A_165] {strides = array<i32>} : memref<256xf32, #tpu.memory_space<vmem>>, vector<16xf32>,
    tpu.vector_store %arg12[%swap3A_165], %broadcast_in_dim3A_8 {strides = array<i32>} : memref<256xf32, #tpu.memory_space<vmem>>, vector<16xf32>,
    %swap3A_167 = arith.constant 144 : index
    %swap3A_168 = tpu.vector_load %arg13[%swap3A_167] {strides = array<i32>} : memref<256xi32, #tpu.memory_space<vmem>>, vector<16xi32>,
    tpu.vector_store %arg13[%swap3A_167], %broadcast_in_dim3A_10 {strides = array<i32>} : memref<256xi32, #tpu.memory_space<vmem>>, vector<16xi32>,
    %swap3A_169 = arith.constant 144 : index
    %swap3A_170 = tpu.vector_load %arg14[%swap3A_169] {strides = array<i32>} : memref<256xi32, #tpu.memory_space<vmem>>, vector<16xi32>,
    tpu.vector_store %arg14[%swap3A_169], %broadcast_in_dim3A_10 {strides = array<i32>} : memref<256xi32, #tpu.memory_space<vmem>>, vector<16xi32>,
    %swap3A_171 = arith.constant 160 : index
    %swap3A_172 = tpu.vector_load %arg7[%swap3A_171] {strides = array<i32>} : memref<256xf32, #tpu.memory_space<vmem>>, vector<16xf32>,
    tpu.vector_store %arg7[%swap3A_171], %broadcast_in_dim3A_8 {strides = array<i32>} : memref<256xf32, #tpu.memory_space<vmem>>, vector<16xf32>,
    %swap3A_173 = arith.constant 160 : index
    %swap3A_174 = tpu.vector_load %arg8[%swap3A_173] {strides = array<i32>} : memref<256xf32, #tpu.memory_space<vmem>>, vector<16xf32>,
    tpu.vector_store %arg8[%swap3A_173], %broadcast_in_dim3A_8 {strides = array<i32>} : memref<256xf32, #tpu.memory_space<vmem>>, vector<16xf32>,
    %swap3A_175 = arith.constant 160 : index
    %swap3A_176 = tpu.vector_load %arg9[%swap3A_175] {strides = array<i32>} : memref<256xf32, #tpu.memory_space<vmem>>, vector<16xf32>,
    tpu.vector_store %arg9[%swap3A_175], %broadcast_in_dim3A_8 {strides = array<i32>} : memref<256xf32, #tpu.memory_space<vmem>>, vector<16xf32>,
    %swap3A_177 = arith.constant 160 : index
    %swap3A_178 = tpu.vector_load %arg10[%swap3A_177] {strides = array<i32>} : memref<256xf32, #tpu.memory_space<vmem>>, vector<16xf32>,
    tpu.vector_store %arg10[%swap3A_177], %broadcast_in_dim3A_8 {strides = array<i32>} : memref<256xf32, #tpu.memory_space<vmem>>, vector<16xf32>,
    %swap3A_179 = arith.constant 160 : index
    %swap3A_180 = tpu.vector_load %arg11[%swap3A_179] {strides = array<i32>} : memref<256xf32, #tpu.memory_space<vmem>>, vector<16xf32>,
    tpu.vector_store %arg11[%swap3A_179], %broadcast_in_dim3A_8 {strides = array<i32>} : memref<256xf32, #tpu.memory_space<vmem>>, vector<16xf32>,
    %swap3A_181 = arith.constant 160 : index
    %swap3A_182 = tpu.vector_load %arg12[%swap3A_181] {strides = array<i32>} : memref<256xf32, #tpu.memory_space<vmem>>, vector<16xf32>,
    tpu.vector_store %arg12[%swap3A_181], %broadcast_in_dim3A_8 {strides = array<i32>} : memref<256xf32, #tpu.memory_space<vmem>>, vector<16xf32>,
    %swap3A_183 = arith.constant 160 : index
    %swap3A_184 = tpu.vector_load %arg13[%swap3A_183] {strides = array<i32>} : memref<256xi32, #tpu.memory_space<vmem>>, vector<16xi32>,
    tpu.vector_store %arg13[%swap3A_183], %broadcast_in_dim3A_10 {strides = array<i32>} : memref<256xi32, #tpu.memory_space<vmem>>, vector<16xi32>,
    %swap3A_185 = arith.constant 160 : index
    %swap3A_186 = tpu.vector_load %arg14[%swap3A_185] {strides = array<i32>} : memref<256xi32, #tpu.memory_space<vmem>>, vector<16xi32>,
    tpu.vector_store %arg14[%swap3A_185], %broadcast_in_dim3A_10 {strides = array<i32>} : memref<256xi32, #tpu.memory_space<vmem>>, vector<16xi32>,
    %swap3A_187 = arith.constant 176 : index
    %swap3A_188 = tpu.vector_load %arg7[%swap3A_187] {strides = array<i32>} : memref<256xf32, #tpu.memory_space<vmem>>, vector<16xf32>,
    tpu.vector_store %arg7[%swap3A_187], %broadcast_in_dim3A_8 {strides = array<i32>} : memref<256xf32, #tpu.memory_space<vmem>>, vector<16xf32>,
    %swap3A_189 = arith.constant 176 : index
    %swap3A_190 = tpu.vector_load %arg8[%swap3A_189] {strides = array<i32>} : memref<256xf32, #tpu.memory_space<vmem>>, vector<16xf32>,
    tpu.vector_store %arg8[%swap3A_189], %broadcast_in_dim3A_8 {strides = array<i32>} : memref<256xf32, #tpu.memory_space<vmem>>, vector<16xf32>,
    %swap3A_191 = arith.constant 176 : index
    %swap3A_192 = tpu.vector_load %arg9[%swap3A_191] {strides = array<i32>} : memref<256xf32, #tpu.memory_space<vmem>>, vector<16xf32>,
    tpu.vector_store %arg9[%swap3A_191], %broadcast_in_dim3A_8 {strides = array<i32>} : memref<256xf32, #tpu.memory_space<vmem>>, vector<16xf32>,
    %swap3A_193 = arith.constant 176 : index
    %swap3A_194 = tpu.vector_load %arg10[%swap3A_193] {strides = array<i32>} : memref<256xf32, #tpu.memory_space<vmem>>, vector<16xf32>,
    tpu.vector_store %arg10[%swap3A_193], %broadcast_in_dim3A_8 {strides = array<i32>} : memref<256xf32, #tpu.memory_space<vmem>>, vector<16xf32>,
    %swap3A_195 = arith.constant 176 : index
    %swap3A_196 = tpu.vector_load %arg11[%swap3A_195] {strides = array<i32>} : memref<256xf32, #tpu.memory_space<vmem>>, vector<16xf32>,
    tpu.vector_store %arg11[%swap3A_195], %broadcast_in_dim3A_8 {strides = array<i32>} : memref<256xf32, #tpu.memory_space<vmem>>, vector<16xf32>,
    %swap3A_197 = arith.constant 176 : index
    %swap3A_198 = tpu.vector_load %arg12[%swap3A_197] {strides = array<i32>} : memref<256xf32, #tpu.memory_space<vmem>>, vector<16xf32>,
    tpu.vector_store %arg12[%swap3A_197], %broadcast_in_dim3A_8 {strides = array<i32>} : memref<256xf32, #tpu.memory_space<vmem>>, vector<16xf32>,
    %swap3A_199 = arith.constant 176 : index
    %swap3A_200 = tpu.vector_load %arg13[%swap3A_199] {strides = array<i32>} : memref<256xi32, #tpu.memory_space<vmem>>, vector<16xi32>,
    tpu.vector_store %arg13[%swap3A_199], %broadcast_in_dim3A_10 {strides = array<i32>} : memref<256xi32, #tpu.memory_space<vmem>>, vector<16xi32>,
    %swap3A_201 = arith.constant 176 : index
    %swap3A_202 = tpu.vector_load %arg14[%swap3A_201] {strides = array<i32>} : memref<256xi32, #tpu.memory_space<vmem>>, vector<16xi32>,
    tpu.vector_store %arg14[%swap3A_201], %broadcast_in_dim3A_10 {strides = array<i32>} : memref<256xi32, #tpu.memory_space<vmem>>, vector<16xi32>,
    %swap3A_203 = arith.constant 192 : index
    %swap3A_204 = tpu.vector_load %arg7[%swap3A_203] {strides = array<i32>} : memref<256xf32, #tpu.memory_space<vmem>>, vector<16xf32>,
    tpu.vector_store %arg7[%swap3A_203], %broadcast_in_dim3A_8 {strides = array<i32>} : memref<256xf32, #tpu.memory_space<vmem>>, vector<16xf32>,
    %swap3A_205 = arith.constant 192 : index
    %swap3A_206 = tpu.vector_load %arg8[%swap3A_205] {strides = array<i32>} : memref<256xf32, #tpu.memory_space<vmem>>, vector<16xf32>,
    tpu.vector_store %arg8[%swap3A_205], %broadcast_in_dim3A_8 {strides = array<i32>} : memref<256xf32, #tpu.memory_space<vmem>>, vector<16xf32>,
    %swap3A_207 = arith.constant 192 : index
    %swap3A_208 = tpu.vector_load %arg9[%swap3A_207] {strides = array<i32>} : memref<256xf32, #tpu.memory_space<vmem>>, vector<16xf32>,
    tpu.vector_store %arg9[%swap3A_207], %broadcast_in_dim3A_8 {strides = array<i32>} : memref<256xf32, #tpu.memory_space<vmem>>, vector<16xf32>,
    %swap3A_209 = arith.constant 192 : index
    %swap3A_210 = tpu.vector_load %arg10[%swap3A_209] {strides = array<i32>} : memref<256xf32, #tpu.memory_space<vmem>>, vector<16xf32>,
    tpu.vector_store %arg10[%swap3A_209], %broadcast_in_dim3A_8 {strides = array<i32>} : memref<256xf32, #tpu.memory_space<vmem>>, vector<16xf32>,
    %swap3A_211 = arith.constant 192 : index
    %swap3A_212 = tpu.vector_load %arg11[%swap3A_211] {strides = array<i32>} : memref<256xf32, #tpu.memory_space<vmem>>, vector<16xf32>,
    tpu.vector_store %arg11[%swap3A_211], %broadcast_in_dim3A_8 {strides = array<i32>} : memref<256xf32, #tpu.memory_space<vmem>>, vector<16xf32>,
    %swap3A_213 = arith.constant 192 : index
    %swap3A_214 = tpu.vector_load %arg12[%swap3A_213] {strides = array<i32>} : memref<256xf32, #tpu.memory_space<vmem>>, vector<16xf32>,
    tpu.vector_store %arg12[%swap3A_213], %broadcast_in_dim3A_8 {strides = array<i32>} : memref<256xf32, #tpu.memory_space<vmem>>, vector<16xf32>,
    %swap3A_215 = arith.constant 192 : index
    %swap3A_216 = tpu.vector_load %arg13[%swap3A_215] {strides = array<i32>} : memref<256xi32, #tpu.memory_space<vmem>>, vector<16xi32>,
    tpu.vector_store %arg13[%swap3A_215], %broadcast_in_dim3A_10 {strides = array<i32>} : memref<256xi32, #tpu.memory_space<vmem>>, vector<16xi32>,
    %swap3A_217 = arith.constant 192 : index
    %swap3A_218 = tpu.vector_load %arg14[%swap3A_217] {strides = array<i32>} : memref<256xi32, #tpu.memory_space<vmem>>, vector<16xi32>,
    tpu.vector_store %arg14[%swap3A_217], %broadcast_in_dim3A_10 {strides = array<i32>} : memref<256xi32, #tpu.memory_space<vmem>>, vector<16xi32>,
    %swap3A_219 = arith.constant 208 : index
    %swap3A_220 = tpu.vector_load %arg7[%swap3A_219] {strides = array<i32>} : memref<256xf32, #tpu.memory_space<vmem>>, vector<16xf32>,
    tpu.vector_store %arg7[%swap3A_219], %broadcast_in_dim3A_8 {strides = array<i32>} : memref<256xf32, #tpu.memory_space<vmem>>, vector<16xf32>,
    %swap3A_221 = arith.constant 208 : index
    %swap3A_222 = tpu.vector_load %arg8[%swap3A_221] {strides = array<i32>} : memref<256xf32, #tpu.memory_space<vmem>>, vector<16xf32>,
    tpu.vector_store %arg8[%swap3A_221], %broadcast_in_dim3A_8 {strides = array<i32>} : memref<256xf32, #tpu.memory_space<vmem>>, vector<16xf32>,
    %swap3A_223 = arith.constant 208 : index
    %swap3A_224 = tpu.vector_load %arg9[%swap3A_223] {strides = array<i32>} : memref<256xf32, #tpu.memory_space<vmem>>, vector<16xf32>,
    tpu.vector_store %arg9[%swap3A_223], %broadcast_in_dim3A_8 {strides = array<i32>} : memref<256xf32, #tpu.memory_space<vmem>>, vector<16xf32>,
    %swap3A_225 = arith.constant 208 : index
    %swap3A_226 = tpu.vector_load %arg10[%swap3A_225] {strides = array<i32>} : memref<256xf32, #tpu.memory_space<vmem>>, vector<16xf32>,
    tpu.vector_store %arg10[%swap3A_225], %broadcast_in_dim3A_8 {strides = array<i32>} : memref<256xf32, #tpu.memory_space<vmem>>, vector<16xf32>,
    %swap3A_227 = arith.constant 208 : index
    %swap3A_228 = tpu.vector_load %arg11[%swap3A_227] {strides = array<i32>} : memref<256xf32, #tpu.memory_space<vmem>>, vector<16xf32>,
    tpu.vector_store %arg11[%swap3A_227], %broadcast_in_dim3A_8 {strides = array<i32>} : memref<256xf32, #tpu.memory_space<vmem>>, vector<16xf32>,
    %swap3A_229 = arith.constant 208 : index
    %swap3A_230 = tpu.vector_load %arg12[%swap3A_229] {strides = array<i32>} : memref<256xf32, #tpu.memory_space<vmem>>, vector<16xf32>,
    tpu.vector_store %arg12[%swap3A_229], %broadcast_in_dim3A_8 {strides = array<i32>} : memref<256xf32, #tpu.memory_space<vmem>>, vector<16xf32>,
    %swap3A_231 = arith.constant 208 : index
    %swap3A_232 = tpu.vector_load %arg13[%swap3A_231] {strides = array<i32>} : memref<256xi32, #tpu.memory_space<vmem>>, vector<16xi32>,
    tpu.vector_store %arg13[%swap3A_231], %broadcast_in_dim3A_10 {strides = array<i32>} : memref<256xi32, #tpu.memory_space<vmem>>, vector<16xi32>,
    %swap3A_233 = arith.constant 208 : index
    %swap3A_234 = tpu.vector_load %arg14[%swap3A_233] {strides = array<i32>} : memref<256xi32, #tpu.memory_space<vmem>>, vector<16xi32>,
    tpu.vector_store %arg14[%swap3A_233], %broadcast_in_dim3A_10 {strides = array<i32>} : memref<256xi32, #tpu.memory_space<vmem>>, vector<16xi32>,
    %swap3A_235 = arith.constant 224 : index
    %swap3A_236 = tpu.vector_load %arg7[%swap3A_235] {strides = array<i32>} : memref<256xf32, #tpu.memory_space<vmem>>, vector<16xf32>,
    tpu.vector_store %arg7[%swap3A_235], %broadcast_in_dim3A_8 {strides = array<i32>} : memref<256xf32, #tpu.memory_space<vmem>>, vector<16xf32>,
    %swap3A_237 = arith.constant 224 : index
    %swap3A_238 = tpu.vector_load %arg8[%swap3A_237] {strides = array<i32>} : memref<256xf32, #tpu.memory_space<vmem>>, vector<16xf32>,
    tpu.vector_store %arg8[%swap3A_237], %broadcast_in_dim3A_8 {strides = array<i32>} : memref<256xf32, #tpu.memory_space<vmem>>, vector<16xf32>,
    %swap3A_239 = arith.constant 224 : index
    %swap3A_240 = tpu.vector_load %arg9[%swap3A_239] {strides = array<i32>} : memref<256xf32, #tpu.memory_space<vmem>>, vector<16xf32>,
    tpu.vector_store %arg9[%swap3A_239], %broadcast_in_dim3A_8 {strides = array<i32>} : memref<256xf32, #tpu.memory_space<vmem>>, vector<16xf32>,
    %swap3A_241 = arith.constant 224 : index
    %swap3A_242 = tpu.vector_load %arg10[%swap3A_241] {strides = array<i32>} : memref<256xf32, #tpu.memory_space<vmem>>, vector<16xf32>,
    tpu.vector_store %arg10[%swap3A_241], %broadcast_in_dim3A_8 {strides = array<i32>} : memref<256xf32, #tpu.memory_space<vmem>>, vector<16xf32>,
    %swap3A_243 = arith.constant 224 : index
    %swap3A_244 = tpu.vector_load %arg11[%swap3A_243] {strides = array<i32>} : memref<256xf32, #tpu.memory_space<vmem>>, vector<16xf32>,
    tpu.vector_store %arg11[%swap3A_243], %broadcast_in_dim3A_8 {strides = array<i32>} : memref<256xf32, #tpu.memory_space<vmem>>, vector<16xf32>,
    %swap3A_245 = arith.constant 224 : index
    %swap3A_246 = tpu.vector_load %arg12[%swap3A_245] {strides = array<i32>} : memref<256xf32, #tpu.memory_space<vmem>>, vector<16xf32>,
    tpu.vector_store %arg12[%swap3A_245], %broadcast_in_dim3A_8 {strides = array<i32>} : memref<256xf32, #tpu.memory_space<vmem>>, vector<16xf32>,
    %swap3A_247 = arith.constant 224 : index
    %swap3A_248 = tpu.vector_load %arg13[%swap3A_247] {strides = array<i32>} : memref<256xi32, #tpu.memory_space<vmem>>, vector<16xi32>,
    tpu.vector_store %arg13[%swap3A_247], %broadcast_in_dim3A_10 {strides = array<i32>} : memref<256xi32, #tpu.memory_space<vmem>>, vector<16xi32>,
    %swap3A_249 = arith.constant 224 : index
    %swap3A_250 = tpu.vector_load %arg14[%swap3A_249] {strides = array<i32>} : memref<256xi32, #tpu.memory_space<vmem>>, vector<16xi32>,
    tpu.vector_store %arg14[%swap3A_249], %broadcast_in_dim3A_10 {strides = array<i32>} : memref<256xi32, #tpu.memory_space<vmem>>, vector<16xi32>,
    %swap3A_251 = arith.constant 240 : index
    %swap3A_252 = tpu.vector_load %arg7[%swap3A_251] {strides = array<i32>} : memref<256xf32, #tpu.memory_space<vmem>>, vector<16xf32>,
    tpu.vector_store %arg7[%swap3A_251], %broadcast_in_dim3A_8 {strides = array<i32>} : memref<256xf32, #tpu.memory_space<vmem>>, vector<16xf32>,
    %swap3A_253 = arith.constant 240 : index
    %swap3A_254 = tpu.vector_load %arg8[%swap3A_253] {strides = array<i32>} : memref<256xf32, #tpu.memory_space<vmem>>, vector<16xf32>,
    tpu.vector_store %arg8[%swap3A_253], %broadcast_in_dim3A_8 {strides = array<i32>} : memref<256xf32, #tpu.memory_space<vmem>>, vector<16xf32>,
    %swap3A_255 = arith.constant 240 : index
    %swap3A_256 = tpu.vector_load %arg9[%swap3A_255] {strides = array<i32>} : memref<256xf32, #tpu.memory_space<vmem>>, vector<16xf32>,
    tpu.vector_store %arg9[%swap3A_255], %broadcast_in_dim3A_8 {strides = array<i32>} : memref<256xf32, #tpu.memory_space<vmem>>, vector<16xf32>,
    %swap3A_257 = arith.constant 240 : index
    %swap3A_258 = tpu.vector_load %arg10[%swap3A_257] {strides = array<i32>} : memref<256xf32, #tpu.memory_space<vmem>>, vector<16xf32>,
    tpu.vector_store %arg10[%swap3A_257], %broadcast_in_dim3A_8 {strides = array<i32>} : memref<256xf32, #tpu.memory_space<vmem>>, vector<16xf32>,
    %swap3A_259 = arith.constant 240 : index
    %swap3A_260 = tpu.vector_load %arg11[%swap3A_259] {strides = array<i32>} : memref<256xf32, #tpu.memory_space<vmem>>, vector<16xf32>,
    tpu.vector_store %arg11[%swap3A_259], %broadcast_in_dim3A_8 {strides = array<i32>} : memref<256xf32, #tpu.memory_space<vmem>>, vector<16xf32>,
    %swap3A_261 = arith.constant 240 : index
    %swap3A_262 = tpu.vector_load %arg12[%swap3A_261] {strides = array<i32>} : memref<256xf32, #tpu.memory_space<vmem>>, vector<16xf32>,
    tpu.vector_store %arg12[%swap3A_261], %broadcast_in_dim3A_8 {strides = array<i32>} : memref<256xf32, #tpu.memory_space<vmem>>, vector<16xf32>,
    %swap3A_263 = arith.constant 240 : index
    %swap3A_264 = tpu.vector_load %arg13[%swap3A_263] {strides = array<i32>} : memref<256xi32, #tpu.memory_space<vmem>>, vector<16xi32>,
    tpu.vector_store %arg13[%swap3A_263], %broadcast_in_dim3A_10 {strides = array<i32>} : memref<256xi32, #tpu.memory_space<vmem>>, vector<16xi32>,
    %swap3A_265 = arith.constant 240 : index
    %swap3A_266 = tpu.vector_load %arg14[%swap3A_265] {strides = array<i32>} : memref<256xi32, #tpu.memory_space<vmem>>, vector<16xi32>,
    tpu.vector_store %arg14[%swap3A_265], %broadcast_in_dim3A_10 {strides = array<i32>} : memref<256xi32, #tpu.memory_space<vmem>>, vector<16xi32>,
    %iota3A = tpu.iota {dimensions = array<i32: 0>} : vector<16xi32>
    %mul3A_267 = arith.constant 3 : i32
    %mul3A_268 = vector.broadcast %mul3A_267 : i32 to vector<16xi32>
    %mul3A_269 = arith.muli %iota3A, %mul3A_268 : vector<16xi32>
    %scan3A = arith.constant 0.000000e+00 : f32
    %scan3A_270 = arith.constant 0.000000e+00 : f32
    %scan3A_271 = arith.constant 0.000000e+00 : f32
    %scan3A_272 = arith.constant 0 : i32
    %scan3A_273 = arith.constant 196 : i32
    %scan3A_274 = arith.addi %scan3A_272, %scan3A_273 : i32
    %scan3A_275 = arith.constant 4 : i32
    %scan3A_276:3 = scf.for %scan3A_1486 = %scan3A_272 to %scan3A_274 step %scan3A_275 iter_args(%scan3A_1487 = %scan3A, %scan3A_1488 = %scan3A_270, %scan3A_1489 = %scan3A_271) -> (f32, f32, f32)  : i32 {
      %mul3A_1490 = arith.constant 16 : i32
      %mul3A_1491 = arith.muli %scan3A_1486, %mul3A_1490 : i32
      %get3A_1492 = arith.index_cast %mul3A_1491 : i32 to index
      %get3A_1493 = tpu.vector_load %arg5[%get3A_1492] {strides = array<i32>} : memref<3152xi32, #tpu.memory_space<vmem>>, vector<16xi32>,
      %add3A_1494 = arith.constant 1 : i32
      %add3A_1495 = arith.addi %mul3A_1491, %add3A_1494 : i32
      %add3A_1496 = vector.broadcast %add3A_1495 : i32 to vector<16xi32>
      %add3A_1497 = arith.addi %iota3A, %add3A_1496 : vector<16xi32>
      %gather3A = tpu.vector_load_idx %arg5[%add3A_1497] : memref<3152xi32, #tpu.memory_space<vmem>>[vector<16xi32>], vector<16xi32>,
      %mul3A_1498 = arith.constant 3 : i32
      %mul3A_1499 = arith.muli %mul3A_1491, %mul3A_1498 : i32
      %add3A_1500 = vector.broadcast %mul3A_1499 : i32 to vector<16xi32>
      %add3A_1501 = arith.addi %mul3A_269, %add3A_1500 : vector<16xi32>
      %gather3A_1502 = tpu.vector_load_idx %arg6[%add3A_1501] : memref<9408xf32, #tpu.memory_space<vmem>>[vector<16xi32>], vector<16xf32>,
      %mul3A_1503 = arith.constant 3 : i32
      %mul3A_1504 = arith.muli %mul3A_1491, %mul3A_1503 : i32
      %add3A_1505 = arith.constant 1 : i32
      %add3A_1506 = arith.addi %mul3A_1504, %add3A_1505 : i32
      %add3A_1507 = vector.broadcast %add3A_1506 : i32 to vector<16xi32>
      %add3A_1508 = arith.addi %mul3A_269, %add3A_1507 : vector<16xi32>
      %gather3A_1509 = tpu.vector_load_idx %arg6[%add3A_1508] : memref<9408xf32, #tpu.memory_space<vmem>>[vector<16xi32>], vector<16xf32>,
      %mul3A_1510 = arith.constant 3 : i32
      %mul3A_1511 = arith.muli %mul3A_1491, %mul3A_1510 : i32
      %add3A_1512 = arith.constant 2 : i32
      %add3A_1513 = arith.addi %mul3A_1511, %add3A_1512 : i32
      %add3A_1514 = vector.broadcast %add3A_1513 : i32 to vector<16xi32>
      %add3A_1515 = arith.addi %mul3A_269, %add3A_1514 : vector<16xi32>
      %gather3A_1516 = tpu.vector_load_idx %arg6[%add3A_1515] : memref<9408xf32, #tpu.memory_space<vmem>>[vector<16xi32>], vector<16xf32>,
      %broadcast_in_dim3A_1517 = arith.constant true
      %broadcast_in_dim3A_1518 = vector.broadcast %broadcast_in_dim3A_1517 : i1 to vector<16xi1>
      %masked_cumsum3A = tpu.scan <sum>, %gather3A_1502 masked %broadcast_in_dim3A_1518 : vector<16xf32>, vector<16xi1> -> vector<16xf32>
      %add3A_1519 = vector.broadcast %scan3A_1487 : f32 to vector<16xf32>
      %add3A_1520 = arith.addf %masked_cumsum3A, %add3A_1519 : vector<16xf32>
      %broadcast_in_dim3A_1521 = arith.constant true
      %broadcast_in_dim3A_1522 = vector.broadcast %broadcast_in_dim3A_1521 : i1 to vector<16xi1>
      %masked_cumsum3A_1523 = tpu.scan <sum>, %gather3A_1509 masked %broadcast_in_dim3A_1522 : vector<16xf32>, vector<16xi1> -> vector<16xf32>
      %add3A_1524 = vector.broadcast %scan3A_1488 : f32 to vector<16xf32>
      %add3A_1525 = arith.addf %masked_cumsum3A_1523, %add3A_1524 : vector<16xf32>
      %broadcast_in_dim3A_1526 = arith.constant true
      %broadcast_in_dim3A_1527 = vector.broadcast %broadcast_in_dim3A_1526 : i1 to vector<16xi1>
      %masked_cumsum3A_1528 = tpu.scan <sum>, %gather3A_1516 masked %broadcast_in_dim3A_1527 : vector<16xf32>, vector<16xi1> -> vector<16xf32>
      %add3A_1529 = vector.broadcast %scan3A_1489 : f32 to vector<16xf32>
      %add3A_1530 = arith.addf %masked_cumsum3A_1528, %add3A_1529 : vector<16xf32>
      %add3A_1531 = vector.broadcast %mul3A_1491 : i32 to vector<16xi32>
      %add3A_1532 = arith.addi %add3A_1531, %iota3A : vector<16xi32>
      %add3A_1533 = arith.constant 1 : i32
      %add3A_1534 = vector.broadcast %add3A_1533 : i32 to vector<16xi32>
      %add3A_1535 = arith.addi %add3A_1532, %add3A_1534 : vector<16xi32>
      %ne3A = arith.cmpi ne, %get3A_1493, %gather3A : vector<16xi32>
      %lt3A = arith.constant 256 : i32
      %lt3A_1536 = vector.broadcast %lt3A : i32 to vector<16xi32>
      %lt3A_1537 = arith.cmpi slt, %get3A_1493, %lt3A_1536 : vector<16xi32>
      %and3A = arith.andi %ne3A, %lt3A_1537 : vector<16xi1>
      %min3A = arith.constant 255 : i32
      %min3A_1538 = vector.broadcast %min3A : i32 to vector<16xi32>
      %min3A_1539 = arith.minsi %get3A_1493, %min3A_1538 : vector<16xi32>
      %lt3A_1540 = arith.constant 256 : i32
      %lt3A_1541 = vector.broadcast %lt3A_1540 : i32 to vector<16xi32>
      %lt3A_1542 = arith.cmpi slt, %gather3A, %lt3A_1541 : vector<16xi32>
      %and3A_1543 = arith.andi %ne3A, %lt3A_1542 : vector<16xi1>
      %min3A_1544 = arith.constant 255 : i32
      %min3A_1545 = vector.broadcast %min3A_1544 : i32 to vector<16xi32>
      %min3A_1546 = arith.minsi %gather3A, %min3A_1545 : vector<16xi32>
      tpu.vector_store_idx %arg7[%min3A_1539], %add3A_1520 masked %and3A : memref<256xf32, #tpu.memory_space<vmem>>[vector<16xi32>], vector<16xf32>, vector<16xi1>
      tpu.vector_store_idx %arg8[%min3A_1539], %add3A_1525 masked %and3A : memref<256xf32, #tpu.memory_space<vmem>>[vector<16xi32>], vector<16xf32>, vector<16xi1>
      tpu.vector_store_idx %arg9[%min3A_1539], %add3A_1530 masked %and3A : memref<256xf32, #tpu.memory_space<vmem>>[vector<16xi32>], vector<16xf32>, vector<16xi1>
      tpu.vector_store_idx %arg13[%min3A_1539], %add3A_1535 masked %and3A : memref<256xi32, #tpu.memory_space<vmem>>[vector<16xi32>], vector<16xi32>, vector<16xi1>
      tpu.vector_store_idx %arg10[%min3A_1546], %add3A_1520 masked %and3A_1543 : memref<256xf32, #tpu.memory_space<vmem>>[vector<16xi32>], vector<16xf32>, vector<16xi1>
      tpu.vector_store_idx %arg11[%min3A_1546], %add3A_1525 masked %and3A_1543 : memref<256xf32, #tpu.memory_space<vmem>>[vector<16xi32>], vector<16xf32>, vector<16xi1>
      tpu.vector_store_idx %arg12[%min3A_1546], %add3A_1530 masked %and3A_1543 : memref<256xf32, #tpu.memory_space<vmem>>[vector<16xi32>], vector<16xf32>, vector<16xi1>
      tpu.vector_store_idx %arg14[%min3A_1546], %add3A_1535 masked %and3A_1543 : memref<256xi32, #tpu.memory_space<vmem>>[vector<16xi32>], vector<16xi32>, vector<16xi1>
      %reduce_sum3A = arith.constant true
      %reduce_sum3A_1547 = vector.broadcast %reduce_sum3A : i1 to vector<16xi1>
      %reduce_sum3A_1548 = tpu.scan <sum>, %gather3A_1502 masked %reduce_sum3A_1547 : vector<16xf32>, vector<16xi1> -> vector<16xf32>
      %reduce_sum3A_1549 = vector.extract %reduce_sum3A_1548[15] : f32 from vector<16xf32>
      %add3A_1550 = arith.addf %scan3A_1487, %reduce_sum3A_1549 : f32
      %reduce_sum3A_1551 = arith.constant true
      %reduce_sum3A_1552 = vector.broadcast %reduce_sum3A_1551 : i1 to vector<16xi1>
      %reduce_sum3A_1553 = tpu.scan <sum>, %gather3A_1509 masked %reduce_sum3A_1552 : vector<16xf32>, vector<16xi1> -> vector<16xf32>
      %reduce_sum3A_1554 = vector.extract %reduce_sum3A_1553[15] : f32 from vector<16xf32>
      %add3A_1555 = arith.addf %scan3A_1488, %reduce_sum3A_1554 : f32
      %reduce_sum3A_1556 = arith.constant true
      %reduce_sum3A_1557 = vector.broadcast %reduce_sum3A_1556 : i1 to vector<16xi1>
      %reduce_sum3A_1558 = tpu.scan <sum>, %gather3A_1516 masked %reduce_sum3A_1557 : vector<16xf32>, vector<16xi1> -> vector<16xf32>
      %reduce_sum3A_1559 = vector.extract %reduce_sum3A_1558[15] : f32 from vector<16xf32>
      %add3A_1560 = arith.addf %scan3A_1489, %reduce_sum3A_1559 : f32
      %scan3A_1561 = arith.constant 1 : i32
      %scan3A_1562 = arith.addi %scan3A_1486, %scan3A_1561 : i32
      %mul3A_1563 = arith.constant 16 : i32
      %mul3A_1564 = arith.muli %scan3A_1562, %mul3A_1563 : i32
      %get3A_1565 = arith.index_cast %mul3A_1564 : i32 to index
      %get3A_1566 = tpu.vector_load %arg5[%get3A_1565] {strides = array<i32>} : memref<3152xi32, #tpu.memory_space<vmem>>, vector<16xi32>,
      %add3A_1567 = arith.constant 1 : i32
      %add3A_1568 = arith.addi %mul3A_1564, %add3A_1567 : i32
      %add3A_1569 = vector.broadcast %add3A_1568 : i32 to vector<16xi32>
      %add3A_1570 = arith.addi %iota3A, %add3A_1569 : vector<16xi32>
      %gather3A_1571 = tpu.vector_load_idx %arg5[%add3A_1570] : memref<3152xi32, #tpu.memory_space<vmem>>[vector<16xi32>], vector<16xi32>,
      %mul3A_1572 = arith.constant 3 : i32
      %mul3A_1573 = arith.muli %mul3A_1564, %mul3A_1572 : i32
      %add3A_1574 = vector.broadcast %mul3A_1573 : i32 to vector<16xi32>
      %add3A_1575 = arith.addi %mul3A_269, %add3A_1574 : vector<16xi32>
      %gather3A_1576 = tpu.vector_load_idx %arg6[%add3A_1575] : memref<9408xf32, #tpu.memory_space<vmem>>[vector<16xi32>], vector<16xf32>,
      %mul3A_1577 = arith.constant 3 : i32
      %mul3A_1578 = arith.muli %mul3A_1564, %mul3A_1577 : i32
      %add3A_1579 = arith.constant 1 : i32
      %add3A_1580 = arith.addi %mul3A_1578, %add3A_1579 : i32
      %add3A_1581 = vector.broadcast %add3A_1580 : i32 to vector<16xi32>
      %add3A_1582 = arith.addi %mul3A_269, %add3A_1581 : vector<16xi32>
      %gather3A_1583 = tpu.vector_load_idx %arg6[%add3A_1582] : memref<9408xf32, #tpu.memory_space<vmem>>[vector<16xi32>], vector<16xf32>,
      %mul3A_1584 = arith.constant 3 : i32
      %mul3A_1585 = arith.muli %mul3A_1564, %mul3A_1584 : i32
      %add3A_1586 = arith.constant 2 : i32
      %add3A_1587 = arith.addi %mul3A_1585, %add3A_1586 : i32
      %add3A_1588 = vector.broadcast %add3A_1587 : i32 to vector<16xi32>
      %add3A_1589 = arith.addi %mul3A_269, %add3A_1588 : vector<16xi32>
      %gather3A_1590 = tpu.vector_load_idx %arg6[%add3A_1589] : memref<9408xf32, #tpu.memory_space<vmem>>[vector<16xi32>], vector<16xf32>,
      %broadcast_in_dim3A_1591 = arith.constant true
      %broadcast_in_dim3A_1592 = vector.broadcast %broadcast_in_dim3A_1591 : i1 to vector<16xi1>
      %masked_cumsum3A_1593 = tpu.scan <sum>, %gather3A_1576 masked %broadcast_in_dim3A_1592 : vector<16xf32>, vector<16xi1> -> vector<16xf32>
      %add3A_1594 = vector.broadcast %add3A_1550 : f32 to vector<16xf32>
      %add3A_1595 = arith.addf %masked_cumsum3A_1593, %add3A_1594 : vector<16xf32>
      %broadcast_in_dim3A_1596 = arith.constant true
      %broadcast_in_dim3A_1597 = vector.broadcast %broadcast_in_dim3A_1596 : i1 to vector<16xi1>
      %masked_cumsum3A_1598 = tpu.scan <sum>, %gather3A_1583 masked %broadcast_in_dim3A_1597 : vector<16xf32>, vector<16xi1> -> vector<16xf32>
      %add3A_1599 = vector.broadcast %add3A_1555 : f32 to vector<16xf32>
      %add3A_1600 = arith.addf %masked_cumsum3A_1598, %add3A_1599 : vector<16xf32>
      %broadcast_in_dim3A_1601 = arith.constant true
      %broadcast_in_dim3A_1602 = vector.broadcast %broadcast_in_dim3A_1601 : i1 to vector<16xi1>
      %masked_cumsum3A_1603 = tpu.scan <sum>, %gather3A_1590 masked %broadcast_in_dim3A_1602 : vector<16xf32>, vector<16xi1> -> vector<16xf32>
      %add3A_1604 = vector.broadcast %add3A_1560 : f32 to vector<16xf32>
      %add3A_1605 = arith.addf %masked_cumsum3A_1603, %add3A_1604 : vector<16xf32>
      %add3A_1606 = vector.broadcast %mul3A_1564 : i32 to vector<16xi32>
      %add3A_1607 = arith.addi %add3A_1606, %iota3A : vector<16xi32>
      %add3A_1608 = arith.constant 1 : i32
      %add3A_1609 = vector.broadcast %add3A_1608 : i32 to vector<16xi32>
      %add3A_1610 = arith.addi %add3A_1607, %add3A_1609 : vector<16xi32>
      %ne3A_1611 = arith.cmpi ne, %get3A_1566, %gather3A_1571 : vector<16xi32>
      %lt3A_1612 = arith.constant 256 : i32
      %lt3A_1613 = vector.broadcast %lt3A_1612 : i32 to vector<16xi32>
      %lt3A_1614 = arith.cmpi slt, %get3A_1566, %lt3A_1613 : vector<16xi32>
      %and3A_1615 = arith.andi %ne3A_1611, %lt3A_1614 : vector<16xi1>
      %min3A_1616 = arith.constant 255 : i32
      %min3A_1617 = vector.broadcast %min3A_1616 : i32 to vector<16xi32>
      %min3A_1618 = arith.minsi %get3A_1566, %min3A_1617 : vector<16xi32>
      %lt3A_1619 = arith.constant 256 : i32
      %lt3A_1620 = vector.broadcast %lt3A_1619 : i32 to vector<16xi32>
      %lt3A_1621 = arith.cmpi slt, %gather3A_1571, %lt3A_1620 : vector<16xi32>
      %and3A_1622 = arith.andi %ne3A_1611, %lt3A_1621 : vector<16xi1>
      %min3A_1623 = arith.constant 255 : i32
      %min3A_1624 = vector.broadcast %min3A_1623 : i32 to vector<16xi32>
      %min3A_1625 = arith.minsi %gather3A_1571, %min3A_1624 : vector<16xi32>
      tpu.vector_store_idx %arg7[%min3A_1618], %add3A_1595 masked %and3A_1615 : memref<256xf32, #tpu.memory_space<vmem>>[vector<16xi32>], vector<16xf32>, vector<16xi1>
      tpu.vector_store_idx %arg8[%min3A_1618], %add3A_1600 masked %and3A_1615 : memref<256xf32, #tpu.memory_space<vmem>>[vector<16xi32>], vector<16xf32>, vector<16xi1>
      tpu.vector_store_idx %arg9[%min3A_1618], %add3A_1605 masked %and3A_1615 : memref<256xf32, #tpu.memory_space<vmem>>[vector<16xi32>], vector<16xf32>, vector<16xi1>
      tpu.vector_store_idx %arg13[%min3A_1618], %add3A_1610 masked %and3A_1615 : memref<256xi32, #tpu.memory_space<vmem>>[vector<16xi32>], vector<16xi32>, vector<16xi1>
      tpu.vector_store_idx %arg10[%min3A_1625], %add3A_1595 masked %and3A_1622 : memref<256xf32, #tpu.memory_space<vmem>>[vector<16xi32>], vector<16xf32>, vector<16xi1>
      tpu.vector_store_idx %arg11[%min3A_1625], %add3A_1600 masked %and3A_1622 : memref<256xf32, #tpu.memory_space<vmem>>[vector<16xi32>], vector<16xf32>, vector<16xi1>
      tpu.vector_store_idx %arg12[%min3A_1625], %add3A_1605 masked %and3A_1622 : memref<256xf32, #tpu.memory_space<vmem>>[vector<16xi32>], vector<16xf32>, vector<16xi1>
      tpu.vector_store_idx %arg14[%min3A_1625], %add3A_1610 masked %and3A_1622 : memref<256xi32, #tpu.memory_space<vmem>>[vector<16xi32>], vector<16xi32>, vector<16xi1>
      %reduce_sum3A_1626 = arith.constant true
      %reduce_sum3A_1627 = vector.broadcast %reduce_sum3A_1626 : i1 to vector<16xi1>
      %reduce_sum3A_1628 = tpu.scan <sum>, %gather3A_1576 masked %reduce_sum3A_1627 : vector<16xf32>, vector<16xi1> -> vector<16xf32>
      %reduce_sum3A_1629 = vector.extract %reduce_sum3A_1628[15] : f32 from vector<16xf32>
      %add3A_1630 = arith.addf %add3A_1550, %reduce_sum3A_1629 : f32
      %reduce_sum3A_1631 = arith.constant true
      %reduce_sum3A_1632 = vector.broadcast %reduce_sum3A_1631 : i1 to vector<16xi1>
      %reduce_sum3A_1633 = tpu.scan <sum>, %gather3A_1583 masked %reduce_sum3A_1632 : vector<16xf32>, vector<16xi1> -> vector<16xf32>
      %reduce_sum3A_1634 = vector.extract %reduce_sum3A_1633[15] : f32 from vector<16xf32>
      %add3A_1635 = arith.addf %add3A_1555, %reduce_sum3A_1634 : f32
      %reduce_sum3A_1636 = arith.constant true
      %reduce_sum3A_1637 = vector.broadcast %reduce_sum3A_1636 : i1 to vector<16xi1>
      %reduce_sum3A_1638 = tpu.scan <sum>, %gather3A_1590 masked %reduce_sum3A_1637 : vector<16xf32>, vector<16xi1> -> vector<16xf32>
      %reduce_sum3A_1639 = vector.extract %reduce_sum3A_1638[15] : f32 from vector<16xf32>
      %add3A_1640 = arith.addf %add3A_1560, %reduce_sum3A_1639 : f32
      %scan3A_1641 = arith.constant 2 : i32
      %scan3A_1642 = arith.addi %scan3A_1486, %scan3A_1641 : i32
      %mul3A_1643 = arith.constant 16 : i32
      %mul3A_1644 = arith.muli %scan3A_1642, %mul3A_1643 : i32
      %get3A_1645 = arith.index_cast %mul3A_1644 : i32 to index
      %get3A_1646 = tpu.vector_load %arg5[%get3A_1645] {strides = array<i32>} : memref<3152xi32, #tpu.memory_space<vmem>>, vector<16xi32>,
      %add3A_1647 = arith.constant 1 : i32
      %add3A_1648 = arith.addi %mul3A_1644, %add3A_1647 : i32
      %add3A_1649 = vector.broadcast %add3A_1648 : i32 to vector<16xi32>
      %add3A_1650 = arith.addi %iota3A, %add3A_1649 : vector<16xi32>
      %gather3A_1651 = tpu.vector_load_idx %arg5[%add3A_1650] : memref<3152xi32, #tpu.memory_space<vmem>>[vector<16xi32>], vector<16xi32>,
      %mul3A_1652 = arith.constant 3 : i32
      %mul3A_1653 = arith.muli %mul3A_1644, %mul3A_1652 : i32
      %add3A_1654 = vector.broadcast %mul3A_1653 : i32 to vector<16xi32>
      %add3A_1655 = arith.addi %mul3A_269, %add3A_1654 : vector<16xi32>
      %gather3A_1656 = tpu.vector_load_idx %arg6[%add3A_1655] : memref<9408xf32, #tpu.memory_space<vmem>>[vector<16xi32>], vector<16xf32>,
      %mul3A_1657 = arith.constant 3 : i32
      %mul3A_1658 = arith.muli %mul3A_1644, %mul3A_1657 : i32
      %add3A_1659 = arith.constant 1 : i32
      %add3A_1660 = arith.addi %mul3A_1658, %add3A_1659 : i32
      %add3A_1661 = vector.broadcast %add3A_1660 : i32 to vector<16xi32>
      %add3A_1662 = arith.addi %mul3A_269, %add3A_1661 : vector<16xi32>
      %gather3A_1663 = tpu.vector_load_idx %arg6[%add3A_1662] : memref<9408xf32, #tpu.memory_space<vmem>>[vector<16xi32>], vector<16xf32>,
      %mul3A_1664 = arith.constant 3 : i32
      %mul3A_1665 = arith.muli %mul3A_1644, %mul3A_1664 : i32
      %add3A_1666 = arith.constant 2 : i32
      %add3A_1667 = arith.addi %mul3A_1665, %add3A_1666 : i32
      %add3A_1668 = vector.broadcast %add3A_1667 : i32 to vector<16xi32>
      %add3A_1669 = arith.addi %mul3A_269, %add3A_1668 : vector<16xi32>
      %gather3A_1670 = tpu.vector_load_idx %arg6[%add3A_1669] : memref<9408xf32, #tpu.memory_space<vmem>>[vector<16xi32>], vector<16xf32>,
      %broadcast_in_dim3A_1671 = arith.constant true
      %broadcast_in_dim3A_1672 = vector.broadcast %broadcast_in_dim3A_1671 : i1 to vector<16xi1>
      %masked_cumsum3A_1673 = tpu.scan <sum>, %gather3A_1656 masked %broadcast_in_dim3A_1672 : vector<16xf32>, vector<16xi1> -> vector<16xf32>
      %add3A_1674 = vector.broadcast %add3A_1630 : f32 to vector<16xf32>
      %add3A_1675 = arith.addf %masked_cumsum3A_1673, %add3A_1674 : vector<16xf32>
      %broadcast_in_dim3A_1676 = arith.constant true
      %broadcast_in_dim3A_1677 = vector.broadcast %broadcast_in_dim3A_1676 : i1 to vector<16xi1>
      %masked_cumsum3A_1678 = tpu.scan <sum>, %gather3A_1663 masked %broadcast_in_dim3A_1677 : vector<16xf32>, vector<16xi1> -> vector<16xf32>
      %add3A_1679 = vector.broadcast %add3A_1635 : f32 to vector<16xf32>
      %add3A_1680 = arith.addf %masked_cumsum3A_1678, %add3A_1679 : vector<16xf32>
      %broadcast_in_dim3A_1681 = arith.constant true
      %broadcast_in_dim3A_1682 = vector.broadcast %broadcast_in_dim3A_1681 : i1 to vector<16xi1>
      %masked_cumsum3A_1683 = tpu.scan <sum>, %gather3A_1670 masked %broadcast_in_dim3A_1682 : vector<16xf32>, vector<16xi1> -> vector<16xf32>
      %add3A_1684 = vector.broadcast %add3A_1640 : f32 to vector<16xf32>
      %add3A_1685 = arith.addf %masked_cumsum3A_1683, %add3A_1684 : vector<16xf32>
      %add3A_1686 = vector.broadcast %mul3A_1644 : i32 to vector<16xi32>
      %add3A_1687 = arith.addi %add3A_1686, %iota3A : vector<16xi32>
      %add3A_1688 = arith.constant 1 : i32
      %add3A_1689 = vector.broadcast %add3A_1688 : i32 to vector<16xi32>
      %add3A_1690 = arith.addi %add3A_1687, %add3A_1689 : vector<16xi32>
      %ne3A_1691 = arith.cmpi ne, %get3A_1646, %gather3A_1651 : vector<16xi32>
      %lt3A_1692 = arith.constant 256 : i32
      %lt3A_1693 = vector.broadcast %lt3A_1692 : i32 to vector<16xi32>
      %lt3A_1694 = arith.cmpi slt, %get3A_1646, %lt3A_1693 : vector<16xi32>
      %and3A_1695 = arith.andi %ne3A_1691, %lt3A_1694 : vector<16xi1>
      %min3A_1696 = arith.constant 255 : i32
      %min3A_1697 = vector.broadcast %min3A_1696 : i32 to vector<16xi32>
      %min3A_1698 = arith.minsi %get3A_1646, %min3A_1697 : vector<16xi32>
      %lt3A_1699 = arith.constant 256 : i32
      %lt3A_1700 = vector.broadcast %lt3A_1699 : i32 to vector<16xi32>
      %lt3A_1701 = arith.cmpi slt, %gather3A_1651, %lt3A_1700 : vector<16xi32>
      %and3A_1702 = arith.andi %ne3A_1691, %lt3A_1701 : vector<16xi1>
      %min3A_1703 = arith.constant 255 : i32
      %min3A_1704 = vector.broadcast %min3A_1703 : i32 to vector<16xi32>
      %min3A_1705 = arith.minsi %gather3A_1651, %min3A_1704 : vector<16xi32>
      tpu.vector_store_idx %arg7[%min3A_1698], %add3A_1675 masked %and3A_1695 : memref<256xf32, #tpu.memory_space<vmem>>[vector<16xi32>], vector<16xf32>, vector<16xi1>
      tpu.vector_store_idx %arg8[%min3A_1698], %add3A_1680 masked %and3A_1695 : memref<256xf32, #tpu.memory_space<vmem>>[vector<16xi32>], vector<16xf32>, vector<16xi1>
      tpu.vector_store_idx %arg9[%min3A_1698], %add3A_1685 masked %and3A_1695 : memref<256xf32, #tpu.memory_space<vmem>>[vector<16xi32>], vector<16xf32>, vector<16xi1>
      tpu.vector_store_idx %arg13[%min3A_1698], %add3A_1690 masked %and3A_1695 : memref<256xi32, #tpu.memory_space<vmem>>[vector<16xi32>], vector<16xi32>, vector<16xi1>
      tpu.vector_store_idx %arg10[%min3A_1705], %add3A_1675 masked %and3A_1702 : memref<256xf32, #tpu.memory_space<vmem>>[vector<16xi32>], vector<16xf32>, vector<16xi1>
      tpu.vector_store_idx %arg11[%min3A_1705], %add3A_1680 masked %and3A_1702 : memref<256xf32, #tpu.memory_space<vmem>>[vector<16xi32>], vector<16xf32>, vector<16xi1>
      tpu.vector_store_idx %arg12[%min3A_1705], %add3A_1685 masked %and3A_1702 : memref<256xf32, #tpu.memory_space<vmem>>[vector<16xi32>], vector<16xf32>, vector<16xi1>
      tpu.vector_store_idx %arg14[%min3A_1705], %add3A_1690 masked %and3A_1702 : memref<256xi32, #tpu.memory_space<vmem>>[vector<16xi32>], vector<16xi32>, vector<16xi1>
      %reduce_sum3A_1706 = arith.constant true
      %reduce_sum3A_1707 = vector.broadcast %reduce_sum3A_1706 : i1 to vector<16xi1>
      %reduce_sum3A_1708 = tpu.scan <sum>, %gather3A_1656 masked %reduce_sum3A_1707 : vector<16xf32>, vector<16xi1> -> vector<16xf32>
      %reduce_sum3A_1709 = vector.extract %reduce_sum3A_1708[15] : f32 from vector<16xf32>
      %add3A_1710 = arith.addf %add3A_1630, %reduce_sum3A_1709 : f32
      %reduce_sum3A_1711 = arith.constant true
      %reduce_sum3A_1712 = vector.broadcast %reduce_sum3A_1711 : i1 to vector<16xi1>
      %reduce_sum3A_1713 = tpu.scan <sum>, %gather3A_1663 masked %reduce_sum3A_1712 : vector<16xf32>, vector<16xi1> -> vector<16xf32>
      %reduce_sum3A_1714 = vector.extract %reduce_sum3A_1713[15] : f32 from vector<16xf32>
      %add3A_1715 = arith.addf %add3A_1635, %reduce_sum3A_1714 : f32
      %reduce_sum3A_1716 = arith.constant true
      %reduce_sum3A_1717 = vector.broadcast %reduce_sum3A_1716 : i1 to vector<16xi1>
      %reduce_sum3A_1718 = tpu.scan <sum>, %gather3A_1670 masked %reduce_sum3A_1717 : vector<16xf32>, vector<16xi1> -> vector<16xf32>
      %reduce_sum3A_1719 = vector.extract %reduce_sum3A_1718[15] : f32 from vector<16xf32>
      %add3A_1720 = arith.addf %add3A_1640, %reduce_sum3A_1719 : f32
      %scan3A_1721 = arith.constant 3 : i32
      %scan3A_1722 = arith.addi %scan3A_1486, %scan3A_1721 : i32
      %mul3A_1723 = arith.constant 16 : i32
      %mul3A_1724 = arith.muli %scan3A_1722, %mul3A_1723 : i32
      %get3A_1725 = arith.index_cast %mul3A_1724 : i32 to index
      %get3A_1726 = tpu.vector_load %arg5[%get3A_1725] {strides = array<i32>} : memref<3152xi32, #tpu.memory_space<vmem>>, vector<16xi32>,
      %add3A_1727 = arith.constant 1 : i32
      %add3A_1728 = arith.addi %mul3A_1724, %add3A_1727 : i32
      %add3A_1729 = vector.broadcast %add3A_1728 : i32 to vector<16xi32>
      %add3A_1730 = arith.addi %iota3A, %add3A_1729 : vector<16xi32>
      %gather3A_1731 = tpu.vector_load_idx %arg5[%add3A_1730] : memref<3152xi32, #tpu.memory_space<vmem>>[vector<16xi32>], vector<16xi32>,
      %mul3A_1732 = arith.constant 3 : i32
      %mul3A_1733 = arith.muli %mul3A_1724, %mul3A_1732 : i32
      %add3A_1734 = vector.broadcast %mul3A_1733 : i32 to vector<16xi32>
      %add3A_1735 = arith.addi %mul3A_269, %add3A_1734 : vector<16xi32>
      %gather3A_1736 = tpu.vector_load_idx %arg6[%add3A_1735] : memref<9408xf32, #tpu.memory_space<vmem>>[vector<16xi32>], vector<16xf32>,
      %mul3A_1737 = arith.constant 3 : i32
      %mul3A_1738 = arith.muli %mul3A_1724, %mul3A_1737 : i32
      %add3A_1739 = arith.constant 1 : i32
      %add3A_1740 = arith.addi %mul3A_1738, %add3A_1739 : i32
      %add3A_1741 = vector.broadcast %add3A_1740 : i32 to vector<16xi32>
      %add3A_1742 = arith.addi %mul3A_269, %add3A_1741 : vector<16xi32>
      %gather3A_1743 = tpu.vector_load_idx %arg6[%add3A_1742] : memref<9408xf32, #tpu.memory_space<vmem>>[vector<16xi32>], vector<16xf32>,
      %mul3A_1744 = arith.constant 3 : i32
      %mul3A_1745 = arith.muli %mul3A_1724, %mul3A_1744 : i32
      %add3A_1746 = arith.constant 2 : i32
      %add3A_1747 = arith.addi %mul3A_1745, %add3A_1746 : i32
      %add3A_1748 = vector.broadcast %add3A_1747 : i32 to vector<16xi32>
      %add3A_1749 = arith.addi %mul3A_269, %add3A_1748 : vector<16xi32>
      %gather3A_1750 = tpu.vector_load_idx %arg6[%add3A_1749] : memref<9408xf32, #tpu.memory_space<vmem>>[vector<16xi32>], vector<16xf32>,
      %broadcast_in_dim3A_1751 = arith.constant true
      %broadcast_in_dim3A_1752 = vector.broadcast %broadcast_in_dim3A_1751 : i1 to vector<16xi1>
      %masked_cumsum3A_1753 = tpu.scan <sum>, %gather3A_1736 masked %broadcast_in_dim3A_1752 : vector<16xf32>, vector<16xi1> -> vector<16xf32>
      %add3A_1754 = vector.broadcast %add3A_1710 : f32 to vector<16xf32>
      %add3A_1755 = arith.addf %masked_cumsum3A_1753, %add3A_1754 : vector<16xf32>
      %broadcast_in_dim3A_1756 = arith.constant true
      %broadcast_in_dim3A_1757 = vector.broadcast %broadcast_in_dim3A_1756 : i1 to vector<16xi1>
      %masked_cumsum3A_1758 = tpu.scan <sum>, %gather3A_1743 masked %broadcast_in_dim3A_1757 : vector<16xf32>, vector<16xi1> -> vector<16xf32>
      %add3A_1759 = vector.broadcast %add3A_1715 : f32 to vector<16xf32>
      %add3A_1760 = arith.addf %masked_cumsum3A_1758, %add3A_1759 : vector<16xf32>
      %broadcast_in_dim3A_1761 = arith.constant true
      %broadcast_in_dim3A_1762 = vector.broadcast %broadcast_in_dim3A_1761 : i1 to vector<16xi1>
      %masked_cumsum3A_1763 = tpu.scan <sum>, %gather3A_1750 masked %broadcast_in_dim3A_1762 : vector<16xf32>, vector<16xi1> -> vector<16xf32>
      %add3A_1764 = vector.broadcast %add3A_1720 : f32 to vector<16xf32>
      %add3A_1765 = arith.addf %masked_cumsum3A_1763, %add3A_1764 : vector<16xf32>
      %add3A_1766 = vector.broadcast %mul3A_1724 : i32 to vector<16xi32>
      %add3A_1767 = arith.addi %add3A_1766, %iota3A : vector<16xi32>
      %add3A_1768 = arith.constant 1 : i32
      %add3A_1769 = vector.broadcast %add3A_1768 : i32 to vector<16xi32>
      %add3A_1770 = arith.addi %add3A_1767, %add3A_1769 : vector<16xi32>
      %ne3A_1771 = arith.cmpi ne, %get3A_1726, %gather3A_1731 : vector<16xi32>
      %lt3A_1772 = arith.constant 256 : i32
      %lt3A_1773 = vector.broadcast %lt3A_1772 : i32 to vector<16xi32>
      %lt3A_1774 = arith.cmpi slt, %get3A_1726, %lt3A_1773 : vector<16xi32>
      %and3A_1775 = arith.andi %ne3A_1771, %lt3A_1774 : vector<16xi1>
      %min3A_1776 = arith.constant 255 : i32
      %min3A_1777 = vector.broadcast %min3A_1776 : i32 to vector<16xi32>
      %min3A_1778 = arith.minsi %get3A_1726, %min3A_1777 : vector<16xi32>
      %lt3A_1779 = arith.constant 256 : i32
      %lt3A_1780 = vector.broadcast %lt3A_1779 : i32 to vector<16xi32>
      %lt3A_1781 = arith.cmpi slt, %gather3A_1731, %lt3A_1780 : vector<16xi32>
      %and3A_1782 = arith.andi %ne3A_1771, %lt3A_1781 : vector<16xi1>
      %min3A_1783 = arith.constant 255 : i32
      %min3A_1784 = vector.broadcast %min3A_1783 : i32 to vector<16xi32>
      %min3A_1785 = arith.minsi %gather3A_1731, %min3A_1784 : vector<16xi32>
      tpu.vector_store_idx %arg7[%min3A_1778], %add3A_1755 masked %and3A_1775 : memref<256xf32, #tpu.memory_space<vmem>>[vector<16xi32>], vector<16xf32>, vector<16xi1>
      tpu.vector_store_idx %arg8[%min3A_1778], %add3A_1760 masked %and3A_1775 : memref<256xf32, #tpu.memory_space<vmem>>[vector<16xi32>], vector<16xf32>, vector<16xi1>
      tpu.vector_store_idx %arg9[%min3A_1778], %add3A_1765 masked %and3A_1775 : memref<256xf32, #tpu.memory_space<vmem>>[vector<16xi32>], vector<16xf32>, vector<16xi1>
      tpu.vector_store_idx %arg13[%min3A_1778], %add3A_1770 masked %and3A_1775 : memref<256xi32, #tpu.memory_space<vmem>>[vector<16xi32>], vector<16xi32>, vector<16xi1>
      tpu.vector_store_idx %arg10[%min3A_1785], %add3A_1755 masked %and3A_1782 : memref<256xf32, #tpu.memory_space<vmem>>[vector<16xi32>], vector<16xf32>, vector<16xi1>
      tpu.vector_store_idx %arg11[%min3A_1785], %add3A_1760 masked %and3A_1782 : memref<256xf32, #tpu.memory_space<vmem>>[vector<16xi32>], vector<16xf32>, vector<16xi1>
      tpu.vector_store_idx %arg12[%min3A_1785], %add3A_1765 masked %and3A_1782 : memref<256xf32, #tpu.memory_space<vmem>>[vector<16xi32>], vector<16xf32>, vector<16xi1>
      tpu.vector_store_idx %arg14[%min3A_1785], %add3A_1770 masked %and3A_1782 : memref<256xi32, #tpu.memory_space<vmem>>[vector<16xi32>], vector<16xi32>, vector<16xi1>
      %reduce_sum3A_1786 = arith.constant true
      %reduce_sum3A_1787 = vector.broadcast %reduce_sum3A_1786 : i1 to vector<16xi1>
      %reduce_sum3A_1788 = tpu.scan <sum>, %gather3A_1736 masked %reduce_sum3A_1787 : vector<16xf32>, vector<16xi1> -> vector<16xf32>
      %reduce_sum3A_1789 = vector.extract %reduce_sum3A_1788[15] : f32 from vector<16xf32>
      %add3A_1790 = arith.addf %add3A_1710, %reduce_sum3A_1789 : f32
      %reduce_sum3A_1791 = arith.constant true
      %reduce_sum3A_1792 = vector.broadcast %reduce_sum3A_1791 : i1 to vector<16xi1>
      %reduce_sum3A_1793 = tpu.scan <sum>, %gather3A_1743 masked %reduce_sum3A_1792 : vector<16xf32>, vector<16xi1> -> vector<16xf32>
      %reduce_sum3A_1794 = vector.extract %reduce_sum3A_1793[15] : f32 from vector<16xf32>
      %add3A_1795 = arith.addf %add3A_1715, %reduce_sum3A_1794 : f32
      %reduce_sum3A_1796 = arith.constant true
      %reduce_sum3A_1797 = vector.broadcast %reduce_sum3A_1796 : i1 to vector<16xi1>
      %reduce_sum3A_1798 = tpu.scan <sum>, %gather3A_1750 masked %reduce_sum3A_1797 : vector<16xf32>, vector<16xi1> -> vector<16xf32>
      %reduce_sum3A_1799 = vector.extract %reduce_sum3A_1798[15] : f32 from vector<16xf32>
      %add3A_1800 = arith.addf %add3A_1720, %reduce_sum3A_1799 : f32
      scf.yield %add3A_1790, %add3A_1795, %add3A_1800 : f32, f32, f32
    }
    %scan3A_277 = arith.constant 196 : i32
    %get3A = arith.constant 0 : index
    %get3A_278 = tpu.vector_load %arg7[%get3A] {strides = array<i32>} : memref<256xf32, #tpu.memory_space<vmem>>, vector<16xf32>,
    %get3A_279 = arith.constant 0 : index
    %get3A_280 = tpu.vector_load %arg10[%get3A_279] {strides = array<i32>} : memref<256xf32, #tpu.memory_space<vmem>>, vector<16xf32>,
    %sub3A = arith.subf %get3A_278, %get3A_280 : vector<16xf32>
    %swap3A_281 = arith.constant 0 : i32
    %swap3A_282 = arith.constant 0 : i32
    %swap3A_283 = arith.index_cast %swap3A_281 : i32 to index
    %swap3A_284 = arith.index_cast %swap3A_282 : i32 to index
    %swap3A_285 = arith.constant 0 : index
    %swap3A_286 = tpu.vector_load %arg15[%swap3A_283, %swap3A_284, %swap3A_285] {strides = array<i32>} : memref<16x4x16xf32, #tpu.memory_space<vmem>>, vector<16xf32>,
    tpu.vector_store %arg15[%swap3A_283, %swap3A_284, %swap3A_285], %sub3A {strides = array<i32>} : memref<16x4x16xf32, #tpu.memory_space<vmem>>, vector<16xf32>,
    %get3A_287 = arith.constant 0 : index
    %get3A_288 = tpu.vector_load %arg8[%get3A_287] {strides = array<i32>} : memref<256xf32, #tpu.memory_space<vmem>>, vector<16xf32>,
    %get3A_289 = arith.constant 0 : index
    %get3A_290 = tpu.vector_load %arg11[%get3A_289] {strides = array<i32>} : memref<256xf32, #tpu.memory_space<vmem>>, vector<16xf32>,
    %sub3A_291 = arith.subf %get3A_288, %get3A_290 : vector<16xf32>
    %swap3A_292 = arith.constant 0 : i32
    %swap3A_293 = arith.constant 1 : i32
    %swap3A_294 = arith.index_cast %swap3A_292 : i32 to index
    %swap3A_295 = arith.index_cast %swap3A_293 : i32 to index
    %swap3A_296 = arith.constant 0 : index
    %swap3A_297 = tpu.vector_load %arg15[%swap3A_294, %swap3A_295, %swap3A_296] {strides = array<i32>} : memref<16x4x16xf32, #tpu.memory_space<vmem>>, vector<16xf32>,
    tpu.vector_store %arg15[%swap3A_294, %swap3A_295, %swap3A_296], %sub3A_291 {strides = array<i32>} : memref<16x4x16xf32, #tpu.memory_space<vmem>>, vector<16xf32>,
    %get3A_298 = arith.constant 0 : index
    %get3A_299 = tpu.vector_load %arg9[%get3A_298] {strides = array<i32>} : memref<256xf32, #tpu.memory_space<vmem>>, vector<16xf32>,
    %get3A_300 = arith.constant 0 : index
    %get3A_301 = tpu.vector_load %arg12[%get3A_300] {strides = array<i32>} : memref<256xf32, #tpu.memory_space<vmem>>, vector<16xf32>,
    %sub3A_302 = arith.subf %get3A_299, %get3A_301 : vector<16xf32>
    %swap3A_303 = arith.constant 0 : i32
    %swap3A_304 = arith.constant 2 : i32
    %swap3A_305 = arith.index_cast %swap3A_303 : i32 to index
    %swap3A_306 = arith.index_cast %swap3A_304 : i32 to index
    %swap3A_307 = arith.constant 0 : index
    %swap3A_308 = tpu.vector_load %arg15[%swap3A_305, %swap3A_306, %swap3A_307] {strides = array<i32>} : memref<16x4x16xf32, #tpu.memory_space<vmem>>, vector<16xf32>,
    tpu.vector_store %arg15[%swap3A_305, %swap3A_306, %swap3A_307], %sub3A_302 {strides = array<i32>} : memref<16x4x16xf32, #tpu.memory_space<vmem>>, vector<16xf32>,
    %get3A_309 = arith.constant 0 : index
    %get3A_310 = tpu.vector_load %arg13[%get3A_309] {strides = array<i32>} : memref<256xi32, #tpu.memory_space<vmem>>, vector<16xi32>,
    %get3A_311 = arith.constant 0 : index
    %get3A_312 = tpu.vector_load %arg14[%get3A_311] {strides = array<i32>} : memref<256xi32, #tpu.memory_space<vmem>>, vector<16xi32>,
    %sub3A_313 = arith.subi %get3A_310, %get3A_312 : vector<16xi32>
    %convert_element_type3A = arith.sitofp %sub3A_313 : vector<16xi32> to vector<16xf32>
    %swap3A_314 = arith.constant 0 : i32
    %swap3A_315 = arith.constant 3 : i32
    %swap3A_316 = arith.index_cast %swap3A_314 : i32 to index
    %swap3A_317 = arith.index_cast %swap3A_315 : i32 to index
    %swap3A_318 = arith.constant 0 : index
    %swap3A_319 = tpu.vector_load %arg15[%swap3A_316, %swap3A_317, %swap3A_318] {strides = array<i32>} : memref<16x4x16xf32, #tpu.memory_space<vmem>>, vector<16xf32>,
    tpu.vector_store %arg15[%swap3A_316, %swap3A_317, %swap3A_318], %convert_element_type3A {strides = array<i32>} : memref<16x4x16xf32, #tpu.memory_space<vmem>>, vector<16xf32>,
    %get3A_320 = arith.constant 16 : index
    %get3A_321 = tpu.vector_load %arg7[%get3A_320] {strides = array<i32>} : memref<256xf32, #tpu.memory_space<vmem>>, vector<16xf32>,
    %get3A_322 = arith.constant 16 : index
    %get3A_323 = tpu.vector_load %arg10[%get3A_322] {strides = array<i32>} : memref<256xf32, #tpu.memory_space<vmem>>, vector<16xf32>,
    %sub3A_324 = arith.subf %get3A_321, %get3A_323 : vector<16xf32>
    %swap3A_325 = arith.constant 1 : i32
    %swap3A_326 = arith.constant 0 : i32
    %swap3A_327 = arith.index_cast %swap3A_325 : i32 to index
    %swap3A_328 = arith.index_cast %swap3A_326 : i32 to index
    %swap3A_329 = arith.constant 0 : index
    %swap3A_330 = tpu.vector_load %arg15[%swap3A_327, %swap3A_328, %swap3A_329] {strides = array<i32>} : memref<16x4x16xf32, #tpu.memory_space<vmem>>, vector<16xf32>,
    tpu.vector_store %arg15[%swap3A_327, %swap3A_328, %swap3A_329], %sub3A_324 {strides = array<i32>} : memref<16x4x16xf32, #tpu.memory_space<vmem>>, vector<16xf32>,
    %get3A_331 = arith.constant 16 : index
    %get3A_332 = tpu.vector_load %arg8[%get3A_331] {strides = array<i32>} : memref<256xf32, #tpu.memory_space<vmem>>, vector<16xf32>,
    %get3A_333 = arith.constant 16 : index
    %get3A_334 = tpu.vector_load %arg11[%get3A_333] {strides = array<i32>} : memref<256xf32, #tpu.memory_space<vmem>>, vector<16xf32>,
    %sub3A_335 = arith.subf %get3A_332, %get3A_334 : vector<16xf32>
    %swap3A_336 = arith.constant 1 : i32
    %swap3A_337 = arith.constant 1 : i32
    %swap3A_338 = arith.index_cast %swap3A_336 : i32 to index
    %swap3A_339 = arith.index_cast %swap3A_337 : i32 to index
    %swap3A_340 = arith.constant 0 : index
    %swap3A_341 = tpu.vector_load %arg15[%swap3A_338, %swap3A_339, %swap3A_340] {strides = array<i32>} : memref<16x4x16xf32, #tpu.memory_space<vmem>>, vector<16xf32>,
    tpu.vector_store %arg15[%swap3A_338, %swap3A_339, %swap3A_340], %sub3A_335 {strides = array<i32>} : memref<16x4x16xf32, #tpu.memory_space<vmem>>, vector<16xf32>,
    %get3A_342 = arith.constant 16 : index
    %get3A_343 = tpu.vector_load %arg9[%get3A_342] {strides = array<i32>} : memref<256xf32, #tpu.memory_space<vmem>>, vector<16xf32>,
    %get3A_344 = arith.constant 16 : index
    %get3A_345 = tpu.vector_load %arg12[%get3A_344] {strides = array<i32>} : memref<256xf32, #tpu.memory_space<vmem>>, vector<16xf32>,
    %sub3A_346 = arith.subf %get3A_343, %get3A_345 : vector<16xf32>
    %swap3A_347 = arith.constant 1 : i32
    %swap3A_348 = arith.constant 2 : i32
    %swap3A_349 = arith.index_cast %swap3A_347 : i32 to index
    %swap3A_350 = arith.index_cast %swap3A_348 : i32 to index
    %swap3A_351 = arith.constant 0 : index
    %swap3A_352 = tpu.vector_load %arg15[%swap3A_349, %swap3A_350, %swap3A_351] {strides = array<i32>} : memref<16x4x16xf32, #tpu.memory_space<vmem>>, vector<16xf32>,
    tpu.vector_store %arg15[%swap3A_349, %swap3A_350, %swap3A_351], %sub3A_346 {strides = array<i32>} : memref<16x4x16xf32, #tpu.memory_space<vmem>>, vector<16xf32>,
    %get3A_353 = arith.constant 16 : index
    %get3A_354 = tpu.vector_load %arg13[%get3A_353] {strides = array<i32>} : memref<256xi32, #tpu.memory_space<vmem>>, vector<16xi32>,
    %get3A_355 = arith.constant 16 : index
    %get3A_356 = tpu.vector_load %arg14[%get3A_355] {strides = array<i32>} : memref<256xi32, #tpu.memory_space<vmem>>, vector<16xi32>,
    %sub3A_357 = arith.subi %get3A_354, %get3A_356 : vector<16xi32>
    %convert_element_type3A_358 = arith.sitofp %sub3A_357 : vector<16xi32> to vector<16xf32>
    %swap3A_359 = arith.constant 1 : i32
    %swap3A_360 = arith.constant 3 : i32
    %swap3A_361 = arith.index_cast %swap3A_359 : i32 to index
    %swap3A_362 = arith.index_cast %swap3A_360 : i32 to index
    %swap3A_363 = arith.constant 0 : index
    %swap3A_364 = tpu.vector_load %arg15[%swap3A_361, %swap3A_362, %swap3A_363] {strides = array<i32>} : memref<16x4x16xf32, #tpu.memory_space<vmem>>, vector<16xf32>,
    tpu.vector_store %arg15[%swap3A_361, %swap3A_362, %swap3A_363], %convert_element_type3A_358 {strides = array<i32>} : memref<16x4x16xf32, #tpu.memory_space<vmem>>, vector<16xf32>,
    %get3A_365 = arith.constant 32 : index
    %get3A_366 = tpu.vector_load %arg7[%get3A_365] {strides = array<i32>} : memref<256xf32, #tpu.memory_space<vmem>>, vector<16xf32>,
    %get3A_367 = arith.constant 32 : index
    %get3A_368 = tpu.vector_load %arg10[%get3A_367] {strides = array<i32>} : memref<256xf32, #tpu.memory_space<vmem>>, vector<16xf32>,
    %sub3A_369 = arith.subf %get3A_366, %get3A_368 : vector<16xf32>
    %swap3A_370 = arith.constant 2 : i32
    %swap3A_371 = arith.constant 0 : i32
    %swap3A_372 = arith.index_cast %swap3A_370 : i32 to index
    %swap3A_373 = arith.index_cast %swap3A_371 : i32 to index
    %swap3A_374 = arith.constant 0 : index
    %swap3A_375 = tpu.vector_load %arg15[%swap3A_372, %swap3A_373, %swap3A_374] {strides = array<i32>} : memref<16x4x16xf32, #tpu.memory_space<vmem>>, vector<16xf32>,
    tpu.vector_store %arg15[%swap3A_372, %swap3A_373, %swap3A_374], %sub3A_369 {strides = array<i32>} : memref<16x4x16xf32, #tpu.memory_space<vmem>>, vector<16xf32>,
    %get3A_376 = arith.constant 32 : index
    %get3A_377 = tpu.vector_load %arg8[%get3A_376] {strides = array<i32>} : memref<256xf32, #tpu.memory_space<vmem>>, vector<16xf32>,
    %get3A_378 = arith.constant 32 : index
    %get3A_379 = tpu.vector_load %arg11[%get3A_378] {strides = array<i32>} : memref<256xf32, #tpu.memory_space<vmem>>, vector<16xf32>,
    %sub3A_380 = arith.subf %get3A_377, %get3A_379 : vector<16xf32>
    %swap3A_381 = arith.constant 2 : i32
    %swap3A_382 = arith.constant 1 : i32
    %swap3A_383 = arith.index_cast %swap3A_381 : i32 to index
    %swap3A_384 = arith.index_cast %swap3A_382 : i32 to index
    %swap3A_385 = arith.constant 0 : index
    %swap3A_386 = tpu.vector_load %arg15[%swap3A_383, %swap3A_384, %swap3A_385] {strides = array<i32>} : memref<16x4x16xf32, #tpu.memory_space<vmem>>, vector<16xf32>,
    tpu.vector_store %arg15[%swap3A_383, %swap3A_384, %swap3A_385], %sub3A_380 {strides = array<i32>} : memref<16x4x16xf32, #tpu.memory_space<vmem>>, vector<16xf32>,
    %get3A_387 = arith.constant 32 : index
    %get3A_388 = tpu.vector_load %arg9[%get3A_387] {strides = array<i32>} : memref<256xf32, #tpu.memory_space<vmem>>, vector<16xf32>,
    %get3A_389 = arith.constant 32 : index
    %get3A_390 = tpu.vector_load %arg12[%get3A_389] {strides = array<i32>} : memref<256xf32, #tpu.memory_space<vmem>>, vector<16xf32>,
    %sub3A_391 = arith.subf %get3A_388, %get3A_390 : vector<16xf32>
    %swap3A_392 = arith.constant 2 : i32
    %swap3A_393 = arith.constant 2 : i32
    %swap3A_394 = arith.index_cast %swap3A_392 : i32 to index
    %swap3A_395 = arith.index_cast %swap3A_393 : i32 to index
    %swap3A_396 = arith.constant 0 : index
    %swap3A_397 = tpu.vector_load %arg15[%swap3A_394, %swap3A_395, %swap3A_396] {strides = array<i32>} : memref<16x4x16xf32, #tpu.memory_space<vmem>>, vector<16xf32>,
    tpu.vector_store %arg15[%swap3A_394, %swap3A_395, %swap3A_396], %sub3A_391 {strides = array<i32>} : memref<16x4x16xf32, #tpu.memory_space<vmem>>, vector<16xf32>,
    %get3A_398 = arith.constant 32 : index
    %get3A_399 = tpu.vector_load %arg13[%get3A_398] {strides = array<i32>} : memref<256xi32, #tpu.memory_space<vmem>>, vector<16xi32>,
    %get3A_400 = arith.constant 32 : index
    %get3A_401 = tpu.vector_load %arg14[%get3A_400] {strides = array<i32>} : memref<256xi32, #tpu.memory_space<vmem>>, vector<16xi32>,
    %sub3A_402 = arith.subi %get3A_399, %get3A_401 : vector<16xi32>
    %convert_element_type3A_403 = arith.sitofp %sub3A_402 : vector<16xi32> to vector<16xf32>
    %swap3A_404 = arith.constant 2 : i32
    %swap3A_405 = arith.constant 3 : i32
    %swap3A_406 = arith.index_cast %swap3A_404 : i32 to index
    %swap3A_407 = arith.index_cast %swap3A_405 : i32 to index
    %swap3A_408 = arith.constant 0 : index
    %swap3A_409 = tpu.vector_load %arg15[%swap3A_406, %swap3A_407, %swap3A_408] {strides = array<i32>} : memref<16x4x16xf32, #tpu.memory_space<vmem>>, vector<16xf32>,
    tpu.vector_store %arg15[%swap3A_406, %swap3A_407, %swap3A_408], %convert_element_type3A_403 {strides = array<i32>} : memref<16x4x16xf32, #tpu.memory_space<vmem>>, vector<16xf32>,
    %get3A_410 = arith.constant 48 : index
    %get3A_411 = tpu.vector_load %arg7[%get3A_410] {strides = array<i32>} : memref<256xf32, #tpu.memory_space<vmem>>, vector<16xf32>,
    %get3A_412 = arith.constant 48 : index
    %get3A_413 = tpu.vector_load %arg10[%get3A_412] {strides = array<i32>} : memref<256xf32, #tpu.memory_space<vmem>>, vector<16xf32>,
    %sub3A_414 = arith.subf %get3A_411, %get3A_413 : vector<16xf32>
    %swap3A_415 = arith.constant 3 : i32
    %swap3A_416 = arith.constant 0 : i32
    %swap3A_417 = arith.index_cast %swap3A_415 : i32 to index
    %swap3A_418 = arith.index_cast %swap3A_416 : i32 to index
    %swap3A_419 = arith.constant 0 : index
    %swap3A_420 = tpu.vector_load %arg15[%swap3A_417, %swap3A_418, %swap3A_419] {strides = array<i32>} : memref<16x4x16xf32, #tpu.memory_space<vmem>>, vector<16xf32>,
    tpu.vector_store %arg15[%swap3A_417, %swap3A_418, %swap3A_419], %sub3A_414 {strides = array<i32>} : memref<16x4x16xf32, #tpu.memory_space<vmem>>, vector<16xf32>,
    %get3A_421 = arith.constant 48 : index
    %get3A_422 = tpu.vector_load %arg8[%get3A_421] {strides = array<i32>} : memref<256xf32, #tpu.memory_space<vmem>>, vector<16xf32>,
    %get3A_423 = arith.constant 48 : index
    %get3A_424 = tpu.vector_load %arg11[%get3A_423] {strides = array<i32>} : memref<256xf32, #tpu.memory_space<vmem>>, vector<16xf32>,
    %sub3A_425 = arith.subf %get3A_422, %get3A_424 : vector<16xf32>
    %swap3A_426 = arith.constant 3 : i32
    %swap3A_427 = arith.constant 1 : i32
    %swap3A_428 = arith.index_cast %swap3A_426 : i32 to index
    %swap3A_429 = arith.index_cast %swap3A_427 : i32 to index
    %swap3A_430 = arith.constant 0 : index
    %swap3A_431 = tpu.vector_load %arg15[%swap3A_428, %swap3A_429, %swap3A_430] {strides = array<i32>} : memref<16x4x16xf32, #tpu.memory_space<vmem>>, vector<16xf32>,
    tpu.vector_store %arg15[%swap3A_428, %swap3A_429, %swap3A_430], %sub3A_425 {strides = array<i32>} : memref<16x4x16xf32, #tpu.memory_space<vmem>>, vector<16xf32>,
    %get3A_432 = arith.constant 48 : index
    %get3A_433 = tpu.vector_load %arg9[%get3A_432] {strides = array<i32>} : memref<256xf32, #tpu.memory_space<vmem>>, vector<16xf32>,
    %get3A_434 = arith.constant 48 : index
    %get3A_435 = tpu.vector_load %arg12[%get3A_434] {strides = array<i32>} : memref<256xf32, #tpu.memory_space<vmem>>, vector<16xf32>,
    %sub3A_436 = arith.subf %get3A_433, %get3A_435 : vector<16xf32>
    %swap3A_437 = arith.constant 3 : i32
    %swap3A_438 = arith.constant 2 : i32
    %swap3A_439 = arith.index_cast %swap3A_437 : i32 to index
    %swap3A_440 = arith.index_cast %swap3A_438 : i32 to index
    %swap3A_441 = arith.constant 0 : index
    %swap3A_442 = tpu.vector_load %arg15[%swap3A_439, %swap3A_440, %swap3A_441] {strides = array<i32>} : memref<16x4x16xf32, #tpu.memory_space<vmem>>, vector<16xf32>,
    tpu.vector_store %arg15[%swap3A_439, %swap3A_440, %swap3A_441], %sub3A_436 {strides = array<i32>} : memref<16x4x16xf32, #tpu.memory_space<vmem>>, vector<16xf32>,
    %get3A_443 = arith.constant 48 : index
    %get3A_444 = tpu.vector_load %arg13[%get3A_443] {strides = array<i32>} : memref<256xi32, #tpu.memory_space<vmem>>, vector<16xi32>,
    %get3A_445 = arith.constant 48 : index
    %get3A_446 = tpu.vector_load %arg14[%get3A_445] {strides = array<i32>} : memref<256xi32, #tpu.memory_space<vmem>>, vector<16xi32>,
    %sub3A_447 = arith.subi %get3A_444, %get3A_446 : vector<16xi32>
    %convert_element_type3A_448 = arith.sitofp %sub3A_447 : vector<16xi32> to vector<16xf32>
    %swap3A_449 = arith.constant 3 : i32
    %swap3A_450 = arith.constant 3 : i32
    %swap3A_451 = arith.index_cast %swap3A_449 : i32 to index
    %swap3A_452 = arith.index_cast %swap3A_450 : i32 to index
    %swap3A_453 = arith.constant 0 : index
    %swap3A_454 = tpu.vector_load %arg15[%swap3A_451, %swap3A_452, %swap3A_453] {strides = array<i32>} : memref<16x4x16xf32, #tpu.memory_space<vmem>>, vector<16xf32>,
    tpu.vector_store %arg15[%swap3A_451, %swap3A_452, %swap3A_453], %convert_element_type3A_448 {strides = array<i32>} : memref<16x4x16xf32, #tpu.memory_space<vmem>>, vector<16xf32>,
    %get3A_455 = arith.constant 64 : index
    %get3A_456 = tpu.vector_load %arg7[%get3A_455] {strides = array<i32>} : memref<256xf32, #tpu.memory_space<vmem>>, vector<16xf32>,
    %get3A_457 = arith.constant 64 : index
    %get3A_458 = tpu.vector_load %arg10[%get3A_457] {strides = array<i32>} : memref<256xf32, #tpu.memory_space<vmem>>, vector<16xf32>,
    %sub3A_459 = arith.subf %get3A_456, %get3A_458 : vector<16xf32>
    %swap3A_460 = arith.constant 4 : i32
    %swap3A_461 = arith.constant 0 : i32
    %swap3A_462 = arith.index_cast %swap3A_460 : i32 to index
    %swap3A_463 = arith.index_cast %swap3A_461 : i32 to index
    %swap3A_464 = arith.constant 0 : index
    %swap3A_465 = tpu.vector_load %arg15[%swap3A_462, %swap3A_463, %swap3A_464] {strides = array<i32>} : memref<16x4x16xf32, #tpu.memory_space<vmem>>, vector<16xf32>,
    tpu.vector_store %arg15[%swap3A_462, %swap3A_463, %swap3A_464], %sub3A_459 {strides = array<i32>} : memref<16x4x16xf32, #tpu.memory_space<vmem>>, vector<16xf32>,
    %get3A_466 = arith.constant 64 : index
    %get3A_467 = tpu.vector_load %arg8[%get3A_466] {strides = array<i32>} : memref<256xf32, #tpu.memory_space<vmem>>, vector<16xf32>,
    %get3A_468 = arith.constant 64 : index
    %get3A_469 = tpu.vector_load %arg11[%get3A_468] {strides = array<i32>} : memref<256xf32, #tpu.memory_space<vmem>>, vector<16xf32>,
    %sub3A_470 = arith.subf %get3A_467, %get3A_469 : vector<16xf32>
    %swap3A_471 = arith.constant 4 : i32
    %swap3A_472 = arith.constant 1 : i32
    %swap3A_473 = arith.index_cast %swap3A_471 : i32 to index
    %swap3A_474 = arith.index_cast %swap3A_472 : i32 to index
    %swap3A_475 = arith.constant 0 : index
    %swap3A_476 = tpu.vector_load %arg15[%swap3A_473, %swap3A_474, %swap3A_475] {strides = array<i32>} : memref<16x4x16xf32, #tpu.memory_space<vmem>>, vector<16xf32>,
    tpu.vector_store %arg15[%swap3A_473, %swap3A_474, %swap3A_475], %sub3A_470 {strides = array<i32>} : memref<16x4x16xf32, #tpu.memory_space<vmem>>, vector<16xf32>,
    %get3A_477 = arith.constant 64 : index
    %get3A_478 = tpu.vector_load %arg9[%get3A_477] {strides = array<i32>} : memref<256xf32, #tpu.memory_space<vmem>>, vector<16xf32>,
    %get3A_479 = arith.constant 64 : index
    %get3A_480 = tpu.vector_load %arg12[%get3A_479] {strides = array<i32>} : memref<256xf32, #tpu.memory_space<vmem>>, vector<16xf32>,
    %sub3A_481 = arith.subf %get3A_478, %get3A_480 : vector<16xf32>
    %swap3A_482 = arith.constant 4 : i32
    %swap3A_483 = arith.constant 2 : i32
    %swap3A_484 = arith.index_cast %swap3A_482 : i32 to index
    %swap3A_485 = arith.index_cast %swap3A_483 : i32 to index
    %swap3A_486 = arith.constant 0 : index
    %swap3A_487 = tpu.vector_load %arg15[%swap3A_484, %swap3A_485, %swap3A_486] {strides = array<i32>} : memref<16x4x16xf32, #tpu.memory_space<vmem>>, vector<16xf32>,
    tpu.vector_store %arg15[%swap3A_484, %swap3A_485, %swap3A_486], %sub3A_481 {strides = array<i32>} : memref<16x4x16xf32, #tpu.memory_space<vmem>>, vector<16xf32>,
    %get3A_488 = arith.constant 64 : index
    %get3A_489 = tpu.vector_load %arg13[%get3A_488] {strides = array<i32>} : memref<256xi32, #tpu.memory_space<vmem>>, vector<16xi32>,
    %get3A_490 = arith.constant 64 : index
    %get3A_491 = tpu.vector_load %arg14[%get3A_490] {strides = array<i32>} : memref<256xi32, #tpu.memory_space<vmem>>, vector<16xi32>,
    %sub3A_492 = arith.subi %get3A_489, %get3A_491 : vector<16xi32>
    %convert_element_type3A_493 = arith.sitofp %sub3A_492 : vector<16xi32> to vector<16xf32>
    %swap3A_494 = arith.constant 4 : i32
    %swap3A_495 = arith.constant 3 : i32
    %swap3A_496 = arith.index_cast %swap3A_494 : i32 to index
    %swap3A_497 = arith.index_cast %swap3A_495 : i32 to index
    %swap3A_498 = arith.constant 0 : index
    %swap3A_499 = tpu.vector_load %arg15[%swap3A_496, %swap3A_497, %swap3A_498] {strides = array<i32>} : memref<16x4x16xf32, #tpu.memory_space<vmem>>, vector<16xf32>,
    tpu.vector_store %arg15[%swap3A_496, %swap3A_497, %swap3A_498], %convert_element_type3A_493 {strides = array<i32>} : memref<16x4x16xf32, #tpu.memory_space<vmem>>, vector<16xf32>,
    %get3A_500 = arith.constant 80 : index
    %get3A_501 = tpu.vector_load %arg7[%get3A_500] {strides = array<i32>} : memref<256xf32, #tpu.memory_space<vmem>>, vector<16xf32>,
    %get3A_502 = arith.constant 80 : index
    %get3A_503 = tpu.vector_load %arg10[%get3A_502] {strides = array<i32>} : memref<256xf32, #tpu.memory_space<vmem>>, vector<16xf32>,
    %sub3A_504 = arith.subf %get3A_501, %get3A_503 : vector<16xf32>
    %swap3A_505 = arith.constant 5 : i32
    %swap3A_506 = arith.constant 0 : i32
    %swap3A_507 = arith.index_cast %swap3A_505 : i32 to index
    %swap3A_508 = arith.index_cast %swap3A_506 : i32 to index
    %swap3A_509 = arith.constant 0 : index
    %swap3A_510 = tpu.vector_load %arg15[%swap3A_507, %swap3A_508, %swap3A_509] {strides = array<i32>} : memref<16x4x16xf32, #tpu.memory_space<vmem>>, vector<16xf32>,
    tpu.vector_store %arg15[%swap3A_507, %swap3A_508, %swap3A_509], %sub3A_504 {strides = array<i32>} : memref<16x4x16xf32, #tpu.memory_space<vmem>>, vector<16xf32>,
    %get3A_511 = arith.constant 80 : index
    %get3A_512 = tpu.vector_load %arg8[%get3A_511] {strides = array<i32>} : memref<256xf32, #tpu.memory_space<vmem>>, vector<16xf32>,
    %get3A_513 = arith.constant 80 : index
    %get3A_514 = tpu.vector_load %arg11[%get3A_513] {strides = array<i32>} : memref<256xf32, #tpu.memory_space<vmem>>, vector<16xf32>,
    %sub3A_515 = arith.subf %get3A_512, %get3A_514 : vector<16xf32>
    %swap3A_516 = arith.constant 5 : i32
    %swap3A_517 = arith.constant 1 : i32
    %swap3A_518 = arith.index_cast %swap3A_516 : i32 to index
    %swap3A_519 = arith.index_cast %swap3A_517 : i32 to index
    %swap3A_520 = arith.constant 0 : index
    %swap3A_521 = tpu.vector_load %arg15[%swap3A_518, %swap3A_519, %swap3A_520] {strides = array<i32>} : memref<16x4x16xf32, #tpu.memory_space<vmem>>, vector<16xf32>,
    tpu.vector_store %arg15[%swap3A_518, %swap3A_519, %swap3A_520], %sub3A_515 {strides = array<i32>} : memref<16x4x16xf32, #tpu.memory_space<vmem>>, vector<16xf32>,
    %get3A_522 = arith.constant 80 : index
    %get3A_523 = tpu.vector_load %arg9[%get3A_522] {strides = array<i32>} : memref<256xf32, #tpu.memory_space<vmem>>, vector<16xf32>,
    %get3A_524 = arith.constant 80 : index
    %get3A_525 = tpu.vector_load %arg12[%get3A_524] {strides = array<i32>} : memref<256xf32, #tpu.memory_space<vmem>>, vector<16xf32>,
    %sub3A_526 = arith.subf %get3A_523, %get3A_525 : vector<16xf32>
    %swap3A_527 = arith.constant 5 : i32
    %swap3A_528 = arith.constant 2 : i32
    %swap3A_529 = arith.index_cast %swap3A_527 : i32 to index
    %swap3A_530 = arith.index_cast %swap3A_528 : i32 to index
    %swap3A_531 = arith.constant 0 : index
    %swap3A_532 = tpu.vector_load %arg15[%swap3A_529, %swap3A_530, %swap3A_531] {strides = array<i32>} : memref<16x4x16xf32, #tpu.memory_space<vmem>>, vector<16xf32>,
    tpu.vector_store %arg15[%swap3A_529, %swap3A_530, %swap3A_531], %sub3A_526 {strides = array<i32>} : memref<16x4x16xf32, #tpu.memory_space<vmem>>, vector<16xf32>,
    %get3A_533 = arith.constant 80 : index
    %get3A_534 = tpu.vector_load %arg13[%get3A_533] {strides = array<i32>} : memref<256xi32, #tpu.memory_space<vmem>>, vector<16xi32>,
    %get3A_535 = arith.constant 80 : index
    %get3A_536 = tpu.vector_load %arg14[%get3A_535] {strides = array<i32>} : memref<256xi32, #tpu.memory_space<vmem>>, vector<16xi32>,
    %sub3A_537 = arith.subi %get3A_534, %get3A_536 : vector<16xi32>
    %convert_element_type3A_538 = arith.sitofp %sub3A_537 : vector<16xi32> to vector<16xf32>
    %swap3A_539 = arith.constant 5 : i32
    %swap3A_540 = arith.constant 3 : i32
    %swap3A_541 = arith.index_cast %swap3A_539 : i32 to index
    %swap3A_542 = arith.index_cast %swap3A_540 : i32 to index
    %swap3A_543 = arith.constant 0 : index
    %swap3A_544 = tpu.vector_load %arg15[%swap3A_541, %swap3A_542, %swap3A_543] {strides = array<i32>} : memref<16x4x16xf32, #tpu.memory_space<vmem>>, vector<16xf32>,
    tpu.vector_store %arg15[%swap3A_541, %swap3A_542, %swap3A_543], %convert_element_type3A_538 {strides = array<i32>} : memref<16x4x16xf32, #tpu.memory_space<vmem>>, vector<16xf32>,
    %get3A_545 = arith.constant 96 : index
    %get3A_546 = tpu.vector_load %arg7[%get3A_545] {strides = array<i32>} : memref<256xf32, #tpu.memory_space<vmem>>, vector<16xf32>,
    %get3A_547 = arith.constant 96 : index
    %get3A_548 = tpu.vector_load %arg10[%get3A_547] {strides = array<i32>} : memref<256xf32, #tpu.memory_space<vmem>>, vector<16xf32>,
    %sub3A_549 = arith.subf %get3A_546, %get3A_548 : vector<16xf32>
    %swap3A_550 = arith.constant 6 : i32
    %swap3A_551 = arith.constant 0 : i32
    %swap3A_552 = arith.index_cast %swap3A_550 : i32 to index
    %swap3A_553 = arith.index_cast %swap3A_551 : i32 to index
    %swap3A_554 = arith.constant 0 : index
    %swap3A_555 = tpu.vector_load %arg15[%swap3A_552, %swap3A_553, %swap3A_554] {strides = array<i32>} : memref<16x4x16xf32, #tpu.memory_space<vmem>>, vector<16xf32>,
    tpu.vector_store %arg15[%swap3A_552, %swap3A_553, %swap3A_554], %sub3A_549 {strides = array<i32>} : memref<16x4x16xf32, #tpu.memory_space<vmem>>, vector<16xf32>,
    %get3A_556 = arith.constant 96 : index
    %get3A_557 = tpu.vector_load %arg8[%get3A_556] {strides = array<i32>} : memref<256xf32, #tpu.memory_space<vmem>>, vector<16xf32>,
    %get3A_558 = arith.constant 96 : index
    %get3A_559 = tpu.vector_load %arg11[%get3A_558] {strides = array<i32>} : memref<256xf32, #tpu.memory_space<vmem>>, vector<16xf32>,
    %sub3A_560 = arith.subf %get3A_557, %get3A_559 : vector<16xf32>
    %swap3A_561 = arith.constant 6 : i32
    %swap3A_562 = arith.constant 1 : i32
    %swap3A_563 = arith.index_cast %swap3A_561 : i32 to index
    %swap3A_564 = arith.index_cast %swap3A_562 : i32 to index
    %swap3A_565 = arith.constant 0 : index
    %swap3A_566 = tpu.vector_load %arg15[%swap3A_563, %swap3A_564, %swap3A_565] {strides = array<i32>} : memref<16x4x16xf32, #tpu.memory_space<vmem>>, vector<16xf32>,
    tpu.vector_store %arg15[%swap3A_563, %swap3A_564, %swap3A_565], %sub3A_560 {strides = array<i32>} : memref<16x4x16xf32, #tpu.memory_space<vmem>>, vector<16xf32>,
    %get3A_567 = arith.constant 96 : index
    %get3A_568 = tpu.vector_load %arg9[%get3A_567] {strides = array<i32>} : memref<256xf32, #tpu.memory_space<vmem>>, vector<16xf32>,
    %get3A_569 = arith.constant 96 : index
    %get3A_570 = tpu.vector_load %arg12[%get3A_569] {strides = array<i32>} : memref<256xf32, #tpu.memory_space<vmem>>, vector<16xf32>,
    %sub3A_571 = arith.subf %get3A_568, %get3A_570 : vector<16xf32>
    %swap3A_572 = arith.constant 6 : i32
    %swap3A_573 = arith.constant 2 : i32
    %swap3A_574 = arith.index_cast %swap3A_572 : i32 to index
    %swap3A_575 = arith.index_cast %swap3A_573 : i32 to index
    %swap3A_576 = arith.constant 0 : index
    %swap3A_577 = tpu.vector_load %arg15[%swap3A_574, %swap3A_575, %swap3A_576] {strides = array<i32>} : memref<16x4x16xf32, #tpu.memory_space<vmem>>, vector<16xf32>,
    tpu.vector_store %arg15[%swap3A_574, %swap3A_575, %swap3A_576], %sub3A_571 {strides = array<i32>} : memref<16x4x16xf32, #tpu.memory_space<vmem>>, vector<16xf32>,
    %get3A_578 = arith.constant 96 : index
    %get3A_579 = tpu.vector_load %arg13[%get3A_578] {strides = array<i32>} : memref<256xi32, #tpu.memory_space<vmem>>, vector<16xi32>,
    %get3A_580 = arith.constant 96 : index
    %get3A_581 = tpu.vector_load %arg14[%get3A_580] {strides = array<i32>} : memref<256xi32, #tpu.memory_space<vmem>>, vector<16xi32>,
    %sub3A_582 = arith.subi %get3A_579, %get3A_581 : vector<16xi32>
    %convert_element_type3A_583 = arith.sitofp %sub3A_582 : vector<16xi32> to vector<16xf32>
    %swap3A_584 = arith.constant 6 : i32
    %swap3A_585 = arith.constant 3 : i32
    %swap3A_586 = arith.index_cast %swap3A_584 : i32 to index
    %swap3A_587 = arith.index_cast %swap3A_585 : i32 to index
    %swap3A_588 = arith.constant 0 : index
    %swap3A_589 = tpu.vector_load %arg15[%swap3A_586, %swap3A_587, %swap3A_588] {strides = array<i32>} : memref<16x4x16xf32, #tpu.memory_space<vmem>>, vector<16xf32>,
    tpu.vector_store %arg15[%swap3A_586, %swap3A_587, %swap3A_588], %convert_element_type3A_583 {strides = array<i32>} : memref<16x4x16xf32, #tpu.memory_space<vmem>>, vector<16xf32>,
    %get3A_590 = arith.constant 112 : index
    %get3A_591 = tpu.vector_load %arg7[%get3A_590] {strides = array<i32>} : memref<256xf32, #tpu.memory_space<vmem>>, vector<16xf32>,
    %get3A_592 = arith.constant 112 : index
    %get3A_593 = tpu.vector_load %arg10[%get3A_592] {strides = array<i32>} : memref<256xf32, #tpu.memory_space<vmem>>, vector<16xf32>,
    %sub3A_594 = arith.subf %get3A_591, %get3A_593 : vector<16xf32>
    %swap3A_595 = arith.constant 7 : i32
    %swap3A_596 = arith.constant 0 : i32
    %swap3A_597 = arith.index_cast %swap3A_595 : i32 to index
    %swap3A_598 = arith.index_cast %swap3A_596 : i32 to index
    %swap3A_599 = arith.constant 0 : index
    %swap3A_600 = tpu.vector_load %arg15[%swap3A_597, %swap3A_598, %swap3A_599] {strides = array<i32>} : memref<16x4x16xf32, #tpu.memory_space<vmem>>, vector<16xf32>,
    tpu.vector_store %arg15[%swap3A_597, %swap3A_598, %swap3A_599], %sub3A_594 {strides = array<i32>} : memref<16x4x16xf32, #tpu.memory_space<vmem>>, vector<16xf32>,
    %get3A_601 = arith.constant 112 : index
    %get3A_602 = tpu.vector_load %arg8[%get3A_601] {strides = array<i32>} : memref<256xf32, #tpu.memory_space<vmem>>, vector<16xf32>,
    %get3A_603 = arith.constant 112 : index
    %get3A_604 = tpu.vector_load %arg11[%get3A_603] {strides = array<i32>} : memref<256xf32, #tpu.memory_space<vmem>>, vector<16xf32>,
    %sub3A_605 = arith.subf %get3A_602, %get3A_604 : vector<16xf32>
    %swap3A_606 = arith.constant 7 : i32
    %swap3A_607 = arith.constant 1 : i32
    %swap3A_608 = arith.index_cast %swap3A_606 : i32 to index
    %swap3A_609 = arith.index_cast %swap3A_607 : i32 to index
    %swap3A_610 = arith.constant 0 : index
    %swap3A_611 = tpu.vector_load %arg15[%swap3A_608, %swap3A_609, %swap3A_610] {strides = array<i32>} : memref<16x4x16xf32, #tpu.memory_space<vmem>>, vector<16xf32>,
    tpu.vector_store %arg15[%swap3A_608, %swap3A_609, %swap3A_610], %sub3A_605 {strides = array<i32>} : memref<16x4x16xf32, #tpu.memory_space<vmem>>, vector<16xf32>,
    %get3A_612 = arith.constant 112 : index
    %get3A_613 = tpu.vector_load %arg9[%get3A_612] {strides = array<i32>} : memref<256xf32, #tpu.memory_space<vmem>>, vector<16xf32>,
    %get3A_614 = arith.constant 112 : index
    %get3A_615 = tpu.vector_load %arg12[%get3A_614] {strides = array<i32>} : memref<256xf32, #tpu.memory_space<vmem>>, vector<16xf32>,
    %sub3A_616 = arith.subf %get3A_613, %get3A_615 : vector<16xf32>
    %swap3A_617 = arith.constant 7 : i32
    %swap3A_618 = arith.constant 2 : i32
    %swap3A_619 = arith.index_cast %swap3A_617 : i32 to index
    %swap3A_620 = arith.index_cast %swap3A_618 : i32 to index
    %swap3A_621 = arith.constant 0 : index
    %swap3A_622 = tpu.vector_load %arg15[%swap3A_619, %swap3A_620, %swap3A_621] {strides = array<i32>} : memref<16x4x16xf32, #tpu.memory_space<vmem>>, vector<16xf32>,
    tpu.vector_store %arg15[%swap3A_619, %swap3A_620, %swap3A_621], %sub3A_616 {strides = array<i32>} : memref<16x4x16xf32, #tpu.memory_space<vmem>>, vector<16xf32>,
    %get3A_623 = arith.constant 112 : index
    %get3A_624 = tpu.vector_load %arg13[%get3A_623] {strides = array<i32>} : memref<256xi32, #tpu.memory_space<vmem>>, vector<16xi32>,
    %get3A_625 = arith.constant 112 : index
    %get3A_626 = tpu.vector_load %arg14[%get3A_625] {strides = array<i32>} : memref<256xi32, #tpu.memory_space<vmem>>, vector<16xi32>,
    %sub3A_627 = arith.subi %get3A_624, %get3A_626 : vector<16xi32>
    %convert_element_type3A_628 = arith.sitofp %sub3A_627 : vector<16xi32> to vector<16xf32>
    %swap3A_629 = arith.constant 7 : i32
    %swap3A_630 = arith.constant 3 : i32
    %swap3A_631 = arith.index_cast %swap3A_629 : i32 to index
    %swap3A_632 = arith.index_cast %swap3A_630 : i32 to index
    %swap3A_633 = arith.constant 0 : index
    %swap3A_634 = tpu.vector_load %arg15[%swap3A_631, %swap3A_632, %swap3A_633] {strides = array<i32>} : memref<16x4x16xf32, #tpu.memory_space<vmem>>, vector<16xf32>,
    tpu.vector_store %arg15[%swap3A_631, %swap3A_632, %swap3A_633], %convert_element_type3A_628 {strides = array<i32>} : memref<16x4x16xf32, #tpu.memory_space<vmem>>, vector<16xf32>,
    %get3A_635 = arith.constant 128 : index
    %get3A_636 = tpu.vector_load %arg7[%get3A_635] {strides = array<i32>} : memref<256xf32, #tpu.memory_space<vmem>>, vector<16xf32>,
    %get3A_637 = arith.constant 128 : index
    %get3A_638 = tpu.vector_load %arg10[%get3A_637] {strides = array<i32>} : memref<256xf32, #tpu.memory_space<vmem>>, vector<16xf32>,
    %sub3A_639 = arith.subf %get3A_636, %get3A_638 : vector<16xf32>
    %swap3A_640 = arith.constant 8 : i32
    %swap3A_641 = arith.constant 0 : i32
    %swap3A_642 = arith.index_cast %swap3A_640 : i32 to index
    %swap3A_643 = arith.index_cast %swap3A_641 : i32 to index
    %swap3A_644 = arith.constant 0 : index
    %swap3A_645 = tpu.vector_load %arg15[%swap3A_642, %swap3A_643, %swap3A_644] {strides = array<i32>} : memref<16x4x16xf32, #tpu.memory_space<vmem>>, vector<16xf32>,
    tpu.vector_store %arg15[%swap3A_642, %swap3A_643, %swap3A_644], %sub3A_639 {strides = array<i32>} : memref<16x4x16xf32, #tpu.memory_space<vmem>>, vector<16xf32>,
    %get3A_646 = arith.constant 128 : index
    %get3A_647 = tpu.vector_load %arg8[%get3A_646] {strides = array<i32>} : memref<256xf32, #tpu.memory_space<vmem>>, vector<16xf32>,
    %get3A_648 = arith.constant 128 : index
    %get3A_649 = tpu.vector_load %arg11[%get3A_648] {strides = array<i32>} : memref<256xf32, #tpu.memory_space<vmem>>, vector<16xf32>,
    %sub3A_650 = arith.subf %get3A_647, %get3A_649 : vector<16xf32>
    %swap3A_651 = arith.constant 8 : i32
    %swap3A_652 = arith.constant 1 : i32
    %swap3A_653 = arith.index_cast %swap3A_651 : i32 to index
    %swap3A_654 = arith.index_cast %swap3A_652 : i32 to index
    %swap3A_655 = arith.constant 0 : index
    %swap3A_656 = tpu.vector_load %arg15[%swap3A_653, %swap3A_654, %swap3A_655] {strides = array<i32>} : memref<16x4x16xf32, #tpu.memory_space<vmem>>, vector<16xf32>,
    tpu.vector_store %arg15[%swap3A_653, %swap3A_654, %swap3A_655], %sub3A_650 {strides = array<i32>} : memref<16x4x16xf32, #tpu.memory_space<vmem>>, vector<16xf32>,
    %get3A_657 = arith.constant 128 : index
    %get3A_658 = tpu.vector_load %arg9[%get3A_657] {strides = array<i32>} : memref<256xf32, #tpu.memory_space<vmem>>, vector<16xf32>,
    %get3A_659 = arith.constant 128 : index
    %get3A_660 = tpu.vector_load %arg12[%get3A_659] {strides = array<i32>} : memref<256xf32, #tpu.memory_space<vmem>>, vector<16xf32>,
    %sub3A_661 = arith.subf %get3A_658, %get3A_660 : vector<16xf32>
    %swap3A_662 = arith.constant 8 : i32
    %swap3A_663 = arith.constant 2 : i32
    %swap3A_664 = arith.index_cast %swap3A_662 : i32 to index
    %swap3A_665 = arith.index_cast %swap3A_663 : i32 to index
    %swap3A_666 = arith.constant 0 : index
    %swap3A_667 = tpu.vector_load %arg15[%swap3A_664, %swap3A_665, %swap3A_666] {strides = array<i32>} : memref<16x4x16xf32, #tpu.memory_space<vmem>>, vector<16xf32>,
    tpu.vector_store %arg15[%swap3A_664, %swap3A_665, %swap3A_666], %sub3A_661 {strides = array<i32>} : memref<16x4x16xf32, #tpu.memory_space<vmem>>, vector<16xf32>,
    %get3A_668 = arith.constant 128 : index
    %get3A_669 = tpu.vector_load %arg13[%get3A_668] {strides = array<i32>} : memref<256xi32, #tpu.memory_space<vmem>>, vector<16xi32>,
    %get3A_670 = arith.constant 128 : index
    %get3A_671 = tpu.vector_load %arg14[%get3A_670] {strides = array<i32>} : memref<256xi32, #tpu.memory_space<vmem>>, vector<16xi32>,
    %sub3A_672 = arith.subi %get3A_669, %get3A_671 : vector<16xi32>
    %convert_element_type3A_673 = arith.sitofp %sub3A_672 : vector<16xi32> to vector<16xf32>
    %swap3A_674 = arith.constant 8 : i32
    %swap3A_675 = arith.constant 3 : i32
    %swap3A_676 = arith.index_cast %swap3A_674 : i32 to index
    %swap3A_677 = arith.index_cast %swap3A_675 : i32 to index
    %swap3A_678 = arith.constant 0 : index
    %swap3A_679 = tpu.vector_load %arg15[%swap3A_676, %swap3A_677, %swap3A_678] {strides = array<i32>} : memref<16x4x16xf32, #tpu.memory_space<vmem>>, vector<16xf32>,
    tpu.vector_store %arg15[%swap3A_676, %swap3A_677, %swap3A_678], %convert_element_type3A_673 {strides = array<i32>} : memref<16x4x16xf32, #tpu.memory_space<vmem>>, vector<16xf32>,
    %get3A_680 = arith.constant 144 : index
    %get3A_681 = tpu.vector_load %arg7[%get3A_680] {strides = array<i32>} : memref<256xf32, #tpu.memory_space<vmem>>, vector<16xf32>,
    %get3A_682 = arith.constant 144 : index
    %get3A_683 = tpu.vector_load %arg10[%get3A_682] {strides = array<i32>} : memref<256xf32, #tpu.memory_space<vmem>>, vector<16xf32>,
    %sub3A_684 = arith.subf %get3A_681, %get3A_683 : vector<16xf32>
    %swap3A_685 = arith.constant 9 : i32
    %swap3A_686 = arith.constant 0 : i32
    %swap3A_687 = arith.index_cast %swap3A_685 : i32 to index
    %swap3A_688 = arith.index_cast %swap3A_686 : i32 to index
    %swap3A_689 = arith.constant 0 : index
    %swap3A_690 = tpu.vector_load %arg15[%swap3A_687, %swap3A_688, %swap3A_689] {strides = array<i32>} : memref<16x4x16xf32, #tpu.memory_space<vmem>>, vector<16xf32>,
    tpu.vector_store %arg15[%swap3A_687, %swap3A_688, %swap3A_689], %sub3A_684 {strides = array<i32>} : memref<16x4x16xf32, #tpu.memory_space<vmem>>, vector<16xf32>,
    %get3A_691 = arith.constant 144 : index
    %get3A_692 = tpu.vector_load %arg8[%get3A_691] {strides = array<i32>} : memref<256xf32, #tpu.memory_space<vmem>>, vector<16xf32>,
    %get3A_693 = arith.constant 144 : index
    %get3A_694 = tpu.vector_load %arg11[%get3A_693] {strides = array<i32>} : memref<256xf32, #tpu.memory_space<vmem>>, vector<16xf32>,
    %sub3A_695 = arith.subf %get3A_692, %get3A_694 : vector<16xf32>
    %swap3A_696 = arith.constant 9 : i32
    %swap3A_697 = arith.constant 1 : i32
    %swap3A_698 = arith.index_cast %swap3A_696 : i32 to index
    %swap3A_699 = arith.index_cast %swap3A_697 : i32 to index
    %swap3A_700 = arith.constant 0 : index
    %swap3A_701 = tpu.vector_load %arg15[%swap3A_698, %swap3A_699, %swap3A_700] {strides = array<i32>} : memref<16x4x16xf32, #tpu.memory_space<vmem>>, vector<16xf32>,
    tpu.vector_store %arg15[%swap3A_698, %swap3A_699, %swap3A_700], %sub3A_695 {strides = array<i32>} : memref<16x4x16xf32, #tpu.memory_space<vmem>>, vector<16xf32>,
    %get3A_702 = arith.constant 144 : index
    %get3A_703 = tpu.vector_load %arg9[%get3A_702] {strides = array<i32>} : memref<256xf32, #tpu.memory_space<vmem>>, vector<16xf32>,
    %get3A_704 = arith.constant 144 : index
    %get3A_705 = tpu.vector_load %arg12[%get3A_704] {strides = array<i32>} : memref<256xf32, #tpu.memory_space<vmem>>, vector<16xf32>,
    %sub3A_706 = arith.subf %get3A_703, %get3A_705 : vector<16xf32>
    %swap3A_707 = arith.constant 9 : i32
    %swap3A_708 = arith.constant 2 : i32
    %swap3A_709 = arith.index_cast %swap3A_707 : i32 to index
    %swap3A_710 = arith.index_cast %swap3A_708 : i32 to index
    %swap3A_711 = arith.constant 0 : index
    %swap3A_712 = tpu.vector_load %arg15[%swap3A_709, %swap3A_710, %swap3A_711] {strides = array<i32>} : memref<16x4x16xf32, #tpu.memory_space<vmem>>, vector<16xf32>,
    tpu.vector_store %arg15[%swap3A_709, %swap3A_710, %swap3A_711], %sub3A_706 {strides = array<i32>} : memref<16x4x16xf32, #tpu.memory_space<vmem>>, vector<16xf32>,
    %get3A_713 = arith.constant 144 : index
    %get3A_714 = tpu.vector_load %arg13[%get3A_713] {strides = array<i32>} : memref<256xi32, #tpu.memory_space<vmem>>, vector<16xi32>,
    %get3A_715 = arith.constant 144 : index
    %get3A_716 = tpu.vector_load %arg14[%get3A_715] {strides = array<i32>} : memref<256xi32, #tpu.memory_space<vmem>>, vector<16xi32>,
    %sub3A_717 = arith.subi %get3A_714, %get3A_716 : vector<16xi32>
    %convert_element_type3A_718 = arith.sitofp %sub3A_717 : vector<16xi32> to vector<16xf32>
    %swap3A_719 = arith.constant 9 : i32
    %swap3A_720 = arith.constant 3 : i32
    %swap3A_721 = arith.index_cast %swap3A_719 : i32 to index
    %swap3A_722 = arith.index_cast %swap3A_720 : i32 to index
    %swap3A_723 = arith.constant 0 : index
    %swap3A_724 = tpu.vector_load %arg15[%swap3A_721, %swap3A_722, %swap3A_723] {strides = array<i32>} : memref<16x4x16xf32, #tpu.memory_space<vmem>>, vector<16xf32>,
    tpu.vector_store %arg15[%swap3A_721, %swap3A_722, %swap3A_723], %convert_element_type3A_718 {strides = array<i32>} : memref<16x4x16xf32, #tpu.memory_space<vmem>>, vector<16xf32>,
    %get3A_725 = arith.constant 160 : index
    %get3A_726 = tpu.vector_load %arg7[%get3A_725] {strides = array<i32>} : memref<256xf32, #tpu.memory_space<vmem>>, vector<16xf32>,
    %get3A_727 = arith.constant 160 : index
    %get3A_728 = tpu.vector_load %arg10[%get3A_727] {strides = array<i32>} : memref<256xf32, #tpu.memory_space<vmem>>, vector<16xf32>,
    %sub3A_729 = arith.subf %get3A_726, %get3A_728 : vector<16xf32>
    %swap3A_730 = arith.constant 10 : i32
    %swap3A_731 = arith.constant 0 : i32
    %swap3A_732 = arith.index_cast %swap3A_730 : i32 to index
    %swap3A_733 = arith.index_cast %swap3A_731 : i32 to index
    %swap3A_734 = arith.constant 0 : index
    %swap3A_735 = tpu.vector_load %arg15[%swap3A_732, %swap3A_733, %swap3A_734] {strides = array<i32>} : memref<16x4x16xf32, #tpu.memory_space<vmem>>, vector<16xf32>,
    tpu.vector_store %arg15[%swap3A_732, %swap3A_733, %swap3A_734], %sub3A_729 {strides = array<i32>} : memref<16x4x16xf32, #tpu.memory_space<vmem>>, vector<16xf32>,
    %get3A_736 = arith.constant 160 : index
    %get3A_737 = tpu.vector_load %arg8[%get3A_736] {strides = array<i32>} : memref<256xf32, #tpu.memory_space<vmem>>, vector<16xf32>,
    %get3A_738 = arith.constant 160 : index
    %get3A_739 = tpu.vector_load %arg11[%get3A_738] {strides = array<i32>} : memref<256xf32, #tpu.memory_space<vmem>>, vector<16xf32>,
    %sub3A_740 = arith.subf %get3A_737, %get3A_739 : vector<16xf32>
    %swap3A_741 = arith.constant 10 : i32
    %swap3A_742 = arith.constant 1 : i32
    %swap3A_743 = arith.index_cast %swap3A_741 : i32 to index
    %swap3A_744 = arith.index_cast %swap3A_742 : i32 to index
    %swap3A_745 = arith.constant 0 : index
    %swap3A_746 = tpu.vector_load %arg15[%swap3A_743, %swap3A_744, %swap3A_745] {strides = array<i32>} : memref<16x4x16xf32, #tpu.memory_space<vmem>>, vector<16xf32>,
    tpu.vector_store %arg15[%swap3A_743, %swap3A_744, %swap3A_745], %sub3A_740 {strides = array<i32>} : memref<16x4x16xf32, #tpu.memory_space<vmem>>, vector<16xf32>,
    %get3A_747 = arith.constant 160 : index
    %get3A_748 = tpu.vector_load %arg9[%get3A_747] {strides = array<i32>} : memref<256xf32, #tpu.memory_space<vmem>>, vector<16xf32>,
    %get3A_749 = arith.constant 160 : index
    %get3A_750 = tpu.vector_load %arg12[%get3A_749] {strides = array<i32>} : memref<256xf32, #tpu.memory_space<vmem>>, vector<16xf32>,
    %sub3A_751 = arith.subf %get3A_748, %get3A_750 : vector<16xf32>
    %swap3A_752 = arith.constant 10 : i32
    %swap3A_753 = arith.constant 2 : i32
    %swap3A_754 = arith.index_cast %swap3A_752 : i32 to index
    %swap3A_755 = arith.index_cast %swap3A_753 : i32 to index
    %swap3A_756 = arith.constant 0 : index
    %swap3A_757 = tpu.vector_load %arg15[%swap3A_754, %swap3A_755, %swap3A_756] {strides = array<i32>} : memref<16x4x16xf32, #tpu.memory_space<vmem>>, vector<16xf32>,
    tpu.vector_store %arg15[%swap3A_754, %swap3A_755, %swap3A_756], %sub3A_751 {strides = array<i32>} : memref<16x4x16xf32, #tpu.memory_space<vmem>>, vector<16xf32>,
    %get3A_758 = arith.constant 160 : index
    %get3A_759 = tpu.vector_load %arg13[%get3A_758] {strides = array<i32>} : memref<256xi32, #tpu.memory_space<vmem>>, vector<16xi32>,
    %get3A_760 = arith.constant 160 : index
    %get3A_761 = tpu.vector_load %arg14[%get3A_760] {strides = array<i32>} : memref<256xi32, #tpu.memory_space<vmem>>, vector<16xi32>,
    %sub3A_762 = arith.subi %get3A_759, %get3A_761 : vector<16xi32>
    %convert_element_type3A_763 = arith.sitofp %sub3A_762 : vector<16xi32> to vector<16xf32>
    %swap3A_764 = arith.constant 10 : i32
    %swap3A_765 = arith.constant 3 : i32
    %swap3A_766 = arith.index_cast %swap3A_764 : i32 to index
    %swap3A_767 = arith.index_cast %swap3A_765 : i32 to index
    %swap3A_768 = arith.constant 0 : index
    %swap3A_769 = tpu.vector_load %arg15[%swap3A_766, %swap3A_767, %swap3A_768] {strides = array<i32>} : memref<16x4x16xf32, #tpu.memory_space<vmem>>, vector<16xf32>,
    tpu.vector_store %arg15[%swap3A_766, %swap3A_767, %swap3A_768], %convert_element_type3A_763 {strides = array<i32>} : memref<16x4x16xf32, #tpu.memory_space<vmem>>, vector<16xf32>,
    %get3A_770 = arith.constant 176 : index
    %get3A_771 = tpu.vector_load %arg7[%get3A_770] {strides = array<i32>} : memref<256xf32, #tpu.memory_space<vmem>>, vector<16xf32>,
    %get3A_772 = arith.constant 176 : index
    %get3A_773 = tpu.vector_load %arg10[%get3A_772] {strides = array<i32>} : memref<256xf32, #tpu.memory_space<vmem>>, vector<16xf32>,
    %sub3A_774 = arith.subf %get3A_771, %get3A_773 : vector<16xf32>
    %swap3A_775 = arith.constant 11 : i32
    %swap3A_776 = arith.constant 0 : i32
    %swap3A_777 = arith.index_cast %swap3A_775 : i32 to index
    %swap3A_778 = arith.index_cast %swap3A_776 : i32 to index
    %swap3A_779 = arith.constant 0 : index
    %swap3A_780 = tpu.vector_load %arg15[%swap3A_777, %swap3A_778, %swap3A_779] {strides = array<i32>} : memref<16x4x16xf32, #tpu.memory_space<vmem>>, vector<16xf32>,
    tpu.vector_store %arg15[%swap3A_777, %swap3A_778, %swap3A_779], %sub3A_774 {strides = array<i32>} : memref<16x4x16xf32, #tpu.memory_space<vmem>>, vector<16xf32>,
    %get3A_781 = arith.constant 176 : index
    %get3A_782 = tpu.vector_load %arg8[%get3A_781] {strides = array<i32>} : memref<256xf32, #tpu.memory_space<vmem>>, vector<16xf32>,
    %get3A_783 = arith.constant 176 : index
    %get3A_784 = tpu.vector_load %arg11[%get3A_783] {strides = array<i32>} : memref<256xf32, #tpu.memory_space<vmem>>, vector<16xf32>,
    %sub3A_785 = arith.subf %get3A_782, %get3A_784 : vector<16xf32>
    %swap3A_786 = arith.constant 11 : i32
    %swap3A_787 = arith.constant 1 : i32
    %swap3A_788 = arith.index_cast %swap3A_786 : i32 to index
    %swap3A_789 = arith.index_cast %swap3A_787 : i32 to index
    %swap3A_790 = arith.constant 0 : index
    %swap3A_791 = tpu.vector_load %arg15[%swap3A_788, %swap3A_789, %swap3A_790] {strides = array<i32>} : memref<16x4x16xf32, #tpu.memory_space<vmem>>, vector<16xf32>,
    tpu.vector_store %arg15[%swap3A_788, %swap3A_789, %swap3A_790], %sub3A_785 {strides = array<i32>} : memref<16x4x16xf32, #tpu.memory_space<vmem>>, vector<16xf32>,
    %get3A_792 = arith.constant 176 : index
    %get3A_793 = tpu.vector_load %arg9[%get3A_792] {strides = array<i32>} : memref<256xf32, #tpu.memory_space<vmem>>, vector<16xf32>,
    %get3A_794 = arith.constant 176 : index
    %get3A_795 = tpu.vector_load %arg12[%get3A_794] {strides = array<i32>} : memref<256xf32, #tpu.memory_space<vmem>>, vector<16xf32>,
    %sub3A_796 = arith.subf %get3A_793, %get3A_795 : vector<16xf32>
    %swap3A_797 = arith.constant 11 : i32
    %swap3A_798 = arith.constant 2 : i32
    %swap3A_799 = arith.index_cast %swap3A_797 : i32 to index
    %swap3A_800 = arith.index_cast %swap3A_798 : i32 to index
    %swap3A_801 = arith.constant 0 : index
    %swap3A_802 = tpu.vector_load %arg15[%swap3A_799, %swap3A_800, %swap3A_801] {strides = array<i32>} : memref<16x4x16xf32, #tpu.memory_space<vmem>>, vector<16xf32>,
    tpu.vector_store %arg15[%swap3A_799, %swap3A_800, %swap3A_801], %sub3A_796 {strides = array<i32>} : memref<16x4x16xf32, #tpu.memory_space<vmem>>, vector<16xf32>,
    %get3A_803 = arith.constant 176 : index
    %get3A_804 = tpu.vector_load %arg13[%get3A_803] {strides = array<i32>} : memref<256xi32, #tpu.memory_space<vmem>>, vector<16xi32>,
    %get3A_805 = arith.constant 176 : index
    %get3A_806 = tpu.vector_load %arg14[%get3A_805] {strides = array<i32>} : memref<256xi32, #tpu.memory_space<vmem>>, vector<16xi32>,
    %sub3A_807 = arith.subi %get3A_804, %get3A_806 : vector<16xi32>
    %convert_element_type3A_808 = arith.sitofp %sub3A_807 : vector<16xi32> to vector<16xf32>
    %swap3A_809 = arith.constant 11 : i32
    %swap3A_810 = arith.constant 3 : i32
    %swap3A_811 = arith.index_cast %swap3A_809 : i32 to index
    %swap3A_812 = arith.index_cast %swap3A_810 : i32 to index
    %swap3A_813 = arith.constant 0 : index
    %swap3A_814 = tpu.vector_load %arg15[%swap3A_811, %swap3A_812, %swap3A_813] {strides = array<i32>} : memref<16x4x16xf32, #tpu.memory_space<vmem>>, vector<16xf32>,
    tpu.vector_store %arg15[%swap3A_811, %swap3A_812, %swap3A_813], %convert_element_type3A_808 {strides = array<i32>} : memref<16x4x16xf32, #tpu.memory_space<vmem>>, vector<16xf32>,
    %get3A_815 = arith.constant 192 : index
    %get3A_816 = tpu.vector_load %arg7[%get3A_815] {strides = array<i32>} : memref<256xf32, #tpu.memory_space<vmem>>, vector<16xf32>,
    %get3A_817 = arith.constant 192 : index
    %get3A_818 = tpu.vector_load %arg10[%get3A_817] {strides = array<i32>} : memref<256xf32, #tpu.memory_space<vmem>>, vector<16xf32>,
    %sub3A_819 = arith.subf %get3A_816, %get3A_818 : vector<16xf32>
    %swap3A_820 = arith.constant 12 : i32
    %swap3A_821 = arith.constant 0 : i32
    %swap3A_822 = arith.index_cast %swap3A_820 : i32 to index
    %swap3A_823 = arith.index_cast %swap3A_821 : i32 to index
    %swap3A_824 = arith.constant 0 : index
    %swap3A_825 = tpu.vector_load %arg15[%swap3A_822, %swap3A_823, %swap3A_824] {strides = array<i32>} : memref<16x4x16xf32, #tpu.memory_space<vmem>>, vector<16xf32>,
    tpu.vector_store %arg15[%swap3A_822, %swap3A_823, %swap3A_824], %sub3A_819 {strides = array<i32>} : memref<16x4x16xf32, #tpu.memory_space<vmem>>, vector<16xf32>,
    %get3A_826 = arith.constant 192 : index
    %get3A_827 = tpu.vector_load %arg8[%get3A_826] {strides = array<i32>} : memref<256xf32, #tpu.memory_space<vmem>>, vector<16xf32>,
    %get3A_828 = arith.constant 192 : index
    %get3A_829 = tpu.vector_load %arg11[%get3A_828] {strides = array<i32>} : memref<256xf32, #tpu.memory_space<vmem>>, vector<16xf32>,
    %sub3A_830 = arith.subf %get3A_827, %get3A_829 : vector<16xf32>
    %swap3A_831 = arith.constant 12 : i32
    %swap3A_832 = arith.constant 1 : i32
    %swap3A_833 = arith.index_cast %swap3A_831 : i32 to index
    %swap3A_834 = arith.index_cast %swap3A_832 : i32 to index
    %swap3A_835 = arith.constant 0 : index
    %swap3A_836 = tpu.vector_load %arg15[%swap3A_833, %swap3A_834, %swap3A_835] {strides = array<i32>} : memref<16x4x16xf32, #tpu.memory_space<vmem>>, vector<16xf32>,
    tpu.vector_store %arg15[%swap3A_833, %swap3A_834, %swap3A_835], %sub3A_830 {strides = array<i32>} : memref<16x4x16xf32, #tpu.memory_space<vmem>>, vector<16xf32>,
    %get3A_837 = arith.constant 192 : index
    %get3A_838 = tpu.vector_load %arg9[%get3A_837] {strides = array<i32>} : memref<256xf32, #tpu.memory_space<vmem>>, vector<16xf32>,
    %get3A_839 = arith.constant 192 : index
    %get3A_840 = tpu.vector_load %arg12[%get3A_839] {strides = array<i32>} : memref<256xf32, #tpu.memory_space<vmem>>, vector<16xf32>,
    %sub3A_841 = arith.subf %get3A_838, %get3A_840 : vector<16xf32>
    %swap3A_842 = arith.constant 12 : i32
    %swap3A_843 = arith.constant 2 : i32
    %swap3A_844 = arith.index_cast %swap3A_842 : i32 to index
    %swap3A_845 = arith.index_cast %swap3A_843 : i32 to index
    %swap3A_846 = arith.constant 0 : index
    %swap3A_847 = tpu.vector_load %arg15[%swap3A_844, %swap3A_845, %swap3A_846] {strides = array<i32>} : memref<16x4x16xf32, #tpu.memory_space<vmem>>, vector<16xf32>,
    tpu.vector_store %arg15[%swap3A_844, %swap3A_845, %swap3A_846], %sub3A_841 {strides = array<i32>} : memref<16x4x16xf32, #tpu.memory_space<vmem>>, vector<16xf32>,
    %get3A_848 = arith.constant 192 : index
    %get3A_849 = tpu.vector_load %arg13[%get3A_848] {strides = array<i32>} : memref<256xi32, #tpu.memory_space<vmem>>, vector<16xi32>,
    %get3A_850 = arith.constant 192 : index
    %get3A_851 = tpu.vector_load %arg14[%get3A_850] {strides = array<i32>} : memref<256xi32, #tpu.memory_space<vmem>>, vector<16xi32>,
    %sub3A_852 = arith.subi %get3A_849, %get3A_851 : vector<16xi32>
    %convert_element_type3A_853 = arith.sitofp %sub3A_852 : vector<16xi32> to vector<16xf32>
    %swap3A_854 = arith.constant 12 : i32
    %swap3A_855 = arith.constant 3 : i32
    %swap3A_856 = arith.index_cast %swap3A_854 : i32 to index
    %swap3A_857 = arith.index_cast %swap3A_855 : i32 to index
    %swap3A_858 = arith.constant 0 : index
    %swap3A_859 = tpu.vector_load %arg15[%swap3A_856, %swap3A_857, %swap3A_858] {strides = array<i32>} : memref<16x4x16xf32, #tpu.memory_space<vmem>>, vector<16xf32>,
    tpu.vector_store %arg15[%swap3A_856, %swap3A_857, %swap3A_858], %convert_element_type3A_853 {strides = array<i32>} : memref<16x4x16xf32, #tpu.memory_space<vmem>>, vector<16xf32>,
    %get3A_860 = arith.constant 208 : index
    %get3A_861 = tpu.vector_load %arg7[%get3A_860] {strides = array<i32>} : memref<256xf32, #tpu.memory_space<vmem>>, vector<16xf32>,
    %get3A_862 = arith.constant 208 : index
    %get3A_863 = tpu.vector_load %arg10[%get3A_862] {strides = array<i32>} : memref<256xf32, #tpu.memory_space<vmem>>, vector<16xf32>,
    %sub3A_864 = arith.subf %get3A_861, %get3A_863 : vector<16xf32>
    %swap3A_865 = arith.constant 13 : i32
    %swap3A_866 = arith.constant 0 : i32
    %swap3A_867 = arith.index_cast %swap3A_865 : i32 to index
    %swap3A_868 = arith.index_cast %swap3A_866 : i32 to index
    %swap3A_869 = arith.constant 0 : index
    %swap3A_870 = tpu.vector_load %arg15[%swap3A_867, %swap3A_868, %swap3A_869] {strides = array<i32>} : memref<16x4x16xf32, #tpu.memory_space<vmem>>, vector<16xf32>,
    tpu.vector_store %arg15[%swap3A_867, %swap3A_868, %swap3A_869], %sub3A_864 {strides = array<i32>} : memref<16x4x16xf32, #tpu.memory_space<vmem>>, vector<16xf32>,
    %get3A_871 = arith.constant 208 : index
    %get3A_872 = tpu.vector_load %arg8[%get3A_871] {strides = array<i32>} : memref<256xf32, #tpu.memory_space<vmem>>, vector<16xf32>,
    %get3A_873 = arith.constant 208 : index
    %get3A_874 = tpu.vector_load %arg11[%get3A_873] {strides = array<i32>} : memref<256xf32, #tpu.memory_space<vmem>>, vector<16xf32>,
    %sub3A_875 = arith.subf %get3A_872, %get3A_874 : vector<16xf32>
    %swap3A_876 = arith.constant 13 : i32
    %swap3A_877 = arith.constant 1 : i32
    %swap3A_878 = arith.index_cast %swap3A_876 : i32 to index
    %swap3A_879 = arith.index_cast %swap3A_877 : i32 to index
    %swap3A_880 = arith.constant 0 : index
    %swap3A_881 = tpu.vector_load %arg15[%swap3A_878, %swap3A_879, %swap3A_880] {strides = array<i32>} : memref<16x4x16xf32, #tpu.memory_space<vmem>>, vector<16xf32>,
    tpu.vector_store %arg15[%swap3A_878, %swap3A_879, %swap3A_880], %sub3A_875 {strides = array<i32>} : memref<16x4x16xf32, #tpu.memory_space<vmem>>, vector<16xf32>,
    %get3A_882 = arith.constant 208 : index
    %get3A_883 = tpu.vector_load %arg9[%get3A_882] {strides = array<i32>} : memref<256xf32, #tpu.memory_space<vmem>>, vector<16xf32>,
    %get3A_884 = arith.constant 208 : index
    %get3A_885 = tpu.vector_load %arg12[%get3A_884] {strides = array<i32>} : memref<256xf32, #tpu.memory_space<vmem>>, vector<16xf32>,
    %sub3A_886 = arith.subf %get3A_883, %get3A_885 : vector<16xf32>
    %swap3A_887 = arith.constant 13 : i32
    %swap3A_888 = arith.constant 2 : i32
    %swap3A_889 = arith.index_cast %swap3A_887 : i32 to index
    %swap3A_890 = arith.index_cast %swap3A_888 : i32 to index
    %swap3A_891 = arith.constant 0 : index
    %swap3A_892 = tpu.vector_load %arg15[%swap3A_889, %swap3A_890, %swap3A_891] {strides = array<i32>} : memref<16x4x16xf32, #tpu.memory_space<vmem>>, vector<16xf32>,
    tpu.vector_store %arg15[%swap3A_889, %swap3A_890, %swap3A_891], %sub3A_886 {strides = array<i32>} : memref<16x4x16xf32, #tpu.memory_space<vmem>>, vector<16xf32>,
    %get3A_893 = arith.constant 208 : index
    %get3A_894 = tpu.vector_load %arg13[%get3A_893] {strides = array<i32>} : memref<256xi32, #tpu.memory_space<vmem>>, vector<16xi32>,
    %get3A_895 = arith.constant 208 : index
    %get3A_896 = tpu.vector_load %arg14[%get3A_895] {strides = array<i32>} : memref<256xi32, #tpu.memory_space<vmem>>, vector<16xi32>,
    %sub3A_897 = arith.subi %get3A_894, %get3A_896 : vector<16xi32>
    %convert_element_type3A_898 = arith.sitofp %sub3A_897 : vector<16xi32> to vector<16xf32>
    %swap3A_899 = arith.constant 13 : i32
    %swap3A_900 = arith.constant 3 : i32
    %swap3A_901 = arith.index_cast %swap3A_899 : i32 to index
    %swap3A_902 = arith.index_cast %swap3A_900 : i32 to index
    %swap3A_903 = arith.constant 0 : index
    %swap3A_904 = tpu.vector_load %arg15[%swap3A_901, %swap3A_902, %swap3A_903] {strides = array<i32>} : memref<16x4x16xf32, #tpu.memory_space<vmem>>, vector<16xf32>,
    tpu.vector_store %arg15[%swap3A_901, %swap3A_902, %swap3A_903], %convert_element_type3A_898 {strides = array<i32>} : memref<16x4x16xf32, #tpu.memory_space<vmem>>, vector<16xf32>,
    %get3A_905 = arith.constant 224 : index
    %get3A_906 = tpu.vector_load %arg7[%get3A_905] {strides = array<i32>} : memref<256xf32, #tpu.memory_space<vmem>>, vector<16xf32>,
    %get3A_907 = arith.constant 224 : index
    %get3A_908 = tpu.vector_load %arg10[%get3A_907] {strides = array<i32>} : memref<256xf32, #tpu.memory_space<vmem>>, vector<16xf32>,
    %sub3A_909 = arith.subf %get3A_906, %get3A_908 : vector<16xf32>
    %swap3A_910 = arith.constant 14 : i32
    %swap3A_911 = arith.constant 0 : i32
    %swap3A_912 = arith.index_cast %swap3A_910 : i32 to index
    %swap3A_913 = arith.index_cast %swap3A_911 : i32 to index
    %swap3A_914 = arith.constant 0 : index
    %swap3A_915 = tpu.vector_load %arg15[%swap3A_912, %swap3A_913, %swap3A_914] {strides = array<i32>} : memref<16x4x16xf32, #tpu.memory_space<vmem>>, vector<16xf32>,
    tpu.vector_store %arg15[%swap3A_912, %swap3A_913, %swap3A_914], %sub3A_909 {strides = array<i32>} : memref<16x4x16xf32, #tpu.memory_space<vmem>>, vector<16xf32>,
    %get3A_916 = arith.constant 224 : index
    %get3A_917 = tpu.vector_load %arg8[%get3A_916] {strides = array<i32>} : memref<256xf32, #tpu.memory_space<vmem>>, vector<16xf32>,
    %get3A_918 = arith.constant 224 : index
    %get3A_919 = tpu.vector_load %arg11[%get3A_918] {strides = array<i32>} : memref<256xf32, #tpu.memory_space<vmem>>, vector<16xf32>,
    %sub3A_920 = arith.subf %get3A_917, %get3A_919 : vector<16xf32>
    %swap3A_921 = arith.constant 14 : i32
    %swap3A_922 = arith.constant 1 : i32
    %swap3A_923 = arith.index_cast %swap3A_921 : i32 to index
    %swap3A_924 = arith.index_cast %swap3A_922 : i32 to index
    %swap3A_925 = arith.constant 0 : index
    %swap3A_926 = tpu.vector_load %arg15[%swap3A_923, %swap3A_924, %swap3A_925] {strides = array<i32>} : memref<16x4x16xf32, #tpu.memory_space<vmem>>, vector<16xf32>,
    tpu.vector_store %arg15[%swap3A_923, %swap3A_924, %swap3A_925], %sub3A_920 {strides = array<i32>} : memref<16x4x16xf32, #tpu.memory_space<vmem>>, vector<16xf32>,
    %get3A_927 = arith.constant 224 : index
    %get3A_928 = tpu.vector_load %arg9[%get3A_927] {strides = array<i32>} : memref<256xf32, #tpu.memory_space<vmem>>, vector<16xf32>,
    %get3A_929 = arith.constant 224 : index
    %get3A_930 = tpu.vector_load %arg12[%get3A_929] {strides = array<i32>} : memref<256xf32, #tpu.memory_space<vmem>>, vector<16xf32>,
    %sub3A_931 = arith.subf %get3A_928, %get3A_930 : vector<16xf32>
    %swap3A_932 = arith.constant 14 : i32
    %swap3A_933 = arith.constant 2 : i32
    %swap3A_934 = arith.index_cast %swap3A_932 : i32 to index
    %swap3A_935 = arith.index_cast %swap3A_933 : i32 to index
    %swap3A_936 = arith.constant 0 : index
    %swap3A_937 = tpu.vector_load %arg15[%swap3A_934, %swap3A_935, %swap3A_936] {strides = array<i32>} : memref<16x4x16xf32, #tpu.memory_space<vmem>>, vector<16xf32>,
    tpu.vector_store %arg15[%swap3A_934, %swap3A_935, %swap3A_936], %sub3A_931 {strides = array<i32>} : memref<16x4x16xf32, #tpu.memory_space<vmem>>, vector<16xf32>,
    %get3A_938 = arith.constant 224 : index
    %get3A_939 = tpu.vector_load %arg13[%get3A_938] {strides = array<i32>} : memref<256xi32, #tpu.memory_space<vmem>>, vector<16xi32>,
    %get3A_940 = arith.constant 224 : index
    %get3A_941 = tpu.vector_load %arg14[%get3A_940] {strides = array<i32>} : memref<256xi32, #tpu.memory_space<vmem>>, vector<16xi32>,
    %sub3A_942 = arith.subi %get3A_939, %get3A_941 : vector<16xi32>
    %convert_element_type3A_943 = arith.sitofp %sub3A_942 : vector<16xi32> to vector<16xf32>
    %swap3A_944 = arith.constant 14 : i32
    %swap3A_945 = arith.constant 3 : i32
    %swap3A_946 = arith.index_cast %swap3A_944 : i32 to index
    %swap3A_947 = arith.index_cast %swap3A_945 : i32 to index
    %swap3A_948 = arith.constant 0 : index
    %swap3A_949 = tpu.vector_load %arg15[%swap3A_946, %swap3A_947, %swap3A_948] {strides = array<i32>} : memref<16x4x16xf32, #tpu.memory_space<vmem>>, vector<16xf32>,
    tpu.vector_store %arg15[%swap3A_946, %swap3A_947, %swap3A_948], %convert_element_type3A_943 {strides = array<i32>} : memref<16x4x16xf32, #tpu.memory_space<vmem>>, vector<16xf32>,
    %get3A_950 = arith.constant 240 : index
    %get3A_951 = tpu.vector_load %arg7[%get3A_950] {strides = array<i32>} : memref<256xf32, #tpu.memory_space<vmem>>, vector<16xf32>,
    %get3A_952 = arith.constant 240 : index
    %get3A_953 = tpu.vector_load %arg10[%get3A_952] {strides = array<i32>} : memref<256xf32, #tpu.memory_space<vmem>>, vector<16xf32>,
    %sub3A_954 = arith.subf %get3A_951, %get3A_953 : vector<16xf32>
    %swap3A_955 = arith.constant 15 : i32
    %swap3A_956 = arith.constant 0 : i32
    %swap3A_957 = arith.index_cast %swap3A_955 : i32 to index
    %swap3A_958 = arith.index_cast %swap3A_956 : i32 to index
    %swap3A_959 = arith.constant 0 : index
    %swap3A_960 = tpu.vector_load %arg15[%swap3A_957, %swap3A_958, %swap3A_959] {strides = array<i32>} : memref<16x4x16xf32, #tpu.memory_space<vmem>>, vector<16xf32>,
    tpu.vector_store %arg15[%swap3A_957, %swap3A_958, %swap3A_959], %sub3A_954 {strides = array<i32>} : memref<16x4x16xf32, #tpu.memory_space<vmem>>, vector<16xf32>,
    %get3A_961 = arith.constant 240 : index
    %get3A_962 = tpu.vector_load %arg8[%get3A_961] {strides = array<i32>} : memref<256xf32, #tpu.memory_space<vmem>>, vector<16xf32>,
    %get3A_963 = arith.constant 240 : index
    %get3A_964 = tpu.vector_load %arg11[%get3A_963] {strides = array<i32>} : memref<256xf32, #tpu.memory_space<vmem>>, vector<16xf32>,
    %sub3A_965 = arith.subf %get3A_962, %get3A_964 : vector<16xf32>
    %swap3A_966 = arith.constant 15 : i32
    %swap3A_967 = arith.constant 1 : i32
    %swap3A_968 = arith.index_cast %swap3A_966 : i32 to index
    %swap3A_969 = arith.index_cast %swap3A_967 : i32 to index
    %swap3A_970 = arith.constant 0 : index
    %swap3A_971 = tpu.vector_load %arg15[%swap3A_968, %swap3A_969, %swap3A_970] {strides = array<i32>} : memref<16x4x16xf32, #tpu.memory_space<vmem>>, vector<16xf32>,
    tpu.vector_store %arg15[%swap3A_968, %swap3A_969, %swap3A_970], %sub3A_965 {strides = array<i32>} : memref<16x4x16xf32, #tpu.memory_space<vmem>>, vector<16xf32>,
    %get3A_972 = arith.constant 240 : index
    %get3A_973 = tpu.vector_load %arg9[%get3A_972] {strides = array<i32>} : memref<256xf32, #tpu.memory_space<vmem>>, vector<16xf32>,
    %get3A_974 = arith.constant 240 : index
    %get3A_975 = tpu.vector_load %arg12[%get3A_974] {strides = array<i32>} : memref<256xf32, #tpu.memory_space<vmem>>, vector<16xf32>,
    %sub3A_976 = arith.subf %get3A_973, %get3A_975 : vector<16xf32>
    %swap3A_977 = arith.constant 15 : i32
    %swap3A_978 = arith.constant 2 : i32
    %swap3A_979 = arith.index_cast %swap3A_977 : i32 to index
    %swap3A_980 = arith.index_cast %swap3A_978 : i32 to index
    %swap3A_981 = arith.constant 0 : index
    %swap3A_982 = tpu.vector_load %arg15[%swap3A_979, %swap3A_980, %swap3A_981] {strides = array<i32>} : memref<16x4x16xf32, #tpu.memory_space<vmem>>, vector<16xf32>,
    tpu.vector_store %arg15[%swap3A_979, %swap3A_980, %swap3A_981], %sub3A_976 {strides = array<i32>} : memref<16x4x16xf32, #tpu.memory_space<vmem>>, vector<16xf32>,
    %get3A_983 = arith.constant 240 : index
    %get3A_984 = tpu.vector_load %arg13[%get3A_983] {strides = array<i32>} : memref<256xi32, #tpu.memory_space<vmem>>, vector<16xi32>,
    %get3A_985 = arith.constant 240 : index
    %get3A_986 = tpu.vector_load %arg14[%get3A_985] {strides = array<i32>} : memref<256xi32, #tpu.memory_space<vmem>>, vector<16xi32>,
    %sub3A_987 = arith.subi %get3A_984, %get3A_986 : vector<16xi32>
    %convert_element_type3A_988 = arith.sitofp %sub3A_987 : vector<16xi32> to vector<16xf32>
    %swap3A_989 = arith.constant 15 : i32
    %swap3A_990 = arith.constant 3 : i32
    %swap3A_991 = arith.index_cast %swap3A_989 : i32 to index
    %swap3A_992 = arith.index_cast %swap3A_990 : i32 to index
    %swap3A_993 = arith.constant 0 : index
    %swap3A_994 = tpu.vector_load %arg15[%swap3A_991, %swap3A_992, %swap3A_993] {strides = array<i32>} : memref<16x4x16xf32, #tpu.memory_space<vmem>>, vector<16xf32>,
    tpu.vector_store %arg15[%swap3A_991, %swap3A_992, %swap3A_993], %convert_element_type3A_988 {strides = array<i32>} : memref<16x4x16xf32, #tpu.memory_space<vmem>>, vector<16xf32>,
    "tpu.region"() ({
      %run_scoped3A_1486 = tpu.sem_alloc : memref<!tpu.dma_semaphore, #tpu.memory_space<semaphore_mem>>
      %dma_start3A = arith.constant 0 : i32
      %dma_start3A_1487 = arith.constant 0 : i32
      %dma_start3A_1488 = arith.constant 0 : i32
      %dma_start3A_1489 = tpu.memref_slice %arg18[%arg1, %dma_start3A, %dma_start3A_1487, %dma_start3A_1488] : memref<16x16x4x16xf32, #tpu.memory_space<vmem_shared>> -> memref<1x16x4x16xf32, #tpu.memory_space<vmem_shared>>
      %dma_start3A_1490 = tpu.memref_squeeze %dma_start3A_1489 : memref<1x16x4x16xf32, #tpu.memory_space<vmem_shared>> -> memref<16x4x16xf32, #tpu.memory_space<vmem_shared>>
      %dma_start3A_1491 = arith.constant 0 : i32
      %dma_start3A_1492 = arith.constant 0 : i32
      %dma_start3A_1493 = arith.constant 0 : i32
      %dma_start3A_1494 = tpu.memref_slice %arg18[%arg1, %dma_start3A_1491, %dma_start3A_1492, %dma_start3A_1493] : memref<16x16x4x16xf32, #tpu.memory_space<vmem_shared>> -> memref<1x16x4x16xf32, #tpu.memory_space<vmem_shared>>
      %dma_start3A_1495 = tpu.memref_squeeze %dma_start3A_1494 : memref<1x16x4x16xf32, #tpu.memory_space<vmem_shared>> -> memref<16x4x16xf32, #tpu.memory_space<vmem_shared>>
      tpu.enqueue_dma source(%arg15 : memref<16x4x16xf32, #tpu.memory_space<vmem>>) target(%dma_start3A_1495 : memref<16x4x16xf32, #tpu.memory_space<vmem_shared>>) target_semaphore(%run_scoped3A_1486 : memref<!tpu.dma_semaphore, #tpu.memory_space<semaphore_mem>>)
      %dma_wait3A = arith.constant 0 : i32
      %dma_wait3A_1496 = arith.constant 0 : i32
      %dma_wait3A_1497 = arith.constant 0 : i32
      %dma_wait3A_1498 = tpu.memref_slice %arg18[%arg1, %dma_wait3A, %dma_wait3A_1496, %dma_wait3A_1497] : memref<16x16x4x16xf32, #tpu.memory_space<vmem_shared>> -> memref<1x16x4x16xf32, #tpu.memory_space<vmem_shared>>
      %dma_wait3A_1499 = tpu.memref_squeeze %dma_wait3A_1498 : memref<1x16x4x16xf32, #tpu.memory_space<vmem_shared>> -> memref<16x4x16xf32, #tpu.memory_space<vmem_shared>>
      %dma_wait3A_1500 = arith.constant 0 : i32
      %dma_wait3A_1501 = arith.constant 0 : i32
      %dma_wait3A_1502 = arith.constant 0 : i32
      %dma_wait3A_1503 = tpu.memref_slice %arg18[%arg1, %dma_wait3A_1500, %dma_wait3A_1501, %dma_wait3A_1502] : memref<16x16x4x16xf32, #tpu.memory_space<vmem_shared>> -> memref<1x16x4x16xf32, #tpu.memory_space<vmem_shared>>
      %dma_wait3A_1504 = tpu.memref_squeeze %dma_wait3A_1503 : memref<1x16x4x16xf32, #tpu.memory_space<vmem_shared>> -> memref<16x4x16xf32, #tpu.memory_space<vmem_shared>>
      tpu.wait_dma2 semaphore(%run_scoped3A_1486 : memref<!tpu.dma_semaphore, #tpu.memory_space<semaphore_mem>>) src(%arg15 : memref<16x4x16xf32, #tpu.memory_space<vmem>>) dst(%dma_wait3A_1504 : memref<16x4x16xf32, #tpu.memory_space<vmem_shared>>)
      tpu.yield
    }) : () -> ()
    %barrier3A = arith.constant 0 : index
    tpu.barrier barrier_id(%barrier3A)
    %run_scoped3A = arith.constant 0 : i32
    %run_scoped3A_995 = arith.constant 0 : i32
    "tpu.region"() ({
      %run_scoped3A_1486 = tpu.sem_alloc : memref<!tpu.dma_semaphore, #tpu.memory_space<semaphore_mem>>
      %dma_start3A = arith.constant 0 : i32
      %dma_start3A_1487 = arith.constant 0 : i32
      %dma_start3A_1488 = tpu.memref_slice %arg16[%run_scoped3A_995, %dma_start3A, %dma_start3A_1487] : memref<16x4x16xf32, #tpu.memory_space<vmem>> -> memref<1x4x16xf32, #tpu.memory_space<vmem>>
      %dma_start3A_1489 = tpu.memref_squeeze %dma_start3A_1488 : memref<1x4x16xf32, #tpu.memory_space<vmem>> -> memref<4x16xf32, #tpu.memory_space<vmem>>
      %dma_start3A_1490 = arith.constant 0 : i32
      %dma_start3A_1491 = arith.constant 0 : i32
      %dma_start3A_1492 = tpu.memref_slice %arg18[%run_scoped3A, %arg1, %dma_start3A_1490, %dma_start3A_1491] : memref<16x16x4x16xf32, #tpu.memory_space<vmem_shared>> -> memref<1x1x4x16xf32, #tpu.memory_space<vmem_shared>>
      %dma_start3A_1493 = tpu.memref_squeeze %dma_start3A_1492 : memref<1x1x4x16xf32, #tpu.memory_space<vmem_shared>> -> memref<4x16xf32, #tpu.memory_space<vmem_shared>>
      %dma_start3A_1494 = arith.constant 0 : i32
      %dma_start3A_1495 = arith.constant 0 : i32
      %dma_start3A_1496 = tpu.memref_slice %arg16[%run_scoped3A_995, %dma_start3A_1494, %dma_start3A_1495] : memref<16x4x16xf32, #tpu.memory_space<vmem>> -> memref<1x4x16xf32, #tpu.memory_space<vmem>>
      %dma_start3A_1497 = tpu.memref_squeeze %dma_start3A_1496 : memref<1x4x16xf32, #tpu.memory_space<vmem>> -> memref<4x16xf32, #tpu.memory_space<vmem>>
      %dma_start3A_1498 = arith.constant 0 : i32
      %dma_start3A_1499 = arith.constant 0 : i32
      %dma_start3A_1500 = tpu.memref_slice %arg18[%run_scoped3A, %arg1, %dma_start3A_1498, %dma_start3A_1499] : memref<16x16x4x16xf32, #tpu.memory_space<vmem_shared>> -> memref<1x1x4x16xf32, #tpu.memory_space<vmem_shared>>
      %dma_start3A_1501 = tpu.memref_squeeze %dma_start3A_1500 : memref<1x1x4x16xf32, #tpu.memory_space<vmem_shared>> -> memref<4x16xf32, #tpu.memory_space<vmem_shared>>
      tpu.enqueue_dma source(%dma_start3A_1501 : memref<4x16xf32, #tpu.memory_space<vmem_shared>>) target(%dma_start3A_1497 : memref<4x16xf32, #tpu.memory_space<vmem>>) target_semaphore(%run_scoped3A_1486 : memref<!tpu.dma_semaphore, #tpu.memory_space<semaphore_mem>>)
      %dma_wait3A = arith.constant 0 : i32
      %dma_wait3A_1502 = arith.constant 0 : i32
      %dma_wait3A_1503 = tpu.memref_slice %arg16[%run_scoped3A_995, %dma_wait3A, %dma_wait3A_1502] : memref<16x4x16xf32, #tpu.memory_space<vmem>> -> memref<1x4x16xf32, #tpu.memory_space<vmem>>
      %dma_wait3A_1504 = tpu.memref_squeeze %dma_wait3A_1503 : memref<1x4x16xf32, #tpu.memory_space<vmem>> -> memref<4x16xf32, #tpu.memory_space<vmem>>
      %dma_wait3A_1505 = arith.constant 0 : i32
      %dma_wait3A_1506 = arith.constant 0 : i32
      %dma_wait3A_1507 = tpu.memref_slice %arg18[%run_scoped3A, %arg1, %dma_wait3A_1505, %dma_wait3A_1506] : memref<16x16x4x16xf32, #tpu.memory_space<vmem_shared>> -> memref<1x1x4x16xf32, #tpu.memory_space<vmem_shared>>
      %dma_wait3A_1508 = tpu.memref_squeeze %dma_wait3A_1507 : memref<1x1x4x16xf32, #tpu.memory_space<vmem_shared>> -> memref<4x16xf32, #tpu.memory_space<vmem_shared>>
      %dma_wait3A_1509 = arith.constant 0 : i32
      %dma_wait3A_1510 = arith.constant 0 : i32
      %dma_wait3A_1511 = tpu.memref_slice %arg16[%run_scoped3A_995, %dma_wait3A_1509, %dma_wait3A_1510] : memref<16x4x16xf32, #tpu.memory_space<vmem>> -> memref<1x4x16xf32, #tpu.memory_space<vmem>>
      %dma_wait3A_1512 = tpu.memref_squeeze %dma_wait3A_1511 : memref<1x4x16xf32, #tpu.memory_space<vmem>> -> memref<4x16xf32, #tpu.memory_space<vmem>>
      %dma_wait3A_1513 = arith.constant 0 : i32
      %dma_wait3A_1514 = arith.constant 0 : i32
      %dma_wait3A_1515 = tpu.memref_slice %arg18[%run_scoped3A, %arg1, %dma_wait3A_1513, %dma_wait3A_1514] : memref<16x16x4x16xf32, #tpu.memory_space<vmem_shared>> -> memref<1x1x4x16xf32, #tpu.memory_space<vmem_shared>>
      %dma_wait3A_1516 = tpu.memref_squeeze %dma_wait3A_1515 : memref<1x1x4x16xf32, #tpu.memory_space<vmem_shared>> -> memref<4x16xf32, #tpu.memory_space<vmem_shared>>
      tpu.wait_dma2 semaphore(%run_scoped3A_1486 : memref<!tpu.dma_semaphore, #tpu.memory_space<semaphore_mem>>) src(%dma_wait3A_1516 : memref<4x16xf32, #tpu.memory_space<vmem_shared>>) dst(%dma_wait3A_1512 : memref<4x16xf32, #tpu.memory_space<vmem>>)
      tpu.yield
    }) : () -> ()
    %run_scoped3A_996 = arith.constant 1 : i32
    %run_scoped3A_997 = arith.constant 1 : i32
    "tpu.region"() ({
      %run_scoped3A_1486 = tpu.sem_alloc : memref<!tpu.dma_semaphore, #tpu.memory_space<semaphore_mem>>
      %dma_start3A = arith.constant 0 : i32
      %dma_start3A_1487 = arith.constant 0 : i32
      %dma_start3A_1488 = tpu.memref_slice %arg16[%run_scoped3A_997, %dma_start3A, %dma_start3A_1487] : memref<16x4x16xf32, #tpu.memory_space<vmem>> -> memref<1x4x16xf32, #tpu.memory_space<vmem>>
      %dma_start3A_1489 = tpu.memref_squeeze %dma_start3A_1488 : memref<1x4x16xf32, #tpu.memory_space<vmem>> -> memref<4x16xf32, #tpu.memory_space<vmem>>
      %dma_start3A_1490 = arith.constant 0 : i32
      %dma_start3A_1491 = arith.constant 0 : i32
      %dma_start3A_1492 = tpu.memref_slice %arg18[%run_scoped3A_996, %arg1, %dma_start3A_1490, %dma_start3A_1491] : memref<16x16x4x16xf32, #tpu.memory_space<vmem_shared>> -> memref<1x1x4x16xf32, #tpu.memory_space<vmem_shared>>
      %dma_start3A_1493 = tpu.memref_squeeze %dma_start3A_1492 : memref<1x1x4x16xf32, #tpu.memory_space<vmem_shared>> -> memref<4x16xf32, #tpu.memory_space<vmem_shared>>
      %dma_start3A_1494 = arith.constant 0 : i32
      %dma_start3A_1495 = arith.constant 0 : i32
      %dma_start3A_1496 = tpu.memref_slice %arg16[%run_scoped3A_997, %dma_start3A_1494, %dma_start3A_1495] : memref<16x4x16xf32, #tpu.memory_space<vmem>> -> memref<1x4x16xf32, #tpu.memory_space<vmem>>
      %dma_start3A_1497 = tpu.memref_squeeze %dma_start3A_1496 : memref<1x4x16xf32, #tpu.memory_space<vmem>> -> memref<4x16xf32, #tpu.memory_space<vmem>>
      %dma_start3A_1498 = arith.constant 0 : i32
      %dma_start3A_1499 = arith.constant 0 : i32
      %dma_start3A_1500 = tpu.memref_slice %arg18[%run_scoped3A_996, %arg1, %dma_start3A_1498, %dma_start3A_1499] : memref<16x16x4x16xf32, #tpu.memory_space<vmem_shared>> -> memref<1x1x4x16xf32, #tpu.memory_space<vmem_shared>>
      %dma_start3A_1501 = tpu.memref_squeeze %dma_start3A_1500 : memref<1x1x4x16xf32, #tpu.memory_space<vmem_shared>> -> memref<4x16xf32, #tpu.memory_space<vmem_shared>>
      tpu.enqueue_dma source(%dma_start3A_1501 : memref<4x16xf32, #tpu.memory_space<vmem_shared>>) target(%dma_start3A_1497 : memref<4x16xf32, #tpu.memory_space<vmem>>) target_semaphore(%run_scoped3A_1486 : memref<!tpu.dma_semaphore, #tpu.memory_space<semaphore_mem>>)
      %dma_wait3A = arith.constant 0 : i32
      %dma_wait3A_1502 = arith.constant 0 : i32
      %dma_wait3A_1503 = tpu.memref_slice %arg16[%run_scoped3A_997, %dma_wait3A, %dma_wait3A_1502] : memref<16x4x16xf32, #tpu.memory_space<vmem>> -> memref<1x4x16xf32, #tpu.memory_space<vmem>>
      %dma_wait3A_1504 = tpu.memref_squeeze %dma_wait3A_1503 : memref<1x4x16xf32, #tpu.memory_space<vmem>> -> memref<4x16xf32, #tpu.memory_space<vmem>>
      %dma_wait3A_1505 = arith.constant 0 : i32
      %dma_wait3A_1506 = arith.constant 0 : i32
      %dma_wait3A_1507 = tpu.memref_slice %arg18[%run_scoped3A_996, %arg1, %dma_wait3A_1505, %dma_wait3A_1506] : memref<16x16x4x16xf32, #tpu.memory_space<vmem_shared>> -> memref<1x1x4x16xf32, #tpu.memory_space<vmem_shared>>
      %dma_wait3A_1508 = tpu.memref_squeeze %dma_wait3A_1507 : memref<1x1x4x16xf32, #tpu.memory_space<vmem_shared>> -> memref<4x16xf32, #tpu.memory_space<vmem_shared>>
      %dma_wait3A_1509 = arith.constant 0 : i32
      %dma_wait3A_1510 = arith.constant 0 : i32
      %dma_wait3A_1511 = tpu.memref_slice %arg16[%run_scoped3A_997, %dma_wait3A_1509, %dma_wait3A_1510] : memref<16x4x16xf32, #tpu.memory_space<vmem>> -> memref<1x4x16xf32, #tpu.memory_space<vmem>>
      %dma_wait3A_1512 = tpu.memref_squeeze %dma_wait3A_1511 : memref<1x4x16xf32, #tpu.memory_space<vmem>> -> memref<4x16xf32, #tpu.memory_space<vmem>>
      %dma_wait3A_1513 = arith.constant 0 : i32
      %dma_wait3A_1514 = arith.constant 0 : i32
      %dma_wait3A_1515 = tpu.memref_slice %arg18[%run_scoped3A_996, %arg1, %dma_wait3A_1513, %dma_wait3A_1514] : memref<16x16x4x16xf32, #tpu.memory_space<vmem_shared>> -> memref<1x1x4x16xf32, #tpu.memory_space<vmem_shared>>
      %dma_wait3A_1516 = tpu.memref_squeeze %dma_wait3A_1515 : memref<1x1x4x16xf32, #tpu.memory_space<vmem_shared>> -> memref<4x16xf32, #tpu.memory_space<vmem_shared>>
      tpu.wait_dma2 semaphore(%run_scoped3A_1486 : memref<!tpu.dma_semaphore, #tpu.memory_space<semaphore_mem>>) src(%dma_wait3A_1516 : memref<4x16xf32, #tpu.memory_space<vmem_shared>>) dst(%dma_wait3A_1512 : memref<4x16xf32, #tpu.memory_space<vmem>>)
      tpu.yield
    }) : () -> ()
    %run_scoped3A_998 = arith.constant 2 : i32
    %run_scoped3A_999 = arith.constant 2 : i32
    "tpu.region"() ({
      %run_scoped3A_1486 = tpu.sem_alloc : memref<!tpu.dma_semaphore, #tpu.memory_space<semaphore_mem>>
      %dma_start3A = arith.constant 0 : i32
      %dma_start3A_1487 = arith.constant 0 : i32
      %dma_start3A_1488 = tpu.memref_slice %arg16[%run_scoped3A_999, %dma_start3A, %dma_start3A_1487] : memref<16x4x16xf32, #tpu.memory_space<vmem>> -> memref<1x4x16xf32, #tpu.memory_space<vmem>>
      %dma_start3A_1489 = tpu.memref_squeeze %dma_start3A_1488 : memref<1x4x16xf32, #tpu.memory_space<vmem>> -> memref<4x16xf32, #tpu.memory_space<vmem>>
      %dma_start3A_1490 = arith.constant 0 : i32
      %dma_start3A_1491 = arith.constant 0 : i32
      %dma_start3A_1492 = tpu.memref_slice %arg18[%run_scoped3A_998, %arg1, %dma_start3A_1490, %dma_start3A_1491] : memref<16x16x4x16xf32, #tpu.memory_space<vmem_shared>> -> memref<1x1x4x16xf32, #tpu.memory_space<vmem_shared>>
      %dma_start3A_1493 = tpu.memref_squeeze %dma_start3A_1492 : memref<1x1x4x16xf32, #tpu.memory_space<vmem_shared>> -> memref<4x16xf32, #tpu.memory_space<vmem_shared>>
      %dma_start3A_1494 = arith.constant 0 : i32
      %dma_start3A_1495 = arith.constant 0 : i32
      %dma_start3A_1496 = tpu.memref_slice %arg16[%run_scoped3A_999, %dma_start3A_1494, %dma_start3A_1495] : memref<16x4x16xf32, #tpu.memory_space<vmem>> -> memref<1x4x16xf32, #tpu.memory_space<vmem>>
      %dma_start3A_1497 = tpu.memref_squeeze %dma_start3A_1496 : memref<1x4x16xf32, #tpu.memory_space<vmem>> -> memref<4x16xf32, #tpu.memory_space<vmem>>
      %dma_start3A_1498 = arith.constant 0 : i32
      %dma_start3A_1499 = arith.constant 0 : i32
      %dma_start3A_1500 = tpu.memref_slice %arg18[%run_scoped3A_998, %arg1, %dma_start3A_1498, %dma_start3A_1499] : memref<16x16x4x16xf32, #tpu.memory_space<vmem_shared>> -> memref<1x1x4x16xf32, #tpu.memory_space<vmem_shared>>
      %dma_start3A_1501 = tpu.memref_squeeze %dma_start3A_1500 : memref<1x1x4x16xf32, #tpu.memory_space<vmem_shared>> -> memref<4x16xf32, #tpu.memory_space<vmem_shared>>
      tpu.enqueue_dma source(%dma_start3A_1501 : memref<4x16xf32, #tpu.memory_space<vmem_shared>>) target(%dma_start3A_1497 : memref<4x16xf32, #tpu.memory_space<vmem>>) target_semaphore(%run_scoped3A_1486 : memref<!tpu.dma_semaphore, #tpu.memory_space<semaphore_mem>>)
      %dma_wait3A = arith.constant 0 : i32
      %dma_wait3A_1502 = arith.constant 0 : i32
      %dma_wait3A_1503 = tpu.memref_slice %arg16[%run_scoped3A_999, %dma_wait3A, %dma_wait3A_1502] : memref<16x4x16xf32, #tpu.memory_space<vmem>> -> memref<1x4x16xf32, #tpu.memory_space<vmem>>
      %dma_wait3A_1504 = tpu.memref_squeeze %dma_wait3A_1503 : memref<1x4x16xf32, #tpu.memory_space<vmem>> -> memref<4x16xf32, #tpu.memory_space<vmem>>
      %dma_wait3A_1505 = arith.constant 0 : i32
      %dma_wait3A_1506 = arith.constant 0 : i32
      %dma_wait3A_1507 = tpu.memref_slice %arg18[%run_scoped3A_998, %arg1, %dma_wait3A_1505, %dma_wait3A_1506] : memref<16x16x4x16xf32, #tpu.memory_space<vmem_shared>> -> memref<1x1x4x16xf32, #tpu.memory_space<vmem_shared>>
      %dma_wait3A_1508 = tpu.memref_squeeze %dma_wait3A_1507 : memref<1x1x4x16xf32, #tpu.memory_space<vmem_shared>> -> memref<4x16xf32, #tpu.memory_space<vmem_shared>>
      %dma_wait3A_1509 = arith.constant 0 : i32
      %dma_wait3A_1510 = arith.constant 0 : i32
      %dma_wait3A_1511 = tpu.memref_slice %arg16[%run_scoped3A_999, %dma_wait3A_1509, %dma_wait3A_1510] : memref<16x4x16xf32, #tpu.memory_space<vmem>> -> memref<1x4x16xf32, #tpu.memory_space<vmem>>
      %dma_wait3A_1512 = tpu.memref_squeeze %dma_wait3A_1511 : memref<1x4x16xf32, #tpu.memory_space<vmem>> -> memref<4x16xf32, #tpu.memory_space<vmem>>
      %dma_wait3A_1513 = arith.constant 0 : i32
      %dma_wait3A_1514 = arith.constant 0 : i32
      %dma_wait3A_1515 = tpu.memref_slice %arg18[%run_scoped3A_998, %arg1, %dma_wait3A_1513, %dma_wait3A_1514] : memref<16x16x4x16xf32, #tpu.memory_space<vmem_shared>> -> memref<1x1x4x16xf32, #tpu.memory_space<vmem_shared>>
      %dma_wait3A_1516 = tpu.memref_squeeze %dma_wait3A_1515 : memref<1x1x4x16xf32, #tpu.memory_space<vmem_shared>> -> memref<4x16xf32, #tpu.memory_space<vmem_shared>>
      tpu.wait_dma2 semaphore(%run_scoped3A_1486 : memref<!tpu.dma_semaphore, #tpu.memory_space<semaphore_mem>>) src(%dma_wait3A_1516 : memref<4x16xf32, #tpu.memory_space<vmem_shared>>) dst(%dma_wait3A_1512 : memref<4x16xf32, #tpu.memory_space<vmem>>)
      tpu.yield
    }) : () -> ()
    %run_scoped3A_1000 = arith.constant 3 : i32
    %run_scoped3A_1001 = arith.constant 3 : i32
    "tpu.region"() ({
      %run_scoped3A_1486 = tpu.sem_alloc : memref<!tpu.dma_semaphore, #tpu.memory_space<semaphore_mem>>
      %dma_start3A = arith.constant 0 : i32
      %dma_start3A_1487 = arith.constant 0 : i32
      %dma_start3A_1488 = tpu.memref_slice %arg16[%run_scoped3A_1001, %dma_start3A, %dma_start3A_1487] : memref<16x4x16xf32, #tpu.memory_space<vmem>> -> memref<1x4x16xf32, #tpu.memory_space<vmem>>
      %dma_start3A_1489 = tpu.memref_squeeze %dma_start3A_1488 : memref<1x4x16xf32, #tpu.memory_space<vmem>> -> memref<4x16xf32, #tpu.memory_space<vmem>>
      %dma_start3A_1490 = arith.constant 0 : i32
      %dma_start3A_1491 = arith.constant 0 : i32
      %dma_start3A_1492 = tpu.memref_slice %arg18[%run_scoped3A_1000, %arg1, %dma_start3A_1490, %dma_start3A_1491] : memref<16x16x4x16xf32, #tpu.memory_space<vmem_shared>> -> memref<1x1x4x16xf32, #tpu.memory_space<vmem_shared>>
      %dma_start3A_1493 = tpu.memref_squeeze %dma_start3A_1492 : memref<1x1x4x16xf32, #tpu.memory_space<vmem_shared>> -> memref<4x16xf32, #tpu.memory_space<vmem_shared>>
      %dma_start3A_1494 = arith.constant 0 : i32
      %dma_start3A_1495 = arith.constant 0 : i32
      %dma_start3A_1496 = tpu.memref_slice %arg16[%run_scoped3A_1001, %dma_start3A_1494, %dma_start3A_1495] : memref<16x4x16xf32, #tpu.memory_space<vmem>> -> memref<1x4x16xf32, #tpu.memory_space<vmem>>
      %dma_start3A_1497 = tpu.memref_squeeze %dma_start3A_1496 : memref<1x4x16xf32, #tpu.memory_space<vmem>> -> memref<4x16xf32, #tpu.memory_space<vmem>>
      %dma_start3A_1498 = arith.constant 0 : i32
      %dma_start3A_1499 = arith.constant 0 : i32
      %dma_start3A_1500 = tpu.memref_slice %arg18[%run_scoped3A_1000, %arg1, %dma_start3A_1498, %dma_start3A_1499] : memref<16x16x4x16xf32, #tpu.memory_space<vmem_shared>> -> memref<1x1x4x16xf32, #tpu.memory_space<vmem_shared>>
      %dma_start3A_1501 = tpu.memref_squeeze %dma_start3A_1500 : memref<1x1x4x16xf32, #tpu.memory_space<vmem_shared>> -> memref<4x16xf32, #tpu.memory_space<vmem_shared>>
      tpu.enqueue_dma source(%dma_start3A_1501 : memref<4x16xf32, #tpu.memory_space<vmem_shared>>) target(%dma_start3A_1497 : memref<4x16xf32, #tpu.memory_space<vmem>>) target_semaphore(%run_scoped3A_1486 : memref<!tpu.dma_semaphore, #tpu.memory_space<semaphore_mem>>)
      %dma_wait3A = arith.constant 0 : i32
      %dma_wait3A_1502 = arith.constant 0 : i32
      %dma_wait3A_1503 = tpu.memref_slice %arg16[%run_scoped3A_1001, %dma_wait3A, %dma_wait3A_1502] : memref<16x4x16xf32, #tpu.memory_space<vmem>> -> memref<1x4x16xf32, #tpu.memory_space<vmem>>
      %dma_wait3A_1504 = tpu.memref_squeeze %dma_wait3A_1503 : memref<1x4x16xf32, #tpu.memory_space<vmem>> -> memref<4x16xf32, #tpu.memory_space<vmem>>
      %dma_wait3A_1505 = arith.constant 0 : i32
      %dma_wait3A_1506 = arith.constant 0 : i32
      %dma_wait3A_1507 = tpu.memref_slice %arg18[%run_scoped3A_1000, %arg1, %dma_wait3A_1505, %dma_wait3A_1506] : memref<16x16x4x16xf32, #tpu.memory_space<vmem_shared>> -> memref<1x1x4x16xf32, #tpu.memory_space<vmem_shared>>
      %dma_wait3A_1508 = tpu.memref_squeeze %dma_wait3A_1507 : memref<1x1x4x16xf32, #tpu.memory_space<vmem_shared>> -> memref<4x16xf32, #tpu.memory_space<vmem_shared>>
      %dma_wait3A_1509 = arith.constant 0 : i32
      %dma_wait3A_1510 = arith.constant 0 : i32
      %dma_wait3A_1511 = tpu.memref_slice %arg16[%run_scoped3A_1001, %dma_wait3A_1509, %dma_wait3A_1510] : memref<16x4x16xf32, #tpu.memory_space<vmem>> -> memref<1x4x16xf32, #tpu.memory_space<vmem>>
      %dma_wait3A_1512 = tpu.memref_squeeze %dma_wait3A_1511 : memref<1x4x16xf32, #tpu.memory_space<vmem>> -> memref<4x16xf32, #tpu.memory_space<vmem>>
      %dma_wait3A_1513 = arith.constant 0 : i32
      %dma_wait3A_1514 = arith.constant 0 : i32
      %dma_wait3A_1515 = tpu.memref_slice %arg18[%run_scoped3A_1000, %arg1, %dma_wait3A_1513, %dma_wait3A_1514] : memref<16x16x4x16xf32, #tpu.memory_space<vmem_shared>> -> memref<1x1x4x16xf32, #tpu.memory_space<vmem_shared>>
      %dma_wait3A_1516 = tpu.memref_squeeze %dma_wait3A_1515 : memref<1x1x4x16xf32, #tpu.memory_space<vmem_shared>> -> memref<4x16xf32, #tpu.memory_space<vmem_shared>>
      tpu.wait_dma2 semaphore(%run_scoped3A_1486 : memref<!tpu.dma_semaphore, #tpu.memory_space<semaphore_mem>>) src(%dma_wait3A_1516 : memref<4x16xf32, #tpu.memory_space<vmem_shared>>) dst(%dma_wait3A_1512 : memref<4x16xf32, #tpu.memory_space<vmem>>)
      tpu.yield
    }) : () -> ()
    %run_scoped3A_1002 = arith.constant 4 : i32
    %run_scoped3A_1003 = arith.constant 4 : i32
    "tpu.region"() ({
      %run_scoped3A_1486 = tpu.sem_alloc : memref<!tpu.dma_semaphore, #tpu.memory_space<semaphore_mem>>
      %dma_start3A = arith.constant 0 : i32
      %dma_start3A_1487 = arith.constant 0 : i32
      %dma_start3A_1488 = tpu.memref_slice %arg16[%run_scoped3A_1003, %dma_start3A, %dma_start3A_1487] : memref<16x4x16xf32, #tpu.memory_space<vmem>> -> memref<1x4x16xf32, #tpu.memory_space<vmem>>
      %dma_start3A_1489 = tpu.memref_squeeze %dma_start3A_1488 : memref<1x4x16xf32, #tpu.memory_space<vmem>> -> memref<4x16xf32, #tpu.memory_space<vmem>>
      %dma_start3A_1490 = arith.constant 0 : i32
      %dma_start3A_1491 = arith.constant 0 : i32
      %dma_start3A_1492 = tpu.memref_slice %arg18[%run_scoped3A_1002, %arg1, %dma_start3A_1490, %dma_start3A_1491] : memref<16x16x4x16xf32, #tpu.memory_space<vmem_shared>> -> memref<1x1x4x16xf32, #tpu.memory_space<vmem_shared>>
      %dma_start3A_1493 = tpu.memref_squeeze %dma_start3A_1492 : memref<1x1x4x16xf32, #tpu.memory_space<vmem_shared>> -> memref<4x16xf32, #tpu.memory_space<vmem_shared>>
      %dma_start3A_1494 = arith.constant 0 : i32
      %dma_start3A_1495 = arith.constant 0 : i32
      %dma_start3A_1496 = tpu.memref_slice %arg16[%run_scoped3A_1003, %dma_start3A_1494, %dma_start3A_1495] : memref<16x4x16xf32, #tpu.memory_space<vmem>> -> memref<1x4x16xf32, #tpu.memory_space<vmem>>
      %dma_start3A_1497 = tpu.memref_squeeze %dma_start3A_1496 : memref<1x4x16xf32, #tpu.memory_space<vmem>> -> memref<4x16xf32, #tpu.memory_space<vmem>>
      %dma_start3A_1498 = arith.constant 0 : i32
      %dma_start3A_1499 = arith.constant 0 : i32
      %dma_start3A_1500 = tpu.memref_slice %arg18[%run_scoped3A_1002, %arg1, %dma_start3A_1498, %dma_start3A_1499] : memref<16x16x4x16xf32, #tpu.memory_space<vmem_shared>> -> memref<1x1x4x16xf32, #tpu.memory_space<vmem_shared>>
      %dma_start3A_1501 = tpu.memref_squeeze %dma_start3A_1500 : memref<1x1x4x16xf32, #tpu.memory_space<vmem_shared>> -> memref<4x16xf32, #tpu.memory_space<vmem_shared>>
      tpu.enqueue_dma source(%dma_start3A_1501 : memref<4x16xf32, #tpu.memory_space<vmem_shared>>) target(%dma_start3A_1497 : memref<4x16xf32, #tpu.memory_space<vmem>>) target_semaphore(%run_scoped3A_1486 : memref<!tpu.dma_semaphore, #tpu.memory_space<semaphore_mem>>)
      %dma_wait3A = arith.constant 0 : i32
      %dma_wait3A_1502 = arith.constant 0 : i32
      %dma_wait3A_1503 = tpu.memref_slice %arg16[%run_scoped3A_1003, %dma_wait3A, %dma_wait3A_1502] : memref<16x4x16xf32, #tpu.memory_space<vmem>> -> memref<1x4x16xf32, #tpu.memory_space<vmem>>
      %dma_wait3A_1504 = tpu.memref_squeeze %dma_wait3A_1503 : memref<1x4x16xf32, #tpu.memory_space<vmem>> -> memref<4x16xf32, #tpu.memory_space<vmem>>
      %dma_wait3A_1505 = arith.constant 0 : i32
      %dma_wait3A_1506 = arith.constant 0 : i32
      %dma_wait3A_1507 = tpu.memref_slice %arg18[%run_scoped3A_1002, %arg1, %dma_wait3A_1505, %dma_wait3A_1506] : memref<16x16x4x16xf32, #tpu.memory_space<vmem_shared>> -> memref<1x1x4x16xf32, #tpu.memory_space<vmem_shared>>
      %dma_wait3A_1508 = tpu.memref_squeeze %dma_wait3A_1507 : memref<1x1x4x16xf32, #tpu.memory_space<vmem_shared>> -> memref<4x16xf32, #tpu.memory_space<vmem_shared>>
      %dma_wait3A_1509 = arith.constant 0 : i32
      %dma_wait3A_1510 = arith.constant 0 : i32
      %dma_wait3A_1511 = tpu.memref_slice %arg16[%run_scoped3A_1003, %dma_wait3A_1509, %dma_wait3A_1510] : memref<16x4x16xf32, #tpu.memory_space<vmem>> -> memref<1x4x16xf32, #tpu.memory_space<vmem>>
      %dma_wait3A_1512 = tpu.memref_squeeze %dma_wait3A_1511 : memref<1x4x16xf32, #tpu.memory_space<vmem>> -> memref<4x16xf32, #tpu.memory_space<vmem>>
      %dma_wait3A_1513 = arith.constant 0 : i32
      %dma_wait3A_1514 = arith.constant 0 : i32
      %dma_wait3A_1515 = tpu.memref_slice %arg18[%run_scoped3A_1002, %arg1, %dma_wait3A_1513, %dma_wait3A_1514] : memref<16x16x4x16xf32, #tpu.memory_space<vmem_shared>> -> memref<1x1x4x16xf32, #tpu.memory_space<vmem_shared>>
      %dma_wait3A_1516 = tpu.memref_squeeze %dma_wait3A_1515 : memref<1x1x4x16xf32, #tpu.memory_space<vmem_shared>> -> memref<4x16xf32, #tpu.memory_space<vmem_shared>>
      tpu.wait_dma2 semaphore(%run_scoped3A_1486 : memref<!tpu.dma_semaphore, #tpu.memory_space<semaphore_mem>>) src(%dma_wait3A_1516 : memref<4x16xf32, #tpu.memory_space<vmem_shared>>) dst(%dma_wait3A_1512 : memref<4x16xf32, #tpu.memory_space<vmem>>)
      tpu.yield
    }) : () -> ()
    %run_scoped3A_1004 = arith.constant 5 : i32
    %run_scoped3A_1005 = arith.constant 5 : i32
    "tpu.region"() ({
      %run_scoped3A_1486 = tpu.sem_alloc : memref<!tpu.dma_semaphore, #tpu.memory_space<semaphore_mem>>
      %dma_start3A = arith.constant 0 : i32
      %dma_start3A_1487 = arith.constant 0 : i32
      %dma_start3A_1488 = tpu.memref_slice %arg16[%run_scoped3A_1005, %dma_start3A, %dma_start3A_1487] : memref<16x4x16xf32, #tpu.memory_space<vmem>> -> memref<1x4x16xf32, #tpu.memory_space<vmem>>
      %dma_start3A_1489 = tpu.memref_squeeze %dma_start3A_1488 : memref<1x4x16xf32, #tpu.memory_space<vmem>> -> memref<4x16xf32, #tpu.memory_space<vmem>>
      %dma_start3A_1490 = arith.constant 0 : i32
      %dma_start3A_1491 = arith.constant 0 : i32
      %dma_start3A_1492 = tpu.memref_slice %arg18[%run_scoped3A_1004, %arg1, %dma_start3A_1490, %dma_start3A_1491] : memref<16x16x4x16xf32, #tpu.memory_space<vmem_shared>> -> memref<1x1x4x16xf32, #tpu.memory_space<vmem_shared>>
      %dma_start3A_1493 = tpu.memref_squeeze %dma_start3A_1492 : memref<1x1x4x16xf32, #tpu.memory_space<vmem_shared>> -> memref<4x16xf32, #tpu.memory_space<vmem_shared>>
      %dma_start3A_1494 = arith.constant 0 : i32
      %dma_start3A_1495 = arith.constant 0 : i32
      %dma_start3A_1496 = tpu.memref_slice %arg16[%run_scoped3A_1005, %dma_start3A_1494, %dma_start3A_1495] : memref<16x4x16xf32, #tpu.memory_space<vmem>> -> memref<1x4x16xf32, #tpu.memory_space<vmem>>
      %dma_start3A_1497 = tpu.memref_squeeze %dma_start3A_1496 : memref<1x4x16xf32, #tpu.memory_space<vmem>> -> memref<4x16xf32, #tpu.memory_space<vmem>>
      %dma_start3A_1498 = arith.constant 0 : i32
      %dma_start3A_1499 = arith.constant 0 : i32
      %dma_start3A_1500 = tpu.memref_slice %arg18[%run_scoped3A_1004, %arg1, %dma_start3A_1498, %dma_start3A_1499] : memref<16x16x4x16xf32, #tpu.memory_space<vmem_shared>> -> memref<1x1x4x16xf32, #tpu.memory_space<vmem_shared>>
      %dma_start3A_1501 = tpu.memref_squeeze %dma_start3A_1500 : memref<1x1x4x16xf32, #tpu.memory_space<vmem_shared>> -> memref<4x16xf32, #tpu.memory_space<vmem_shared>>
      tpu.enqueue_dma source(%dma_start3A_1501 : memref<4x16xf32, #tpu.memory_space<vmem_shared>>) target(%dma_start3A_1497 : memref<4x16xf32, #tpu.memory_space<vmem>>) target_semaphore(%run_scoped3A_1486 : memref<!tpu.dma_semaphore, #tpu.memory_space<semaphore_mem>>)
      %dma_wait3A = arith.constant 0 : i32
      %dma_wait3A_1502 = arith.constant 0 : i32
      %dma_wait3A_1503 = tpu.memref_slice %arg16[%run_scoped3A_1005, %dma_wait3A, %dma_wait3A_1502] : memref<16x4x16xf32, #tpu.memory_space<vmem>> -> memref<1x4x16xf32, #tpu.memory_space<vmem>>
      %dma_wait3A_1504 = tpu.memref_squeeze %dma_wait3A_1503 : memref<1x4x16xf32, #tpu.memory_space<vmem>> -> memref<4x16xf32, #tpu.memory_space<vmem>>
      %dma_wait3A_1505 = arith.constant 0 : i32
      %dma_wait3A_1506 = arith.constant 0 : i32
      %dma_wait3A_1507 = tpu.memref_slice %arg18[%run_scoped3A_1004, %arg1, %dma_wait3A_1505, %dma_wait3A_1506] : memref<16x16x4x16xf32, #tpu.memory_space<vmem_shared>> -> memref<1x1x4x16xf32, #tpu.memory_space<vmem_shared>>
      %dma_wait3A_1508 = tpu.memref_squeeze %dma_wait3A_1507 : memref<1x1x4x16xf32, #tpu.memory_space<vmem_shared>> -> memref<4x16xf32, #tpu.memory_space<vmem_shared>>
      %dma_wait3A_1509 = arith.constant 0 : i32
      %dma_wait3A_1510 = arith.constant 0 : i32
      %dma_wait3A_1511 = tpu.memref_slice %arg16[%run_scoped3A_1005, %dma_wait3A_1509, %dma_wait3A_1510] : memref<16x4x16xf32, #tpu.memory_space<vmem>> -> memref<1x4x16xf32, #tpu.memory_space<vmem>>
      %dma_wait3A_1512 = tpu.memref_squeeze %dma_wait3A_1511 : memref<1x4x16xf32, #tpu.memory_space<vmem>> -> memref<4x16xf32, #tpu.memory_space<vmem>>
      %dma_wait3A_1513 = arith.constant 0 : i32
      %dma_wait3A_1514 = arith.constant 0 : i32
      %dma_wait3A_1515 = tpu.memref_slice %arg18[%run_scoped3A_1004, %arg1, %dma_wait3A_1513, %dma_wait3A_1514] : memref<16x16x4x16xf32, #tpu.memory_space<vmem_shared>> -> memref<1x1x4x16xf32, #tpu.memory_space<vmem_shared>>
      %dma_wait3A_1516 = tpu.memref_squeeze %dma_wait3A_1515 : memref<1x1x4x16xf32, #tpu.memory_space<vmem_shared>> -> memref<4x16xf32, #tpu.memory_space<vmem_shared>>
      tpu.wait_dma2 semaphore(%run_scoped3A_1486 : memref<!tpu.dma_semaphore, #tpu.memory_space<semaphore_mem>>) src(%dma_wait3A_1516 : memref<4x16xf32, #tpu.memory_space<vmem_shared>>) dst(%dma_wait3A_1512 : memref<4x16xf32, #tpu.memory_space<vmem>>)
      tpu.yield
    }) : () -> ()
    %run_scoped3A_1006 = arith.constant 6 : i32
    %run_scoped3A_1007 = arith.constant 6 : i32
    "tpu.region"() ({
      %run_scoped3A_1486 = tpu.sem_alloc : memref<!tpu.dma_semaphore, #tpu.memory_space<semaphore_mem>>
      %dma_start3A = arith.constant 0 : i32
      %dma_start3A_1487 = arith.constant 0 : i32
      %dma_start3A_1488 = tpu.memref_slice %arg16[%run_scoped3A_1007, %dma_start3A, %dma_start3A_1487] : memref<16x4x16xf32, #tpu.memory_space<vmem>> -> memref<1x4x16xf32, #tpu.memory_space<vmem>>
      %dma_start3A_1489 = tpu.memref_squeeze %dma_start3A_1488 : memref<1x4x16xf32, #tpu.memory_space<vmem>> -> memref<4x16xf32, #tpu.memory_space<vmem>>
      %dma_start3A_1490 = arith.constant 0 : i32
      %dma_start3A_1491 = arith.constant 0 : i32
      %dma_start3A_1492 = tpu.memref_slice %arg18[%run_scoped3A_1006, %arg1, %dma_start3A_1490, %dma_start3A_1491] : memref<16x16x4x16xf32, #tpu.memory_space<vmem_shared>> -> memref<1x1x4x16xf32, #tpu.memory_space<vmem_shared>>
      %dma_start3A_1493 = tpu.memref_squeeze %dma_start3A_1492 : memref<1x1x4x16xf32, #tpu.memory_space<vmem_shared>> -> memref<4x16xf32, #tpu.memory_space<vmem_shared>>
      %dma_start3A_1494 = arith.constant 0 : i32
      %dma_start3A_1495 = arith.constant 0 : i32
      %dma_start3A_1496 = tpu.memref_slice %arg16[%run_scoped3A_1007, %dma_start3A_1494, %dma_start3A_1495] : memref<16x4x16xf32, #tpu.memory_space<vmem>> -> memref<1x4x16xf32, #tpu.memory_space<vmem>>
      %dma_start3A_1497 = tpu.memref_squeeze %dma_start3A_1496 : memref<1x4x16xf32, #tpu.memory_space<vmem>> -> memref<4x16xf32, #tpu.memory_space<vmem>>
      %dma_start3A_1498 = arith.constant 0 : i32
      %dma_start3A_1499 = arith.constant 0 : i32
      %dma_start3A_1500 = tpu.memref_slice %arg18[%run_scoped3A_1006, %arg1, %dma_start3A_1498, %dma_start3A_1499] : memref<16x16x4x16xf32, #tpu.memory_space<vmem_shared>> -> memref<1x1x4x16xf32, #tpu.memory_space<vmem_shared>>
      %dma_start3A_1501 = tpu.memref_squeeze %dma_start3A_1500 : memref<1x1x4x16xf32, #tpu.memory_space<vmem_shared>> -> memref<4x16xf32, #tpu.memory_space<vmem_shared>>
      tpu.enqueue_dma source(%dma_start3A_1501 : memref<4x16xf32, #tpu.memory_space<vmem_shared>>) target(%dma_start3A_1497 : memref<4x16xf32, #tpu.memory_space<vmem>>) target_semaphore(%run_scoped3A_1486 : memref<!tpu.dma_semaphore, #tpu.memory_space<semaphore_mem>>)
      %dma_wait3A = arith.constant 0 : i32
      %dma_wait3A_1502 = arith.constant 0 : i32
      %dma_wait3A_1503 = tpu.memref_slice %arg16[%run_scoped3A_1007, %dma_wait3A, %dma_wait3A_1502] : memref<16x4x16xf32, #tpu.memory_space<vmem>> -> memref<1x4x16xf32, #tpu.memory_space<vmem>>
      %dma_wait3A_1504 = tpu.memref_squeeze %dma_wait3A_1503 : memref<1x4x16xf32, #tpu.memory_space<vmem>> -> memref<4x16xf32, #tpu.memory_space<vmem>>
      %dma_wait3A_1505 = arith.constant 0 : i32
      %dma_wait3A_1506 = arith.constant 0 : i32
      %dma_wait3A_1507 = tpu.memref_slice %arg18[%run_scoped3A_1006, %arg1, %dma_wait3A_1505, %dma_wait3A_1506] : memref<16x16x4x16xf32, #tpu.memory_space<vmem_shared>> -> memref<1x1x4x16xf32, #tpu.memory_space<vmem_shared>>
      %dma_wait3A_1508 = tpu.memref_squeeze %dma_wait3A_1507 : memref<1x1x4x16xf32, #tpu.memory_space<vmem_shared>> -> memref<4x16xf32, #tpu.memory_space<vmem_shared>>
      %dma_wait3A_1509 = arith.constant 0 : i32
      %dma_wait3A_1510 = arith.constant 0 : i32
      %dma_wait3A_1511 = tpu.memref_slice %arg16[%run_scoped3A_1007, %dma_wait3A_1509, %dma_wait3A_1510] : memref<16x4x16xf32, #tpu.memory_space<vmem>> -> memref<1x4x16xf32, #tpu.memory_space<vmem>>
      %dma_wait3A_1512 = tpu.memref_squeeze %dma_wait3A_1511 : memref<1x4x16xf32, #tpu.memory_space<vmem>> -> memref<4x16xf32, #tpu.memory_space<vmem>>
      %dma_wait3A_1513 = arith.constant 0 : i32
      %dma_wait3A_1514 = arith.constant 0 : i32
      %dma_wait3A_1515 = tpu.memref_slice %arg18[%run_scoped3A_1006, %arg1, %dma_wait3A_1513, %dma_wait3A_1514] : memref<16x16x4x16xf32, #tpu.memory_space<vmem_shared>> -> memref<1x1x4x16xf32, #tpu.memory_space<vmem_shared>>
      %dma_wait3A_1516 = tpu.memref_squeeze %dma_wait3A_1515 : memref<1x1x4x16xf32, #tpu.memory_space<vmem_shared>> -> memref<4x16xf32, #tpu.memory_space<vmem_shared>>
      tpu.wait_dma2 semaphore(%run_scoped3A_1486 : memref<!tpu.dma_semaphore, #tpu.memory_space<semaphore_mem>>) src(%dma_wait3A_1516 : memref<4x16xf32, #tpu.memory_space<vmem_shared>>) dst(%dma_wait3A_1512 : memref<4x16xf32, #tpu.memory_space<vmem>>)
      tpu.yield
    }) : () -> ()
    %run_scoped3A_1008 = arith.constant 7 : i32
    %run_scoped3A_1009 = arith.constant 7 : i32
    "tpu.region"() ({
      %run_scoped3A_1486 = tpu.sem_alloc : memref<!tpu.dma_semaphore, #tpu.memory_space<semaphore_mem>>
      %dma_start3A = arith.constant 0 : i32
      %dma_start3A_1487 = arith.constant 0 : i32
      %dma_start3A_1488 = tpu.memref_slice %arg16[%run_scoped3A_1009, %dma_start3A, %dma_start3A_1487] : memref<16x4x16xf32, #tpu.memory_space<vmem>> -> memref<1x4x16xf32, #tpu.memory_space<vmem>>
      %dma_start3A_1489 = tpu.memref_squeeze %dma_start3A_1488 : memref<1x4x16xf32, #tpu.memory_space<vmem>> -> memref<4x16xf32, #tpu.memory_space<vmem>>
      %dma_start3A_1490 = arith.constant 0 : i32
      %dma_start3A_1491 = arith.constant 0 : i32
      %dma_start3A_1492 = tpu.memref_slice %arg18[%run_scoped3A_1008, %arg1, %dma_start3A_1490, %dma_start3A_1491] : memref<16x16x4x16xf32, #tpu.memory_space<vmem_shared>> -> memref<1x1x4x16xf32, #tpu.memory_space<vmem_shared>>
      %dma_start3A_1493 = tpu.memref_squeeze %dma_start3A_1492 : memref<1x1x4x16xf32, #tpu.memory_space<vmem_shared>> -> memref<4x16xf32, #tpu.memory_space<vmem_shared>>
      %dma_start3A_1494 = arith.constant 0 : i32
      %dma_start3A_1495 = arith.constant 0 : i32
      %dma_start3A_1496 = tpu.memref_slice %arg16[%run_scoped3A_1009, %dma_start3A_1494, %dma_start3A_1495] : memref<16x4x16xf32, #tpu.memory_space<vmem>> -> memref<1x4x16xf32, #tpu.memory_space<vmem>>
      %dma_start3A_1497 = tpu.memref_squeeze %dma_start3A_1496 : memref<1x4x16xf32, #tpu.memory_space<vmem>> -> memref<4x16xf32, #tpu.memory_space<vmem>>
      %dma_start3A_1498 = arith.constant 0 : i32
      %dma_start3A_1499 = arith.constant 0 : i32
      %dma_start3A_1500 = tpu.memref_slice %arg18[%run_scoped3A_1008, %arg1, %dma_start3A_1498, %dma_start3A_1499] : memref<16x16x4x16xf32, #tpu.memory_space<vmem_shared>> -> memref<1x1x4x16xf32, #tpu.memory_space<vmem_shared>>
      %dma_start3A_1501 = tpu.memref_squeeze %dma_start3A_1500 : memref<1x1x4x16xf32, #tpu.memory_space<vmem_shared>> -> memref<4x16xf32, #tpu.memory_space<vmem_shared>>
      tpu.enqueue_dma source(%dma_start3A_1501 : memref<4x16xf32, #tpu.memory_space<vmem_shared>>) target(%dma_start3A_1497 : memref<4x16xf32, #tpu.memory_space<vmem>>) target_semaphore(%run_scoped3A_1486 : memref<!tpu.dma_semaphore, #tpu.memory_space<semaphore_mem>>)
      %dma_wait3A = arith.constant 0 : i32
      %dma_wait3A_1502 = arith.constant 0 : i32
      %dma_wait3A_1503 = tpu.memref_slice %arg16[%run_scoped3A_1009, %dma_wait3A, %dma_wait3A_1502] : memref<16x4x16xf32, #tpu.memory_space<vmem>> -> memref<1x4x16xf32, #tpu.memory_space<vmem>>
      %dma_wait3A_1504 = tpu.memref_squeeze %dma_wait3A_1503 : memref<1x4x16xf32, #tpu.memory_space<vmem>> -> memref<4x16xf32, #tpu.memory_space<vmem>>
      %dma_wait3A_1505 = arith.constant 0 : i32
      %dma_wait3A_1506 = arith.constant 0 : i32
      %dma_wait3A_1507 = tpu.memref_slice %arg18[%run_scoped3A_1008, %arg1, %dma_wait3A_1505, %dma_wait3A_1506] : memref<16x16x4x16xf32, #tpu.memory_space<vmem_shared>> -> memref<1x1x4x16xf32, #tpu.memory_space<vmem_shared>>
      %dma_wait3A_1508 = tpu.memref_squeeze %dma_wait3A_1507 : memref<1x1x4x16xf32, #tpu.memory_space<vmem_shared>> -> memref<4x16xf32, #tpu.memory_space<vmem_shared>>
      %dma_wait3A_1509 = arith.constant 0 : i32
      %dma_wait3A_1510 = arith.constant 0 : i32
      %dma_wait3A_1511 = tpu.memref_slice %arg16[%run_scoped3A_1009, %dma_wait3A_1509, %dma_wait3A_1510] : memref<16x4x16xf32, #tpu.memory_space<vmem>> -> memref<1x4x16xf32, #tpu.memory_space<vmem>>
      %dma_wait3A_1512 = tpu.memref_squeeze %dma_wait3A_1511 : memref<1x4x16xf32, #tpu.memory_space<vmem>> -> memref<4x16xf32, #tpu.memory_space<vmem>>
      %dma_wait3A_1513 = arith.constant 0 : i32
      %dma_wait3A_1514 = arith.constant 0 : i32
      %dma_wait3A_1515 = tpu.memref_slice %arg18[%run_scoped3A_1008, %arg1, %dma_wait3A_1513, %dma_wait3A_1514] : memref<16x16x4x16xf32, #tpu.memory_space<vmem_shared>> -> memref<1x1x4x16xf32, #tpu.memory_space<vmem_shared>>
      %dma_wait3A_1516 = tpu.memref_squeeze %dma_wait3A_1515 : memref<1x1x4x16xf32, #tpu.memory_space<vmem_shared>> -> memref<4x16xf32, #tpu.memory_space<vmem_shared>>
      tpu.wait_dma2 semaphore(%run_scoped3A_1486 : memref<!tpu.dma_semaphore, #tpu.memory_space<semaphore_mem>>) src(%dma_wait3A_1516 : memref<4x16xf32, #tpu.memory_space<vmem_shared>>) dst(%dma_wait3A_1512 : memref<4x16xf32, #tpu.memory_space<vmem>>)
      tpu.yield
    }) : () -> ()
    %run_scoped3A_1010 = arith.constant 8 : i32
    %run_scoped3A_1011 = arith.constant 8 : i32
    "tpu.region"() ({
      %run_scoped3A_1486 = tpu.sem_alloc : memref<!tpu.dma_semaphore, #tpu.memory_space<semaphore_mem>>
      %dma_start3A = arith.constant 0 : i32
      %dma_start3A_1487 = arith.constant 0 : i32
      %dma_start3A_1488 = tpu.memref_slice %arg16[%run_scoped3A_1011, %dma_start3A, %dma_start3A_1487] : memref<16x4x16xf32, #tpu.memory_space<vmem>> -> memref<1x4x16xf32, #tpu.memory_space<vmem>>
      %dma_start3A_1489 = tpu.memref_squeeze %dma_start3A_1488 : memref<1x4x16xf32, #tpu.memory_space<vmem>> -> memref<4x16xf32, #tpu.memory_space<vmem>>
      %dma_start3A_1490 = arith.constant 0 : i32
      %dma_start3A_1491 = arith.constant 0 : i32
      %dma_start3A_1492 = tpu.memref_slice %arg18[%run_scoped3A_1010, %arg1, %dma_start3A_1490, %dma_start3A_1491] : memref<16x16x4x16xf32, #tpu.memory_space<vmem_shared>> -> memref<1x1x4x16xf32, #tpu.memory_space<vmem_shared>>
      %dma_start3A_1493 = tpu.memref_squeeze %dma_start3A_1492 : memref<1x1x4x16xf32, #tpu.memory_space<vmem_shared>> -> memref<4x16xf32, #tpu.memory_space<vmem_shared>>
      %dma_start3A_1494 = arith.constant 0 : i32
      %dma_start3A_1495 = arith.constant 0 : i32
      %dma_start3A_1496 = tpu.memref_slice %arg16[%run_scoped3A_1011, %dma_start3A_1494, %dma_start3A_1495] : memref<16x4x16xf32, #tpu.memory_space<vmem>> -> memref<1x4x16xf32, #tpu.memory_space<vmem>>
      %dma_start3A_1497 = tpu.memref_squeeze %dma_start3A_1496 : memref<1x4x16xf32, #tpu.memory_space<vmem>> -> memref<4x16xf32, #tpu.memory_space<vmem>>
      %dma_start3A_1498 = arith.constant 0 : i32
      %dma_start3A_1499 = arith.constant 0 : i32
      %dma_start3A_1500 = tpu.memref_slice %arg18[%run_scoped3A_1010, %arg1, %dma_start3A_1498, %dma_start3A_1499] : memref<16x16x4x16xf32, #tpu.memory_space<vmem_shared>> -> memref<1x1x4x16xf32, #tpu.memory_space<vmem_shared>>
      %dma_start3A_1501 = tpu.memref_squeeze %dma_start3A_1500 : memref<1x1x4x16xf32, #tpu.memory_space<vmem_shared>> -> memref<4x16xf32, #tpu.memory_space<vmem_shared>>
      tpu.enqueue_dma source(%dma_start3A_1501 : memref<4x16xf32, #tpu.memory_space<vmem_shared>>) target(%dma_start3A_1497 : memref<4x16xf32, #tpu.memory_space<vmem>>) target_semaphore(%run_scoped3A_1486 : memref<!tpu.dma_semaphore, #tpu.memory_space<semaphore_mem>>)
      %dma_wait3A = arith.constant 0 : i32
      %dma_wait3A_1502 = arith.constant 0 : i32
      %dma_wait3A_1503 = tpu.memref_slice %arg16[%run_scoped3A_1011, %dma_wait3A, %dma_wait3A_1502] : memref<16x4x16xf32, #tpu.memory_space<vmem>> -> memref<1x4x16xf32, #tpu.memory_space<vmem>>
      %dma_wait3A_1504 = tpu.memref_squeeze %dma_wait3A_1503 : memref<1x4x16xf32, #tpu.memory_space<vmem>> -> memref<4x16xf32, #tpu.memory_space<vmem>>
      %dma_wait3A_1505 = arith.constant 0 : i32
      %dma_wait3A_1506 = arith.constant 0 : i32
      %dma_wait3A_1507 = tpu.memref_slice %arg18[%run_scoped3A_1010, %arg1, %dma_wait3A_1505, %dma_wait3A_1506] : memref<16x16x4x16xf32, #tpu.memory_space<vmem_shared>> -> memref<1x1x4x16xf32, #tpu.memory_space<vmem_shared>>
      %dma_wait3A_1508 = tpu.memref_squeeze %dma_wait3A_1507 : memref<1x1x4x16xf32, #tpu.memory_space<vmem_shared>> -> memref<4x16xf32, #tpu.memory_space<vmem_shared>>
      %dma_wait3A_1509 = arith.constant 0 : i32
      %dma_wait3A_1510 = arith.constant 0 : i32
      %dma_wait3A_1511 = tpu.memref_slice %arg16[%run_scoped3A_1011, %dma_wait3A_1509, %dma_wait3A_1510] : memref<16x4x16xf32, #tpu.memory_space<vmem>> -> memref<1x4x16xf32, #tpu.memory_space<vmem>>
      %dma_wait3A_1512 = tpu.memref_squeeze %dma_wait3A_1511 : memref<1x4x16xf32, #tpu.memory_space<vmem>> -> memref<4x16xf32, #tpu.memory_space<vmem>>
      %dma_wait3A_1513 = arith.constant 0 : i32
      %dma_wait3A_1514 = arith.constant 0 : i32
      %dma_wait3A_1515 = tpu.memref_slice %arg18[%run_scoped3A_1010, %arg1, %dma_wait3A_1513, %dma_wait3A_1514] : memref<16x16x4x16xf32, #tpu.memory_space<vmem_shared>> -> memref<1x1x4x16xf32, #tpu.memory_space<vmem_shared>>
      %dma_wait3A_1516 = tpu.memref_squeeze %dma_wait3A_1515 : memref<1x1x4x16xf32, #tpu.memory_space<vmem_shared>> -> memref<4x16xf32, #tpu.memory_space<vmem_shared>>
      tpu.wait_dma2 semaphore(%run_scoped3A_1486 : memref<!tpu.dma_semaphore, #tpu.memory_space<semaphore_mem>>) src(%dma_wait3A_1516 : memref<4x16xf32, #tpu.memory_space<vmem_shared>>) dst(%dma_wait3A_1512 : memref<4x16xf32, #tpu.memory_space<vmem>>)
      tpu.yield
    }) : () -> ()
    %run_scoped3A_1012 = arith.constant 9 : i32
    %run_scoped3A_1013 = arith.constant 9 : i32
    "tpu.region"() ({
      %run_scoped3A_1486 = tpu.sem_alloc : memref<!tpu.dma_semaphore, #tpu.memory_space<semaphore_mem>>
      %dma_start3A = arith.constant 0 : i32
      %dma_start3A_1487 = arith.constant 0 : i32
      %dma_start3A_1488 = tpu.memref_slice %arg16[%run_scoped3A_1013, %dma_start3A, %dma_start3A_1487] : memref<16x4x16xf32, #tpu.memory_space<vmem>> -> memref<1x4x16xf32, #tpu.memory_space<vmem>>
      %dma_start3A_1489 = tpu.memref_squeeze %dma_start3A_1488 : memref<1x4x16xf32, #tpu.memory_space<vmem>> -> memref<4x16xf32, #tpu.memory_space<vmem>>
      %dma_start3A_1490 = arith.constant 0 : i32
      %dma_start3A_1491 = arith.constant 0 : i32
      %dma_start3A_1492 = tpu.memref_slice %arg18[%run_scoped3A_1012, %arg1, %dma_start3A_1490, %dma_start3A_1491] : memref<16x16x4x16xf32, #tpu.memory_space<vmem_shared>> -> memref<1x1x4x16xf32, #tpu.memory_space<vmem_shared>>
      %dma_start3A_1493 = tpu.memref_squeeze %dma_start3A_1492 : memref<1x1x4x16xf32, #tpu.memory_space<vmem_shared>> -> memref<4x16xf32, #tpu.memory_space<vmem_shared>>
      %dma_start3A_1494 = arith.constant 0 : i32
      %dma_start3A_1495 = arith.constant 0 : i32
      %dma_start3A_1496 = tpu.memref_slice %arg16[%run_scoped3A_1013, %dma_start3A_1494, %dma_start3A_1495] : memref<16x4x16xf32, #tpu.memory_space<vmem>> -> memref<1x4x16xf32, #tpu.memory_space<vmem>>
      %dma_start3A_1497 = tpu.memref_squeeze %dma_start3A_1496 : memref<1x4x16xf32, #tpu.memory_space<vmem>> -> memref<4x16xf32, #tpu.memory_space<vmem>>
      %dma_start3A_1498 = arith.constant 0 : i32
      %dma_start3A_1499 = arith.constant 0 : i32
      %dma_start3A_1500 = tpu.memref_slice %arg18[%run_scoped3A_1012, %arg1, %dma_start3A_1498, %dma_start3A_1499] : memref<16x16x4x16xf32, #tpu.memory_space<vmem_shared>> -> memref<1x1x4x16xf32, #tpu.memory_space<vmem_shared>>
      %dma_start3A_1501 = tpu.memref_squeeze %dma_start3A_1500 : memref<1x1x4x16xf32, #tpu.memory_space<vmem_shared>> -> memref<4x16xf32, #tpu.memory_space<vmem_shared>>
      tpu.enqueue_dma source(%dma_start3A_1501 : memref<4x16xf32, #tpu.memory_space<vmem_shared>>) target(%dma_start3A_1497 : memref<4x16xf32, #tpu.memory_space<vmem>>) target_semaphore(%run_scoped3A_1486 : memref<!tpu.dma_semaphore, #tpu.memory_space<semaphore_mem>>)
      %dma_wait3A = arith.constant 0 : i32
      %dma_wait3A_1502 = arith.constant 0 : i32
      %dma_wait3A_1503 = tpu.memref_slice %arg16[%run_scoped3A_1013, %dma_wait3A, %dma_wait3A_1502] : memref<16x4x16xf32, #tpu.memory_space<vmem>> -> memref<1x4x16xf32, #tpu.memory_space<vmem>>
      %dma_wait3A_1504 = tpu.memref_squeeze %dma_wait3A_1503 : memref<1x4x16xf32, #tpu.memory_space<vmem>> -> memref<4x16xf32, #tpu.memory_space<vmem>>
      %dma_wait3A_1505 = arith.constant 0 : i32
      %dma_wait3A_1506 = arith.constant 0 : i32
      %dma_wait3A_1507 = tpu.memref_slice %arg18[%run_scoped3A_1012, %arg1, %dma_wait3A_1505, %dma_wait3A_1506] : memref<16x16x4x16xf32, #tpu.memory_space<vmem_shared>> -> memref<1x1x4x16xf32, #tpu.memory_space<vmem_shared>>
      %dma_wait3A_1508 = tpu.memref_squeeze %dma_wait3A_1507 : memref<1x1x4x16xf32, #tpu.memory_space<vmem_shared>> -> memref<4x16xf32, #tpu.memory_space<vmem_shared>>
      %dma_wait3A_1509 = arith.constant 0 : i32
      %dma_wait3A_1510 = arith.constant 0 : i32
      %dma_wait3A_1511 = tpu.memref_slice %arg16[%run_scoped3A_1013, %dma_wait3A_1509, %dma_wait3A_1510] : memref<16x4x16xf32, #tpu.memory_space<vmem>> -> memref<1x4x16xf32, #tpu.memory_space<vmem>>
      %dma_wait3A_1512 = tpu.memref_squeeze %dma_wait3A_1511 : memref<1x4x16xf32, #tpu.memory_space<vmem>> -> memref<4x16xf32, #tpu.memory_space<vmem>>
      %dma_wait3A_1513 = arith.constant 0 : i32
      %dma_wait3A_1514 = arith.constant 0 : i32
      %dma_wait3A_1515 = tpu.memref_slice %arg18[%run_scoped3A_1012, %arg1, %dma_wait3A_1513, %dma_wait3A_1514] : memref<16x16x4x16xf32, #tpu.memory_space<vmem_shared>> -> memref<1x1x4x16xf32, #tpu.memory_space<vmem_shared>>
      %dma_wait3A_1516 = tpu.memref_squeeze %dma_wait3A_1515 : memref<1x1x4x16xf32, #tpu.memory_space<vmem_shared>> -> memref<4x16xf32, #tpu.memory_space<vmem_shared>>
      tpu.wait_dma2 semaphore(%run_scoped3A_1486 : memref<!tpu.dma_semaphore, #tpu.memory_space<semaphore_mem>>) src(%dma_wait3A_1516 : memref<4x16xf32, #tpu.memory_space<vmem_shared>>) dst(%dma_wait3A_1512 : memref<4x16xf32, #tpu.memory_space<vmem>>)
      tpu.yield
    }) : () -> ()
    %run_scoped3A_1014 = arith.constant 10 : i32
    %run_scoped3A_1015 = arith.constant 10 : i32
    "tpu.region"() ({
      %run_scoped3A_1486 = tpu.sem_alloc : memref<!tpu.dma_semaphore, #tpu.memory_space<semaphore_mem>>
      %dma_start3A = arith.constant 0 : i32
      %dma_start3A_1487 = arith.constant 0 : i32
      %dma_start3A_1488 = tpu.memref_slice %arg16[%run_scoped3A_1015, %dma_start3A, %dma_start3A_1487] : memref<16x4x16xf32, #tpu.memory_space<vmem>> -> memref<1x4x16xf32, #tpu.memory_space<vmem>>
      %dma_start3A_1489 = tpu.memref_squeeze %dma_start3A_1488 : memref<1x4x16xf32, #tpu.memory_space<vmem>> -> memref<4x16xf32, #tpu.memory_space<vmem>>
      %dma_start3A_1490 = arith.constant 0 : i32
      %dma_start3A_1491 = arith.constant 0 : i32
      %dma_start3A_1492 = tpu.memref_slice %arg18[%run_scoped3A_1014, %arg1, %dma_start3A_1490, %dma_start3A_1491] : memref<16x16x4x16xf32, #tpu.memory_space<vmem_shared>> -> memref<1x1x4x16xf32, #tpu.memory_space<vmem_shared>>
      %dma_start3A_1493 = tpu.memref_squeeze %dma_start3A_1492 : memref<1x1x4x16xf32, #tpu.memory_space<vmem_shared>> -> memref<4x16xf32, #tpu.memory_space<vmem_shared>>
      %dma_start3A_1494 = arith.constant 0 : i32
      %dma_start3A_1495 = arith.constant 0 : i32
      %dma_start3A_1496 = tpu.memref_slice %arg16[%run_scoped3A_1015, %dma_start3A_1494, %dma_start3A_1495] : memref<16x4x16xf32, #tpu.memory_space<vmem>> -> memref<1x4x16xf32, #tpu.memory_space<vmem>>
      %dma_start3A_1497 = tpu.memref_squeeze %dma_start3A_1496 : memref<1x4x16xf32, #tpu.memory_space<vmem>> -> memref<4x16xf32, #tpu.memory_space<vmem>>
      %dma_start3A_1498 = arith.constant 0 : i32
      %dma_start3A_1499 = arith.constant 0 : i32
      %dma_start3A_1500 = tpu.memref_slice %arg18[%run_scoped3A_1014, %arg1, %dma_start3A_1498, %dma_start3A_1499] : memref<16x16x4x16xf32, #tpu.memory_space<vmem_shared>> -> memref<1x1x4x16xf32, #tpu.memory_space<vmem_shared>>
      %dma_start3A_1501 = tpu.memref_squeeze %dma_start3A_1500 : memref<1x1x4x16xf32, #tpu.memory_space<vmem_shared>> -> memref<4x16xf32, #tpu.memory_space<vmem_shared>>
      tpu.enqueue_dma source(%dma_start3A_1501 : memref<4x16xf32, #tpu.memory_space<vmem_shared>>) target(%dma_start3A_1497 : memref<4x16xf32, #tpu.memory_space<vmem>>) target_semaphore(%run_scoped3A_1486 : memref<!tpu.dma_semaphore, #tpu.memory_space<semaphore_mem>>)
      %dma_wait3A = arith.constant 0 : i32
      %dma_wait3A_1502 = arith.constant 0 : i32
      %dma_wait3A_1503 = tpu.memref_slice %arg16[%run_scoped3A_1015, %dma_wait3A, %dma_wait3A_1502] : memref<16x4x16xf32, #tpu.memory_space<vmem>> -> memref<1x4x16xf32, #tpu.memory_space<vmem>>
      %dma_wait3A_1504 = tpu.memref_squeeze %dma_wait3A_1503 : memref<1x4x16xf32, #tpu.memory_space<vmem>> -> memref<4x16xf32, #tpu.memory_space<vmem>>
      %dma_wait3A_1505 = arith.constant 0 : i32
      %dma_wait3A_1506 = arith.constant 0 : i32
      %dma_wait3A_1507 = tpu.memref_slice %arg18[%run_scoped3A_1014, %arg1, %dma_wait3A_1505, %dma_wait3A_1506] : memref<16x16x4x16xf32, #tpu.memory_space<vmem_shared>> -> memref<1x1x4x16xf32, #tpu.memory_space<vmem_shared>>
      %dma_wait3A_1508 = tpu.memref_squeeze %dma_wait3A_1507 : memref<1x1x4x16xf32, #tpu.memory_space<vmem_shared>> -> memref<4x16xf32, #tpu.memory_space<vmem_shared>>
      %dma_wait3A_1509 = arith.constant 0 : i32
      %dma_wait3A_1510 = arith.constant 0 : i32
      %dma_wait3A_1511 = tpu.memref_slice %arg16[%run_scoped3A_1015, %dma_wait3A_1509, %dma_wait3A_1510] : memref<16x4x16xf32, #tpu.memory_space<vmem>> -> memref<1x4x16xf32, #tpu.memory_space<vmem>>
      %dma_wait3A_1512 = tpu.memref_squeeze %dma_wait3A_1511 : memref<1x4x16xf32, #tpu.memory_space<vmem>> -> memref<4x16xf32, #tpu.memory_space<vmem>>
      %dma_wait3A_1513 = arith.constant 0 : i32
      %dma_wait3A_1514 = arith.constant 0 : i32
      %dma_wait3A_1515 = tpu.memref_slice %arg18[%run_scoped3A_1014, %arg1, %dma_wait3A_1513, %dma_wait3A_1514] : memref<16x16x4x16xf32, #tpu.memory_space<vmem_shared>> -> memref<1x1x4x16xf32, #tpu.memory_space<vmem_shared>>
      %dma_wait3A_1516 = tpu.memref_squeeze %dma_wait3A_1515 : memref<1x1x4x16xf32, #tpu.memory_space<vmem_shared>> -> memref<4x16xf32, #tpu.memory_space<vmem_shared>>
      tpu.wait_dma2 semaphore(%run_scoped3A_1486 : memref<!tpu.dma_semaphore, #tpu.memory_space<semaphore_mem>>) src(%dma_wait3A_1516 : memref<4x16xf32, #tpu.memory_space<vmem_shared>>) dst(%dma_wait3A_1512 : memref<4x16xf32, #tpu.memory_space<vmem>>)
      tpu.yield
    }) : () -> ()
    %run_scoped3A_1016 = arith.constant 11 : i32
    %run_scoped3A_1017 = arith.constant 11 : i32
    "tpu.region"() ({
      %run_scoped3A_1486 = tpu.sem_alloc : memref<!tpu.dma_semaphore, #tpu.memory_space<semaphore_mem>>
      %dma_start3A = arith.constant 0 : i32
      %dma_start3A_1487 = arith.constant 0 : i32
      %dma_start3A_1488 = tpu.memref_slice %arg16[%run_scoped3A_1017, %dma_start3A, %dma_start3A_1487] : memref<16x4x16xf32, #tpu.memory_space<vmem>> -> memref<1x4x16xf32, #tpu.memory_space<vmem>>
      %dma_start3A_1489 = tpu.memref_squeeze %dma_start3A_1488 : memref<1x4x16xf32, #tpu.memory_space<vmem>> -> memref<4x16xf32, #tpu.memory_space<vmem>>
      %dma_start3A_1490 = arith.constant 0 : i32
      %dma_start3A_1491 = arith.constant 0 : i32
      %dma_start3A_1492 = tpu.memref_slice %arg18[%run_scoped3A_1016, %arg1, %dma_start3A_1490, %dma_start3A_1491] : memref<16x16x4x16xf32, #tpu.memory_space<vmem_shared>> -> memref<1x1x4x16xf32, #tpu.memory_space<vmem_shared>>
      %dma_start3A_1493 = tpu.memref_squeeze %dma_start3A_1492 : memref<1x1x4x16xf32, #tpu.memory_space<vmem_shared>> -> memref<4x16xf32, #tpu.memory_space<vmem_shared>>
      %dma_start3A_1494 = arith.constant 0 : i32
      %dma_start3A_1495 = arith.constant 0 : i32
      %dma_start3A_1496 = tpu.memref_slice %arg16[%run_scoped3A_1017, %dma_start3A_1494, %dma_start3A_1495] : memref<16x4x16xf32, #tpu.memory_space<vmem>> -> memref<1x4x16xf32, #tpu.memory_space<vmem>>
      %dma_start3A_1497 = tpu.memref_squeeze %dma_start3A_1496 : memref<1x4x16xf32, #tpu.memory_space<vmem>> -> memref<4x16xf32, #tpu.memory_space<vmem>>
      %dma_start3A_1498 = arith.constant 0 : i32
      %dma_start3A_1499 = arith.constant 0 : i32
      %dma_start3A_1500 = tpu.memref_slice %arg18[%run_scoped3A_1016, %arg1, %dma_start3A_1498, %dma_start3A_1499] : memref<16x16x4x16xf32, #tpu.memory_space<vmem_shared>> -> memref<1x1x4x16xf32, #tpu.memory_space<vmem_shared>>
      %dma_start3A_1501 = tpu.memref_squeeze %dma_start3A_1500 : memref<1x1x4x16xf32, #tpu.memory_space<vmem_shared>> -> memref<4x16xf32, #tpu.memory_space<vmem_shared>>
      tpu.enqueue_dma source(%dma_start3A_1501 : memref<4x16xf32, #tpu.memory_space<vmem_shared>>) target(%dma_start3A_1497 : memref<4x16xf32, #tpu.memory_space<vmem>>) target_semaphore(%run_scoped3A_1486 : memref<!tpu.dma_semaphore, #tpu.memory_space<semaphore_mem>>)
      %dma_wait3A = arith.constant 0 : i32
      %dma_wait3A_1502 = arith.constant 0 : i32
      %dma_wait3A_1503 = tpu.memref_slice %arg16[%run_scoped3A_1017, %dma_wait3A, %dma_wait3A_1502] : memref<16x4x16xf32, #tpu.memory_space<vmem>> -> memref<1x4x16xf32, #tpu.memory_space<vmem>>
      %dma_wait3A_1504 = tpu.memref_squeeze %dma_wait3A_1503 : memref<1x4x16xf32, #tpu.memory_space<vmem>> -> memref<4x16xf32, #tpu.memory_space<vmem>>
      %dma_wait3A_1505 = arith.constant 0 : i32
      %dma_wait3A_1506 = arith.constant 0 : i32
      %dma_wait3A_1507 = tpu.memref_slice %arg18[%run_scoped3A_1016, %arg1, %dma_wait3A_1505, %dma_wait3A_1506] : memref<16x16x4x16xf32, #tpu.memory_space<vmem_shared>> -> memref<1x1x4x16xf32, #tpu.memory_space<vmem_shared>>
      %dma_wait3A_1508 = tpu.memref_squeeze %dma_wait3A_1507 : memref<1x1x4x16xf32, #tpu.memory_space<vmem_shared>> -> memref<4x16xf32, #tpu.memory_space<vmem_shared>>
      %dma_wait3A_1509 = arith.constant 0 : i32
      %dma_wait3A_1510 = arith.constant 0 : i32
      %dma_wait3A_1511 = tpu.memref_slice %arg16[%run_scoped3A_1017, %dma_wait3A_1509, %dma_wait3A_1510] : memref<16x4x16xf32, #tpu.memory_space<vmem>> -> memref<1x4x16xf32, #tpu.memory_space<vmem>>
      %dma_wait3A_1512 = tpu.memref_squeeze %dma_wait3A_1511 : memref<1x4x16xf32, #tpu.memory_space<vmem>> -> memref<4x16xf32, #tpu.memory_space<vmem>>
      %dma_wait3A_1513 = arith.constant 0 : i32
      %dma_wait3A_1514 = arith.constant 0 : i32
      %dma_wait3A_1515 = tpu.memref_slice %arg18[%run_scoped3A_1016, %arg1, %dma_wait3A_1513, %dma_wait3A_1514] : memref<16x16x4x16xf32, #tpu.memory_space<vmem_shared>> -> memref<1x1x4x16xf32, #tpu.memory_space<vmem_shared>>
      %dma_wait3A_1516 = tpu.memref_squeeze %dma_wait3A_1515 : memref<1x1x4x16xf32, #tpu.memory_space<vmem_shared>> -> memref<4x16xf32, #tpu.memory_space<vmem_shared>>
      tpu.wait_dma2 semaphore(%run_scoped3A_1486 : memref<!tpu.dma_semaphore, #tpu.memory_space<semaphore_mem>>) src(%dma_wait3A_1516 : memref<4x16xf32, #tpu.memory_space<vmem_shared>>) dst(%dma_wait3A_1512 : memref<4x16xf32, #tpu.memory_space<vmem>>)
      tpu.yield
    }) : () -> ()
    %run_scoped3A_1018 = arith.constant 12 : i32
    %run_scoped3A_1019 = arith.constant 12 : i32
    "tpu.region"() ({
      %run_scoped3A_1486 = tpu.sem_alloc : memref<!tpu.dma_semaphore, #tpu.memory_space<semaphore_mem>>
      %dma_start3A = arith.constant 0 : i32
      %dma_start3A_1487 = arith.constant 0 : i32
      %dma_start3A_1488 = tpu.memref_slice %arg16[%run_scoped3A_1019, %dma_start3A, %dma_start3A_1487] : memref<16x4x16xf32, #tpu.memory_space<vmem>> -> memref<1x4x16xf32, #tpu.memory_space<vmem>>
      %dma_start3A_1489 = tpu.memref_squeeze %dma_start3A_1488 : memref<1x4x16xf32, #tpu.memory_space<vmem>> -> memref<4x16xf32, #tpu.memory_space<vmem>>
      %dma_start3A_1490 = arith.constant 0 : i32
      %dma_start3A_1491 = arith.constant 0 : i32
      %dma_start3A_1492 = tpu.memref_slice %arg18[%run_scoped3A_1018, %arg1, %dma_start3A_1490, %dma_start3A_1491] : memref<16x16x4x16xf32, #tpu.memory_space<vmem_shared>> -> memref<1x1x4x16xf32, #tpu.memory_space<vmem_shared>>
      %dma_start3A_1493 = tpu.memref_squeeze %dma_start3A_1492 : memref<1x1x4x16xf32, #tpu.memory_space<vmem_shared>> -> memref<4x16xf32, #tpu.memory_space<vmem_shared>>
      %dma_start3A_1494 = arith.constant 0 : i32
      %dma_start3A_1495 = arith.constant 0 : i32
      %dma_start3A_1496 = tpu.memref_slice %arg16[%run_scoped3A_1019, %dma_start3A_1494, %dma_start3A_1495] : memref<16x4x16xf32, #tpu.memory_space<vmem>> -> memref<1x4x16xf32, #tpu.memory_space<vmem>>
      %dma_start3A_1497 = tpu.memref_squeeze %dma_start3A_1496 : memref<1x4x16xf32, #tpu.memory_space<vmem>> -> memref<4x16xf32, #tpu.memory_space<vmem>>
      %dma_start3A_1498 = arith.constant 0 : i32
      %dma_start3A_1499 = arith.constant 0 : i32
      %dma_start3A_1500 = tpu.memref_slice %arg18[%run_scoped3A_1018, %arg1, %dma_start3A_1498, %dma_start3A_1499] : memref<16x16x4x16xf32, #tpu.memory_space<vmem_shared>> -> memref<1x1x4x16xf32, #tpu.memory_space<vmem_shared>>
      %dma_start3A_1501 = tpu.memref_squeeze %dma_start3A_1500 : memref<1x1x4x16xf32, #tpu.memory_space<vmem_shared>> -> memref<4x16xf32, #tpu.memory_space<vmem_shared>>
      tpu.enqueue_dma source(%dma_start3A_1501 : memref<4x16xf32, #tpu.memory_space<vmem_shared>>) target(%dma_start3A_1497 : memref<4x16xf32, #tpu.memory_space<vmem>>) target_semaphore(%run_scoped3A_1486 : memref<!tpu.dma_semaphore, #tpu.memory_space<semaphore_mem>>)
      %dma_wait3A = arith.constant 0 : i32
      %dma_wait3A_1502 = arith.constant 0 : i32
      %dma_wait3A_1503 = tpu.memref_slice %arg16[%run_scoped3A_1019, %dma_wait3A, %dma_wait3A_1502] : memref<16x4x16xf32, #tpu.memory_space<vmem>> -> memref<1x4x16xf32, #tpu.memory_space<vmem>>
      %dma_wait3A_1504 = tpu.memref_squeeze %dma_wait3A_1503 : memref<1x4x16xf32, #tpu.memory_space<vmem>> -> memref<4x16xf32, #tpu.memory_space<vmem>>
      %dma_wait3A_1505 = arith.constant 0 : i32
      %dma_wait3A_1506 = arith.constant 0 : i32
      %dma_wait3A_1507 = tpu.memref_slice %arg18[%run_scoped3A_1018, %arg1, %dma_wait3A_1505, %dma_wait3A_1506] : memref<16x16x4x16xf32, #tpu.memory_space<vmem_shared>> -> memref<1x1x4x16xf32, #tpu.memory_space<vmem_shared>>
      %dma_wait3A_1508 = tpu.memref_squeeze %dma_wait3A_1507 : memref<1x1x4x16xf32, #tpu.memory_space<vmem_shared>> -> memref<4x16xf32, #tpu.memory_space<vmem_shared>>
      %dma_wait3A_1509 = arith.constant 0 : i32
      %dma_wait3A_1510 = arith.constant 0 : i32
      %dma_wait3A_1511 = tpu.memref_slice %arg16[%run_scoped3A_1019, %dma_wait3A_1509, %dma_wait3A_1510] : memref<16x4x16xf32, #tpu.memory_space<vmem>> -> memref<1x4x16xf32, #tpu.memory_space<vmem>>
      %dma_wait3A_1512 = tpu.memref_squeeze %dma_wait3A_1511 : memref<1x4x16xf32, #tpu.memory_space<vmem>> -> memref<4x16xf32, #tpu.memory_space<vmem>>
      %dma_wait3A_1513 = arith.constant 0 : i32
      %dma_wait3A_1514 = arith.constant 0 : i32
      %dma_wait3A_1515 = tpu.memref_slice %arg18[%run_scoped3A_1018, %arg1, %dma_wait3A_1513, %dma_wait3A_1514] : memref<16x16x4x16xf32, #tpu.memory_space<vmem_shared>> -> memref<1x1x4x16xf32, #tpu.memory_space<vmem_shared>>
      %dma_wait3A_1516 = tpu.memref_squeeze %dma_wait3A_1515 : memref<1x1x4x16xf32, #tpu.memory_space<vmem_shared>> -> memref<4x16xf32, #tpu.memory_space<vmem_shared>>
      tpu.wait_dma2 semaphore(%run_scoped3A_1486 : memref<!tpu.dma_semaphore, #tpu.memory_space<semaphore_mem>>) src(%dma_wait3A_1516 : memref<4x16xf32, #tpu.memory_space<vmem_shared>>) dst(%dma_wait3A_1512 : memref<4x16xf32, #tpu.memory_space<vmem>>)
      tpu.yield
    }) : () -> ()
    %run_scoped3A_1020 = arith.constant 13 : i32
    %run_scoped3A_1021 = arith.constant 13 : i32
    "tpu.region"() ({
      %run_scoped3A_1486 = tpu.sem_alloc : memref<!tpu.dma_semaphore, #tpu.memory_space<semaphore_mem>>
      %dma_start3A = arith.constant 0 : i32
      %dma_start3A_1487 = arith.constant 0 : i32
      %dma_start3A_1488 = tpu.memref_slice %arg16[%run_scoped3A_1021, %dma_start3A, %dma_start3A_1487] : memref<16x4x16xf32, #tpu.memory_space<vmem>> -> memref<1x4x16xf32, #tpu.memory_space<vmem>>
      %dma_start3A_1489 = tpu.memref_squeeze %dma_start3A_1488 : memref<1x4x16xf32, #tpu.memory_space<vmem>> -> memref<4x16xf32, #tpu.memory_space<vmem>>
      %dma_start3A_1490 = arith.constant 0 : i32
      %dma_start3A_1491 = arith.constant 0 : i32
      %dma_start3A_1492 = tpu.memref_slice %arg18[%run_scoped3A_1020, %arg1, %dma_start3A_1490, %dma_start3A_1491] : memref<16x16x4x16xf32, #tpu.memory_space<vmem_shared>> -> memref<1x1x4x16xf32, #tpu.memory_space<vmem_shared>>
      %dma_start3A_1493 = tpu.memref_squeeze %dma_start3A_1492 : memref<1x1x4x16xf32, #tpu.memory_space<vmem_shared>> -> memref<4x16xf32, #tpu.memory_space<vmem_shared>>
      %dma_start3A_1494 = arith.constant 0 : i32
      %dma_start3A_1495 = arith.constant 0 : i32
      %dma_start3A_1496 = tpu.memref_slice %arg16[%run_scoped3A_1021, %dma_start3A_1494, %dma_start3A_1495] : memref<16x4x16xf32, #tpu.memory_space<vmem>> -> memref<1x4x16xf32, #tpu.memory_space<vmem>>
      %dma_start3A_1497 = tpu.memref_squeeze %dma_start3A_1496 : memref<1x4x16xf32, #tpu.memory_space<vmem>> -> memref<4x16xf32, #tpu.memory_space<vmem>>
      %dma_start3A_1498 = arith.constant 0 : i32
      %dma_start3A_1499 = arith.constant 0 : i32
      %dma_start3A_1500 = tpu.memref_slice %arg18[%run_scoped3A_1020, %arg1, %dma_start3A_1498, %dma_start3A_1499] : memref<16x16x4x16xf32, #tpu.memory_space<vmem_shared>> -> memref<1x1x4x16xf32, #tpu.memory_space<vmem_shared>>
      %dma_start3A_1501 = tpu.memref_squeeze %dma_start3A_1500 : memref<1x1x4x16xf32, #tpu.memory_space<vmem_shared>> -> memref<4x16xf32, #tpu.memory_space<vmem_shared>>
      tpu.enqueue_dma source(%dma_start3A_1501 : memref<4x16xf32, #tpu.memory_space<vmem_shared>>) target(%dma_start3A_1497 : memref<4x16xf32, #tpu.memory_space<vmem>>) target_semaphore(%run_scoped3A_1486 : memref<!tpu.dma_semaphore, #tpu.memory_space<semaphore_mem>>)
      %dma_wait3A = arith.constant 0 : i32
      %dma_wait3A_1502 = arith.constant 0 : i32
      %dma_wait3A_1503 = tpu.memref_slice %arg16[%run_scoped3A_1021, %dma_wait3A, %dma_wait3A_1502] : memref<16x4x16xf32, #tpu.memory_space<vmem>> -> memref<1x4x16xf32, #tpu.memory_space<vmem>>
      %dma_wait3A_1504 = tpu.memref_squeeze %dma_wait3A_1503 : memref<1x4x16xf32, #tpu.memory_space<vmem>> -> memref<4x16xf32, #tpu.memory_space<vmem>>
      %dma_wait3A_1505 = arith.constant 0 : i32
      %dma_wait3A_1506 = arith.constant 0 : i32
      %dma_wait3A_1507 = tpu.memref_slice %arg18[%run_scoped3A_1020, %arg1, %dma_wait3A_1505, %dma_wait3A_1506] : memref<16x16x4x16xf32, #tpu.memory_space<vmem_shared>> -> memref<1x1x4x16xf32, #tpu.memory_space<vmem_shared>>
      %dma_wait3A_1508 = tpu.memref_squeeze %dma_wait3A_1507 : memref<1x1x4x16xf32, #tpu.memory_space<vmem_shared>> -> memref<4x16xf32, #tpu.memory_space<vmem_shared>>
      %dma_wait3A_1509 = arith.constant 0 : i32
      %dma_wait3A_1510 = arith.constant 0 : i32
      %dma_wait3A_1511 = tpu.memref_slice %arg16[%run_scoped3A_1021, %dma_wait3A_1509, %dma_wait3A_1510] : memref<16x4x16xf32, #tpu.memory_space<vmem>> -> memref<1x4x16xf32, #tpu.memory_space<vmem>>
      %dma_wait3A_1512 = tpu.memref_squeeze %dma_wait3A_1511 : memref<1x4x16xf32, #tpu.memory_space<vmem>> -> memref<4x16xf32, #tpu.memory_space<vmem>>
      %dma_wait3A_1513 = arith.constant 0 : i32
      %dma_wait3A_1514 = arith.constant 0 : i32
      %dma_wait3A_1515 = tpu.memref_slice %arg18[%run_scoped3A_1020, %arg1, %dma_wait3A_1513, %dma_wait3A_1514] : memref<16x16x4x16xf32, #tpu.memory_space<vmem_shared>> -> memref<1x1x4x16xf32, #tpu.memory_space<vmem_shared>>
      %dma_wait3A_1516 = tpu.memref_squeeze %dma_wait3A_1515 : memref<1x1x4x16xf32, #tpu.memory_space<vmem_shared>> -> memref<4x16xf32, #tpu.memory_space<vmem_shared>>
      tpu.wait_dma2 semaphore(%run_scoped3A_1486 : memref<!tpu.dma_semaphore, #tpu.memory_space<semaphore_mem>>) src(%dma_wait3A_1516 : memref<4x16xf32, #tpu.memory_space<vmem_shared>>) dst(%dma_wait3A_1512 : memref<4x16xf32, #tpu.memory_space<vmem>>)
      tpu.yield
    }) : () -> ()
    %run_scoped3A_1022 = arith.constant 14 : i32
    %run_scoped3A_1023 = arith.constant 14 : i32
    "tpu.region"() ({
      %run_scoped3A_1486 = tpu.sem_alloc : memref<!tpu.dma_semaphore, #tpu.memory_space<semaphore_mem>>
      %dma_start3A = arith.constant 0 : i32
      %dma_start3A_1487 = arith.constant 0 : i32
      %dma_start3A_1488 = tpu.memref_slice %arg16[%run_scoped3A_1023, %dma_start3A, %dma_start3A_1487] : memref<16x4x16xf32, #tpu.memory_space<vmem>> -> memref<1x4x16xf32, #tpu.memory_space<vmem>>
      %dma_start3A_1489 = tpu.memref_squeeze %dma_start3A_1488 : memref<1x4x16xf32, #tpu.memory_space<vmem>> -> memref<4x16xf32, #tpu.memory_space<vmem>>
      %dma_start3A_1490 = arith.constant 0 : i32
      %dma_start3A_1491 = arith.constant 0 : i32
      %dma_start3A_1492 = tpu.memref_slice %arg18[%run_scoped3A_1022, %arg1, %dma_start3A_1490, %dma_start3A_1491] : memref<16x16x4x16xf32, #tpu.memory_space<vmem_shared>> -> memref<1x1x4x16xf32, #tpu.memory_space<vmem_shared>>
      %dma_start3A_1493 = tpu.memref_squeeze %dma_start3A_1492 : memref<1x1x4x16xf32, #tpu.memory_space<vmem_shared>> -> memref<4x16xf32, #tpu.memory_space<vmem_shared>>
      %dma_start3A_1494 = arith.constant 0 : i32
      %dma_start3A_1495 = arith.constant 0 : i32
      %dma_start3A_1496 = tpu.memref_slice %arg16[%run_scoped3A_1023, %dma_start3A_1494, %dma_start3A_1495] : memref<16x4x16xf32, #tpu.memory_space<vmem>> -> memref<1x4x16xf32, #tpu.memory_space<vmem>>
      %dma_start3A_1497 = tpu.memref_squeeze %dma_start3A_1496 : memref<1x4x16xf32, #tpu.memory_space<vmem>> -> memref<4x16xf32, #tpu.memory_space<vmem>>
      %dma_start3A_1498 = arith.constant 0 : i32
      %dma_start3A_1499 = arith.constant 0 : i32
      %dma_start3A_1500 = tpu.memref_slice %arg18[%run_scoped3A_1022, %arg1, %dma_start3A_1498, %dma_start3A_1499] : memref<16x16x4x16xf32, #tpu.memory_space<vmem_shared>> -> memref<1x1x4x16xf32, #tpu.memory_space<vmem_shared>>
      %dma_start3A_1501 = tpu.memref_squeeze %dma_start3A_1500 : memref<1x1x4x16xf32, #tpu.memory_space<vmem_shared>> -> memref<4x16xf32, #tpu.memory_space<vmem_shared>>
      tpu.enqueue_dma source(%dma_start3A_1501 : memref<4x16xf32, #tpu.memory_space<vmem_shared>>) target(%dma_start3A_1497 : memref<4x16xf32, #tpu.memory_space<vmem>>) target_semaphore(%run_scoped3A_1486 : memref<!tpu.dma_semaphore, #tpu.memory_space<semaphore_mem>>)
      %dma_wait3A = arith.constant 0 : i32
      %dma_wait3A_1502 = arith.constant 0 : i32
      %dma_wait3A_1503 = tpu.memref_slice %arg16[%run_scoped3A_1023, %dma_wait3A, %dma_wait3A_1502] : memref<16x4x16xf32, #tpu.memory_space<vmem>> -> memref<1x4x16xf32, #tpu.memory_space<vmem>>
      %dma_wait3A_1504 = tpu.memref_squeeze %dma_wait3A_1503 : memref<1x4x16xf32, #tpu.memory_space<vmem>> -> memref<4x16xf32, #tpu.memory_space<vmem>>
      %dma_wait3A_1505 = arith.constant 0 : i32
      %dma_wait3A_1506 = arith.constant 0 : i32
      %dma_wait3A_1507 = tpu.memref_slice %arg18[%run_scoped3A_1022, %arg1, %dma_wait3A_1505, %dma_wait3A_1506] : memref<16x16x4x16xf32, #tpu.memory_space<vmem_shared>> -> memref<1x1x4x16xf32, #tpu.memory_space<vmem_shared>>
      %dma_wait3A_1508 = tpu.memref_squeeze %dma_wait3A_1507 : memref<1x1x4x16xf32, #tpu.memory_space<vmem_shared>> -> memref<4x16xf32, #tpu.memory_space<vmem_shared>>
      %dma_wait3A_1509 = arith.constant 0 : i32
      %dma_wait3A_1510 = arith.constant 0 : i32
      %dma_wait3A_1511 = tpu.memref_slice %arg16[%run_scoped3A_1023, %dma_wait3A_1509, %dma_wait3A_1510] : memref<16x4x16xf32, #tpu.memory_space<vmem>> -> memref<1x4x16xf32, #tpu.memory_space<vmem>>
      %dma_wait3A_1512 = tpu.memref_squeeze %dma_wait3A_1511 : memref<1x4x16xf32, #tpu.memory_space<vmem>> -> memref<4x16xf32, #tpu.memory_space<vmem>>
      %dma_wait3A_1513 = arith.constant 0 : i32
      %dma_wait3A_1514 = arith.constant 0 : i32
      %dma_wait3A_1515 = tpu.memref_slice %arg18[%run_scoped3A_1022, %arg1, %dma_wait3A_1513, %dma_wait3A_1514] : memref<16x16x4x16xf32, #tpu.memory_space<vmem_shared>> -> memref<1x1x4x16xf32, #tpu.memory_space<vmem_shared>>
      %dma_wait3A_1516 = tpu.memref_squeeze %dma_wait3A_1515 : memref<1x1x4x16xf32, #tpu.memory_space<vmem_shared>> -> memref<4x16xf32, #tpu.memory_space<vmem_shared>>
      tpu.wait_dma2 semaphore(%run_scoped3A_1486 : memref<!tpu.dma_semaphore, #tpu.memory_space<semaphore_mem>>) src(%dma_wait3A_1516 : memref<4x16xf32, #tpu.memory_space<vmem_shared>>) dst(%dma_wait3A_1512 : memref<4x16xf32, #tpu.memory_space<vmem>>)
      tpu.yield
    }) : () -> ()
    %run_scoped3A_1024 = arith.constant 15 : i32
    %run_scoped3A_1025 = arith.constant 15 : i32
    "tpu.region"() ({
      %run_scoped3A_1486 = tpu.sem_alloc : memref<!tpu.dma_semaphore, #tpu.memory_space<semaphore_mem>>
      %dma_start3A = arith.constant 0 : i32
      %dma_start3A_1487 = arith.constant 0 : i32
      %dma_start3A_1488 = tpu.memref_slice %arg16[%run_scoped3A_1025, %dma_start3A, %dma_start3A_1487] : memref<16x4x16xf32, #tpu.memory_space<vmem>> -> memref<1x4x16xf32, #tpu.memory_space<vmem>>
      %dma_start3A_1489 = tpu.memref_squeeze %dma_start3A_1488 : memref<1x4x16xf32, #tpu.memory_space<vmem>> -> memref<4x16xf32, #tpu.memory_space<vmem>>
      %dma_start3A_1490 = arith.constant 0 : i32
      %dma_start3A_1491 = arith.constant 0 : i32
      %dma_start3A_1492 = tpu.memref_slice %arg18[%run_scoped3A_1024, %arg1, %dma_start3A_1490, %dma_start3A_1491] : memref<16x16x4x16xf32, #tpu.memory_space<vmem_shared>> -> memref<1x1x4x16xf32, #tpu.memory_space<vmem_shared>>
      %dma_start3A_1493 = tpu.memref_squeeze %dma_start3A_1492 : memref<1x1x4x16xf32, #tpu.memory_space<vmem_shared>> -> memref<4x16xf32, #tpu.memory_space<vmem_shared>>
      %dma_start3A_1494 = arith.constant 0 : i32
      %dma_start3A_1495 = arith.constant 0 : i32
      %dma_start3A_1496 = tpu.memref_slice %arg16[%run_scoped3A_1025, %dma_start3A_1494, %dma_start3A_1495] : memref<16x4x16xf32, #tpu.memory_space<vmem>> -> memref<1x4x16xf32, #tpu.memory_space<vmem>>
      %dma_start3A_1497 = tpu.memref_squeeze %dma_start3A_1496 : memref<1x4x16xf32, #tpu.memory_space<vmem>> -> memref<4x16xf32, #tpu.memory_space<vmem>>
      %dma_start3A_1498 = arith.constant 0 : i32
      %dma_start3A_1499 = arith.constant 0 : i32
      %dma_start3A_1500 = tpu.memref_slice %arg18[%run_scoped3A_1024, %arg1, %dma_start3A_1498, %dma_start3A_1499] : memref<16x16x4x16xf32, #tpu.memory_space<vmem_shared>> -> memref<1x1x4x16xf32, #tpu.memory_space<vmem_shared>>
      %dma_start3A_1501 = tpu.memref_squeeze %dma_start3A_1500 : memref<1x1x4x16xf32, #tpu.memory_space<vmem_shared>> -> memref<4x16xf32, #tpu.memory_space<vmem_shared>>
      tpu.enqueue_dma source(%dma_start3A_1501 : memref<4x16xf32, #tpu.memory_space<vmem_shared>>) target(%dma_start3A_1497 : memref<4x16xf32, #tpu.memory_space<vmem>>) target_semaphore(%run_scoped3A_1486 : memref<!tpu.dma_semaphore, #tpu.memory_space<semaphore_mem>>)
      %dma_wait3A = arith.constant 0 : i32
      %dma_wait3A_1502 = arith.constant 0 : i32
      %dma_wait3A_1503 = tpu.memref_slice %arg16[%run_scoped3A_1025, %dma_wait3A, %dma_wait3A_1502] : memref<16x4x16xf32, #tpu.memory_space<vmem>> -> memref<1x4x16xf32, #tpu.memory_space<vmem>>
      %dma_wait3A_1504 = tpu.memref_squeeze %dma_wait3A_1503 : memref<1x4x16xf32, #tpu.memory_space<vmem>> -> memref<4x16xf32, #tpu.memory_space<vmem>>
      %dma_wait3A_1505 = arith.constant 0 : i32
      %dma_wait3A_1506 = arith.constant 0 : i32
      %dma_wait3A_1507 = tpu.memref_slice %arg18[%run_scoped3A_1024, %arg1, %dma_wait3A_1505, %dma_wait3A_1506] : memref<16x16x4x16xf32, #tpu.memory_space<vmem_shared>> -> memref<1x1x4x16xf32, #tpu.memory_space<vmem_shared>>
      %dma_wait3A_1508 = tpu.memref_squeeze %dma_wait3A_1507 : memref<1x1x4x16xf32, #tpu.memory_space<vmem_shared>> -> memref<4x16xf32, #tpu.memory_space<vmem_shared>>
      %dma_wait3A_1509 = arith.constant 0 : i32
      %dma_wait3A_1510 = arith.constant 0 : i32
      %dma_wait3A_1511 = tpu.memref_slice %arg16[%run_scoped3A_1025, %dma_wait3A_1509, %dma_wait3A_1510] : memref<16x4x16xf32, #tpu.memory_space<vmem>> -> memref<1x4x16xf32, #tpu.memory_space<vmem>>
      %dma_wait3A_1512 = tpu.memref_squeeze %dma_wait3A_1511 : memref<1x4x16xf32, #tpu.memory_space<vmem>> -> memref<4x16xf32, #tpu.memory_space<vmem>>
      %dma_wait3A_1513 = arith.constant 0 : i32
      %dma_wait3A_1514 = arith.constant 0 : i32
      %dma_wait3A_1515 = tpu.memref_slice %arg18[%run_scoped3A_1024, %arg1, %dma_wait3A_1513, %dma_wait3A_1514] : memref<16x16x4x16xf32, #tpu.memory_space<vmem_shared>> -> memref<1x1x4x16xf32, #tpu.memory_space<vmem_shared>>
      %dma_wait3A_1516 = tpu.memref_squeeze %dma_wait3A_1515 : memref<1x1x4x16xf32, #tpu.memory_space<vmem_shared>> -> memref<4x16xf32, #tpu.memory_space<vmem_shared>>
      tpu.wait_dma2 semaphore(%run_scoped3A_1486 : memref<!tpu.dma_semaphore, #tpu.memory_space<semaphore_mem>>) src(%dma_wait3A_1516 : memref<4x16xf32, #tpu.memory_space<vmem_shared>>) dst(%dma_wait3A_1512 : memref<4x16xf32, #tpu.memory_space<vmem>>)
      tpu.yield
    }) : () -> ()
    %get3A_1026 = arith.constant 0 : i32
    %get3A_1027 = arith.constant 0 : i32
    %get3A_1028 = arith.index_cast %get3A_1026 : i32 to index
    %get3A_1029 = arith.index_cast %get3A_1027 : i32 to index
    %get3A_1030 = arith.constant 0 : index
    %get3A_1031 = tpu.vector_load %arg16[%get3A_1028, %get3A_1029, %get3A_1030] {strides = array<i32>} : memref<16x4x16xf32, #tpu.memory_space<vmem>>, vector<16xf32>,
    %get3A_1032 = arith.constant 1 : i32
    %get3A_1033 = arith.constant 0 : i32
    %get3A_1034 = arith.index_cast %get3A_1032 : i32 to index
    %get3A_1035 = arith.index_cast %get3A_1033 : i32 to index
    %get3A_1036 = arith.constant 0 : index
    %get3A_1037 = tpu.vector_load %arg16[%get3A_1034, %get3A_1035, %get3A_1036] {strides = array<i32>} : memref<16x4x16xf32, #tpu.memory_space<vmem>>, vector<16xf32>,
    %add3A_1038 = arith.addf %get3A_1031, %get3A_1037 : vector<16xf32>
    %get3A_1039 = arith.constant 2 : i32
    %get3A_1040 = arith.constant 0 : i32
    %get3A_1041 = arith.index_cast %get3A_1039 : i32 to index
    %get3A_1042 = arith.index_cast %get3A_1040 : i32 to index
    %get3A_1043 = arith.constant 0 : index
    %get3A_1044 = tpu.vector_load %arg16[%get3A_1041, %get3A_1042, %get3A_1043] {strides = array<i32>} : memref<16x4x16xf32, #tpu.memory_space<vmem>>, vector<16xf32>,
    %add3A_1045 = arith.addf %add3A_1038, %get3A_1044 : vector<16xf32>
    %get3A_1046 = arith.constant 3 : i32
    %get3A_1047 = arith.constant 0 : i32
    %get3A_1048 = arith.index_cast %get3A_1046 : i32 to index
    %get3A_1049 = arith.index_cast %get3A_1047 : i32 to index
    %get3A_1050 = arith.constant 0 : index
    %get3A_1051 = tpu.vector_load %arg16[%get3A_1048, %get3A_1049, %get3A_1050] {strides = array<i32>} : memref<16x4x16xf32, #tpu.memory_space<vmem>>, vector<16xf32>,
    %add3A_1052 = arith.addf %add3A_1045, %get3A_1051 : vector<16xf32>
    %get3A_1053 = arith.constant 4 : i32
    %get3A_1054 = arith.constant 0 : i32
    %get3A_1055 = arith.index_cast %get3A_1053 : i32 to index
    %get3A_1056 = arith.index_cast %get3A_1054 : i32 to index
    %get3A_1057 = arith.constant 0 : index
    %get3A_1058 = tpu.vector_load %arg16[%get3A_1055, %get3A_1056, %get3A_1057] {strides = array<i32>} : memref<16x4x16xf32, #tpu.memory_space<vmem>>, vector<16xf32>,
    %add3A_1059 = arith.addf %add3A_1052, %get3A_1058 : vector<16xf32>
    %get3A_1060 = arith.constant 5 : i32
    %get3A_1061 = arith.constant 0 : i32
    %get3A_1062 = arith.index_cast %get3A_1060 : i32 to index
    %get3A_1063 = arith.index_cast %get3A_1061 : i32 to index
    %get3A_1064 = arith.constant 0 : index
    %get3A_1065 = tpu.vector_load %arg16[%get3A_1062, %get3A_1063, %get3A_1064] {strides = array<i32>} : memref<16x4x16xf32, #tpu.memory_space<vmem>>, vector<16xf32>,
    %add3A_1066 = arith.addf %add3A_1059, %get3A_1065 : vector<16xf32>
    %get3A_1067 = arith.constant 6 : i32
    %get3A_1068 = arith.constant 0 : i32
    %get3A_1069 = arith.index_cast %get3A_1067 : i32 to index
    %get3A_1070 = arith.index_cast %get3A_1068 : i32 to index
    %get3A_1071 = arith.constant 0 : index
    %get3A_1072 = tpu.vector_load %arg16[%get3A_1069, %get3A_1070, %get3A_1071] {strides = array<i32>} : memref<16x4x16xf32, #tpu.memory_space<vmem>>, vector<16xf32>,
    %add3A_1073 = arith.addf %add3A_1066, %get3A_1072 : vector<16xf32>
    %get3A_1074 = arith.constant 7 : i32
    %get3A_1075 = arith.constant 0 : i32
    %get3A_1076 = arith.index_cast %get3A_1074 : i32 to index
    %get3A_1077 = arith.index_cast %get3A_1075 : i32 to index
    %get3A_1078 = arith.constant 0 : index
    %get3A_1079 = tpu.vector_load %arg16[%get3A_1076, %get3A_1077, %get3A_1078] {strides = array<i32>} : memref<16x4x16xf32, #tpu.memory_space<vmem>>, vector<16xf32>,
    %add3A_1080 = arith.addf %add3A_1073, %get3A_1079 : vector<16xf32>
    %get3A_1081 = arith.constant 8 : i32
    %get3A_1082 = arith.constant 0 : i32
    %get3A_1083 = arith.index_cast %get3A_1081 : i32 to index
    %get3A_1084 = arith.index_cast %get3A_1082 : i32 to index
    %get3A_1085 = arith.constant 0 : index
    %get3A_1086 = tpu.vector_load %arg16[%get3A_1083, %get3A_1084, %get3A_1085] {strides = array<i32>} : memref<16x4x16xf32, #tpu.memory_space<vmem>>, vector<16xf32>,
    %add3A_1087 = arith.addf %add3A_1080, %get3A_1086 : vector<16xf32>
    %get3A_1088 = arith.constant 9 : i32
    %get3A_1089 = arith.constant 0 : i32
    %get3A_1090 = arith.index_cast %get3A_1088 : i32 to index
    %get3A_1091 = arith.index_cast %get3A_1089 : i32 to index
    %get3A_1092 = arith.constant 0 : index
    %get3A_1093 = tpu.vector_load %arg16[%get3A_1090, %get3A_1091, %get3A_1092] {strides = array<i32>} : memref<16x4x16xf32, #tpu.memory_space<vmem>>, vector<16xf32>,
    %add3A_1094 = arith.addf %add3A_1087, %get3A_1093 : vector<16xf32>
    %get3A_1095 = arith.constant 10 : i32
    %get3A_1096 = arith.constant 0 : i32
    %get3A_1097 = arith.index_cast %get3A_1095 : i32 to index
    %get3A_1098 = arith.index_cast %get3A_1096 : i32 to index
    %get3A_1099 = arith.constant 0 : index
    %get3A_1100 = tpu.vector_load %arg16[%get3A_1097, %get3A_1098, %get3A_1099] {strides = array<i32>} : memref<16x4x16xf32, #tpu.memory_space<vmem>>, vector<16xf32>,
    %add3A_1101 = arith.addf %add3A_1094, %get3A_1100 : vector<16xf32>
    %get3A_1102 = arith.constant 11 : i32
    %get3A_1103 = arith.constant 0 : i32
    %get3A_1104 = arith.index_cast %get3A_1102 : i32 to index
    %get3A_1105 = arith.index_cast %get3A_1103 : i32 to index
    %get3A_1106 = arith.constant 0 : index
    %get3A_1107 = tpu.vector_load %arg16[%get3A_1104, %get3A_1105, %get3A_1106] {strides = array<i32>} : memref<16x4x16xf32, #tpu.memory_space<vmem>>, vector<16xf32>,
    %add3A_1108 = arith.addf %add3A_1101, %get3A_1107 : vector<16xf32>
    %get3A_1109 = arith.constant 12 : i32
    %get3A_1110 = arith.constant 0 : i32
    %get3A_1111 = arith.index_cast %get3A_1109 : i32 to index
    %get3A_1112 = arith.index_cast %get3A_1110 : i32 to index
    %get3A_1113 = arith.constant 0 : index
    %get3A_1114 = tpu.vector_load %arg16[%get3A_1111, %get3A_1112, %get3A_1113] {strides = array<i32>} : memref<16x4x16xf32, #tpu.memory_space<vmem>>, vector<16xf32>,
    %add3A_1115 = arith.addf %add3A_1108, %get3A_1114 : vector<16xf32>
    %get3A_1116 = arith.constant 13 : i32
    %get3A_1117 = arith.constant 0 : i32
    %get3A_1118 = arith.index_cast %get3A_1116 : i32 to index
    %get3A_1119 = arith.index_cast %get3A_1117 : i32 to index
    %get3A_1120 = arith.constant 0 : index
    %get3A_1121 = tpu.vector_load %arg16[%get3A_1118, %get3A_1119, %get3A_1120] {strides = array<i32>} : memref<16x4x16xf32, #tpu.memory_space<vmem>>, vector<16xf32>,
    %add3A_1122 = arith.addf %add3A_1115, %get3A_1121 : vector<16xf32>
    %get3A_1123 = arith.constant 14 : i32
    %get3A_1124 = arith.constant 0 : i32
    %get3A_1125 = arith.index_cast %get3A_1123 : i32 to index
    %get3A_1126 = arith.index_cast %get3A_1124 : i32 to index
    %get3A_1127 = arith.constant 0 : index
    %get3A_1128 = tpu.vector_load %arg16[%get3A_1125, %get3A_1126, %get3A_1127] {strides = array<i32>} : memref<16x4x16xf32, #tpu.memory_space<vmem>>, vector<16xf32>,
    %add3A_1129 = arith.addf %add3A_1122, %get3A_1128 : vector<16xf32>
    %get3A_1130 = arith.constant 15 : i32
    %get3A_1131 = arith.constant 0 : i32
    %get3A_1132 = arith.index_cast %get3A_1130 : i32 to index
    %get3A_1133 = arith.index_cast %get3A_1131 : i32 to index
    %get3A_1134 = arith.constant 0 : index
    %get3A_1135 = tpu.vector_load %arg16[%get3A_1132, %get3A_1133, %get3A_1134] {strides = array<i32>} : memref<16x4x16xf32, #tpu.memory_space<vmem>>, vector<16xf32>,
    %add3A_1136 = arith.addf %add3A_1129, %get3A_1135 : vector<16xf32>
    %swap3A_1137 = arith.constant 0 : i32
    %swap3A_1138 = arith.index_cast %swap3A_1137 : i32 to index
    %swap3A_1139 = arith.constant 0 : index
    %swap3A_1140 = tpu.vector_load %arg17[%swap3A_1138, %swap3A_1139] {strides = array<i32>} : memref<4x16xf32, #tpu.memory_space<vmem>>, vector<16xf32>,
    tpu.vector_store %arg17[%swap3A_1138, %swap3A_1139], %add3A_1136 {strides = array<i32>} : memref<4x16xf32, #tpu.memory_space<vmem>>, vector<16xf32>,
    %get3A_1141 = arith.constant 0 : i32
    %get3A_1142 = arith.constant 1 : i32
    %get3A_1143 = arith.index_cast %get3A_1141 : i32 to index
    %get3A_1144 = arith.index_cast %get3A_1142 : i32 to index
    %get3A_1145 = arith.constant 0 : index
    %get3A_1146 = tpu.vector_load %arg16[%get3A_1143, %get3A_1144, %get3A_1145] {strides = array<i32>} : memref<16x4x16xf32, #tpu.memory_space<vmem>>, vector<16xf32>,
    %get3A_1147 = arith.constant 1 : i32
    %get3A_1148 = arith.constant 1 : i32
    %get3A_1149 = arith.index_cast %get3A_1147 : i32 to index
    %get3A_1150 = arith.index_cast %get3A_1148 : i32 to index
    %get3A_1151 = arith.constant 0 : index
    %get3A_1152 = tpu.vector_load %arg16[%get3A_1149, %get3A_1150, %get3A_1151] {strides = array<i32>} : memref<16x4x16xf32, #tpu.memory_space<vmem>>, vector<16xf32>,
    %add3A_1153 = arith.addf %get3A_1146, %get3A_1152 : vector<16xf32>
    %get3A_1154 = arith.constant 2 : i32
    %get3A_1155 = arith.constant 1 : i32
    %get3A_1156 = arith.index_cast %get3A_1154 : i32 to index
    %get3A_1157 = arith.index_cast %get3A_1155 : i32 to index
    %get3A_1158 = arith.constant 0 : index
    %get3A_1159 = tpu.vector_load %arg16[%get3A_1156, %get3A_1157, %get3A_1158] {strides = array<i32>} : memref<16x4x16xf32, #tpu.memory_space<vmem>>, vector<16xf32>,
    %add3A_1160 = arith.addf %add3A_1153, %get3A_1159 : vector<16xf32>
    %get3A_1161 = arith.constant 3 : i32
    %get3A_1162 = arith.constant 1 : i32
    %get3A_1163 = arith.index_cast %get3A_1161 : i32 to index
    %get3A_1164 = arith.index_cast %get3A_1162 : i32 to index
    %get3A_1165 = arith.constant 0 : index
    %get3A_1166 = tpu.vector_load %arg16[%get3A_1163, %get3A_1164, %get3A_1165] {strides = array<i32>} : memref<16x4x16xf32, #tpu.memory_space<vmem>>, vector<16xf32>,
    %add3A_1167 = arith.addf %add3A_1160, %get3A_1166 : vector<16xf32>
    %get3A_1168 = arith.constant 4 : i32
    %get3A_1169 = arith.constant 1 : i32
    %get3A_1170 = arith.index_cast %get3A_1168 : i32 to index
    %get3A_1171 = arith.index_cast %get3A_1169 : i32 to index
    %get3A_1172 = arith.constant 0 : index
    %get3A_1173 = tpu.vector_load %arg16[%get3A_1170, %get3A_1171, %get3A_1172] {strides = array<i32>} : memref<16x4x16xf32, #tpu.memory_space<vmem>>, vector<16xf32>,
    %add3A_1174 = arith.addf %add3A_1167, %get3A_1173 : vector<16xf32>
    %get3A_1175 = arith.constant 5 : i32
    %get3A_1176 = arith.constant 1 : i32
    %get3A_1177 = arith.index_cast %get3A_1175 : i32 to index
    %get3A_1178 = arith.index_cast %get3A_1176 : i32 to index
    %get3A_1179 = arith.constant 0 : index
    %get3A_1180 = tpu.vector_load %arg16[%get3A_1177, %get3A_1178, %get3A_1179] {strides = array<i32>} : memref<16x4x16xf32, #tpu.memory_space<vmem>>, vector<16xf32>,
    %add3A_1181 = arith.addf %add3A_1174, %get3A_1180 : vector<16xf32>
    %get3A_1182 = arith.constant 6 : i32
    %get3A_1183 = arith.constant 1 : i32
    %get3A_1184 = arith.index_cast %get3A_1182 : i32 to index
    %get3A_1185 = arith.index_cast %get3A_1183 : i32 to index
    %get3A_1186 = arith.constant 0 : index
    %get3A_1187 = tpu.vector_load %arg16[%get3A_1184, %get3A_1185, %get3A_1186] {strides = array<i32>} : memref<16x4x16xf32, #tpu.memory_space<vmem>>, vector<16xf32>,
    %add3A_1188 = arith.addf %add3A_1181, %get3A_1187 : vector<16xf32>
    %get3A_1189 = arith.constant 7 : i32
    %get3A_1190 = arith.constant 1 : i32
    %get3A_1191 = arith.index_cast %get3A_1189 : i32 to index
    %get3A_1192 = arith.index_cast %get3A_1190 : i32 to index
    %get3A_1193 = arith.constant 0 : index
    %get3A_1194 = tpu.vector_load %arg16[%get3A_1191, %get3A_1192, %get3A_1193] {strides = array<i32>} : memref<16x4x16xf32, #tpu.memory_space<vmem>>, vector<16xf32>,
    %add3A_1195 = arith.addf %add3A_1188, %get3A_1194 : vector<16xf32>
    %get3A_1196 = arith.constant 8 : i32
    %get3A_1197 = arith.constant 1 : i32
    %get3A_1198 = arith.index_cast %get3A_1196 : i32 to index
    %get3A_1199 = arith.index_cast %get3A_1197 : i32 to index
    %get3A_1200 = arith.constant 0 : index
    %get3A_1201 = tpu.vector_load %arg16[%get3A_1198, %get3A_1199, %get3A_1200] {strides = array<i32>} : memref<16x4x16xf32, #tpu.memory_space<vmem>>, vector<16xf32>,
    %add3A_1202 = arith.addf %add3A_1195, %get3A_1201 : vector<16xf32>
    %get3A_1203 = arith.constant 9 : i32
    %get3A_1204 = arith.constant 1 : i32
    %get3A_1205 = arith.index_cast %get3A_1203 : i32 to index
    %get3A_1206 = arith.index_cast %get3A_1204 : i32 to index
    %get3A_1207 = arith.constant 0 : index
    %get3A_1208 = tpu.vector_load %arg16[%get3A_1205, %get3A_1206, %get3A_1207] {strides = array<i32>} : memref<16x4x16xf32, #tpu.memory_space<vmem>>, vector<16xf32>,
    %add3A_1209 = arith.addf %add3A_1202, %get3A_1208 : vector<16xf32>
    %get3A_1210 = arith.constant 10 : i32
    %get3A_1211 = arith.constant 1 : i32
    %get3A_1212 = arith.index_cast %get3A_1210 : i32 to index
    %get3A_1213 = arith.index_cast %get3A_1211 : i32 to index
    %get3A_1214 = arith.constant 0 : index
    %get3A_1215 = tpu.vector_load %arg16[%get3A_1212, %get3A_1213, %get3A_1214] {strides = array<i32>} : memref<16x4x16xf32, #tpu.memory_space<vmem>>, vector<16xf32>,
    %add3A_1216 = arith.addf %add3A_1209, %get3A_1215 : vector<16xf32>
    %get3A_1217 = arith.constant 11 : i32
    %get3A_1218 = arith.constant 1 : i32
    %get3A_1219 = arith.index_cast %get3A_1217 : i32 to index
    %get3A_1220 = arith.index_cast %get3A_1218 : i32 to index
    %get3A_1221 = arith.constant 0 : index
    %get3A_1222 = tpu.vector_load %arg16[%get3A_1219, %get3A_1220, %get3A_1221] {strides = array<i32>} : memref<16x4x16xf32, #tpu.memory_space<vmem>>, vector<16xf32>,
    %add3A_1223 = arith.addf %add3A_1216, %get3A_1222 : vector<16xf32>
    %get3A_1224 = arith.constant 12 : i32
    %get3A_1225 = arith.constant 1 : i32
    %get3A_1226 = arith.index_cast %get3A_1224 : i32 to index
    %get3A_1227 = arith.index_cast %get3A_1225 : i32 to index
    %get3A_1228 = arith.constant 0 : index
    %get3A_1229 = tpu.vector_load %arg16[%get3A_1226, %get3A_1227, %get3A_1228] {strides = array<i32>} : memref<16x4x16xf32, #tpu.memory_space<vmem>>, vector<16xf32>,
    %add3A_1230 = arith.addf %add3A_1223, %get3A_1229 : vector<16xf32>
    %get3A_1231 = arith.constant 13 : i32
    %get3A_1232 = arith.constant 1 : i32
    %get3A_1233 = arith.index_cast %get3A_1231 : i32 to index
    %get3A_1234 = arith.index_cast %get3A_1232 : i32 to index
    %get3A_1235 = arith.constant 0 : index
    %get3A_1236 = tpu.vector_load %arg16[%get3A_1233, %get3A_1234, %get3A_1235] {strides = array<i32>} : memref<16x4x16xf32, #tpu.memory_space<vmem>>, vector<16xf32>,
    %add3A_1237 = arith.addf %add3A_1230, %get3A_1236 : vector<16xf32>
    %get3A_1238 = arith.constant 14 : i32
    %get3A_1239 = arith.constant 1 : i32
    %get3A_1240 = arith.index_cast %get3A_1238 : i32 to index
    %get3A_1241 = arith.index_cast %get3A_1239 : i32 to index
    %get3A_1242 = arith.constant 0 : index
    %get3A_1243 = tpu.vector_load %arg16[%get3A_1240, %get3A_1241, %get3A_1242] {strides = array<i32>} : memref<16x4x16xf32, #tpu.memory_space<vmem>>, vector<16xf32>,
    %add3A_1244 = arith.addf %add3A_1237, %get3A_1243 : vector<16xf32>
    %get3A_1245 = arith.constant 15 : i32
    %get3A_1246 = arith.constant 1 : i32
    %get3A_1247 = arith.index_cast %get3A_1245 : i32 to index
    %get3A_1248 = arith.index_cast %get3A_1246 : i32 to index
    %get3A_1249 = arith.constant 0 : index
    %get3A_1250 = tpu.vector_load %arg16[%get3A_1247, %get3A_1248, %get3A_1249] {strides = array<i32>} : memref<16x4x16xf32, #tpu.memory_space<vmem>>, vector<16xf32>,
    %add3A_1251 = arith.addf %add3A_1244, %get3A_1250 : vector<16xf32>
    %swap3A_1252 = arith.constant 1 : i32
    %swap3A_1253 = arith.index_cast %swap3A_1252 : i32 to index
    %swap3A_1254 = arith.constant 0 : index
    %swap3A_1255 = tpu.vector_load %arg17[%swap3A_1253, %swap3A_1254] {strides = array<i32>} : memref<4x16xf32, #tpu.memory_space<vmem>>, vector<16xf32>,
    tpu.vector_store %arg17[%swap3A_1253, %swap3A_1254], %add3A_1251 {strides = array<i32>} : memref<4x16xf32, #tpu.memory_space<vmem>>, vector<16xf32>,
    %get3A_1256 = arith.constant 0 : i32
    %get3A_1257 = arith.constant 2 : i32
    %get3A_1258 = arith.index_cast %get3A_1256 : i32 to index
    %get3A_1259 = arith.index_cast %get3A_1257 : i32 to index
    %get3A_1260 = arith.constant 0 : index
    %get3A_1261 = tpu.vector_load %arg16[%get3A_1258, %get3A_1259, %get3A_1260] {strides = array<i32>} : memref<16x4x16xf32, #tpu.memory_space<vmem>>, vector<16xf32>,
    %get3A_1262 = arith.constant 1 : i32
    %get3A_1263 = arith.constant 2 : i32
    %get3A_1264 = arith.index_cast %get3A_1262 : i32 to index
    %get3A_1265 = arith.index_cast %get3A_1263 : i32 to index
    %get3A_1266 = arith.constant 0 : index
    %get3A_1267 = tpu.vector_load %arg16[%get3A_1264, %get3A_1265, %get3A_1266] {strides = array<i32>} : memref<16x4x16xf32, #tpu.memory_space<vmem>>, vector<16xf32>,
    %add3A_1268 = arith.addf %get3A_1261, %get3A_1267 : vector<16xf32>
    %get3A_1269 = arith.constant 2 : i32
    %get3A_1270 = arith.constant 2 : i32
    %get3A_1271 = arith.index_cast %get3A_1269 : i32 to index
    %get3A_1272 = arith.index_cast %get3A_1270 : i32 to index
    %get3A_1273 = arith.constant 0 : index
    %get3A_1274 = tpu.vector_load %arg16[%get3A_1271, %get3A_1272, %get3A_1273] {strides = array<i32>} : memref<16x4x16xf32, #tpu.memory_space<vmem>>, vector<16xf32>,
    %add3A_1275 = arith.addf %add3A_1268, %get3A_1274 : vector<16xf32>
    %get3A_1276 = arith.constant 3 : i32
    %get3A_1277 = arith.constant 2 : i32
    %get3A_1278 = arith.index_cast %get3A_1276 : i32 to index
    %get3A_1279 = arith.index_cast %get3A_1277 : i32 to index
    %get3A_1280 = arith.constant 0 : index
    %get3A_1281 = tpu.vector_load %arg16[%get3A_1278, %get3A_1279, %get3A_1280] {strides = array<i32>} : memref<16x4x16xf32, #tpu.memory_space<vmem>>, vector<16xf32>,
    %add3A_1282 = arith.addf %add3A_1275, %get3A_1281 : vector<16xf32>
    %get3A_1283 = arith.constant 4 : i32
    %get3A_1284 = arith.constant 2 : i32
    %get3A_1285 = arith.index_cast %get3A_1283 : i32 to index
    %get3A_1286 = arith.index_cast %get3A_1284 : i32 to index
    %get3A_1287 = arith.constant 0 : index
    %get3A_1288 = tpu.vector_load %arg16[%get3A_1285, %get3A_1286, %get3A_1287] {strides = array<i32>} : memref<16x4x16xf32, #tpu.memory_space<vmem>>, vector<16xf32>,
    %add3A_1289 = arith.addf %add3A_1282, %get3A_1288 : vector<16xf32>
    %get3A_1290 = arith.constant 5 : i32
    %get3A_1291 = arith.constant 2 : i32
    %get3A_1292 = arith.index_cast %get3A_1290 : i32 to index
    %get3A_1293 = arith.index_cast %get3A_1291 : i32 to index
    %get3A_1294 = arith.constant 0 : index
    %get3A_1295 = tpu.vector_load %arg16[%get3A_1292, %get3A_1293, %get3A_1294] {strides = array<i32>} : memref<16x4x16xf32, #tpu.memory_space<vmem>>, vector<16xf32>,
    %add3A_1296 = arith.addf %add3A_1289, %get3A_1295 : vector<16xf32>
    %get3A_1297 = arith.constant 6 : i32
    %get3A_1298 = arith.constant 2 : i32
    %get3A_1299 = arith.index_cast %get3A_1297 : i32 to index
    %get3A_1300 = arith.index_cast %get3A_1298 : i32 to index
    %get3A_1301 = arith.constant 0 : index
    %get3A_1302 = tpu.vector_load %arg16[%get3A_1299, %get3A_1300, %get3A_1301] {strides = array<i32>} : memref<16x4x16xf32, #tpu.memory_space<vmem>>, vector<16xf32>,
    %add3A_1303 = arith.addf %add3A_1296, %get3A_1302 : vector<16xf32>
    %get3A_1304 = arith.constant 7 : i32
    %get3A_1305 = arith.constant 2 : i32
    %get3A_1306 = arith.index_cast %get3A_1304 : i32 to index
    %get3A_1307 = arith.index_cast %get3A_1305 : i32 to index
    %get3A_1308 = arith.constant 0 : index
    %get3A_1309 = tpu.vector_load %arg16[%get3A_1306, %get3A_1307, %get3A_1308] {strides = array<i32>} : memref<16x4x16xf32, #tpu.memory_space<vmem>>, vector<16xf32>,
    %add3A_1310 = arith.addf %add3A_1303, %get3A_1309 : vector<16xf32>
    %get3A_1311 = arith.constant 8 : i32
    %get3A_1312 = arith.constant 2 : i32
    %get3A_1313 = arith.index_cast %get3A_1311 : i32 to index
    %get3A_1314 = arith.index_cast %get3A_1312 : i32 to index
    %get3A_1315 = arith.constant 0 : index
    %get3A_1316 = tpu.vector_load %arg16[%get3A_1313, %get3A_1314, %get3A_1315] {strides = array<i32>} : memref<16x4x16xf32, #tpu.memory_space<vmem>>, vector<16xf32>,
    %add3A_1317 = arith.addf %add3A_1310, %get3A_1316 : vector<16xf32>
    %get3A_1318 = arith.constant 9 : i32
    %get3A_1319 = arith.constant 2 : i32
    %get3A_1320 = arith.index_cast %get3A_1318 : i32 to index
    %get3A_1321 = arith.index_cast %get3A_1319 : i32 to index
    %get3A_1322 = arith.constant 0 : index
    %get3A_1323 = tpu.vector_load %arg16[%get3A_1320, %get3A_1321, %get3A_1322] {strides = array<i32>} : memref<16x4x16xf32, #tpu.memory_space<vmem>>, vector<16xf32>,
    %add3A_1324 = arith.addf %add3A_1317, %get3A_1323 : vector<16xf32>
    %get3A_1325 = arith.constant 10 : i32
    %get3A_1326 = arith.constant 2 : i32
    %get3A_1327 = arith.index_cast %get3A_1325 : i32 to index
    %get3A_1328 = arith.index_cast %get3A_1326 : i32 to index
    %get3A_1329 = arith.constant 0 : index
    %get3A_1330 = tpu.vector_load %arg16[%get3A_1327, %get3A_1328, %get3A_1329] {strides = array<i32>} : memref<16x4x16xf32, #tpu.memory_space<vmem>>, vector<16xf32>,
    %add3A_1331 = arith.addf %add3A_1324, %get3A_1330 : vector<16xf32>
    %get3A_1332 = arith.constant 11 : i32
    %get3A_1333 = arith.constant 2 : i32
    %get3A_1334 = arith.index_cast %get3A_1332 : i32 to index
    %get3A_1335 = arith.index_cast %get3A_1333 : i32 to index
    %get3A_1336 = arith.constant 0 : index
    %get3A_1337 = tpu.vector_load %arg16[%get3A_1334, %get3A_1335, %get3A_1336] {strides = array<i32>} : memref<16x4x16xf32, #tpu.memory_space<vmem>>, vector<16xf32>,
    %add3A_1338 = arith.addf %add3A_1331, %get3A_1337 : vector<16xf32>
    %get3A_1339 = arith.constant 12 : i32
    %get3A_1340 = arith.constant 2 : i32
    %get3A_1341 = arith.index_cast %get3A_1339 : i32 to index
    %get3A_1342 = arith.index_cast %get3A_1340 : i32 to index
    %get3A_1343 = arith.constant 0 : index
    %get3A_1344 = tpu.vector_load %arg16[%get3A_1341, %get3A_1342, %get3A_1343] {strides = array<i32>} : memref<16x4x16xf32, #tpu.memory_space<vmem>>, vector<16xf32>,
    %add3A_1345 = arith.addf %add3A_1338, %get3A_1344 : vector<16xf32>
    %get3A_1346 = arith.constant 13 : i32
    %get3A_1347 = arith.constant 2 : i32
    %get3A_1348 = arith.index_cast %get3A_1346 : i32 to index
    %get3A_1349 = arith.index_cast %get3A_1347 : i32 to index
    %get3A_1350 = arith.constant 0 : index
    %get3A_1351 = tpu.vector_load %arg16[%get3A_1348, %get3A_1349, %get3A_1350] {strides = array<i32>} : memref<16x4x16xf32, #tpu.memory_space<vmem>>, vector<16xf32>,
    %add3A_1352 = arith.addf %add3A_1345, %get3A_1351 : vector<16xf32>
    %get3A_1353 = arith.constant 14 : i32
    %get3A_1354 = arith.constant 2 : i32
    %get3A_1355 = arith.index_cast %get3A_1353 : i32 to index
    %get3A_1356 = arith.index_cast %get3A_1354 : i32 to index
    %get3A_1357 = arith.constant 0 : index
    %get3A_1358 = tpu.vector_load %arg16[%get3A_1355, %get3A_1356, %get3A_1357] {strides = array<i32>} : memref<16x4x16xf32, #tpu.memory_space<vmem>>, vector<16xf32>,
    %add3A_1359 = arith.addf %add3A_1352, %get3A_1358 : vector<16xf32>
    %get3A_1360 = arith.constant 15 : i32
    %get3A_1361 = arith.constant 2 : i32
    %get3A_1362 = arith.index_cast %get3A_1360 : i32 to index
    %get3A_1363 = arith.index_cast %get3A_1361 : i32 to index
    %get3A_1364 = arith.constant 0 : index
    %get3A_1365 = tpu.vector_load %arg16[%get3A_1362, %get3A_1363, %get3A_1364] {strides = array<i32>} : memref<16x4x16xf32, #tpu.memory_space<vmem>>, vector<16xf32>,
    %add3A_1366 = arith.addf %add3A_1359, %get3A_1365 : vector<16xf32>
    %swap3A_1367 = arith.constant 2 : i32
    %swap3A_1368 = arith.index_cast %swap3A_1367 : i32 to index
    %swap3A_1369 = arith.constant 0 : index
    %swap3A_1370 = tpu.vector_load %arg17[%swap3A_1368, %swap3A_1369] {strides = array<i32>} : memref<4x16xf32, #tpu.memory_space<vmem>>, vector<16xf32>,
    tpu.vector_store %arg17[%swap3A_1368, %swap3A_1369], %add3A_1366 {strides = array<i32>} : memref<4x16xf32, #tpu.memory_space<vmem>>, vector<16xf32>,
    %get3A_1371 = arith.constant 0 : i32
    %get3A_1372 = arith.constant 3 : i32
    %get3A_1373 = arith.index_cast %get3A_1371 : i32 to index
    %get3A_1374 = arith.index_cast %get3A_1372 : i32 to index
    %get3A_1375 = arith.constant 0 : index
    %get3A_1376 = tpu.vector_load %arg16[%get3A_1373, %get3A_1374, %get3A_1375] {strides = array<i32>} : memref<16x4x16xf32, #tpu.memory_space<vmem>>, vector<16xf32>,
    %get3A_1377 = arith.constant 1 : i32
    %get3A_1378 = arith.constant 3 : i32
    %get3A_1379 = arith.index_cast %get3A_1377 : i32 to index
    %get3A_1380 = arith.index_cast %get3A_1378 : i32 to index
    %get3A_1381 = arith.constant 0 : index
    %get3A_1382 = tpu.vector_load %arg16[%get3A_1379, %get3A_1380, %get3A_1381] {strides = array<i32>} : memref<16x4x16xf32, #tpu.memory_space<vmem>>, vector<16xf32>,
    %add3A_1383 = arith.addf %get3A_1376, %get3A_1382 : vector<16xf32>
    %get3A_1384 = arith.constant 2 : i32
    %get3A_1385 = arith.constant 3 : i32
    %get3A_1386 = arith.index_cast %get3A_1384 : i32 to index
    %get3A_1387 = arith.index_cast %get3A_1385 : i32 to index
    %get3A_1388 = arith.constant 0 : index
    %get3A_1389 = tpu.vector_load %arg16[%get3A_1386, %get3A_1387, %get3A_1388] {strides = array<i32>} : memref<16x4x16xf32, #tpu.memory_space<vmem>>, vector<16xf32>,
    %add3A_1390 = arith.addf %add3A_1383, %get3A_1389 : vector<16xf32>
    %get3A_1391 = arith.constant 3 : i32
    %get3A_1392 = arith.constant 3 : i32
    %get3A_1393 = arith.index_cast %get3A_1391 : i32 to index
    %get3A_1394 = arith.index_cast %get3A_1392 : i32 to index
    %get3A_1395 = arith.constant 0 : index
    %get3A_1396 = tpu.vector_load %arg16[%get3A_1393, %get3A_1394, %get3A_1395] {strides = array<i32>} : memref<16x4x16xf32, #tpu.memory_space<vmem>>, vector<16xf32>,
    %add3A_1397 = arith.addf %add3A_1390, %get3A_1396 : vector<16xf32>
    %get3A_1398 = arith.constant 4 : i32
    %get3A_1399 = arith.constant 3 : i32
    %get3A_1400 = arith.index_cast %get3A_1398 : i32 to index
    %get3A_1401 = arith.index_cast %get3A_1399 : i32 to index
    %get3A_1402 = arith.constant 0 : index
    %get3A_1403 = tpu.vector_load %arg16[%get3A_1400, %get3A_1401, %get3A_1402] {strides = array<i32>} : memref<16x4x16xf32, #tpu.memory_space<vmem>>, vector<16xf32>,
    %add3A_1404 = arith.addf %add3A_1397, %get3A_1403 : vector<16xf32>
    %get3A_1405 = arith.constant 5 : i32
    %get3A_1406 = arith.constant 3 : i32
    %get3A_1407 = arith.index_cast %get3A_1405 : i32 to index
    %get3A_1408 = arith.index_cast %get3A_1406 : i32 to index
    %get3A_1409 = arith.constant 0 : index
    %get3A_1410 = tpu.vector_load %arg16[%get3A_1407, %get3A_1408, %get3A_1409] {strides = array<i32>} : memref<16x4x16xf32, #tpu.memory_space<vmem>>, vector<16xf32>,
    %add3A_1411 = arith.addf %add3A_1404, %get3A_1410 : vector<16xf32>
    %get3A_1412 = arith.constant 6 : i32
    %get3A_1413 = arith.constant 3 : i32
    %get3A_1414 = arith.index_cast %get3A_1412 : i32 to index
    %get3A_1415 = arith.index_cast %get3A_1413 : i32 to index
    %get3A_1416 = arith.constant 0 : index
    %get3A_1417 = tpu.vector_load %arg16[%get3A_1414, %get3A_1415, %get3A_1416] {strides = array<i32>} : memref<16x4x16xf32, #tpu.memory_space<vmem>>, vector<16xf32>,
    %add3A_1418 = arith.addf %add3A_1411, %get3A_1417 : vector<16xf32>
    %get3A_1419 = arith.constant 7 : i32
    %get3A_1420 = arith.constant 3 : i32
    %get3A_1421 = arith.index_cast %get3A_1419 : i32 to index
    %get3A_1422 = arith.index_cast %get3A_1420 : i32 to index
    %get3A_1423 = arith.constant 0 : index
    %get3A_1424 = tpu.vector_load %arg16[%get3A_1421, %get3A_1422, %get3A_1423] {strides = array<i32>} : memref<16x4x16xf32, #tpu.memory_space<vmem>>, vector<16xf32>,
    %add3A_1425 = arith.addf %add3A_1418, %get3A_1424 : vector<16xf32>
    %get3A_1426 = arith.constant 8 : i32
    %get3A_1427 = arith.constant 3 : i32
    %get3A_1428 = arith.index_cast %get3A_1426 : i32 to index
    %get3A_1429 = arith.index_cast %get3A_1427 : i32 to index
    %get3A_1430 = arith.constant 0 : index
    %get3A_1431 = tpu.vector_load %arg16[%get3A_1428, %get3A_1429, %get3A_1430] {strides = array<i32>} : memref<16x4x16xf32, #tpu.memory_space<vmem>>, vector<16xf32>,
    %add3A_1432 = arith.addf %add3A_1425, %get3A_1431 : vector<16xf32>
    %get3A_1433 = arith.constant 9 : i32
    %get3A_1434 = arith.constant 3 : i32
    %get3A_1435 = arith.index_cast %get3A_1433 : i32 to index
    %get3A_1436 = arith.index_cast %get3A_1434 : i32 to index
    %get3A_1437 = arith.constant 0 : index
    %get3A_1438 = tpu.vector_load %arg16[%get3A_1435, %get3A_1436, %get3A_1437] {strides = array<i32>} : memref<16x4x16xf32, #tpu.memory_space<vmem>>, vector<16xf32>,
    %add3A_1439 = arith.addf %add3A_1432, %get3A_1438 : vector<16xf32>
    %get3A_1440 = arith.constant 10 : i32
    %get3A_1441 = arith.constant 3 : i32
    %get3A_1442 = arith.index_cast %get3A_1440 : i32 to index
    %get3A_1443 = arith.index_cast %get3A_1441 : i32 to index
    %get3A_1444 = arith.constant 0 : index
    %get3A_1445 = tpu.vector_load %arg16[%get3A_1442, %get3A_1443, %get3A_1444] {strides = array<i32>} : memref<16x4x16xf32, #tpu.memory_space<vmem>>, vector<16xf32>,
    %add3A_1446 = arith.addf %add3A_1439, %get3A_1445 : vector<16xf32>
    %get3A_1447 = arith.constant 11 : i32
    %get3A_1448 = arith.constant 3 : i32
    %get3A_1449 = arith.index_cast %get3A_1447 : i32 to index
    %get3A_1450 = arith.index_cast %get3A_1448 : i32 to index
    %get3A_1451 = arith.constant 0 : index
    %get3A_1452 = tpu.vector_load %arg16[%get3A_1449, %get3A_1450, %get3A_1451] {strides = array<i32>} : memref<16x4x16xf32, #tpu.memory_space<vmem>>, vector<16xf32>,
    %add3A_1453 = arith.addf %add3A_1446, %get3A_1452 : vector<16xf32>
    %get3A_1454 = arith.constant 12 : i32
    %get3A_1455 = arith.constant 3 : i32
    %get3A_1456 = arith.index_cast %get3A_1454 : i32 to index
    %get3A_1457 = arith.index_cast %get3A_1455 : i32 to index
    %get3A_1458 = arith.constant 0 : index
    %get3A_1459 = tpu.vector_load %arg16[%get3A_1456, %get3A_1457, %get3A_1458] {strides = array<i32>} : memref<16x4x16xf32, #tpu.memory_space<vmem>>, vector<16xf32>,
    %add3A_1460 = arith.addf %add3A_1453, %get3A_1459 : vector<16xf32>
    %get3A_1461 = arith.constant 13 : i32
    %get3A_1462 = arith.constant 3 : i32
    %get3A_1463 = arith.index_cast %get3A_1461 : i32 to index
    %get3A_1464 = arith.index_cast %get3A_1462 : i32 to index
    %get3A_1465 = arith.constant 0 : index
    %get3A_1466 = tpu.vector_load %arg16[%get3A_1463, %get3A_1464, %get3A_1465] {strides = array<i32>} : memref<16x4x16xf32, #tpu.memory_space<vmem>>, vector<16xf32>,
    %add3A_1467 = arith.addf %add3A_1460, %get3A_1466 : vector<16xf32>
    %get3A_1468 = arith.constant 14 : i32
    %get3A_1469 = arith.constant 3 : i32
    %get3A_1470 = arith.index_cast %get3A_1468 : i32 to index
    %get3A_1471 = arith.index_cast %get3A_1469 : i32 to index
    %get3A_1472 = arith.constant 0 : index
    %get3A_1473 = tpu.vector_load %arg16[%get3A_1470, %get3A_1471, %get3A_1472] {strides = array<i32>} : memref<16x4x16xf32, #tpu.memory_space<vmem>>, vector<16xf32>,
    %add3A_1474 = arith.addf %add3A_1467, %get3A_1473 : vector<16xf32>
    %get3A_1475 = arith.constant 15 : i32
    %get3A_1476 = arith.constant 3 : i32
    %get3A_1477 = arith.index_cast %get3A_1475 : i32 to index
    %get3A_1478 = arith.index_cast %get3A_1476 : i32 to index
    %get3A_1479 = arith.constant 0 : index
    %get3A_1480 = tpu.vector_load %arg16[%get3A_1477, %get3A_1478, %get3A_1479] {strides = array<i32>} : memref<16x4x16xf32, #tpu.memory_space<vmem>>, vector<16xf32>,
    %add3A_1481 = arith.addf %add3A_1474, %get3A_1480 : vector<16xf32>
    %swap3A_1482 = arith.constant 3 : i32
    %swap3A_1483 = arith.index_cast %swap3A_1482 : i32 to index
    %swap3A_1484 = arith.constant 0 : index
    %swap3A_1485 = tpu.vector_load %arg17[%swap3A_1483, %swap3A_1484] {strides = array<i32>} : memref<4x16xf32, #tpu.memory_space<vmem>>, vector<16xf32>,
    tpu.vector_store %arg17[%swap3A_1483, %swap3A_1484], %add3A_1481 {strides = array<i32>} : memref<4x16xf32, #tpu.memory_space<vmem>>, vector<16xf32>,
    "tpu.region"() ({
      %run_scoped3A_1486 = tpu.sem_alloc : memref<!tpu.dma_semaphore, #tpu.memory_space<semaphore_mem>>
      %dma_start3A = arith.constant 0 : i32
      %dma_start3A_1487 = arith.constant 0 : i32
      %dma_start3A_1488 = tpu.memref_slice %arg4[%arg0, %arg1, %dma_start3A, %dma_start3A_1487] : memref<2x16x4x16xf32, #tpu.memory_space<hbm>> -> memref<1x1x4x16xf32, #tpu.memory_space<hbm>>
      %dma_start3A_1489 = tpu.memref_squeeze %dma_start3A_1488 : memref<1x1x4x16xf32, #tpu.memory_space<hbm>> -> memref<4x16xf32, #tpu.memory_space<hbm>>
      %dma_start3A_1490 = arith.constant 0 : i32
      %dma_start3A_1491 = arith.constant 0 : i32
      %dma_start3A_1492 = tpu.memref_slice %arg4[%arg0, %arg1, %dma_start3A_1490, %dma_start3A_1491] : memref<2x16x4x16xf32, #tpu.memory_space<hbm>> -> memref<1x1x4x16xf32, #tpu.memory_space<hbm>>
      %dma_start3A_1493 = tpu.memref_squeeze %dma_start3A_1492 : memref<1x1x4x16xf32, #tpu.memory_space<hbm>> -> memref<4x16xf32, #tpu.memory_space<hbm>>
      tpu.enqueue_dma source(%arg17 : memref<4x16xf32, #tpu.memory_space<vmem>>) target(%dma_start3A_1493 : memref<4x16xf32, #tpu.memory_space<hbm>>) target_semaphore(%run_scoped3A_1486 : memref<!tpu.dma_semaphore, #tpu.memory_space<semaphore_mem>>)
      %dma_wait3A = arith.constant 0 : i32
      %dma_wait3A_1494 = arith.constant 0 : i32
      %dma_wait3A_1495 = tpu.memref_slice %arg4[%arg0, %arg1, %dma_wait3A, %dma_wait3A_1494] : memref<2x16x4x16xf32, #tpu.memory_space<hbm>> -> memref<1x1x4x16xf32, #tpu.memory_space<hbm>>
      %dma_wait3A_1496 = tpu.memref_squeeze %dma_wait3A_1495 : memref<1x1x4x16xf32, #tpu.memory_space<hbm>> -> memref<4x16xf32, #tpu.memory_space<hbm>>
      %dma_wait3A_1497 = arith.constant 0 : i32
      %dma_wait3A_1498 = arith.constant 0 : i32
      %dma_wait3A_1499 = tpu.memref_slice %arg4[%arg0, %arg1, %dma_wait3A_1497, %dma_wait3A_1498] : memref<2x16x4x16xf32, #tpu.memory_space<hbm>> -> memref<1x1x4x16xf32, #tpu.memory_space<hbm>>
      %dma_wait3A_1500 = tpu.memref_squeeze %dma_wait3A_1499 : memref<1x1x4x16xf32, #tpu.memory_space<hbm>> -> memref<4x16xf32, #tpu.memory_space<hbm>>
      tpu.wait_dma2 semaphore(%run_scoped3A_1486 : memref<!tpu.dma_semaphore, #tpu.memory_space<semaphore_mem>>) src(%arg17 : memref<4x16xf32, #tpu.memory_space<vmem>>) dst(%dma_wait3A_1500 : memref<4x16xf32, #tpu.memory_space<hbm>>)
      tpu.yield
    }) : () -> ()
    return
  }
}

</mosaic_0001>

<sc_bundles>
// kernel: kernel.4.cloned.1.call-start
scs
__scs_entry_jumppad:
0x0: {  	(pc) =	sbr.rel $0x88, $3  }
0x1: {  	(tag) =	ssettag $0x0;
	lr =	simm.s32 $0x1  }
0x2: {  	[smem:$0x3F9B] =	sst lr;
	_ =	strace $0xD0000000  }
0x3: {  	_ = 	snop  }
0x4: {  	_ = 	snop  }
0x5: {  	_ = 	snop  }
0x6: {  	_ = 	snop  }
0x7: {  	_ = 	snop  }
__scs_overlays_trampoline_lowered:
0x8: {  	[smem:$0x3FAA] =	sst s0  }
0x9: {  	[smem:$0x3FAB] =	sst s1  }
0xa: {  	[smem:$0x3FAC] =	sst s2  }
0xb: {  	[smem:$0x3FAD] =	sst s3  }
0xc: {  	[smem:$0x3FAE] =	sst s4  }
0xd: {  	[smem:$0x3FAF] =	sst s5  }
0xe: {  	[smem:$0x3FB0] =	sst s6  }
0xf: {  	[smem:$0x3FB1] =	sst s7  }
0x10: {  	[smem:$0x3FB2] =	sst s8  }
0x11: {  	[smem:$0x3FB3] =	sst s9;
	s0 =	simm.s32 @!p0 $0x0  }
0x12: {  	s1 =	sld [smem:$0x3F99];
	s0 =	simm.s32 @p0 $0x1  }
0x13: {  	[smem:$0x3FB4] =	sst s0;
	s0 =	simm.s32 @!p1 $0x0  }
0x14: {  	s2 =	sld [smem:$0x3F98];
	s0 =	simm.s32 @p1 $0x1  }
0x15: {  	[smem:$0x3FB5] =	sst s0;
	s0 =	simm.s32 @!p2 $0x0  }
0x16: {  	s3 =	sld [smem:$0x3FDB];
	s0 =	simm.s32 @p2 $0x1  }
0x17: {  	s4 =	simm.s32 $0x1BF5;
	[smem:$0x3FB7] =	sst s0  }
0x18: {  	s0 =	sld [smem:$0x3F9A];
	_ =	swait.ge [sflag:s4], $0x0  }
0x19: {  	s7 =	sld [smem:$0x3F9B]  }
0x1a: {  	s8 =	sadd.s32 $0xFFFFE003, lr  }
0x1b: {  	s9 =	sadd.s32 $0xFFFFFEF7, lr;
	s5 =	simm.s32 $0xFFFFFFFF;
	p2 =	slt.u32 s8, $0xFFFFF086  }
0x1c: {  	p1 =	slt.u32 s9, $0xF7A;
	s5 =	simm.s32 @!p2 $0x0  }
0x1d: {  	s5 =	simm.s32 @p1 $0x1;
	p0 =	seq.s32 s7, s2  }
0x1e: {  	s7 =	smul.u32 @!p0 $0xF7A, s2;
	p2 =	seq.s32 @!p0 s5, $0x0  }
0x1f: {  	s9 =	smul.u32 $0xF7A, s1;
	s8 =	simm.s32 @!p0 $0x1BF5;
	p2 =	por !p2, p0  }
0x20: {  	[sflag:s8] =	ssyncset.s32 @!p0 $0xFFFFF086;
	s6 =	sadd.s32 @!p0 s3, s7;
	s7 =	simm.s32 @!p0 $0x108  }
0x21: {  	s3 =	sadd.s32 s3, s9;
	s6 =	sadd.s32 @!p0 $0x88, s6;
	s7 =	simm.s32 @p2 $0x1082  }
0x22: {  	[simem:s7], [sflag:s8] =	dma.local @!p0 [hbm:s6], $0xF7A  }
0x23: {  	s9 =	sor.u32 $0xD0000000, s2;
	s6 =	simm.s32 $0x108;
	_ =	swait.ge @!p0 [sflag:s8], $0x0  }
0x24: {  	s3 =	sadd.s32 $0x88, s3;
	s6 =	simm.s32 @!p1 $0x1082;
	[sflag:s4] =	ssyncset.s32 $0xFFFFF086  }
0x25: {  	[simem:s6], [sflag:s4] =	dma.local [hbm:s3], $0xF7A  }
0x26: {  	[smem:$0x3F9B] =	sst s1;
	(tag) =	ssettag s2;
	_ =	strace s9  }
0x27: {  	s1 =	sld [smem:$0x3FAB]  }
0x28: {  	s2 =	sld [smem:$0x3FAC]  }
0x29: {  	s4 =	sld [smem:$0x3FAE]  }
0x2a: {  	p0 =	seq.s32 s5, $0x0;
	s5 =	sld [smem:$0x3FAF]  }
0x2b: {  	s6 =	sld [smem:$0x3FB0]  }
0x2c: {  	s7 =	sld [smem:$0x3FB1]  }
0x2d: {  	s3 =	simm.s32 $0x108;
	s8 =	sld [smem:$0x3FB2]  }
0x2e: {  	s3 =	simm.s32 @!p0 $0x1082;
	s9 =	sld [smem:$0x3FB3]  }
0x2f: {  	lr =	sadd.s32 s0, s3;
	s0 =	sld [smem:$0x3FAA]  }
0x30: {  	s3 =	sld [smem:$0x3FAD]  }
0x31: {  	[smem:$0x3FB6] =	sst s10  }
0x32: {  	s10 =	sld [smem:$0x3FB4];
	_ =	sdelay $0x3  }
0x33: {  	p0 =	seq.s32 s10, $0x1;
	s10 =	sld [smem:$0x3FB6];
	_ =	sdelay $0x3  }
0x34: {  	[smem:$0x3FB6] =	sst s10  }
0x35: {  	s10 =	sld [smem:$0x3FB5];
	_ =	sdelay $0x3  }
0x36: {  	p1 =	seq.s32 s10, $0x1;
	s10 =	sld [smem:$0x3FB6];
	_ =	sdelay $0x3  }
0x37: {  	[smem:$0x3FB6] =	sst s10  }
0x38: {  	s10 =	sld [smem:$0x3FB7]  }
0x39: {  	_ = 	snop;
	(pc) =	sbr.ind lr, $3  }
0x3a: {  	_ = 	snop  }
0x3b: {  	_ = 	snop  }
0x3c: {  	p2 =	seq.s32 s10, $0x1;
	s10 =	sld [smem:$0x3FB6]  }
0x3d: {  	_ =	shalt  }
0x3e: {  	_ =	shalt  }
0x3f: {  	_ =	shalt  }
0x40: {  	_ =	shalt  }
0x41: {  	_ =	shalt  }
0x42: {  	_ =	shalt  }
0x43: {  	_ =	shalt  }
0x44: {  	_ =	shalt  }
0x45: {  	_ =	shalt  }
0x46: {  	_ =	shalt  }
0x47: {  	_ =	shalt  }
0x48: {  	_ =	shalt  }
0x49: {  	_ =	shalt  }
0x4a: {  	_ =	shalt  }
0x4b: {  	_ =	shalt  }
0x4c: {  	_ =	shalt  }
0x4d: {  	_ =	shalt  }
0x4e: {  	_ =	shalt  }
0x4f: {  	_ =	shalt  }
0x50: {  	_ =	shalt  }
0x51: {  	_ =	shalt  }
0x52: {  	_ =	shalt  }
0x53: {  	_ =	shalt  }
0x54: {  	_ =	shalt  }
0x55: {  	_ =	shalt  }
0x56: {  	_ =	shalt  }
0x57: {  	_ =	shalt  }
0x58: {  	_ =	shalt  }
0x59: {  	_ =	shalt  }
0x5a: {  	_ =	shalt  }
0x5b: {  	_ =	shalt  }
0x5c: {  	_ =	shalt  }
0x5d: {  	_ =	shalt  }
0x5e: {  	_ =	shalt  }
0x5f: {  	_ =	shalt  }
0x60: {  	_ =	shalt  }
0x61: {  	_ =	shalt  }
0x62: {  	_ =	shalt  }
0x63: {  	_ =	shalt  }
0x64: {  	_ =	shalt  }
0x65: {  	_ =	shalt  }
0x66: {  	_ =	shalt  }
0x67: {  	_ =	shalt  }
0x68: {  	_ =	shalt  }
0x69: {  	_ =	shalt  }
0x6a: {  	_ =	shalt  }
0x6b: {  	_ =	shalt  }
0x6c: {  	_ =	shalt  }
0x6d: {  	_ =	shalt  }
0x6e: {  	_ =	shalt  }
0x6f: {  	_ =	shalt  }
0x70: {  	_ =	shalt  }
0x71: {  	_ =	shalt  }
0x72: {  	_ =	shalt  }
0x73: {  	_ =	shalt  }
0x74: {  	_ =	shalt  }
0x75: {  	_ =	shalt  }
0x76: {  	_ =	shalt  }
0x77: {  	_ =	shalt  }
0x78: {  	_ =	shalt  }
0x79: {  	_ =	shalt  }
0x7a: {  	_ =	shalt  }
0x7b: {  	_ =	shalt  }
0x7c: {  	_ =	shalt  }
0x7d: {  	_ =	shalt  }
0x7e: {  	_ =	shalt  }
0x7f: {  	_ =	shalt  }
0x80: {  	_ =	shalt  }
0x81: {  	_ =	shalt  }
0x82: {  	_ =	shalt  }
0x83: {  	_ =	shalt  }
0x84: {  	_ =	shalt  }
0x85: {  	_ =	shalt  }
0x86: {  	_ =	shalt  }
0x87: {  	_ =	shalt  }
.Lfunc_end0:
.L_simem_size_0:
called_computation_lowered:
.L_overlay_start_0:
0x88: {  	s2 =	sld [smem:$0x3FD9]  }
0x89: {  	s3 =	sld [smem:$0x3FFE];
	_ =	sdelay $0x1  }
0x8a: {  	s1 =	srdreg.scid  }
0x8b: {  	s0 =	sand.u32 $0x1, s1  }
0x8c: {  	s16 =	sshll.u32 s0, $0xA;
	s2 =	sadd.s32 s3, s2  }
0x8d: {  	s2 =	sadd.s32 s2, s16  }
0x8e: {  	[smem:$0x3FC2] =	sst s2  }
0x8f: {  	_ = 	snop  }
0x90: {  	(tm) =	ssettm $0x1  }
0x91: {  	s17 =	sld [smem:$0x3FFB];
	_ =	sdelay $0x3  }
0x92: {  	_ =	strace s17  }
0x93: {  	s2 =	sld [smem:$0x3FFC];
	_ =	sdelay $0x3  }
0x94: {  	_ =	strace s2  }
0x95: {  	s2 =	sld [smem:$0x3FFD];
	_ =	sdelay $0x3  }
0x96: {  	_ =	strace s2  }
0x97: {  	_ =	strace $0x8FFFFFFF  }
0x98: {  	s18 =	sld [smem:$0x3FDB];
	_ =	sdelay $0x1  }
0x99: {  	s19 =	simm.s32 $_scs_section_size  }
0x9a: {  	s4 =	simm.s32 $_size__tile_overlayer_lowered;
	s5 =	simm.s32 $_tile_overlayer_lowered  }
0x9b: {  	s22 =	simm.s32 $0x1BFF;
	s21 =	sshll.u32 s5, $0x1;
	s2 =	sadd.s32 s19, s18  }
0x9c: {  	s6 =	simm.s32 $0x0;
	s20 =	sshll.u32 s4, $0x1;
	s4 =	sadd.s32 s21, s2  }
0x9d: {  	[timem:s6], [sflag:s22] =	dma.local [hbm:s4], s20  }
0x9e: {  	_ =	swait.ge [sflag:s22], s20  }
0x9f: {  	s3 =	ssub.s32 $0x0, s20;
	[sflag:s22] =	ssyncset.done $0x0  }
0xa0: {  	[sflag:s22] =	ssyncadd.s32 s3;
	_ =	sdelay $0x1  }
0xa1: {  	s23 =	simm.s32 $0x1B8B  }
0xa2: {  	_ =	swait.ge [sflag:s23], $0x1  }
0xa3: {  	[sflag:s23] =	ssyncset.done $0x0  }
0xa4: {  	s25 =	simm.s32 $0x1B8E;
	s24 =	sld [smem:$0x3FFE];
	[sflag:s23] =	ssyncadd.s32 $0xFFFFFFFF  }
0xa5: {  	s26 =	simm.s32 $execute0_lowered;
	[smem:$0x3FD2] =	sst s25  }
0xa6: {  	s4 =	sshll.u32 s26, $0x1;
	_ =	strace $0x80000046;
	[dreg:$0x1] =	wrdreg $0xFFFFFFFF  }
0xa7: {  	s28 =	simm.s32 $_size_execute0_lowered;
	s2 =	sadd.s32 s2, s4;
	[dreg:$0x0] =	wrdreg $0x0  }
0xa8: {  	s4 =	sshll.u32 s28, $0x1;
	[dreg:$0x2] =	wrdreg s2  }
0xa9: {  	[dreg:$0x3] =	wrdreg s4  }
0xaa: {  	[dreg:$0x4] =	wrdreg $0xC0  }
0xab: {  	_ =	task [dreg:s6], $0x5FFFF  }
0xac: {  	[dreg:$0x1] =	wrdreg $0xFFFFFFFF  }
0xad: {  	[dreg:$0x0] =	wrdreg $0x60  }
0xae: {  	[dreg:$0x2] =	wrdreg s24  }
0xaf: {  	[dreg:$0x3] =	wrdreg $0x7B800  }
0xb0: {  	[dreg:$0x4] =	wrdreg $0x9  }
0xb1: {  	_ =	task.clear_ibuf [dreg:s6], $0x5FFFF;
	_ =	strace $0x90000046  }
0xb2: {  	s29 =	simm.s32 $0x9;
	_ =	strace $0x80000048  }
0xb3: {  	_ =	swait.ge [sflag:s29], $0x1  }
0xb4: {  	[sflag:s29] =	ssyncadd.s32 $0xFFFFFFFF  }
0xb5: {  	_ =	strace $0x90000048  }
0xb6: {  	_ =	sfence  }
0xb7: {  	s30 =	sld [smem:$0x0];
	_ =	sdelay $0x2  }
0xb8: {  	s31 =	sshll.u32 s1, $0xD;
	s1 =	sshrl.u32 s1, $0x2  }
0xb9: {  	s3 =	sand.u32 $0x4000, s31;
	s1 =	sadd.s32 s1, s30  }
0xba: {  	s0 =	sor.u32 s3, s0;
	s1 =	sshll.u32 s1, $0x11  }
0xbb: {  	s0 =	sor.u32 s1, s0  }
0xbc: {  	s0 =	sadd.s32 $0x8F2B, s0  }
0xbd: {  	[sflag:s0] =	ssyncadd.remote.s32 $0x1  }
0xbe: {  	_ =	sfence.sel $0xFFFF  }
0xbf: {  	[dreg:$0x0] =	wrdreg $0xFFFFFFFF;
	(pc) =	sbr.abs _section_cstart, $3  }
0xc0: {  	[dreg:$0x1] =	wrdreg $0xFFFFFFFF  }
0xc1: {  	_ =	task.clear_ibuf [dreg:s6], $0x2FFFF;
	_ =	strace $0x9FFFFFFF  }
0xc2: {  	(tm) =	ssettm $0x7FFFFFFF  }
0xc3: {  	_ =	shalt  }
tec
execute0_lowered:
.L_overlay_start_1:
0x0: {  	(tag) =	ssettag $0x1  }
0x1: {  	s3 =	srdreg.scid  }
0x2: {  	s0 =	rddreg [dreg:$0x0];
	s3 =	sand.u32 $0x1, s3  }
0x3: {  	s1 =	rddreg [dreg:$0x1];
	s9 =	stileid.u32;
	s4 =	sshll.u32 s3, $0x4  }
0x4: {  	s2 =	simm.s32 $0x0;
	s28 =	simm.s32 $0x3280;
	s4 =	sor.u32 s9, s4  }
0x5: {  	s29 =	simm.s32 $0x3380;
	s30 =	simm.s32 $0x3780;
	s5 =	smul.u32 $0x498, s4  }
0x6: {  	s31 =	simm.s32 $0x3480;
	[smem:$0x7FF] =	sst s2;
	s4 =	smul.u32 $0x188, s4  }
0x7: {  	s6 =	sshll.u32 s9, $0x9;
	s18 =	sshll.u32 s9, $0xD;
	_ =	strace $0x80000047  }
0x8: {  	s7 =	sshll.u32 s3, $0xD;
	s3 =	ssub.s32 $0x2, s3;
	s4 =	sadd.s32 s4, s0  }
0x9: {  	s7 =	sor.u32 s6, s7;
	s5 =	sadd.s32 s5, s0;
	s4 =	sadd.s32 $0xA800, s4  }
0xa: {  	s8 =	sshrl.u32 s3, $0x1;
	s5 =	sadd.s32 $0x1400, s5;
	[dreg:$0x3] =	wrdreg s4  }
0xb: {  	s4 =	sadd.s32 s6, s1;
	[dreg:$0x4] =	wrdreg s5;
	s1 =	sadd.s32 s18, s1  }
0xc: {  	s7 =	sshrl.u32 s7, $0x3;
	[dreg:$0x5] =	wrdreg s1;
	s19 =	sadd.s32 $0x2000, s4  }
0xd: {  	s3 =	ssub.s32 s3, s8;
	s20 =	sadd.s32 $0x4000, s4;
	[dreg:$0x6] =	wrdreg s19  }
0xe: {  	s0 =	sadd.s32 s7, s0;
	s21 =	sadd.s32 $0x6000, s4;
	[dreg:$0x7] =	wrdreg s20  }
0xf: {  	s5 =	simm.s32 $0x0;
	s22 =	sadd.s32 $0x8000, s4;
	[dreg:$0x8] =	wrdreg s21  }
0x10: {  	s23 =	sadd.s32 $0xA000, s4;
	s24 =	sadd.s32 $0xC000, s4;
	[dreg:$0x9] =	wrdreg s22  }
0x11: {  	s25 =	sadd.s32 $0xE000, s4;
	s26 =	sadd.s32 $0x10000, s4;
	[dreg:$0xa] =	wrdreg s23  }
0x12: {  	s15 =	sadd.s32 $0x12000, s4;
	s16 =	sadd.s32 $0x14000, s4;
	[dreg:$0xb] =	wrdreg s24  }
0x13: {  	s17 =	sadd.s32 $0x16000, s4;
	s18 =	sadd.s32 $0x18000, s4;
	[dreg:$0xc] =	wrdreg s25  }
0x14: {  	s1 =	simm.s32 $0x3680;
	[dreg:$0xd] =	wrdreg s26;
	s19 =	sadd.s32 $0x1A000, s4  }
0x15: {  	s20 =	sadd.s32 $0x1C000, s4;
	s21 =	sadd.s32 $0x1E000, s4;
	s22 =	sadd.s32 $0xDA00, s0  }
0x16: {  	v1 =	vimm.f32 $0.0e+00;
	v2 =	vlaneseq.u32;
	s23 =	smax.u32 s3, $0x1;
	s24 =	simm.s32 $0x1;
	s25 =	simm.s32 $0xC80  }
0x17: {  	v3 =	vimm.s32 $0x0;
	v4 =	vmul.u32 $0x3, v2;
	v5 =	vadd.s32 $0x1, v2;
	s26 =	simm.s32 $0x3180;
	s0 =	simm.s32 $0x3580;
	s3 =	simm.s32 $0x3880  }
.LBB2_1:
0x18: {  	s6 =	rddreg [dreg:$0x3]  }
0x19: {  	[tilespmem:s2], [sflag:$0x1] =	stream.linear.gather [hbm4b:s6+s2], $0xC40, $0x38;
	[tilespmem:$0x7F80] =	vst v63  }
0x1a: {  	_ =	swait.ge [sflag:s24], $0xC40  }
0x1b: {  	[sflag:s24] =	ssyncset.done $0x0  }
0x1c: {  	s14 =	rddreg [dreg:$0x4];
	[sflag:s24] =	ssyncadd.s32 $0xFFFFF3C0  }
0x1d: {  	[tilespmem:s25], [sflag:$0x1] =	stream.linear.gather [hbm4b:s14+s2], $0x24C0, $0x38;
	[tilespmem:$0x7F80] =	vst v63  }
0x1e: {  	_ =	swait.ge [sflag:s24], $0x24C0  }
0x1f: {  	[sflag:s24] =	ssyncset.done $0x0  }
0x20: {  	v0 =	vimm.s32 $0x100;
	[sflag:s24] =	ssyncadd.s32 $0xFFFFDB40  }
0x21: {  	[tilespmem:$0xC40] =	vst v0  }
0x22: {  	[tilespmem:$0x3180] =	vst v1  }
0x23: {  	[tilespmem:$0x3280] =	vst v1  }
0x24: {  	[tilespmem:$0x3380] =	vst v1  }
0x25: {  	[tilespmem:$0x3480] =	vst v1  }
0x26: {  	[tilespmem:$0x3580] =	vst v1  }
0x27: {  	[tilespmem:$0x3680] =	vst v1  }
0x28: {  	[tilespmem:$0x3780] =	vst v3  }
0x29: {  	[tilespmem:$0x3880] =	vst v3  }
0x2a: {  	[tilespmem:$0x3190] =	vst v1  }
0x2b: {  	[tilespmem:$0x3290] =	vst v1  }
0x2c: {  	[tilespmem:$0x3390] =	vst v1  }
0x2d: {  	[tilespmem:$0x3490] =	vst v1  }
0x2e: {  	[tilespmem:$0x3590] =	vst v1  }
0x2f: {  	[tilespmem:$0x3690] =	vst v1  }
0x30: {  	[tilespmem:$0x3790] =	vst v3  }
0x31: {  	[tilespmem:$0x3890] =	vst v3  }
0x32: {  	[tilespmem:$0x31A0] =	vst v1  }
0x33: {  	[tilespmem:$0x32A0] =	vst v1  }
0x34: {  	[tilespmem:$0x33A0] =	vst v1  }
0x35: {  	[tilespmem:$0x34A0] =	vst v1  }
0x36: {  	[tilespmem:$0x35A0] =	vst v1  }
0x37: {  	[tilespmem:$0x36A0] =	vst v1  }
0x38: {  	[tilespmem:$0x37A0] =	vst v3  }
0x39: {  	[tilespmem:$0x38A0] =	vst v3  }
0x3a: {  	[tilespmem:$0x31B0] =	vst v1  }
0x3b: {  	[tilespmem:$0x32B0] =	vst v1  }
0x3c: {  	[tilespmem:$0x33B0] =	vst v1  }
0x3d: {  	[tilespmem:$0x34B0] =	vst v1  }
0x3e: {  	[tilespmem:$0x35B0] =	vst v1  }
0x3f: {  	[tilespmem:$0x36B0] =	vst v1  }
0x40: {  	[tilespmem:$0x37B0] =	vst v3  }
0x41: {  	[tilespmem:$0x38B0] =	vst v3  }
0x42: {  	[tilespmem:$0x31C0] =	vst v1  }
0x43: {  	[tilespmem:$0x32C0] =	vst v1  }
0x44: {  	[tilespmem:$0x33C0] =	vst v1  }
0x45: {  	[tilespmem:$0x34C0] =	vst v1  }
0x46: {  	[tilespmem:$0x35C0] =	vst v1  }
0x47: {  	[tilespmem:$0x36C0] =	vst v1  }
0x48: {  	[tilespmem:$0x37C0] =	vst v3  }
0x49: {  	[tilespmem:$0x38C0] =	vst v3  }
0x4a: {  	[tilespmem:$0x31D0] =	vst v1  }
0x4b: {  	[tilespmem:$0x32D0] =	vst v1  }
0x4c: {  	[tilespmem:$0x33D0] =	vst v1  }
0x4d: {  	[tilespmem:$0x34D0] =	vst v1  }
0x4e: {  	[tilespmem:$0x35D0] =	vst v1  }
0x4f: {  	[tilespmem:$0x36D0] =	vst v1  }
0x50: {  	[tilespmem:$0x37D0] =	vst v3  }
0x51: {  	[tilespmem:$0x38D0] =	vst v3  }
0x52: {  	[tilespmem:$0x31E0] =	vst v1  }
0x53: {  	[tilespmem:$0x32E0] =	vst v1  }
0x54: {  	[tilespmem:$0x33E0] =	vst v1  }
0x55: {  	[tilespmem:$0x34E0] =	vst v1  }
0x56: {  	[tilespmem:$0x35E0] =	vst v1  }
0x57: {  	[tilespmem:$0x36E0] =	vst v1  }
0x58: {  	[tilespmem:$0x37E0] =	vst v3  }
0x59: {  	[tilespmem:$0x38E0] =	vst v3  }
0x5a: {  	[tilespmem:$0x31F0] =	vst v1  }
0x5b: {  	[tilespmem:$0x32F0] =	vst v1  }
0x5c: {  	[tilespmem:$0x33F0] =	vst v1  }
0x5d: {  	[tilespmem:$0x34F0] =	vst v1  }
0x5e: {  	[tilespmem:$0x35F0] =	vst v1  }
0x5f: {  	[tilespmem:$0x36F0] =	vst v1  }
0x60: {  	[tilespmem:$0x37F0] =	vst v3  }
0x61: {  	[tilespmem:$0x38F0] =	vst v3  }
0x62: {  	[tilespmem:$0x3200] =	vst v1  }
0x63: {  	[tilespmem:$0x3300] =	vst v1  }
0x64: {  	[tilespmem:$0x3400] =	vst v1  }
0x65: {  	[tilespmem:$0x3500] =	vst v1  }
0x66: {  	[tilespmem:$0x3600] =	vst v1  }
0x67: {  	[tilespmem:$0x3700] =	vst v1  }
0x68: {  	[tilespmem:$0x3800] =	vst v3  }
0x69: {  	[tilespmem:$0x3900] =	vst v3  }
0x6a: {  	[tilespmem:$0x3210] =	vst v1  }
0x6b: {  	[tilespmem:$0x3310] =	vst v1  }
0x6c: {  	[tilespmem:$0x3410] =	vst v1  }
0x6d: {  	[tilespmem:$0x3510] =	vst v1  }
0x6e: {  	[tilespmem:$0x3610] =	vst v1  }
0x6f: {  	[tilespmem:$0x3710] =	vst v1  }
0x70: {  	[tilespmem:$0x3810] =	vst v3  }
0x71: {  	[tilespmem:$0x3910] =	vst v3  }
0x72: {  	[tilespmem:$0x3220] =	vst v1  }
0x73: {  	[tilespmem:$0x3320] =	vst v1  }
0x74: {  	[tilespmem:$0x3420] =	vst v1  }
0x75: {  	[tilespmem:$0x3520] =	vst v1  }
0x76: {  	[tilespmem:$0x3620] =	vst v1  }
0x77: {  	[tilespmem:$0x3720] =	vst v1  }
0x78: {  	[tilespmem:$0x3820] =	vst v3  }
0x79: {  	[tilespmem:$0x3920] =	vst v3  }
0x7a: {  	[tilespmem:$0x3230] =	vst v1  }
0x7b: {  	[tilespmem:$0x3330] =	vst v1  }
0x7c: {  	[tilespmem:$0x3430] =	vst v1  }
0x7d: {  	[tilespmem:$0x3530] =	vst v1  }
0x7e: {  	[tilespmem:$0x3630] =	vst v1  }
0x7f: {  	[tilespmem:$0x3730] =	vst v1  }
0x80: {  	[tilespmem:$0x3830] =	vst v3  }
0x81: {  	[tilespmem:$0x3930] =	vst v3  }
0x82: {  	[tilespmem:$0x3240] =	vst v1  }
0x83: {  	[tilespmem:$0x3340] =	vst v1  }
0x84: {  	[tilespmem:$0x3440] =	vst v1  }
0x85: {  	[tilespmem:$0x3540] =	vst v1  }
0x86: {  	[tilespmem:$0x3640] =	vst v1  }
0x87: {  	[tilespmem:$0x3740] =	vst v1  }
0x88: {  	[tilespmem:$0x3840] =	vst v3  }
0x89: {  	[tilespmem:$0x3940] =	vst v3  }
0x8a: {  	[tilespmem:$0x3250] =	vst v1  }
0x8b: {  	[tilespmem:$0x3350] =	vst v1  }
0x8c: {  	[tilespmem:$0x3450] =	vst v1  }
0x8d: {  	[tilespmem:$0x3550] =	vst v1  }
0x8e: {  	[tilespmem:$0x3650] =	vst v1  }
0x8f: {  	[tilespmem:$0x3750] =	vst v1  }
0x90: {  	[tilespmem:$0x3850] =	vst v3  }
0x91: {  	[tilespmem:$0x3950] =	vst v3  }
0x92: {  	[tilespmem:$0x3260] =	vst v1  }
0x93: {  	[tilespmem:$0x3360] =	vst v1  }
0x94: {  	[tilespmem:$0x3460] =	vst v1  }
0x95: {  	[tilespmem:$0x3560] =	vst v1  }
0x96: {  	[tilespmem:$0x3660] =	vst v1  }
0x97: {  	[tilespmem:$0x3760] =	vst v1  }
0x98: {  	[tilespmem:$0x3860] =	vst v3  }
0x99: {  	[tilespmem:$0x3960] =	vst v3  }
0x9a: {  	[tilespmem:$0x3270] =	vst v1  }
0x9b: {  	[tilespmem:$0x3370] =	vst v1  }
0x9c: {  	[tilespmem:$0x3470] =	vst v1  }
0x9d: {  	[tilespmem:$0x3570] =	vst v1  }
0x9e: {  	[tilespmem:$0x3670] =	vst v1  }
0x9f: {  	s10 =	simm.f32 $0.0e+00;
	[tilespmem:$0x3770] =	vst v1  }
0xa0: {  	s7 =	simm.s32 $0x31;
	s8 =	simm.s32 $0x92;
	s9 =	simm.s32 $0x20;
	[tilespmem:$0x3870] =	vst v3  }
0xa1: {  	s11 =	simm.f32 $0.0e+00;
	s12 =	simm.f32 $0.0e+00;
	s6 =	simm.s32 $0xFFFFFFFC;
	[tilespmem:$0x3970] =	vst v3  }
.LBB2_2:
0xa2: {  	s13 =	sadd.s32 $0xFFFFFF6E, s8  }
0xa3: {  	s14 =	sadd.s32 $0xFFFFFF6F, s8;
	v6 =	vor.u32 s13, v4  }
0xa4: {  	v7 =	vadd.s32 s14, v4;
	s14 =	sadd.s32 $0xFFFFFF70, s8  }
0xa5: {  	v8 =	vadd.s32 s14, v4;
	_ =	sdelay $0x2  }
0xa6: {  	s14 =	sadd.s32 $0xFFFFFFD0, s7;
	v6 =	vld.idx.msk [tilespmem:v6+s25+$0x0], $0xffff  }
0xa7: {  	v9 =	vadd.s32 s14, v2;
	v7 =	vld.idx.msk [tilespmem:v7+s25+$0x0], $0xffff  }
0xa8: {  	v8 =	vld.idx.msk [tilespmem:v8+s25+$0x0], $0xffff;
	_ =	sdelay $0x2  }
0xa9: {  	v10 =	vld [tilespmem:s9+$0xFFFFFFE0];
	(xrf2) =	vadd.scan.msk.f32 $0xffff, v6  }
0xaa: {  	v6 =	vld.idx.msk [tilespmem:v9+s2+$0x0], $0xffff;
	(xrf2) =	vadd.scan.msk.f32 $0xffff, v7  }
0xab: {  	(xrf2) =	vadd.scan.msk.f32 $0xffff, v8;
	_ =	sdelay $0x3  }
0xac: {  	vm1 =	vlt.s32 v10, $0x100;
	vm0 =	vne.s32 v10, v6  }
0xad: {  	vm2 =	vlt.s32 v10, $0xFF;
	vm1 =	vmand vm1, vm0  }
0xae: {  	v7 =	vnsel vm2, $0xFF, v10;
	_ =	sdelay $0x1  }
0xaf: {  	vm11 =	vlt.s32 v6, $0x100;
	v30, _, _ =	vpop (xrf2)  }
0xb0: {  	vm12 =	vlt.s32 v6, $0xFF;
	vm0 =	vmand vm0, vm11;
	v31 =	vadd.f32 s12, v30;
	v32, _, _ =	vpop (xrf2)  }
0xb1: {  	v6 =	vnsel vm12, $0xFF, v6;
	v11 =	vadd.f32 s11, v32;
	v12, _, _ =	vpop (xrf2)  }
0xb2: {  	v13 =	vadd.f32 s10, v12;
	[tilespmem:v7+s26+$0x0] =	vst.idx.msk vm1, v31  }
0xb3: {  	s14 =	sadd.s32 $0xFFFFFFCF, s7;
	[tilespmem:v7+s28+$0x0] =	vst.idx.msk vm1, v11  }
0xb4: {  	v14 =	vor.u32 s14, v5;
	s14 =	sadd.s32 $0xFFFFFF9E, s8;
	[tilespmem:v7+s29+$0x0] =	vst.idx.msk vm1, v13  }
0xb5: {  	[tilespmem:v7+s30+$0x0] =	vst.idx.msk vm1, v14;
	v7 =	vadd.s32 s14, v4;
	s14 =	sadd.s32 $0xFFFFFF9F, s8  }
0xb6: {  	[tilespmem:v6+s31+$0x0] =	vst.idx.msk vm0, v31;
	v33 =	vadd.s32 s14, v4;
	s14 =	sadd.s32 $0xFFFFFFA0, s8  }
0xb7: {  	[tilespmem:v6+s0+$0x0] =	vst.idx.msk vm0, v11;
	v34 =	vadd.s32 s14, v4  }
0xb8: {  	(v2sf) =	vpush v30, $0xF;
	[tilespmem:v6+s1+$0x0] =	vst.idx.msk vm0, v13  }
0xb9: {  	(v2sf) =	vpush v32, $0xF;
	[tilespmem:v6+s3+$0x0] =	vst.idx.msk vm0, v14  }
0xba: {  	(v2sf) =	vpush v12, $0xF;
	s14 =	sadd.s32 $0xFFFFFFE0, s7;
	v6 =	vld.idx.msk [tilespmem:v7+s25+$0x0], $0xffff  }
0xbb: {  	v7 =	vadd.s32 s14, v2;
	v35 =	vld.idx.msk [tilespmem:v33+s25+$0x0], $0xffff  }
0xbc: {  	v36 =	vld.idx.msk [tilespmem:v34+s25+$0x0], $0xffff;
	_ =	sdelay $0x2  }
0xbd: {  	v37 =	vld [tilespmem:s9+$0xFFFFFFF0];
	(xrf2) =	vadd.scan.msk.f32 $0xffff, v6  }
0xbe: {  	v6 =	vld.idx.msk [tilespmem:v7+s2+$0x0], $0xffff;
	(xrf2) =	vadd.scan.msk.f32 $0xffff, v35  }
0xbf: {  	(xrf2) =	vadd.scan.msk.f32 $0xffff, v36;
	_ =	sdelay $0x3  }
0xc0: {  	vm14 =	vlt.s32 v37, $0x100;
	vm13 =	vne.s32 v37, v6  }
0xc1: {  	vm15 =	vlt.s32 v37, $0xFF;
	vm1 =	vmand vm14, vm13  }
0xc2: {  	s14 =	spop (v2sf);
	v7 =	vnsel vm15, $0xFF, v37  }
0xc3: {  	s12 =	sadd.f32 s14, s12;
	s14 =	spop (v2sf)  }
0xc4: {  	s11 =	sadd.f32 s14, s11;
	s14 =	spop (v2sf);
	vm4 =	vlt.s32 v6, $0x100;
	v38, _, _ =	vpop (xrf2)  }
0xc5: {  	s10 =	sadd.f32 s14, s10;
	vm5 =	vlt.s32 v6, $0xFF;
	vm0 =	vmand vm13, vm4;
	v39 =	vadd.f32 s12, v38;
	v40, _, _ =	vpop (xrf2)  }
0xc6: {  	v6 =	vnsel vm5, $0xFF, v6;
	v41 =	vadd.f32 s11, v40;
	v42, _, _ =	vpop (xrf2)  }
0xc7: {  	v43 =	vadd.f32 s10, v42;
	[tilespmem:v7+s26+$0x0] =	vst.idx.msk vm1, v39  }
0xc8: {  	s14 =	sadd.s32 $0xFFFFFFDF, s7;
	[tilespmem:v7+s28+$0x0] =	vst.idx.msk vm1, v41  }
0xc9: {  	v44 =	vadd.s32 s14, v5;
	s14 =	sadd.s32 $0xFFFFFFCE, s8;
	[tilespmem:v7+s29+$0x0] =	vst.idx.msk vm1, v43  }
0xca: {  	[tilespmem:v7+s30+$0x0] =	vst.idx.msk vm1, v44;
	v7 =	vadd.s32 s14, v4;
	s14 =	sadd.s32 $0xFFFFFFCF, s8  }
0xcb: {  	[tilespmem:v6+s31+$0x0] =	vst.idx.msk vm0, v39;
	v45 =	vadd.s32 s14, v4;
	s14 =	sadd.s32 $0xFFFFFFD0, s8  }
0xcc: {  	[tilespmem:v6+s0+$0x0] =	vst.idx.msk vm0, v41;
	v46 =	vadd.s32 s14, v4  }
0xcd: {  	(v2sf) =	vpush v38, $0xF;
	[tilespmem:v6+s1+$0x0] =	vst.idx.msk vm0, v43  }
0xce: {  	(v2sf) =	vpush v40, $0xF;
	[tilespmem:v6+s3+$0x0] =	vst.idx.msk vm0, v44  }
0xcf: {  	(v2sf) =	vpush v42, $0xF;
	s14 =	sadd.s32 $0xFFFFFFF0, s7;
	v6 =	vld.idx.msk [tilespmem:v7+s25+$0x0], $0xffff  }
0xd0: {  	v7 =	vadd.s32 s14, v2;
	v47 =	vld.idx.msk [tilespmem:v45+s25+$0x0], $0xffff  }
0xd1: {  	v48 =	vld.idx.msk [tilespmem:v46+s25+$0x0], $0xffff;
	_ =	sdelay $0x2  }
0xd2: {  	v49 =	vld [tilespmem:s9+$0x0];
	(xrf2) =	vadd.scan.msk.f32 $0xffff, v6  }
0xd3: {  	v6 =	vld.idx.msk [tilespmem:v7+s2+$0x0], $0xffff;
	(xrf2) =	vadd.scan.msk.f32 $0xffff, v47  }
0xd4: {  	(xrf2) =	vadd.scan.msk.f32 $0xffff, v48;
	_ =	sdelay $0x3  }
0xd5: {  	vm7 =	vlt.s32 v49, $0x100;
	vm6 =	vne.s32 v49, v6  }
0xd6: {  	vm8 =	vlt.s32 v49, $0xFF;
	vm1 =	vmand vm7, vm6  }
0xd7: {  	s14 =	spop (v2sf);
	v7 =	vnsel vm8, $0xFF, v49  }
0xd8: {  	s12 =	sadd.f32 s14, s12;
	s14 =	spop (v2sf)  }
0xd9: {  	s11 =	sadd.f32 s14, s11;
	s14 =	spop (v2sf);
	vm9 =	vlt.s32 v6, $0x100;
	v50, _, _ =	vpop (xrf2)  }
0xda: {  	s10 =	sadd.f32 s14, s10;
	vm10 =	vlt.s32 v6, $0xFF;
	vm0 =	vmand vm6, vm9;
	v51 =	vadd.f32 s12, v50;
	v52, _, _ =	vpop (xrf2)  }
0xdb: {  	v6 =	vnsel vm10, $0xFF, v6;
	v53 =	vadd.f32 s11, v52;
	v54, _, _ =	vpop (xrf2)  }
0xdc: {  	v55 =	vadd.f32 s10, v54;
	[tilespmem:v7+s26+$0x0] =	vst.idx.msk vm1, v51  }
0xdd: {  	s14 =	sadd.s32 $0xFFFFFFEF, s7;
	[tilespmem:v7+s28+$0x0] =	vst.idx.msk vm1, v53  }
0xde: {  	v56 =	vor.u32 s14, v5;
	s14 =	sadd.s32 $0xFFFFFFFE, s8;
	[tilespmem:v7+s29+$0x0] =	vst.idx.msk vm1, v55  }
0xdf: {  	[tilespmem:v7+s30+$0x0] =	vst.idx.msk vm1, v56;
	v7 =	vadd.s32 s14, v4;
	s14 =	sadd.s32 $0xFFFFFFFF, s8  }
0xe0: {  	[tilespmem:v6+s31+$0x0] =	vst.idx.msk vm0, v51;
	v57 =	vadd.s32 s14, v4  }
0xe1: {  	v58 =	vadd.s32 s8, v4;
	[tilespmem:v6+s0+$0x0] =	vst.idx.msk vm0, v53  }
0xe2: {  	[tilespmem:v6+s1+$0x0] =	vst.idx.msk vm0, v55  }
0xe3: {  	[tilespmem:v6+s3+$0x0] =	vst.idx.msk vm0, v56  }
0xe4: {  	v6 =	vld.idx.msk [tilespmem:v7+s25+$0x0], $0xffff  }
0xe5: {  	v7 =	vld.idx.msk [tilespmem:v57+s25+$0x0], $0xffff  }
0xe6: {  	v59 =	vld.idx.msk [tilespmem:v58+s25+$0x0], $0xffff;
	_ =	sdelay $0x2  }
0xe7: {  	(xrf2) =	vadd.scan.msk.f32 $0xffff, v6  }
0xe8: {  	(xrf2) =	vadd.scan.msk.f32 $0xffff, v7  }
0xe9: {  	(v2sf) =	vpush v50, $0xF;
	(xrf2) =	vadd.scan.msk.f32 $0xffff, v59  }
0xea: {  	(v2sf) =	vpush v52, $0xF  }
0xeb: {  	(v2sf) =	vpush v54, $0xF  }
0xec: {  	v6 =	vadd.s32 s7, v2;
	_ =	sdelay $0x3  }
0xed: {  	v60 =	vld [tilespmem:s9+$0x10]  }
0xee: {  	v6 =	vld.idx.msk [tilespmem:v6+s2+$0x0], $0xffff;
	v7, _, _ =	vpop (xrf2)  }
0xef: {  	v61, _, _ =	vpop (xrf2);
	(v2sf) =	vpush v7, $0xF  }
0xf0: {  	v62, _, _ =	vpop (xrf2);
	(v2sf) =	vpush v61, $0xF  }
0xf1: {  	(v2sf) =	vpush v62, $0xF;
	_ =	sdelay $0x1  }
0xf2: {  	vm12 =	vlt.s32 v60, $0x100;
	vm11 =	vne.s32 v60, v6  }
0xf3: {  	vm13 =	vlt.s32 v60, $0xFF;
	vm1 =	vmand vm12, vm11  }
0xf4: {  	s13 =	spop (v2sf);
	v8 =	vnsel vm13, $0xFF, v60  }
0xf5: {  	s14 =	spop (v2sf);
	s12 =	sadd.f32 s13, s12  }
0xf6: {  	s13 =	spop (v2sf);
	s11 =	sadd.f32 s14, s11;
	vm14 =	vlt.s32 v6, $0x100  }
0xf7: {  	s10 =	sadd.f32 s13, s10;
	vm15 =	vlt.s32 v6, $0xFF;
	v7 =	vadd.f32 s12, v7;
	vm0 =	vmand vm11, vm14  }
0xf8: {  	v6 =	vnsel vm15, $0xFF, v6;
	v9 =	vadd.f32 s11, v61  }
0xf9: {  	v10 =	vadd.f32 s10, v62;
	[tilespmem:v8+s26+$0x0] =	vst.idx.msk vm1, v7  }
0xfa: {  	s6 =	sadd.s32 $0x4, s6;
	s14 =	sadd.s32 $0xFFFFFFFF, s7;
	[tilespmem:v8+s28+$0x0] =	vst.idx.msk vm1, v9  }
0xfb: {  	p0 =	slt.u32 s6, $0xC0;
	v63 =	vadd.s32 s14, v5;
	[tilespmem:v8+s29+$0x0] =	vst.idx.msk vm1, v10  }
.Ltmp0:
0xfc: {  	[tilespmem:v8+s30+$0x0] =	vst.idx.msk vm1, v63;
	(pc) =	sbr.rel @p0 .LBB2_2-.Ltmp0, $4  }
0xfd: {  	[tilespmem:v6+s31+$0x0] =	vst.idx.msk vm0, v7;
	s13 =	spop (v2sf)  }
0xfe: {  	[tilespmem:v6+s0+$0x0] =	vst.idx.msk vm0, v9;
	s14 =	spop (v2sf);
	s12 =	sadd.f32 s13, s12  }
0xff: {  	s8 =	sadd.s32 $0xC0, s8;
	[tilespmem:v6+s1+$0x0] =	vst.idx.msk vm0, v10;
	s11 =	sadd.f32 s14, s11;
	s14 =	spop (v2sf)  }
0x100: {  	s9 =	sadd.s32 $0x40, s9;
	s7 =	sadd.s32 $0x40, s7;
	[tilespmem:v6+s3+$0x0] =	vst.idx.msk vm0, v63;
	s10 =	sadd.f32 s14, s10  }
0x101: {  	v6 =	vld [tilespmem:$0x3180]  }
0x102: {  	v7 =	vld [tilespmem:$0x3480]  }
0x103: {  	v8 =	vld [tilespmem:$0x3280]  }
0x104: {  	v9 =	vld [tilespmem:$0x3580]  }
0x105: {  	v10 =	vld [tilespmem:$0x3380]  }
0x106: {  	v11 =	vld [tilespmem:$0x3680]  }
0x107: {  	v12 =	vld [tilespmem:$0x3780]  }
0x108: {  	v13 =	vld [tilespmem:$0x3880]  }
0x109: {  	v14 =	vld [tilespmem:$0x3190]  }
0x10a: {  	v15 =	vld [tilespmem:$0x3490]  }
0x10b: {  	v16 =	vld [tilespmem:$0x3290]  }
0x10c: {  	v17 =	vld [tilespmem:$0x3590]  }
0x10d: {  	v18 =	vld [tilespmem:$0x3390]  }
0x10e: {  	v19 =	vld [tilespmem:$0x3690]  }
0x10f: {  	v20 =	vld [tilespmem:$0x3790]  }
0x110: {  	v21 =	vld [tilespmem:$0x3890]  }
0x111: {  	v22 =	vld [tilespmem:$0x31A0]  }
0x112: {  	v23 =	vld [tilespmem:$0x34A0]  }
0x113: {  	v24 =	vld [tilespmem:$0x32A0]  }
0x114: {  	v25 =	vld [tilespmem:$0x35A0]  }
0x115: {  	v26 =	vld [tilespmem:$0x33A0]  }
0x116: {  	v27 =	vld [tilespmem:$0x36A0]  }
0x117: {  	v28 =	vld [tilespmem:$0x37A0]  }
0x118: {  	v29 =	vld [tilespmem:$0x38A0]  }
0x119: {  	v30 =	vld [tilespmem:$0x31B0]  }
0x11a: {  	v31 =	vld [tilespmem:$0x34B0]  }
0x11b: {  	v32 =	vld [tilespmem:$0x32B0]  }
0x11c: {  	v33 =	vld [tilespmem:$0x35B0]  }
0x11d: {  	v34 =	vld [tilespmem:$0x33B0]  }
0x11e: {  	v35 =	vld [tilespmem:$0x36B0]  }
0x11f: {  	v36 =	vld [tilespmem:$0x37B0]  }
0x120: {  	v37 =	vld [tilespmem:$0x38B0]  }
0x121: {  	v38 =	vld [tilespmem:$0x31C0]  }
0x122: {  	v39 =	vld [tilespmem:$0x34C0]  }
0x123: {  	v40 =	vld [tilespmem:$0x32C0]  }
0x124: {  	v41 =	vld [tilespmem:$0x35C0]  }
0x125: {  	v42 =	vld [tilespmem:$0x33C0]  }
0x126: {  	v43 =	vld [tilespmem:$0x36C0]  }
0x127: {  	v44 =	vld [tilespmem:$0x37C0]  }
0x128: {  	v45 =	vld [tilespmem:$0x38C0]  }
0x129: {  	v46 =	vld [tilespmem:$0x31D0]  }
0x12a: {  	v0 =	vld [tilespmem:$0x32F0]  }
0x12b: {  	v47 =	vld [tilespmem:$0x34D0]  }
0x12c: {  	v48 =	vld [tilespmem:$0x32D0]  }
0x12d: {  	v49 =	vld [tilespmem:$0x35D0]  }
0x12e: {  	v50 =	vld [tilespmem:$0x33D0]  }
0x12f: {  	[tilespmem:$0x1FF40] =	vst v0;
	v0 =	vld [tilespmem:$0x35F0]  }
0x130: {  	v51 =	vld [tilespmem:$0x36D0]  }
0x131: {  	v52 =	vld [tilespmem:$0x37D0]  }
0x132: {  	v53 =	vld [tilespmem:$0x38D0]  }
0x133: {  	v54 =	vld [tilespmem:$0x31E0]  }
0x134: {  	[tilespmem:$0x1FF50] =	vst v0;
	v0 =	vld [tilespmem:$0x33F0]  }
0x135: {  	v55 =	vld [tilespmem:$0x34E0]  }
0x136: {  	v56 =	vld [tilespmem:$0x32E0]  }
0x137: {  	v57 =	vld [tilespmem:$0x35E0]  }
0x138: {  	v58 =	vld [tilespmem:$0x33E0]  }
0x139: {  	[tilespmem:$0x1FF60] =	vst v0;
	v0 =	vld [tilespmem:$0x36F0]  }
0x13a: {  	v59 =	vld [tilespmem:$0x36E0]  }
0x13b: {  	v60 =	vld [tilespmem:$0x37E0];
	v6 =	vsub.f32 v6, v7  }
0x13c: {  	v61 =	vld [tilespmem:$0x38E0]  }
0x13d: {  	v62 =	vld [tilespmem:$0x31F0];
	[tilespmem:$0x3980] =	vst v6  }
0x13e: {  	v6 =	vsub.f32 v10, v11;
	[tilespmem:$0x1FF70] =	vst v0;
	v0 =	vld [tilespmem:$0x37F0]  }
0x13f: {  	v63 =	vld [tilespmem:$0x34F0]  }
0x140: {  	v7 =	vld [tilespmem:$0x3800];
	[tilespmem:$0x3A80] =	vst v6;
	v6 =	vsub.f32 v14, v15  }
0x141: {  	v8 =	vsub.f32 v8, v9;
	v9 =	vld [tilespmem:$0x3900]  }
0x142: {  	v13 =	vsub.s32 v12, v13;
	v12 =	vld [tilespmem:$0x3310];
	[tilespmem:$0x3B80] =	vst v6  }
0x143: {  	v6 =	vsub.f32 v18, v19;
	[tilespmem:$0x1FF80] =	vst v0;
	v0 =	vld [tilespmem:$0x38F0]  }
0x144: {  	v20 =	vsub.s32 v20, v21;
	v25 =	vsub.f32 v24, v25;
	v24 =	vld [tilespmem:$0x3820]  }
0x145: {  	v21 =	vcvt.s32.f32 v20;
	v20 =	vld [tilespmem:$0x3320];
	[tilespmem:$0x3C80] =	vst v6;
	v6 =	vsub.f32 v22, v23  }
0x146: {  	v11 =	vld [tilespmem:$0x3210];
	[tilespmem:$0x3A00] =	vst v8  }
0x147: {  	v10 =	vld [tilespmem:$0x3510];
	[tilespmem:$0x3D80] =	vst v6  }
0x148: {  	v6 =	vsub.f32 v26, v27;
	[tilespmem:$0x1FF90] =	vst v0;
	v0 =	vld [tilespmem:$0x3200]  }
0x149: {  	v8 =	vcvt.s32.f32 v13;
	v13 =	vld [tilespmem:$0x3610];
	[tilespmem:$0x3E00] =	vst v25  }
0x14a: {  	v25 =	vld [tilespmem:$0x3920];
	[tilespmem:$0x3E80] =	vst v6;
	v6 =	vsub.f32 v30, v31  }
0x14b: {  	[tilespmem:$0x3D00] =	vst v21;
	v21 =	vld [tilespmem:$0x3620]  }
0x14c: {  	v15 =	vld [tilespmem:$0x3410];
	[tilespmem:$0x3F80] =	vst v6  }
0x14d: {  	v6 =	vsub.f32 v34, v35;
	[tilespmem:$0x1FFA0] =	vst v0;
	v0 =	vld [tilespmem:$0x3500]  }
0x14e: {  	[tilespmem:$0x3B00] =	vst v8;
	v14 =	vld [tilespmem:$0x3710]  }
0x14f: {  	v8 =	vsub.f32 v16, v17;
	v16 =	vld [tilespmem:$0x3810];
	[tilespmem:$0x4080] =	vst v6;
	v6 =	vsub.f32 v38, v39  }
0x150: {  	v17 =	vld [tilespmem:$0x3910]  }
0x151: {  	v19 =	vld [tilespmem:$0x3220];
	[tilespmem:$0x4180] =	vst v6  }
0x152: {  	v6 =	vsub.f32 v42, v43;
	[tilespmem:$0x1FFB0] =	vst v0;
	v0 =	vld [tilespmem:$0x3300]  }
0x153: {  	[tilespmem:$0x3C00] =	vst v8;
	v18 =	vld [tilespmem:$0x3520]  }
0x154: {  	v8 =	vld [tilespmem:$0x3640];
	[tilespmem:$0x4280] =	vst v6;
	v6 =	vsub.f32 v46, v47  }
0x155: {  	v23 =	vld [tilespmem:$0x3420]  }
0x156: {  	v22 =	vld [tilespmem:$0x3720];
	[tilespmem:$0x4380] =	vst v6  }
0x157: {  	v6 =	vsub.f32 v50, v51;
	[tilespmem:$0x1FFC0] =	vst v0;
	v0 =	vld [tilespmem:$0x3600]  }
0x158: {  	v27 =	vsub.s32 v28, v29;
	v29 =	vsub.f32 v32, v33;
	v26 =	vld [tilespmem:$0x3530]  }
0x159: {  	v32 =	vsub.f32 v40, v41;
	v41 =	vld [tilespmem:$0x1FF50];
	[tilespmem:$0x4480] =	vst v6;
	v6 =	vsub.f32 v54, v55  }
0x15a: {  	v33 =	vsub.s32 v44, v45;
	v45 =	vld [tilespmem:$0x3440];
	[tilespmem:$0x4000] =	vst v29  }
0x15b: {  	v28 =	vcvt.s32.f32 v27;
	v27 =	vld [tilespmem:$0x3230];
	[tilespmem:$0x4580] =	vst v6  }
0x15c: {  	v6 =	vsub.f32 v58, v59;
	[tilespmem:$0x1FFD0] =	vst v0;
	v0 =	vld [tilespmem:$0x3400]  }
0x15d: {  	[tilespmem:$0x4200] =	vst v32;
	v29 =	vld [tilespmem:$0x3630]  }
0x15e: {  	v32 =	vld [tilespmem:$0x3830];
	[tilespmem:$0x4680] =	vst v6;
	v6 =	vsub.f32 v62, v63  }
0x15f: {  	v42 =	vld [tilespmem:$0x1FF70]  }
0x160: {  	[tilespmem:$0x4780] =	vst v6;
	v6 =	vld [tilespmem:$0x1FF60]  }
0x161: {  	[tilespmem:$0x1FFE0] =	vst v0;
	v0 =	vld [tilespmem:$0x3700]  }
0x162: {  	v30 =	vsub.s32 v36, v37;
	v36 =	vsub.s32 v52, v53;
	v52 =	vld [tilespmem:$0x3250]  }
0x163: {  	v43 =	vld [tilespmem:$0x1FF80]  }
0x164: {  	v44 =	vld [tilespmem:$0x1FF90]  }
0x165: {  	v6 =	vsub.f32 v6, v42;
	v47 =	vld [tilespmem:$0x1FFB0]  }
0x166: {  	[tilespmem:$0x1FFF0] =	vst v0;
	v0 =	vld [tilespmem:$0x1FF40]  }
0x167: {  	[tilespmem:$0x4880] =	vst v6;
	v6 =	vld [tilespmem:$0x1FFA0]  }
0x168: {  	v53 =	vld [tilespmem:$0x3350]  }
0x169: {  	[tilespmem:$0x3F00] =	vst v28;
	v28 =	vld [tilespmem:$0x3330]  }
0x16a: {  	v31 =	vcvt.s32.f32 v30;
	v37 =	vcvt.s32.f32 v36;
	v30 =	vld [tilespmem:$0x3730]  }
0x16b: {  	v36 =	vld [tilespmem:$0x3340];
	v0 =	vsub.f32 v0, v41  }
0x16c: {  	v34 =	vcvt.s32.f32 v33;
	v33 =	vld [tilespmem:$0x3930];
	[tilespmem:$0x4500] =	vst v37;
	v37 =	vsub.s32 v43, v44;
	v6 =	vsub.f32 v6, v47  }
0x16d: {  	v35 =	vsub.f32 v48, v49;
	v49 =	vld [tilespmem:$0x1FFD0];
	[tilespmem:$0x4800] =	vst v0;
	v0 =	vcvt.s32.f32 v37  }
0x16e: {  	[tilespmem:$0x4980] =	vst v6;
	v6 =	vld [tilespmem:$0x1FFE0]  }
0x16f: {  	[tilespmem:$0x4900] =	vst v0;
	v0 =	vld [tilespmem:$0x1FFC0]  }
0x170: {  	v51 =	vld [tilespmem:$0x1FFF0]  }
0x171: {  	v48 =	vld [tilespmem:$0x3840];
	[tilespmem:$0x4100] =	vst v31  }
0x172: {  	v31 =	vld [tilespmem:$0x3430];
	[tilespmem:$0x4300] =	vst v34;
	v38 =	vsub.f32 v56, v57;
	v39 =	vsub.s32 v60, v61  }
0x173: {  	[tilespmem:$0x4400] =	vst v35;
	v35 =	vld [tilespmem:$0x3240];
	v40 =	vcvt.s32.f32 v39  }
0x174: {  	v34 =	vld [tilespmem:$0x3540];
	[tilespmem:$0x4600] =	vst v38;
	v0 =	vsub.f32 v0, v49  }
0x175: {  	v7 =	vsub.s32 v7, v9;
	v56 =	vld [tilespmem:$0x3450];
	[tilespmem:$0x4700] =	vst v40;
	v6 =	vsub.f32 v6, v51  }
0x176: {  	v57 =	vld [tilespmem:$0x3750];
	[tilespmem:$0x4A00] =	vst v0;
	v0 =	vcvt.s32.f32 v7  }
0x177: {  	v61 =	vld [tilespmem:$0x3260];
	[tilespmem:$0x4A80] =	vst v6;
	v6 =	vsub.f32 v11, v10  }
0x178: {  	v38 =	vld [tilespmem:$0x3670];
	[tilespmem:$0x4B00] =	vst v0;
	v0 =	vsub.f32 v12, v13  }
0x179: {  	v40 =	vld [tilespmem:$0x3470];
	v55 =	vsub.s32 v16, v17;
	[tilespmem:$0x4B80] =	vst v6;
	v6 =	vsub.f32 v15, v14  }
0x17a: {  	v46 =	vld [tilespmem:$0x3740];
	[tilespmem:$0x4C00] =	vst v0;
	v0 =	vcvt.s32.f32 v55  }
0x17b: {  	v50 =	vld [tilespmem:$0x3940];
	[tilespmem:$0x4C80] =	vst v6;
	v6 =	vsub.f32 v19, v18  }
0x17c: {  	v54 =	vld [tilespmem:$0x3650];
	[tilespmem:$0x4D00] =	vst v0;
	v0 =	vsub.f32 v20, v21  }
0x17d: {  	v60 =	vsub.s32 v24, v25;
	v58 =	vld [tilespmem:$0x3850];
	[tilespmem:$0x4D80] =	vst v6;
	v6 =	vsub.f32 v23, v22  }
0x17e: {  	v59 =	vld [tilespmem:$0x3950];
	[tilespmem:$0x4E00] =	vst v0;
	v0 =	vcvt.s32.f32 v60  }
0x17f: {  	v62 =	vld [tilespmem:$0x3560];
	[tilespmem:$0x4E80] =	vst v6;
	v6 =	vsub.f32 v27, v26  }
0x180: {  	v63 =	vld [tilespmem:$0x3360];
	[tilespmem:$0x4F00] =	vst v0;
	v0 =	vsub.f32 v28, v29  }
0x181: {  	v43 =	vld [tilespmem:$0x3970];
	[tilespmem:$0x4F80] =	vst v6;
	v6 =	vsub.f32 v31, v30;
	v30 =	vsub.s32 v32, v33  }
0x182: {  	v7 =	vld [tilespmem:$0x3550];
	[tilespmem:$0x5000] =	vst v0;
	v0 =	vcvt.s32.f32 v30  }
0x183: {  	v42 =	vld [tilespmem:$0x3870];
	[tilespmem:$0x5080] =	vst v6;
	v6 =	vsub.f32 v35, v34  }
0x184: {  	v31 =	vld [tilespmem:$0x3460];
	[tilespmem:$0x5100] =	vst v0;
	v0 =	vsub.f32 v36, v8  }
0x185: {  	v32 =	vld [tilespmem:$0x3760];
	v35 =	vsub.s32 v48, v50;
	[tilespmem:$0x5180] =	vst v6;
	v6 =	vsub.f32 v45, v46  }
0x186: {  	v33 =	vld [tilespmem:$0x3860];
	[tilespmem:$0x5200] =	vst v0;
	v0 =	vcvt.s32.f32 v35  }
0x187: {  	[tilespmem:$0x5280] =	vst v6;
	v6 =	vsub.f32 v52, v7;
	v29 =	vld [tilespmem:$0x3660]  }
0x188: {  	v34 =	vld [tilespmem:$0x3960];
	[tilespmem:$0x5300] =	vst v0;
	v0 =	vsub.f32 v53, v54  }
0x189: {  	v39 =	vsub.s32 v58, v59;
	v37 =	vld [tilespmem:$0x3570];
	[tilespmem:$0x5380] =	vst v6;
	v6 =	vsub.f32 v56, v57  }
0x18a: {  	v36 =	vld [tilespmem:$0x3270];
	[tilespmem:$0x5400] =	vst v0;
	v0 =	vcvt.s32.f32 v39  }
0x18b: {  	v7 =	vld [tilespmem:$0x3370];
	[tilespmem:$0x5480] =	vst v6;
	v6 =	vsub.f32 v61, v62  }
0x18c: {  	v41 =	vld [tilespmem:$0x3770];
	[tilespmem:$0x5500] =	vst v0;
	v0 =	vsub.f32 v63, v29  }
0x18d: {  	[tilespmem:$0x5580] =	vst v6;
	v6 =	vsub.f32 v31, v32;
	v8 =	vsub.s32 v33, v34  }
0x18e: {  	[tilespmem:$0x5600] =	vst v0;
	v0 =	vcvt.s32.f32 v8  }
0x18f: {  	[tilespmem:$0x5680] =	vst v6;
	v6 =	vsub.f32 v36, v37  }
0x190: {  	[tilespmem:$0x5700] =	vst v0;
	v0 =	vsub.f32 v7, v38  }
0x191: {  	[tilespmem:$0x5780] =	vst v6;
	v6 =	vsub.f32 v40, v41;
	v7 =	vsub.s32 v42, v43  }
0x192: {  	[tilespmem:$0x5800] =	vst v0;
	v0 =	vcvt.s32.f32 v7  }
0x193: {  	[tilespmem:$0x5880] =	vst v6  }
0x194: {  	s6 =	rddreg [dreg:$0x5];
	s7 =	simm.s32 $0x3980;
	[tilespmem:$0x5900] =	vst v0  }
0x195: {  	[spmem:s6] =	stream.linear.scatter [tilespmem:s7], [sflag:$0x1], $0x2000, $0x38;
	[tilespmem:$0x7F80] =	vst v63  }
0x196: {  	_ =	swait.ge [sflag:s24], $0x2000  }
0x197: {  	[sflag:s24] =	ssyncset.done $0x0  }
0x198: {  	[sflag:s24] =	ssyncadd.s32 $0xFFFFE000  }
0x199: {  	s14 =	simm.s32 $0x5980;
	[bflag:$0x0] =	sbarrier.arrive $0xFFFF  }
0x19a: {  	[tilespmem:s14], [sflag:$0x1] =	stream.linear.gather [spmem:s4], $0x200, $0x38;
	[tilespmem:$0x7F80] =	vst v63  }
0x19b: {  	_ =	swait.ge [sflag:s24], $0x200  }
0x19c: {  	[sflag:s24] =	ssyncset.done $0x0  }
0x19d: {  	s8 =	simm.s32 $0x5B80;
	s7 =	rddreg [dreg:$0x6];
	[sflag:s24] =	ssyncadd.s32 $0xFFFFFE00  }
0x19e: {  	[tilespmem:s8], [sflag:$0x1] =	stream.linear.gather [spmem:s7], $0x200, $0x38;
	[tilespmem:$0x7F80] =	vst v63  }
0x19f: {  	_ =	swait.ge [sflag:s24], $0x200  }
0x1a0: {  	[sflag:s24] =	ssyncset.done $0x0  }
0x1a1: {  	s10 =	simm.s32 $0x5D80;
	s9 =	rddreg [dreg:$0x7];
	[sflag:s24] =	ssyncadd.s32 $0xFFFFFE00  }
0x1a2: {  	[tilespmem:s10], [sflag:$0x1] =	stream.linear.gather [spmem:s9], $0x200, $0x38;
	[tilespmem:$0x7F80] =	vst v63  }
0x1a3: {  	_ =	swait.ge [sflag:s24], $0x200  }
0x1a4: {  	[sflag:s24] =	ssyncset.done $0x0  }
0x1a5: {  	s12 =	simm.s32 $0x5F80;
	s11 =	rddreg [dreg:$0x8];
	[sflag:s24] =	ssyncadd.s32 $0xFFFFFE00  }
0x1a6: {  	[tilespmem:s12], [sflag:$0x1] =	stream.linear.gather [spmem:s11], $0x200, $0x38;
	[tilespmem:$0x7F80] =	vst v63  }
0x1a7: {  	_ =	swait.ge [sflag:s24], $0x200  }
0x1a8: {  	[sflag:s24] =	ssyncset.done $0x0  }
0x1a9: {  	s14 =	simm.s32 $0x6180;
	s13 =	rddreg [dreg:$0x9];
	[sflag:s24] =	ssyncadd.s32 $0xFFFFFE00  }
0x1aa: {  	[tilespmem:s14], [sflag:$0x1] =	stream.linear.gather [spmem:s13], $0x200, $0x38;
	[tilespmem:$0x7F80] =	vst v63  }
0x1ab: {  	_ =	swait.ge [sflag:s24], $0x200  }
0x1ac: {  	[sflag:s24] =	ssyncset.done $0x0  }
0x1ad: {  	s8 =	simm.s32 $0x6380;
	s7 =	rddreg [dreg:$0xa];
	[sflag:s24] =	ssyncadd.s32 $0xFFFFFE00  }
0x1ae: {  	[tilespmem:s8], [sflag:$0x1] =	stream.linear.gather [spmem:s7], $0x200, $0x38;
	[tilespmem:$0x7F80] =	vst v63  }
0x1af: {  	_ =	swait.ge [sflag:s24], $0x200  }
0x1b0: {  	[sflag:s24] =	ssyncset.done $0x0  }
0x1b1: {  	s10 =	simm.s32 $0x6580;
	s9 =	rddreg [dreg:$0xb];
	[sflag:s24] =	ssyncadd.s32 $0xFFFFFE00  }
0x1b2: {  	[tilespmem:s10], [sflag:$0x1] =	stream.linear.gather [spmem:s9], $0x200, $0x38;
	[tilespmem:$0x7F80] =	vst v63  }
0x1b3: {  	_ =	swait.ge [sflag:s24], $0x200  }
0x1b4: {  	[sflag:s24] =	ssyncset.done $0x0  }
0x1b5: {  	s12 =	simm.s32 $0x6780;
	s11 =	rddreg [dreg:$0xc];
	[sflag:s24] =	ssyncadd.s32 $0xFFFFFE00  }
0x1b6: {  	[tilespmem:s12], [sflag:$0x1] =	stream.linear.gather [spmem:s11], $0x200, $0x38;
	[tilespmem:$0x7F80] =	vst v63  }
0x1b7: {  	_ =	swait.ge [sflag:s24], $0x200  }
0x1b8: {  	[sflag:s24] =	ssyncset.done $0x0  }
0x1b9: {  	s14 =	simm.s32 $0x6980;
	s13 =	rddreg [dreg:$0xd];
	[sflag:s24] =	ssyncadd.s32 $0xFFFFFE00  }
0x1ba: {  	[tilespmem:s14], [sflag:$0x1] =	stream.linear.gather [spmem:s13], $0x200, $0x38;
	[tilespmem:$0x7F80] =	vst v63  }
0x1bb: {  	_ =	swait.ge [sflag:s24], $0x200  }
0x1bc: {  	[sflag:s24] =	ssyncset.done $0x0  }
0x1bd: {  	s7 =	simm.s32 $0x6B80;
	[sflag:s24] =	ssyncadd.s32 $0xFFFFFE00  }
0x1be: {  	[tilespmem:s7], [sflag:$0x1] =	stream.linear.gather [spmem:s15], $0x200, $0x38;
	[tilespmem:$0x7F80] =	vst v63  }
0x1bf: {  	_ =	swait.ge [sflag:s24], $0x200  }
0x1c0: {  	[sflag:s24] =	ssyncset.done $0x0  }
0x1c1: {  	s8 =	simm.s32 $0x6D80;
	[sflag:s24] =	ssyncadd.s32 $0xFFFFFE00  }
0x1c2: {  	[tilespmem:s8], [sflag:$0x1] =	stream.linear.gather [spmem:s16], $0x200, $0x38;
	[tilespmem:$0x7F80] =	vst v63  }
0x1c3: {  	_ =	swait.ge [sflag:s24], $0x200  }
0x1c4: {  	[sflag:s24] =	ssyncset.done $0x0  }
0x1c5: {  	s9 =	simm.s32 $0x6F80;
	[sflag:s24] =	ssyncadd.s32 $0xFFFFFE00  }
0x1c6: {  	[tilespmem:s9], [sflag:$0x1] =	stream.linear.gather [spmem:s17], $0x200, $0x38;
	[tilespmem:$0x7F80] =	vst v63  }
0x1c7: {  	_ =	swait.ge [sflag:s24], $0x200  }
0x1c8: {  	[sflag:s24] =	ssyncset.done $0x0  }
0x1c9: {  	s10 =	simm.s32 $0x7180;
	[sflag:s24] =	ssyncadd.s32 $0xFFFFFE00  }
0x1ca: {  	[tilespmem:s10], [sflag:$0x1] =	stream.linear.gather [spmem:s18], $0x200, $0x38;
	[tilespmem:$0x7F80] =	vst v63  }
0x1cb: {  	_ =	swait.ge [sflag:s24], $0x200  }
0x1cc: {  	[sflag:s24] =	ssyncset.done $0x0  }
0x1cd: {  	s11 =	simm.s32 $0x7380;
	[sflag:s24] =	ssyncadd.s32 $0xFFFFFE00  }
0x1ce: {  	[tilespmem:s11], [sflag:$0x1] =	stream.linear.gather [spmem:s19], $0x200, $0x38;
	[tilespmem:$0x7F80] =	vst v63  }
0x1cf: {  	_ =	swait.ge [sflag:s24], $0x200  }
0x1d0: {  	[sflag:s24] =	ssyncset.done $0x0  }
0x1d1: {  	s12 =	simm.s32 $0x7580;
	[sflag:s24] =	ssyncadd.s32 $0xFFFFFE00  }
0x1d2: {  	[tilespmem:s12], [sflag:$0x1] =	stream.linear.gather [spmem:s20], $0x200, $0x38;
	[tilespmem:$0x7F80] =	vst v63  }
0x1d3: {  	_ =	swait.ge [sflag:s24], $0x200  }
0x1d4: {  	[sflag:s24] =	ssyncset.done $0x0  }
0x1d5: {  	s13 =	simm.s32 $0x7780;
	[sflag:s24] =	ssyncadd.s32 $0xFFFFFE00  }
0x1d6: {  	[tilespmem:s13], [sflag:$0x1] =	stream.linear.gather [spmem:s21], $0x200, $0x38;
	[tilespmem:$0x7F80] =	vst v63  }
0x1d7: {  	_ =	swait.ge [sflag:s24], $0x200  }
0x1d8: {  	[sflag:s24] =	ssyncset.done $0x0  }
0x1d9: {  	[sflag:s24] =	ssyncadd.s32 $0xFFFFFE00  }
0x1da: {  	v0 =	vld [tilespmem:$0x5980]  }
0x1db: {  	v6 =	vld [tilespmem:$0x5B80]  }
0x1dc: {  	v7 =	vld [tilespmem:$0x5D80]  }
0x1dd: {  	v8 =	vld [tilespmem:$0x5F80]  }
0x1de: {  	v9 =	vld [tilespmem:$0x6180]  }
0x1df: {  	v44 =	vld [tilespmem:$0x6380]  }
0x1e0: {  	v11 =	vld [tilespmem:$0x6580]  }
0x1e1: {  	v12 =	vld [tilespmem:$0x6780]  }
0x1e2: {  	v13 =	vld [tilespmem:$0x6980]  }
0x1e3: {  	v14 =	vld [tilespmem:$0x6B80]  }
0x1e4: {  	v15 =	vld [tilespmem:$0x6D80]  }
0x1e5: {  	v16 =	vld [tilespmem:$0x6F80]  }
0x1e6: {  	v17 =	vld [tilespmem:$0x7180]  }
0x1e7: {  	v18 =	vld [tilespmem:$0x7380]  }
0x1e8: {  	v19 =	vld [tilespmem:$0x7580]  }
0x1e9: {  	v20 =	vld [tilespmem:$0x7780]  }
0x1ea: {  	v45 =	vld [tilespmem:$0x5A00]  }
0x1eb: {  	v46 =	vld [tilespmem:$0x5C00]  }
0x1ec: {  	v47 =	vld [tilespmem:$0x5E00]  }
0x1ed: {  	v48 =	vld [tilespmem:$0x6000]  }
0x1ee: {  	v49 =	vld [tilespmem:$0x6200]  }
0x1ef: {  	v50 =	vld [tilespmem:$0x6400]  }
0x1f0: {  	v51 =	vld [tilespmem:$0x6600]  }
0x1f1: {  	v52 =	vld [tilespmem:$0x6800]  }
0x1f2: {  	v53 =	vld [tilespmem:$0x6A00]  }
0x1f3: {  	v54 =	vld [tilespmem:$0x6C00]  }
0x1f4: {  	v31 =	vld [tilespmem:$0x6E00]  }
0x1f5: {  	v32 =	vld [tilespmem:$0x7000]  }
0x1f6: {  	v33 =	vld [tilespmem:$0x7200]  }
0x1f7: {  	v34 =	vld [tilespmem:$0x7400]  }
0x1f8: {  	v35 =	vld [tilespmem:$0x7600]  }
0x1f9: {  	v36 =	vld [tilespmem:$0x7800]  }
0x1fa: {  	v55 =	vld [tilespmem:$0x5A80]  }
0x1fb: {  	v56 =	vld [tilespmem:$0x5C80]  }
0x1fc: {  	v57 =	vld [tilespmem:$0x5B00]  }
0x1fd: {  	v58 =	vld [tilespmem:$0x5D00]  }
0x1fe: {  	v59 =	vld [tilespmem:$0x5E80]  }
0x1ff: {  	v0 =	vadd.f32 v6, v0;
	v6 =	vld [tilespmem:$0x5F00]  }
0x200: {  	v60 =	vld [tilespmem:$0x6080];
	v21 =	vadd.f32 v46, v45  }
0x201: {  	v61 =	vld [tilespmem:$0x6100];
	v0 =	vadd.f32 v7, v0;
	v7 =	vadd.f32 v56, v55  }
0x202: {  	v63 =	vld [tilespmem:$0x6280];
	v62 =	vadd.f32 v58, v57;
	v21 =	vadd.f32 v47, v21  }
0x203: {  	v39 =	vld [tilespmem:$0x6300];
	v0 =	vadd.f32 v8, v0;
	v7 =	vadd.f32 v59, v7  }
0x204: {  	v40 =	vld [tilespmem:$0x6480];
	v21 =	vadd.f32 v48, v21;
	v6 =	vadd.f32 v6, v62  }
0x205: {  	v41 =	vld [tilespmem:$0x6500];
	v0 =	vadd.f32 v9, v0;
	v7 =	vadd.f32 v60, v7  }
0x206: {  	v42 =	vld [tilespmem:$0x6680];
	v21 =	vadd.f32 v49, v21;
	v6 =	vadd.f32 v61, v6  }
0x207: {  	v43 =	vld [tilespmem:$0x6700];
	v0 =	vadd.f32 v44, v0;
	v7 =	vadd.f32 v63, v7  }
0x208: {  	v21 =	vadd.f32 v50, v21;
	v44 =	vld [tilespmem:$0x6880];
	v6 =	vadd.f32 v39, v6  }
0x209: {  	v45 =	vld [tilespmem:$0x6900];
	v0 =	vadd.f32 v11, v0;
	v7 =	vadd.f32 v40, v7  }
0x20a: {  	v46 =	vld [tilespmem:$0x6A80];
	v21 =	vadd.f32 v51, v21;
	v6 =	vadd.f32 v41, v6  }
0x20b: {  	v47 =	vld [tilespmem:$0x6B00];
	v0 =	vadd.f32 v12, v0;
	v7 =	vadd.f32 v42, v7  }
0x20c: {  	v48 =	vld [tilespmem:$0x6C80];
	v21 =	vadd.f32 v52, v21;
	v6 =	vadd.f32 v43, v6  }
0x20d: {  	v49 =	vld [tilespmem:$0x6D00];
	v0 =	vadd.f32 v13, v0;
	v7 =	vadd.f32 v44, v7  }
0x20e: {  	v51 =	vld [tilespmem:$0x6E80];
	v50 =	vadd.f32 v53, v21;
	v6 =	vadd.f32 v45, v6  }
0x20f: {  	v52 =	vld [tilespmem:$0x6F00];
	v0 =	vadd.f32 v14, v0;
	v7 =	vadd.f32 v46, v7  }
0x210: {  	v53 =	vld [tilespmem:$0x7080];
	v13 =	vadd.f32 v54, v50;
	v6 =	vadd.f32 v47, v6  }
0x211: {  	v54 =	vld [tilespmem:$0x7100];
	v0 =	vadd.f32 v15, v0;
	v7 =	vadd.f32 v48, v7  }
0x212: {  	v55 =	vld [tilespmem:$0x7280];
	v13 =	vadd.f32 v31, v13;
	v6 =	vadd.f32 v49, v6  }
0x213: {  	v56 =	vld [tilespmem:$0x7300];
	v0 =	vadd.f32 v16, v0;
	v7 =	vadd.f32 v51, v7  }
0x214: {  	v57 =	vld [tilespmem:$0x7480];
	v13 =	vadd.f32 v32, v13;
	v6 =	vadd.f32 v52, v6  }
0x215: {  	v58 =	vld [tilespmem:$0x7500];
	v0 =	vadd.f32 v17, v0;
	v7 =	vadd.f32 v53, v7  }
0x216: {  	v59 =	vld [tilespmem:$0x7680];
	v13 =	vadd.f32 v33, v13;
	v6 =	vadd.f32 v54, v6  }
0x217: {  	v60 =	vld [tilespmem:$0x7700];
	v0 =	vadd.f32 v18, v0;
	v7 =	vadd.f32 v55, v7  }
0x218: {  	v61 =	vld [tilespmem:$0x7880];
	v13 =	vadd.f32 v34, v13;
	v6 =	vadd.f32 v56, v6  }
0x219: {  	v62 =	vld [tilespmem:$0x7900];
	v0 =	vadd.f32 v19, v0;
	v7 =	vadd.f32 v57, v7  }
0x21a: {  	v13 =	vadd.f32 v35, v13;
	v6 =	vadd.f32 v58, v6  }
0x21b: {  	v0 =	vadd.f32 v20, v0;
	v7 =	vadd.f32 v59, v7  }
0x21c: {  	v63 =	vadd.f32 v36, v13;
	v6 =	vadd.f32 v60, v6  }
0x21d: {  	[tilespmem:$0x7980] =	vst v0;
	v0 =	vadd.f32 v61, v7  }
0x21e: {  	s5 =	sadd.s32 $0x1, s5;
	[tilespmem:$0x7A00] =	vst v63;
	v6 =	vadd.f32 v62, v6  }
0x21f: {  	p0 =	sne.s32 s5, s23;
	[tilespmem:$0x7A80] =	vst v0  }
.Ltmp1:
0x220: {  	s14 =	simm.s32 $0x7980;
	[tilespmem:$0x7B00] =	vst v6;
	(pc) =	sbr.rel @p0 .LBB2_1-.Ltmp1, $4  }
0x221: {  	[hbm4b:s22+s2] =	stream.linear.scatter [tilespmem:s14], [sflag:$0x1], $0x200, $0x38;
	[tilespmem:$0x7F80] =	vst v63  }
0x222: {  	_ =	swait.ge [sflag:s24], $0x200  }
0x223: {  	[sflag:s24] =	ssyncset.done $0x0  }
0x224: {  	[sflag:s24] =	ssyncadd.s32 $0xFFFFFE00  }
0x225: {  	_ =	sfence.sel $0x180000  }
0x226: {  	[bflag:$0x0] =	sbarrier.arrive $0xFFFF  }
0x227: {  	_ =	strace $0x90000047  }
0x228: {  	s0 =	stileid.u32;
	[bflag:$0x2] =	sbarrier.arrive $0xFFFF  }
0x229: {  	p0 =	sne.s32 s0, $0x0;
	s0 =	rddreg [dreg:$0x2]  }
0x22a: {  	s0 =	sadd.s32 @!p0 $0x100000, s0  }
0x22b: {  	[sflag:s0] =	ssyncadd.tile.s32 @!p0 $0x1;
	_ =	shalt  }
.Lfunc_end2:
_tile_overlayer_lowered:
.L_overlay_start_2:
0x22c: {  	(tag) =	ssettag $0x2  }
0x22d: {  	s0 =	rddreg [dreg:$0x0];
	s2 =	stileid.u32  }
0x22e: {  	s1 =	rddreg [dreg:$0x1];
	p0 =	sne.s32 s2, $0x0  }
0x22f: {  	s3 =	rddreg [dreg:$0x2];
	[bflag:$0x3] =	sbarrier.arrive $0xFFFF;
	s2 =	simm.s32 @!p0 $0x1C01  }
0x230: {  	[timem:s3], [sflag:s2] =	dma.local @!p0 [hbm:s0], s1  }
0x231: {  	s0 =	simm.s32 @!p0 $0x1  }
0x232: {  	_ =	swait.ge @!p0 [sflag:s0], s1  }
0x233: {  	s1 =	ssub.s32 @!p0 $0x0, s1;
	[sflag:s0] =	ssyncset.done @!p0 $0x0  }
0x234: {  	[sflag:s0] =	ssyncadd.s32 @!p0 s1  }
0x235: {  	[bflag:$0x3] =	sbarrier.arrive $0xFFFF  }
0x236: {  	_ =	shalt  }

// kernel: kernel.7.cloned.1.call-start
scs
__scs_entry_jumppad:
0x0: {  	(pc) =	sbr.rel $0x88, $3  }
0x1: {  	(tag) =	ssettag $0x0;
	lr =	simm.s32 $0x1  }
0x2: {  	[smem:$0x3F9B] =	sst lr;
	_ =	strace $0xD0000000  }
0x3: {  	_ = 	snop  }
0x4: {  	_ = 	snop  }
0x5: {  	_ = 	snop  }
0x6: {  	_ = 	snop  }
0x7: {  	_ = 	snop  }
__scs_overlays_trampoline_lowered:
0x8: {  	[smem:$0x3FAA] =	sst s0  }
0x9: {  	[smem:$0x3FAB] =	sst s1  }
0xa: {  	[smem:$0x3FAC] =	sst s2  }
0xb: {  	[smem:$0x3FAD] =	sst s3  }
0xc: {  	[smem:$0x3FAE] =	sst s4  }
0xd: {  	[smem:$0x3FAF] =	sst s5  }
0xe: {  	[smem:$0x3FB0] =	sst s6  }
0xf: {  	[smem:$0x3FB1] =	sst s7  }
0x10: {  	[smem:$0x3FB2] =	sst s8  }
0x11: {  	[smem:$0x3FB3] =	sst s9;
	s0 =	simm.s32 @!p0 $0x0  }
0x12: {  	s1 =	sld [smem:$0x3F99];
	s0 =	simm.s32 @p0 $0x1  }
0x13: {  	[smem:$0x3FB4] =	sst s0;
	s0 =	simm.s32 @!p1 $0x0  }
0x14: {  	s2 =	sld [smem:$0x3F98];
	s0 =	simm.s32 @p1 $0x1  }
0x15: {  	[smem:$0x3FB5] =	sst s0;
	s0 =	simm.s32 @!p2 $0x0  }
0x16: {  	s3 =	sld [smem:$0x3FDB];
	s0 =	simm.s32 @p2 $0x1  }
0x17: {  	s4 =	simm.s32 $0x1BF5;
	[smem:$0x3FB7] =	sst s0  }
0x18: {  	s0 =	sld [smem:$0x3F9A];
	_ =	swait.ge [sflag:s4], $0x0  }
0x19: {  	s7 =	sld [smem:$0x3F9B]  }
0x1a: {  	s8 =	sadd.s32 $0xFFFFE003, lr  }
0x1b: {  	s9 =	sadd.s32 $0xFFFFFEF7, lr;
	s5 =	simm.s32 $0xFFFFFFFF;
	p2 =	slt.u32 s8, $0xFFFFF086  }
0x1c: {  	p1 =	slt.u32 s9, $0xF7A;
	s5 =	simm.s32 @!p2 $0x0  }
0x1d: {  	s5 =	simm.s32 @p1 $0x1;
	p0 =	seq.s32 s7, s2  }
0x1e: {  	s7 =	smul.u32 @!p0 $0xF7A, s2;
	p2 =	seq.s32 @!p0 s5, $0x0  }
0x1f: {  	s9 =	smul.u32 $0xF7A, s1;
	s8 =	simm.s32 @!p0 $0x1BF5;
	p2 =	por !p2, p0  }
0x20: {  	[sflag:s8] =	ssyncset.s32 @!p0 $0xFFFFF086;
	s6 =	sadd.s32 @!p0 s3, s7;
	s7 =	simm.s32 @!p0 $0x108  }
0x21: {  	s3 =	sadd.s32 s3, s9;
	s6 =	sadd.s32 @!p0 $0x88, s6;
	s7 =	simm.s32 @p2 $0x1082  }
0x22: {  	[simem:s7], [sflag:s8] =	dma.local @!p0 [hbm:s6], $0xF7A  }
0x23: {  	s9 =	sor.u32 $0xD0000000, s2;
	s6 =	simm.s32 $0x108;
	_ =	swait.ge @!p0 [sflag:s8], $0x0  }
0x24: {  	s3 =	sadd.s32 $0x88, s3;
	s6 =	simm.s32 @!p1 $0x1082;
	[sflag:s4] =	ssyncset.s32 $0xFFFFF086  }
0x25: {  	[simem:s6], [sflag:s4] =	dma.local [hbm:s3], $0xF7A  }
0x26: {  	[smem:$0x3F9B] =	sst s1;
	(tag) =	ssettag s2;
	_ =	strace s9  }
0x27: {  	s1 =	sld [smem:$0x3FAB]  }
0x28: {  	s2 =	sld [smem:$0x3FAC]  }
0x29: {  	s4 =	sld [smem:$0x3FAE]  }
0x2a: {  	p0 =	seq.s32 s5, $0x0;
	s5 =	sld [smem:$0x3FAF]  }
0x2b: {  	s6 =	sld [smem:$0x3FB0]  }
0x2c: {  	s7 =	sld [smem:$0x3FB1]  }
0x2d: {  	s3 =	simm.s32 $0x108;
	s8 =	sld [smem:$0x3FB2]  }
0x2e: {  	s3 =	simm.s32 @!p0 $0x1082;
	s9 =	sld [smem:$0x3FB3]  }
0x2f: {  	lr =	sadd.s32 s0, s3;
	s0 =	sld [smem:$0x3FAA]  }
0x30: {  	s3 =	sld [smem:$0x3FAD]  }
0x31: {  	[smem:$0x3FB6] =	sst s10  }
0x32: {  	s10 =	sld [smem:$0x3FB4];
	_ =	sdelay $0x3  }
0x33: {  	p0 =	seq.s32 s10, $0x1;
	s10 =	sld [smem:$0x3FB6];
	_ =	sdelay $0x3  }
0x34: {  	[smem:$0x3FB6] =	sst s10  }
0x35: {  	s10 =	sld [smem:$0x3FB5];
	_ =	sdelay $0x3  }
0x36: {  	p1 =	seq.s32 s10, $0x1;
	s10 =	sld [smem:$0x3FB6];
	_ =	sdelay $0x3  }
0x37: {  	[smem:$0x3FB6] =	sst s10  }
0x38: {  	s10 =	sld [smem:$0x3FB7]  }
0x39: {  	_ = 	snop;
	(pc) =	sbr.ind lr, $3  }
0x3a: {  	_ = 	snop  }
0x3b: {  	_ = 	snop  }
0x3c: {  	p2 =	seq.s32 s10, $0x1;
	s10 =	sld [smem:$0x3FB6]  }
0x3d: {  	_ =	shalt  }
0x3e: {  	_ =	shalt  }
0x3f: {  	_ =	shalt  }
0x40: {  	_ =	shalt  }
0x41: {  	_ =	shalt  }
0x42: {  	_ =	shalt  }
0x43: {  	_ =	shalt  }
0x44: {  	_ =	shalt  }
0x45: {  	_ =	shalt  }
0x46: {  	_ =	shalt  }
0x47: {  	_ =	shalt  }
0x48: {  	_ =	shalt  }
0x49: {  	_ =	shalt  }
0x4a: {  	_ =	shalt  }
0x4b: {  	_ =	shalt  }
0x4c: {  	_ =	shalt  }
0x4d: {  	_ =	shalt  }
0x4e: {  	_ =	shalt  }
0x4f: {  	_ =	shalt  }
0x50: {  	_ =	shalt  }
0x51: {  	_ =	shalt  }
0x52: {  	_ =	shalt  }
0x53: {  	_ =	shalt  }
0x54: {  	_ =	shalt  }
0x55: {  	_ =	shalt  }
0x56: {  	_ =	shalt  }
0x57: {  	_ =	shalt  }
0x58: {  	_ =	shalt  }
0x59: {  	_ =	shalt  }
0x5a: {  	_ =	shalt  }
0x5b: {  	_ =	shalt  }
0x5c: {  	_ =	shalt  }
0x5d: {  	_ =	shalt  }
0x5e: {  	_ =	shalt  }
0x5f: {  	_ =	shalt  }
0x60: {  	_ =	shalt  }
0x61: {  	_ =	shalt  }
0x62: {  	_ =	shalt  }
0x63: {  	_ =	shalt  }
0x64: {  	_ =	shalt  }
0x65: {  	_ =	shalt  }
0x66: {  	_ =	shalt  }
0x67: {  	_ =	shalt  }
0x68: {  	_ =	shalt  }
0x69: {  	_ =	shalt  }
0x6a: {  	_ =	shalt  }
0x6b: {  	_ =	shalt  }
0x6c: {  	_ =	shalt  }
0x6d: {  	_ =	shalt  }
0x6e: {  	_ =	shalt  }
0x6f: {  	_ =	shalt  }
0x70: {  	_ =	shalt  }
0x71: {  	_ =	shalt  }
0x72: {  	_ =	shalt  }
0x73: {  	_ =	shalt  }
0x74: {  	_ =	shalt  }
0x75: {  	_ =	shalt  }
0x76: {  	_ =	shalt  }
0x77: {  	_ =	shalt  }
0x78: {  	_ =	shalt  }
0x79: {  	_ =	shalt  }
0x7a: {  	_ =	shalt  }
0x7b: {  	_ =	shalt  }
0x7c: {  	_ =	shalt  }
0x7d: {  	_ =	shalt  }
0x7e: {  	_ =	shalt  }
0x7f: {  	_ =	shalt  }
0x80: {  	_ =	shalt  }
0x81: {  	_ =	shalt  }
0x82: {  	_ =	shalt  }
0x83: {  	_ =	shalt  }
0x84: {  	_ =	shalt  }
0x85: {  	_ =	shalt  }
0x86: {  	_ =	shalt  }
0x87: {  	_ =	shalt  }
.Lfunc_end0:
.L_simem_size_0:
called_computation.1_lowered:
.L_overlay_start_0:
0x88: {  	s2 =	sld [smem:$0x3FD9]  }
0x89: {  	s3 =	sld [smem:$0x3FFE];
	_ =	sdelay $0x1  }
0x8a: {  	s1 =	srdreg.scid  }
0x8b: {  	s0 =	sand.u32 $0x1, s1  }
0x8c: {  	s17 =	sshll.u32 s0, $0xA;
	s2 =	sadd.s32 s3, s2  }
0x8d: {  	s2 =	sadd.s32 s2, s17  }
0x8e: {  	[smem:$0x3FC2] =	sst s2  }
0x8f: {  	_ = 	snop  }
0x90: {  	s2 =	sld [smem:$0x3FC4]  }
0x91: {  	s18 =	sld [smem:$0x3FD0];
	(tm) =	ssettm $0x1  }
0x92: {  	s4 =	sld [smem:$0x3FFB];
	_ =	sdelay $0x3  }
0x93: {  	_ =	strace s4  }
0x94: {  	s4 =	sld [smem:$0x3FFC];
	_ =	sdelay $0x3  }
0x95: {  	_ =	strace s4  }
0x96: {  	s4 =	sld [smem:$0x3FFD];
	_ =	sdelay $0x3  }
0x97: {  	_ =	strace s4  }
0x98: {  	_ =	strace $0x8FFFFFFF  }
0x99: {  	s19 =	sld [smem:$0x3FDB];
	_ =	sdelay $0x1  }
0x9a: {  	s5 =	simm.s32 $_scs_section_size  }
0x9b: {  	s6 =	simm.s32 $_size__tile_overlayer_lowered;
	s7 =	simm.s32 $_tile_overlayer_lowered  }
0x9c: {  	s22 =	simm.s32 $0x1BFF;
	s21 =	sshll.u32 s7, $0x1;
	s4 =	sadd.s32 s5, s19  }
0x9d: {  	s8 =	simm.s32 $0x0;
	s20 =	sshll.u32 s6, $0x1;
	s6 =	sadd.s32 s21, s4  }
0x9e: {  	[timem:s8], [sflag:s22] =	dma.local [hbm:s6], s20  }
0x9f: {  	_ =	swait.ge [sflag:s22], s20  }
0xa0: {  	s5 =	ssub.s32 $0x0, s20;
	[sflag:s22] =	ssyncset.done $0x0  }
0xa1: {  	[sflag:s22] =	ssyncadd.s32 s5;
	_ =	sdelay $0x1  }
0xa2: {  	s23 =	simm.s32 $0x1B8B  }
0xa3: {  	_ =	swait.ge [sflag:s23], $0x1  }
0xa4: {  	[sflag:s23] =	ssyncset.done $0x0  }
0xa5: {  	s25 =	simm.s32 $0x1B8E;
	s24 =	sld [smem:$0x3FFE];
	[sflag:s23] =	ssyncadd.s32 $0xFFFFFFFF  }
0xa6: {  	s26 =	simm.s32 $execute0_lowered;
	[smem:$0x3FD2] =	sst s25  }
0xa7: {  	s6 =	sshll.u32 s26, $0x1;
	_ =	strace $0x80000049;
	[dreg:$0x1] =	wrdreg $0xFFFFFFFF  }
0xa8: {  	s28 =	simm.s32 $_size_execute0_lowered;
	s4 =	sadd.s32 s4, s6;
	[dreg:$0x0] =	wrdreg $0x0  }
0xa9: {  	s6 =	sshll.u32 s28, $0x1;
	[dreg:$0x2] =	wrdreg s4  }
0xaa: {  	[dreg:$0x3] =	wrdreg s6  }
0xab: {  	[dreg:$0x4] =	wrdreg $0xC0  }
0xac: {  	_ =	task [dreg:s8], $0x5FFFF  }
0xad: {  	[dreg:$0x1] =	wrdreg $0xFFFFFFFF  }
0xae: {  	[dreg:$0x0] =	wrdreg $0x60  }
0xaf: {  	[dreg:$0x2] =	wrdreg s24  }
0xb0: {  	[dreg:$0x3] =	wrdreg s18  }
0xb1: {  	[dreg:$0x4] =	wrdreg s2  }
0xb2: {  	[dreg:$0x5] =	wrdreg $0x9  }
0xb3: {  	_ =	task.clear_ibuf [dreg:s8], $0x6FFFF;
	_ =	strace $0x90000049  }
0xb4: {  	s29 =	simm.s32 $0x9;
	_ =	strace $0x8000004B  }
0xb5: {  	_ =	swait.ge [sflag:s29], $0x1  }
0xb6: {  	[sflag:s29] =	ssyncadd.s32 $0xFFFFFFFF  }
0xb7: {  	_ =	strace $0x9000004B  }
0xb8: {  	_ =	sfence  }
0xb9: {  	s30 =	sld [smem:$0x0];
	_ =	sdelay $0x2  }
0xba: {  	s31 =	sshll.u32 s1, $0xD;
	s1 =	sshrl.u32 s1, $0x2  }
0xbb: {  	s3 =	sand.u32 $0x4000, s31;
	s1 =	sadd.s32 s1, s30  }
0xbc: {  	s0 =	sor.u32 s3, s0;
	s1 =	sshll.u32 s1, $0x11  }
0xbd: {  	s0 =	sor.u32 s1, s0  }
0xbe: {  	s0 =	sadd.s32 $0x8F2B, s0  }
0xbf: {  	[sflag:s0] =	ssyncadd.remote.s32 $0x1  }
0xc0: {  	_ =	sfence.sel $0xFFFF  }
0xc1: {  	[dreg:$0x0] =	wrdreg $0xFFFFFFFF;
	(pc) =	sbr.abs _section_cstart, $3  }
0xc2: {  	[dreg:$0x1] =	wrdreg $0xFFFFFFFF  }
0xc3: {  	_ =	task.clear_ibuf [dreg:s8], $0x2FFFF;
	_ =	strace $0x9FFFFFFF  }
0xc4: {  	(tm) =	ssettm $0x7FFFFFFF  }
0xc5: {  	_ =	shalt  }
tec
execute0_lowered:
.L_overlay_start_1:
0x0: {  	(tag) =	ssettag $0x1  }
0x1: {  	s7 =	rddreg [dreg:$0x0]  }
0x2: {  	s0 =	srdreg.scid;
	s8 =	rddreg [dreg:$0x1]  }
0x3: {  	s2 =	rddreg [dreg:$0x2];
	s1 =	stileid.u32  }
0x4: {  	s3 =	simm.s32 $0x0;
	s14 =	simm.s32 $0x5280;
	s15 =	simm.s32 $0x5680  }
0x5: {  	s16 =	simm.s32 $0x4000;
	s17 =	simm.s32 $0x4280;
	s18 =	simm.s32 $0x4A00  }
0x6: {  	s19 =	simm.s32 $0x5A80;
	s20 =	simm.s32 $0x5B80;
	s21 =	simm.s32 $0x5C80  }
0x7: {  	s22 =	simm.s32 $0x5D80;
	s23 =	simm.s32 $0x5E80;
	s24 =	simm.s32 $0x5F80  }
0x8: {  	s25 =	simm.s32 $0x0;
	s5 =	sand.u32 $0x1, s0;
	[smem:$0x7FF] =	sst s3  }
0x9: {  	s0 =	rddreg [dreg:$0x3];
	s4 =	sshll.u32 s5, $0x4;
	_ =	strace $0x8000004A  }
0xa: {  	s11 =	ssub.s32 $0x2, s5;
	s5 =	sadd.s32 $0x1400, s7;
	s6 =	sor.u32 s1, s4  }
0xb: {  	s4 =	sadd.s32 $0xDA00, s7;
	s12 =	sshrl.u32 s11, $0x1;
	s9 =	smul.u32 $0x50, s6  }
0xc: {  	s10 =	smul.u32 $0xF0, s6;
	s6 =	sadd.s32 $0x1600, s7;
	s11 =	ssub.s32 s11, s12  }
0xd: {  	s12 =	simm.s32 $0x1;
	s11 =	smax.u32 s11, $0x1;
	s9 =	sadd.s32 s9, s7  }
0xe: {  	v0 =	vlaneseq.u32;
	s13 =	sadd.s32 s10, s7;
	s8 =	sadd.s32 s8, s10;
	s7 =	sadd.s32 $0x10000, s9  }
0xf: {  	v0 =	vmul.u32 $0x3, v0;
	s9 =	sadd.s32 $0xE200, s13;
	s10 =	sadd.s32 $0x1800, s13;
	s13 =	simm.s32 $0x5180  }
.LBB2_1:
0x10: {  	[tilespmem:s3], [sflag:$0x1] =	stream.linear.gather [hbm4b:s4+s3], $0x4000, $0x38;
	[tilespmem:$0x6700] =	vst v63  }
0x11: {  	_ =	swait.ge [sflag:s12], $0x4000  }
0x12: {  	[sflag:s12] =	ssyncset.done $0x0  }
0x13: {  	[sflag:s12] =	ssyncadd.s32 $0xFFFFC000  }
0x14: {  	[tilespmem:s13], [sflag:$0x1] =	stream.linear.gather [hbm4b:s2+s3], $0x100, $0x38;
	[tilespmem:$0x6700] =	vst v63  }
0x15: {  	_ =	swait.ge [sflag:s12], $0x100  }
0x16: {  	[sflag:s12] =	ssyncset.done $0x0  }
0x17: {  	[sflag:s12] =	ssyncadd.s32 $0xFFFFFF00  }
0x18: {  	[tilespmem:s14], [sflag:$0x1] =	stream.linear.gather [hbm4b:s5+s3], $0x400, $0x38;
	[tilespmem:$0x6700] =	vst v63  }
0x19: {  	_ =	swait.ge [sflag:s12], $0x400  }
0x1a: {  	[sflag:s12] =	ssyncset.done $0x0  }
0x1b: {  	[sflag:s12] =	ssyncadd.s32 $0xFFFFFC00  }
0x1c: {  	[tilespmem:s15], [sflag:$0x1] =	stream.linear.gather [hbm4b:s6+s3], $0x400, $0x38;
	[tilespmem:$0x6700] =	vst v63  }
0x1d: {  	_ =	swait.ge [sflag:s12], $0x400  }
0x1e: {  	[sflag:s12] =	ssyncset.done $0x0  }
0x1f: {  	[sflag:s12] =	ssyncadd.s32 $0xFFFFFC00  }
0x20: {  	[tilespmem:s16], [sflag:$0x1] =	stream.linear.gather [hbm4b:s7+s3], $0x280, $0x38;
	[tilespmem:$0x6700] =	vst v63  }
0x21: {  	_ =	swait.ge [sflag:s12], $0x280  }
0x22: {  	[sflag:s12] =	ssyncset.done $0x0  }
0x23: {  	[sflag:s12] =	ssyncadd.s32 $0xFFFFFD80  }
0x24: {  	[tilespmem:s17], [sflag:$0x1] =	stream.linear.gather [hbm4b:s8+s3], $0x780, $0x38;
	[tilespmem:$0x6700] =	vst v63  }
0x25: {  	_ =	swait.ge [sflag:s12], $0x780  }
0x26: {  	[sflag:s12] =	ssyncset.done $0x0  }
0x27: {  	[sflag:s12] =	ssyncadd.s32 $0xFFFFF880  }
0x28: {  	[tilespmem:s18], [sflag:$0x1] =	stream.linear.gather [hbm4b:s9+s3], $0x780, $0x38;
	[tilespmem:$0x6700] =	vst v63  }
0x29: {  	_ =	swait.ge [sflag:s12], $0x780  }
0x2a: {  	[sflag:s12] =	ssyncset.done $0x0  }
0x2b: {  	[sflag:s12] =	ssyncadd.s32 $0xFFFFF880  }
0x2c: {  	v1 =	vld [tilespmem:$0x180]  }
0x2d: {  	v2 =	vld [tilespmem:$0x2180];
	_ =	sdelay $0x4  }
0x2e: {  	v1 =	vadd.f32 v2, v1;
	_ =	sdelay $0x1  }
0x2f: {  	v1 =	vmax.f32 v1, $1.000000000e+00  }
0x30: {  	v3 =	vld [tilespmem:$0x80];
	(erf) = vrcp.f32 v1  }
0x31: {  	v4 =	vld [tilespmem:$0x2080]  }
0x32: {  	v2 =	vld [tilespmem:$0x0]  }
0x33: {  	v1 =	vld [tilespmem:$0x2000]  }
0x34: {  	v5 =	vld [tilespmem:$0x100]  }
0x35: {  	v6 =	vld [tilespmem:$0x2100]  }
0x36: {  	v7 =	vld [tilespmem:$0x5180]  }
0x37: {  	v8 =	vld [tilespmem:$0x380]  }
0x38: {  	v1 =	vadd.f32 v1, v2;
	v2 =	vld [tilespmem:$0x2380]  }
0x39: {  	v3 =	vadd.f32 v4, v3;
	v21 =	vpop (erf)  }
0x3a: {  	v5 =	vadd.f32 v6, v5;
	v1 =	vmul.f32 v21, v1  }
0x3b: {  	v3 =	vmul.f32 v21, v3  }
0x3c: {  	[tilespmem:$0x5A80] =	vst v1;
	v1 =	vmul.f32 v21, v5  }
0x3d: {  	v2 =	vadd.f32 v2, v8;
	[tilespmem:$0x5B80] =	vst v3  }
0x3e: {  	[tilespmem:$0x5C80] =	vst v1  }
0x3f: {  	v2 =	vmax.f32 v2, $1.000000000e+00;
	v1 =	vld.idx.msk [tilespmem:v7+s14+$0x0], $0xffff  }
0x40: {  	(erf) = vrcp.f32 v2  }
0x41: {  	v24 =	vld [tilespmem:$0x300]  }
0x42: {  	v3 =	vld [tilespmem:$0x200]  }
0x43: {  	v2 =	vld [tilespmem:$0x2200]  }
0x44: {  	[tilespmem:$0x5D80] =	vst v1;
	v1 =	vld [tilespmem:$0x2300];
	_ =	sdelay $0x1  }
0x45: {  	v22 =	vld [tilespmem:$0x280]  }
0x46: {  	v23 =	vld [tilespmem:$0x2280]  }
0x47: {  	v2 =	vadd.f32 v2, v3  }
0x48: {  	v26 =	vpop (erf);
	v1 =	vadd.f32 v1, v24  }
0x49: {  	v25 =	vld [tilespmem:$0x5190];
	v2 =	vmul.f32 v26, v2  }
0x4a: {  	v7 =	vld.idx.msk [tilespmem:v7+s15+$0x0], $0xffff;
	v1 =	vmul.f32 v26, v1  }
0x4b: {  	v3 =	vadd.f32 v23, v22;
	[tilespmem:$0x5A90] =	vst v2;
	v2 =	vld [tilespmem:$0x580]  }
0x4c: {  	[tilespmem:$0x5C90] =	vst v1;
	v1 =	vld [tilespmem:$0x2580]  }
0x4d: {  	v3 =	vmul.f32 v26, v3;
	_ =	sdelay $0x1  }
0x4e: {  	[tilespmem:$0x5B90] =	vst v3  }
0x4f: {  	[tilespmem:$0x5E80] =	vst v7  }
0x50: {  	v3 =	vld.idx.msk [tilespmem:v25+s14+$0x0], $0xffff;
	v1 =	vadd.f32 v1, v2;
	_ =	sdelay $0x1  }
0x51: {  	v27 =	vld [tilespmem:$0x480];
	v1 =	vmax.f32 v1, $1.000000000e+00  }
0x52: {  	v28 =	vld [tilespmem:$0x2480];
	(erf) = vrcp.f32 v1  }
0x53: {  	v29 =	vld [tilespmem:$0x500]  }
0x54: {  	[tilespmem:$0x5D90] =	vst v3;
	v3 =	vld [tilespmem:$0x400]  }
0x55: {  	v1 =	vld [tilespmem:$0x2400]  }
0x56: {  	v30 =	vld [tilespmem:$0x2500]  }
0x57: {  	v31 =	vld [tilespmem:$0x51A0]  }
0x58: {  	v2 =	vld.idx.msk [tilespmem:v25+s15+$0x0], $0xffff  }
0x59: {  	v9 =	vld [tilespmem:$0x780]  }
0x5a: {  	v1 =	vadd.f32 v1, v3;
	v3 =	vld [tilespmem:$0x2780]  }
0x5b: {  	v4 =	vadd.f32 v28, v27;
	v32 =	vpop (erf)  }
0x5c: {  	v6 =	vadd.f32 v30, v29;
	v1 =	vmul.f32 v32, v1  }
0x5d: {  	[tilespmem:$0x5E90] =	vst v2;
	v2 =	vmul.f32 v32, v4  }
0x5e: {  	[tilespmem:$0x5AA0] =	vst v1;
	v1 =	vmul.f32 v32, v6  }
0x5f: {  	[tilespmem:$0x5BA0] =	vst v2;
	v2 =	vadd.f32 v3, v9  }
0x60: {  	[tilespmem:$0x5CA0] =	vst v1  }
0x61: {  	v2 =	vmax.f32 v2, $1.000000000e+00;
	v1 =	vld.idx.msk [tilespmem:v31+s14+$0x0], $0xffff  }
0x62: {  	(erf) = vrcp.f32 v2  }
0x63: {  	v35 =	vld [tilespmem:$0x700]  }
0x64: {  	v3 =	vld [tilespmem:$0x600]  }
0x65: {  	v2 =	vld [tilespmem:$0x2600]  }
0x66: {  	[tilespmem:$0x5DA0] =	vst v1;
	v1 =	vld [tilespmem:$0x2700];
	_ =	sdelay $0x2  }
0x67: {  	v33 =	vld [tilespmem:$0x680]  }
0x68: {  	v34 =	vld [tilespmem:$0x2680];
	v2 =	vadd.f32 v2, v3  }
0x69: {  	v38 =	vpop (erf);
	v1 =	vadd.f32 v1, v35  }
0x6a: {  	v37 =	vld [tilespmem:$0x51B0];
	v2 =	vmul.f32 v38, v2  }
0x6b: {  	v36 =	vld.idx.msk [tilespmem:v31+s15+$0x0], $0xffff;
	v1 =	vmul.f32 v38, v1  }
0x6c: {  	[tilespmem:$0x5AB0] =	vst v2;
	v2 =	vld [tilespmem:$0x980]  }
0x6d: {  	v3 =	vadd.f32 v34, v33;
	[tilespmem:$0x5CB0] =	vst v1;
	v1 =	vld [tilespmem:$0x2980];
	_ =	sdelay $0x1  }
0x6e: {  	v3 =	vmul.f32 v38, v3  }
0x6f: {  	[tilespmem:$0x5EA0] =	vst v36  }
0x70: {  	[tilespmem:$0x5BB0] =	vst v3  }
0x71: {  	v3 =	vld.idx.msk [tilespmem:v37+s14+$0x0], $0xffff;
	v1 =	vadd.f32 v1, v2;
	_ =	sdelay $0x1  }
0x72: {  	v39 =	vld [tilespmem:$0x880];
	v1 =	vmax.f32 v1, $1.000000000e+00  }
0x73: {  	v40 =	vld [tilespmem:$0x2880];
	(erf) = vrcp.f32 v1  }
0x74: {  	v41 =	vld [tilespmem:$0x900]  }
0x75: {  	[tilespmem:$0x5DB0] =	vst v3;
	v3 =	vld [tilespmem:$0x800]  }
0x76: {  	v1 =	vld [tilespmem:$0x2800]  }
0x77: {  	v42 =	vld [tilespmem:$0x2900]  }
0x78: {  	v43 =	vld [tilespmem:$0x51C0]  }
0x79: {  	v2 =	vld.idx.msk [tilespmem:v37+s15+$0x0], $0xffff  }
0x7a: {  	v44 =	vld [tilespmem:$0xB80]  }
0x7b: {  	v1 =	vadd.f32 v1, v3;
	v3 =	vld [tilespmem:$0x2B80]  }
0x7c: {  	v4 =	vadd.f32 v40, v39;
	v45 =	vpop (erf)  }
0x7d: {  	v6 =	vadd.f32 v42, v41;
	v1 =	vmul.f32 v45, v1  }
0x7e: {  	[tilespmem:$0x5EB0] =	vst v2;
	v2 =	vmul.f32 v45, v4  }
0x7f: {  	[tilespmem:$0x5AC0] =	vst v1;
	v1 =	vmul.f32 v45, v6  }
0x80: {  	[tilespmem:$0x5BC0] =	vst v2;
	v2 =	vadd.f32 v3, v44  }
0x81: {  	[tilespmem:$0x5CC0] =	vst v1  }
0x82: {  	v2 =	vmax.f32 v2, $1.000000000e+00;
	v1 =	vld.idx.msk [tilespmem:v43+s14+$0x0], $0xffff  }
0x83: {  	(erf) = vrcp.f32 v2  }
0x84: {  	v48 =	vld [tilespmem:$0xB00]  }
0x85: {  	v3 =	vld [tilespmem:$0xA00]  }
0x86: {  	v2 =	vld [tilespmem:$0x2A00]  }
0x87: {  	[tilespmem:$0x5DC0] =	vst v1;
	v1 =	vld [tilespmem:$0x2B00];
	_ =	sdelay $0x2  }
0x88: {  	v46 =	vld [tilespmem:$0xA80]  }
0x89: {  	v47 =	vld [tilespmem:$0x2A80];
	v2 =	vadd.f32 v2, v3  }
0x8a: {  	v51 =	vpop (erf);
	v1 =	vadd.f32 v1, v48  }
0x8b: {  	v50 =	vld [tilespmem:$0x51D0];
	v2 =	vmul.f32 v51, v2  }
0x8c: {  	v49 =	vld.idx.msk [tilespmem:v43+s15+$0x0], $0xffff;
	v1 =	vmul.f32 v51, v1  }
0x8d: {  	[tilespmem:$0x5AD0] =	vst v2;
	v2 =	vld [tilespmem:$0xD80]  }
0x8e: {  	v3 =	vadd.f32 v47, v46;
	[tilespmem:$0x5CD0] =	vst v1;
	v1 =	vld [tilespmem:$0x2D80];
	_ =	sdelay $0x1  }
0x8f: {  	v3 =	vmul.f32 v51, v3  }
0x90: {  	[tilespmem:$0x5EC0] =	vst v49  }
0x91: {  	[tilespmem:$0x5BD0] =	vst v3  }
0x92: {  	v3 =	vld.idx.msk [tilespmem:v50+s14+$0x0], $0xffff;
	v1 =	vadd.f32 v1, v2;
	_ =	sdelay $0x1  }
0x93: {  	v52 =	vld [tilespmem:$0xC80];
	v1 =	vmax.f32 v1, $1.000000000e+00  }
0x94: {  	v53 =	vld [tilespmem:$0x2C80];
	(erf) = vrcp.f32 v1  }
0x95: {  	v54 =	vld [tilespmem:$0xD00]  }
0x96: {  	[tilespmem:$0x5DD0] =	vst v3;
	v3 =	vld [tilespmem:$0xC00]  }
0x97: {  	v1 =	vld [tilespmem:$0x2C00]  }
0x98: {  	v55 =	vld [tilespmem:$0x2D00]  }
0x99: {  	v56 =	vld [tilespmem:$0x51E0]  }
0x9a: {  	v2 =	vld.idx.msk [tilespmem:v50+s15+$0x0], $0xffff  }
0x9b: {  	v57 =	vld [tilespmem:$0xF80]  }
0x9c: {  	v1 =	vadd.f32 v1, v3;
	v3 =	vld [tilespmem:$0x2F80]  }
0x9d: {  	v4 =	vadd.f32 v53, v52;
	v58 =	vpop (erf)  }
0x9e: {  	v6 =	vadd.f32 v55, v54;
	v1 =	vmul.f32 v58, v1  }
0x9f: {  	[tilespmem:$0x5ED0] =	vst v2;
	v2 =	vmul.f32 v58, v4  }
0xa0: {  	[tilespmem:$0x5AE0] =	vst v1;
	v1 =	vmul.f32 v58, v6  }
0xa1: {  	[tilespmem:$0x5BE0] =	vst v2;
	v2 =	vadd.f32 v3, v57  }
0xa2: {  	[tilespmem:$0x5CE0] =	vst v1  }
0xa3: {  	v2 =	vmax.f32 v2, $1.000000000e+00;
	v1 =	vld.idx.msk [tilespmem:v56+s14+$0x0], $0xffff  }
0xa4: {  	(erf) = vrcp.f32 v2  }
0xa5: {  	v61 =	vld [tilespmem:$0xF00]  }
0xa6: {  	v3 =	vld [tilespmem:$0xE00]  }
0xa7: {  	v2 =	vld [tilespmem:$0x2E00]  }
0xa8: {  	[tilespmem:$0x5DE0] =	vst v1;
	v1 =	vld [tilespmem:$0x2F00];
	_ =	sdelay $0x2  }
0xa9: {  	v59 =	vld [tilespmem:$0xE80]  }
0xaa: {  	v60 =	vld [tilespmem:$0x2E80];
	v2 =	vadd.f32 v2, v3  }
0xab: {  	v11 =	vpop (erf);
	v1 =	vadd.f32 v1, v61  }
0xac: {  	v63 =	vld [tilespmem:$0x51F0];
	v2 =	vmul.f32 v11, v2  }
0xad: {  	v62 =	vld.idx.msk [tilespmem:v56+s15+$0x0], $0xffff;
	v1 =	vmul.f32 v11, v1  }
0xae: {  	[tilespmem:$0x5AF0] =	vst v2;
	v2 =	vld [tilespmem:$0x1180]  }
0xaf: {  	v3 =	vadd.f32 v60, v59;
	[tilespmem:$0x5CF0] =	vst v1;
	v1 =	vld [tilespmem:$0x3180];
	_ =	sdelay $0x1  }
0xb0: {  	v3 =	vmul.f32 v11, v3  }
0xb1: {  	[tilespmem:$0x5EE0] =	vst v62  }
0xb2: {  	[tilespmem:$0x5BF0] =	vst v3  }
0xb3: {  	v3 =	vld.idx.msk [tilespmem:v63+s14+$0x0], $0xffff;
	v1 =	vadd.f32 v1, v2;
	_ =	sdelay $0x1  }
0xb4: {  	v12 =	vld [tilespmem:$0x1080];
	v1 =	vmax.f32 v1, $1.000000000e+00  }
0xb5: {  	v13 =	vld [tilespmem:$0x3080];
	(erf) = vrcp.f32 v1  }
0xb6: {  	v14 =	vld [tilespmem:$0x1100]  }
0xb7: {  	[tilespmem:$0x5DF0] =	vst v3;
	v3 =	vld [tilespmem:$0x1000]  }
0xb8: {  	v1 =	vld [tilespmem:$0x3000]  }
0xb9: {  	v15 =	vld [tilespmem:$0x3100]  }
0xba: {  	v16 =	vld [tilespmem:$0x5200]  }
0xbb: {  	v2 =	vld.idx.msk [tilespmem:v63+s15+$0x0], $0xffff  }
0xbc: {  	v17 =	vld [tilespmem:$0x1380]  }
0xbd: {  	v1 =	vadd.f32 v1, v3;
	v3 =	vld [tilespmem:$0x3380]  }
0xbe: {  	v4 =	vadd.f32 v13, v12;
	v18 =	vpop (erf)  }
0xbf: {  	v6 =	vadd.f32 v15, v14;
	v1 =	vmul.f32 v18, v1  }
0xc0: {  	[tilespmem:$0x5EF0] =	vst v2;
	v2 =	vmul.f32 v18, v4  }
0xc1: {  	[tilespmem:$0x5B00] =	vst v1;
	v1 =	vmul.f32 v18, v6  }
0xc2: {  	[tilespmem:$0x5C00] =	vst v2;
	v2 =	vadd.f32 v3, v17  }
0xc3: {  	[tilespmem:$0x5D00] =	vst v1  }
0xc4: {  	v2 =	vmax.f32 v2, $1.000000000e+00;
	v1 =	vld.idx.msk [tilespmem:v16+s14+$0x0], $0xffff  }
0xc5: {  	(erf) = vrcp.f32 v2  }
0xc6: {  	v21 =	vld [tilespmem:$0x1300]  }
0xc7: {  	v3 =	vld [tilespmem:$0x1200]  }
0xc8: {  	v2 =	vld [tilespmem:$0x3200]  }
0xc9: {  	[tilespmem:$0x5E00] =	vst v1;
	v1 =	vld [tilespmem:$0x3300];
	_ =	sdelay $0x2  }
0xca: {  	v19 =	vld [tilespmem:$0x1280]  }
0xcb: {  	v20 =	vld [tilespmem:$0x3280];
	v2 =	vadd.f32 v2, v3  }
0xcc: {  	v24 =	vpop (erf);
	v1 =	vadd.f32 v1, v21  }
0xcd: {  	v23 =	vld [tilespmem:$0x5210];
	v2 =	vmul.f32 v24, v2  }
0xce: {  	v22 =	vld.idx.msk [tilespmem:v16+s15+$0x0], $0xffff;
	v1 =	vmul.f32 v24, v1  }
0xcf: {  	[tilespmem:$0x5B10] =	vst v2;
	v2 =	vld [tilespmem:$0x1580]  }
0xd0: {  	v3 =	vadd.f32 v20, v19;
	[tilespmem:$0x5D10] =	vst v1;
	v1 =	vld [tilespmem:$0x3580];
	_ =	sdelay $0x1  }
0xd1: {  	v3 =	vmul.f32 v24, v3  }
0xd2: {  	[tilespmem:$0x5F00] =	vst v22  }
0xd3: {  	[tilespmem:$0x5C10] =	vst v3  }
0xd4: {  	v3 =	vld.idx.msk [tilespmem:v23+s14+$0x0], $0xffff;
	v1 =	vadd.f32 v1, v2;
	_ =	sdelay $0x1  }
0xd5: {  	v27 =	vld [tilespmem:$0x1500];
	v1 =	vmax.f32 v1, $1.000000000e+00  }
0xd6: {  	v28 =	vld [tilespmem:$0x3500];
	(erf) = vrcp.f32 v1  }
0xd7: {  	v26 =	vld [tilespmem:$0x3480]  }
0xd8: {  	[tilespmem:$0x5E10] =	vst v3;
	v3 =	vld [tilespmem:$0x1400]  }
0xd9: {  	v1 =	vld [tilespmem:$0x3400]  }
0xda: {  	v25 =	vld [tilespmem:$0x1480]  }
0xdb: {  	v29 =	vld [tilespmem:$0x5220]  }
0xdc: {  	v2 =	vld.idx.msk [tilespmem:v23+s15+$0x0], $0xffff  }
0xdd: {  	v30 =	vld [tilespmem:$0x1780]  }
0xde: {  	v1 =	vadd.f32 v1, v3;
	v3 =	vld [tilespmem:$0x3780]  }
0xdf: {  	v4 =	vadd.f32 v26, v25;
	v31 =	vpop (erf)  }
0xe0: {  	v6 =	vadd.f32 v28, v27;
	v1 =	vmul.f32 v31, v1  }
0xe1: {  	[tilespmem:$0x5F10] =	vst v2;
	v2 =	vmul.f32 v31, v4  }
0xe2: {  	[tilespmem:$0x5B20] =	vst v1;
	v1 =	vmul.f32 v31, v6  }
0xe3: {  	[tilespmem:$0x5C20] =	vst v2;
	v2 =	vadd.f32 v3, v30  }
0xe4: {  	[tilespmem:$0x5D20] =	vst v1  }
0xe5: {  	v2 =	vmax.f32 v2, $1.000000000e+00;
	v1 =	vld.idx.msk [tilespmem:v29+s14+$0x0], $0xffff  }
0xe6: {  	(erf) = vrcp.f32 v2  }
0xe7: {  	v34 =	vld [tilespmem:$0x1700]  }
0xe8: {  	v3 =	vld [tilespmem:$0x1600]  }
0xe9: {  	v2 =	vld [tilespmem:$0x3600]  }
0xea: {  	[tilespmem:$0x5E20] =	vst v1;
	v1 =	vld [tilespmem:$0x3700];
	_ =	sdelay $0x2  }
0xeb: {  	v32 =	vld [tilespmem:$0x1680]  }
0xec: {  	v33 =	vld [tilespmem:$0x3680];
	v2 =	vadd.f32 v2, v3  }
0xed: {  	v37 =	vpop (erf);
	v1 =	vadd.f32 v1, v34  }
0xee: {  	v36 =	vld [tilespmem:$0x5230];
	v2 =	vmul.f32 v37, v2  }
0xef: {  	v35 =	vld.idx.msk [tilespmem:v29+s15+$0x0], $0xffff;
	v1 =	vmul.f32 v37, v1  }
0xf0: {  	[tilespmem:$0x5B30] =	vst v2;
	v2 =	vld [tilespmem:$0x1980]  }
0xf1: {  	v3 =	vadd.f32 v33, v32;
	[tilespmem:$0x5D30] =	vst v1;
	v1 =	vld [tilespmem:$0x3980];
	_ =	sdelay $0x1  }
0xf2: {  	v3 =	vmul.f32 v37, v3  }
0xf3: {  	[tilespmem:$0x5F20] =	vst v35  }
0xf4: {  	[tilespmem:$0x5C30] =	vst v3  }
0xf5: {  	v3 =	vld.idx.msk [tilespmem:v36+s14+$0x0], $0xffff;
	v1 =	vadd.f32 v1, v2;
	_ =	sdelay $0x1  }
0xf6: {  	v39 =	vld [tilespmem:$0x3880];
	v1 =	vmax.f32 v1, $1.000000000e+00  }
0xf7: {  	v40 =	vld [tilespmem:$0x1900];
	(erf) = vrcp.f32 v1  }
0xf8: {  	v41 =	vld [tilespmem:$0x3900]  }
0xf9: {  	[tilespmem:$0x5E30] =	vst v3;
	v3 =	vld [tilespmem:$0x1800]  }
0xfa: {  	v1 =	vld [tilespmem:$0x3800]  }
0xfb: {  	v38 =	vld [tilespmem:$0x1880]  }
0xfc: {  	v42 =	vld [tilespmem:$0x5240]  }
0xfd: {  	v2 =	vld.idx.msk [tilespmem:v36+s15+$0x0], $0xffff  }
0xfe: {  	v43 =	vld [tilespmem:$0x1B80]  }
0xff: {  	v1 =	vadd.f32 v1, v3;
	v3 =	vld [tilespmem:$0x3B80]  }
0x100: {  	v4 =	vadd.f32 v39, v38;
	v44 =	vpop (erf)  }
0x101: {  	v6 =	vadd.f32 v41, v40;
	v1 =	vmul.f32 v44, v1  }
0x102: {  	[tilespmem:$0x5F30] =	vst v2;
	v2 =	vmul.f32 v44, v4  }
0x103: {  	[tilespmem:$0x5B40] =	vst v1;
	v1 =	vmul.f32 v44, v6  }
0x104: {  	[tilespmem:$0x5C40] =	vst v2;
	v2 =	vadd.f32 v3, v43  }
0x105: {  	[tilespmem:$0x5D40] =	vst v1  }
0x106: {  	v2 =	vmax.f32 v2, $1.000000000e+00;
	v1 =	vld.idx.msk [tilespmem:v42+s14+$0x0], $0xffff  }
0x107: {  	(erf) = vrcp.f32 v2  }
0x108: {  	v47 =	vld [tilespmem:$0x1B00]  }
0x109: {  	v3 =	vld [tilespmem:$0x1A00]  }
0x10a: {  	v2 =	vld [tilespmem:$0x3A00]  }
0x10b: {  	[tilespmem:$0x5E40] =	vst v1;
	v1 =	vld [tilespmem:$0x3B00];
	_ =	sdelay $0x2  }
0x10c: {  	v45 =	vld [tilespmem:$0x1A80]  }
0x10d: {  	v46 =	vld [tilespmem:$0x3A80];
	v2 =	vadd.f32 v2, v3  }
0x10e: {  	v50 =	vpop (erf);
	v1 =	vadd.f32 v1, v47  }
0x10f: {  	v49 =	vld [tilespmem:$0x5250];
	v2 =	vmul.f32 v50, v2  }
0x110: {  	v48 =	vld.idx.msk [tilespmem:v42+s15+$0x0], $0xffff;
	v1 =	vmul.f32 v50, v1  }
0x111: {  	[tilespmem:$0x5B50] =	vst v2;
	v2 =	vld [tilespmem:$0x1D80]  }
0x112: {  	v3 =	vadd.f32 v46, v45;
	[tilespmem:$0x5D50] =	vst v1;
	v1 =	vld [tilespmem:$0x3D80];
	_ =	sdelay $0x1  }
0x113: {  	v3 =	vmul.f32 v50, v3  }
0x114: {  	[tilespmem:$0x5F40] =	vst v48  }
0x115: {  	[tilespmem:$0x5C50] =	vst v3  }
0x116: {  	v3 =	vld.idx.msk [tilespmem:v49+s14+$0x0], $0xffff;
	v1 =	vadd.f32 v1, v2;
	_ =	sdelay $0x1  }
0x117: {  	v52 =	vld [tilespmem:$0x3C80];
	v1 =	vmax.f32 v1, $1.000000000e+00  }
0x118: {  	v53 =	vld [tilespmem:$0x1D00];
	(erf) = vrcp.f32 v1  }
0x119: {  	v54 =	vld [tilespmem:$0x3D00]  }
0x11a: {  	[tilespmem:$0x5E50] =	vst v3;
	v3 =	vld [tilespmem:$0x1C00]  }
0x11b: {  	v1 =	vld [tilespmem:$0x3C00]  }
0x11c: {  	v51 =	vld [tilespmem:$0x1C80]  }
0x11d: {  	v55 =	vld [tilespmem:$0x5260]  }
0x11e: {  	v2 =	vld.idx.msk [tilespmem:v49+s15+$0x0], $0xffff  }
0x11f: {  	v56 =	vld [tilespmem:$0x1F80]  }
0x120: {  	v1 =	vadd.f32 v1, v3;
	v3 =	vld [tilespmem:$0x3F80]  }
0x121: {  	v4 =	vadd.f32 v52, v51;
	v57 =	vpop (erf)  }
0x122: {  	v1 =	vmul.f32 v57, v1  }
0x123: {  	v6 =	vadd.f32 v54, v53;
	[tilespmem:$0x5F50] =	vst v2;
	v2 =	vmul.f32 v57, v4  }
0x124: {  	[tilespmem:$0x5B60] =	vst v1  }
0x125: {  	v1 =	vmul.f32 v57, v6;
	[tilespmem:$0x5C60] =	vst v2;
	v2 =	vadd.f32 v3, v56;
	_ =	sdelay $0x1  }
0x126: {  	v58 =	vld [tilespmem:$0x1E80];
	[tilespmem:$0x5D60] =	vst v1;
	v2 =	vmax.f32 v2, $1.000000000e+00  }
0x127: {  	v1 =	vld.idx.msk [tilespmem:v55+s14+$0x0], $0xffff;
	(erf) = vrcp.f32 v2  }
0x128: {  	v59 =	vld [tilespmem:$0x3E80]  }
0x129: {  	v3 =	vld [tilespmem:$0x1E00]  }
0x12a: {  	v2 =	vld [tilespmem:$0x3E00]  }
0x12b: {  	v60 =	vld [tilespmem:$0x1F00]  }
0x12c: {  	[tilespmem:$0x5E60] =	vst v1;
	v1 =	vld [tilespmem:$0x3F00]  }
0x12d: {  	v61 =	vld.idx.msk [tilespmem:v55+s15+$0x0], $0xffff  }
0x12e: {  	v62 =	vld [tilespmem:$0x5270]  }
0x12f: {  	v2 =	vadd.f32 v2, v3  }
0x130: {  	v3 =	vadd.f32 v59, v58;
	v63 =	vpop (erf)  }
0x131: {  	v1 =	vadd.f32 v1, v60;
	v2 =	vmul.f32 v63, v2  }
0x132: {  	v3 =	vmul.f32 v63, v3;
	[tilespmem:$0x5F60] =	vst v61  }
0x133: {  	[tilespmem:$0x5B70] =	vst v2;
	v1 =	vmul.f32 v63, v1  }
0x134: {  	[tilespmem:$0x5C70] =	vst v3  }
0x135: {  	[tilespmem:$0x5D70] =	vst v1  }
0x136: {  	v1 =	vld.idx.msk [tilespmem:v62+s14+$0x0], $0xffff;
	_ =	sdelay $0x4  }
0x137: {  	[tilespmem:$0x5E70] =	vst v1  }
0x138: {  	v1 =	vld.idx.msk [tilespmem:v62+s15+$0x0], $0xffff;
	_ =	sdelay $0x4  }
0x139: {  	s26 =	simm.s32 $0xFFFFFFFC;
	s28 =	simm.s32 $0x92;
	s29 =	simm.s32 $0x4020;
	[tilespmem:$0x5F70] =	vst v1  }
.LBB2_2:
0x13a: {  	s30 =	sadd.s32 $0xFFFFFF6E, s28  }
0x13b: {  	s31 =	sadd.s32 $0xFFFFFF6F, s28;
	v3 =	vor.u32 s30, v0  }
0x13c: {  	v1 =	vld [tilespmem:s29+$0xFFFFFFE0];
	v5 =	vadd.s32 s31, v0  }
0x13d: {  	s31 =	sadd.s32 $0xFFFFFF70, s28  }
0x13e: {  	v7 =	vadd.s32 s31, v0;
	_ =	sdelay $0x1  }
0x13f: {  	v9 =	vld.idx.msk [tilespmem:v3+s17+$0x0], $0xffff  }
0x140: {  	v10 =	vld.idx.msk [tilespmem:v5+s17+$0x0], $0xffff  }
0x141: {  	v12 =	vld.idx.msk [tilespmem:v3+s18+$0x0], $0xffff  }
0x142: {  	v11 =	vld.idx.msk [tilespmem:v7+s17+$0x0], $0xffff  }
0x143: {  	v2 =	vld.idx.msk [tilespmem:v1+s19+$0x0], $0xffff  }
0x144: {  	v4 =	vld.idx.msk [tilespmem:v1+s20+$0x0], $0xffff  }
0x145: {  	v6 =	vld.idx.msk [tilespmem:v1+s21+$0x0], $0xffff  }
0x146: {  	v8 =	vld.idx.msk [tilespmem:v1+s22+$0x0], $0xffff  }
0x147: {  	v1 =	vld.idx.msk [tilespmem:v1+s23+$0x0], $0xffff  }
0x148: {  	v13 =	vld.idx.msk [tilespmem:v5+s18+$0x0], $0xffff  }
0x149: {  	v14 =	vld.idx.msk [tilespmem:v7+s18+$0x0], $0xffff  }
0x14a: {  	v2 =	vsub.f32 v9, v2  }
0x14b: {  	v4 =	vsub.f32 v10, v4  }
0x14c: {  	v26 =	vmul.f32 v12, v1;
	v6 =	vsub.f32 v11, v6;
	v2 =	vmul.f32 v2, v8  }
0x14d: {  	v27 =	vmul.f32 v13, v1;
	v4 =	vmul.f32 v4, v8  }
0x14e: {  	v1 =	vmul.f32 v14, v1;
	v6 =	vmul.f32 v6, v8;
	v2 =	vadd.f32 v26, v2  }
0x14f: {  	v4 =	vadd.f32 v27, v4  }
0x150: {  	v1 =	vadd.f32 v1, v6;
	[tilespmem:v3+s24+$0x0] =	vst.idx.msk $0xffff, v2  }
0x151: {  	s31 =	sadd.s32 $0xFFFFFF9E, s28;
	[tilespmem:v5+s24+$0x0] =	vst.idx.msk $0xffff, v4  }
0x152: {  	v3 =	vadd.s32 s31, v0;
	[tilespmem:v7+s24+$0x0] =	vst.idx.msk $0xffff, v1  }
0x153: {  	s31 =	sadd.s32 $0xFFFFFF9F, s28;
	v1 =	vld [tilespmem:s29+$0xFFFFFFF0]  }
0x154: {  	v28 =	vadd.s32 s31, v0;
	s31 =	sadd.s32 $0xFFFFFFA0, s28  }
0x155: {  	v30 =	vadd.s32 s31, v0;
	_ =	sdelay $0x1  }
0x156: {  	v32 =	vld.idx.msk [tilespmem:v3+s17+$0x0], $0xffff  }
0x157: {  	v35 =	vld.idx.msk [tilespmem:v3+s18+$0x0], $0xffff  }
0x158: {  	v33 =	vld.idx.msk [tilespmem:v28+s17+$0x0], $0xffff  }
0x159: {  	v34 =	vld.idx.msk [tilespmem:v30+s17+$0x0], $0xffff  }
0x15a: {  	v2 =	vld.idx.msk [tilespmem:v1+s19+$0x0], $0xffff  }
0x15b: {  	v4 =	vld.idx.msk [tilespmem:v1+s20+$0x0], $0xffff  }
0x15c: {  	v29 =	vld.idx.msk [tilespmem:v1+s21+$0x0], $0xffff  }
0x15d: {  	v31 =	vld.idx.msk [tilespmem:v1+s22+$0x0], $0xffff  }
0x15e: {  	v1 =	vld.idx.msk [tilespmem:v1+s23+$0x0], $0xffff  }
0x15f: {  	v36 =	vld.idx.msk [tilespmem:v28+s18+$0x0], $0xffff  }
0x160: {  	v37 =	vld.idx.msk [tilespmem:v30+s18+$0x0], $0xffff  }
0x161: {  	v2 =	vsub.f32 v32, v2  }
0x162: {  	v4 =	vsub.f32 v33, v4  }
0x163: {  	v38 =	vmul.f32 v35, v1;
	v6 =	vsub.f32 v34, v29;
	v2 =	vmul.f32 v2, v31  }
0x164: {  	v39 =	vmul.f32 v36, v1;
	v4 =	vmul.f32 v4, v31  }
0x165: {  	v1 =	vmul.f32 v37, v1;
	v6 =	vmul.f32 v6, v31;
	v2 =	vadd.f32 v38, v2  }
0x166: {  	v4 =	vadd.f32 v39, v4  }
0x167: {  	v1 =	vadd.f32 v1, v6;
	[tilespmem:v3+s24+$0x0] =	vst.idx.msk $0xffff, v2  }
0x168: {  	s31 =	sadd.s32 $0xFFFFFFCE, s28;
	[tilespmem:v28+s24+$0x0] =	vst.idx.msk $0xffff, v4  }
0x169: {  	v3 =	vadd.s32 s31, v0;
	[tilespmem:v30+s24+$0x0] =	vst.idx.msk $0xffff, v1  }
0x16a: {  	s31 =	sadd.s32 $0xFFFFFFCF, s28;
	v1 =	vld [tilespmem:s29+$0x0]  }
0x16b: {  	v40 =	vadd.s32 s31, v0;
	s31 =	sadd.s32 $0xFFFFFFD0, s28  }
0x16c: {  	v42 =	vadd.s32 s31, v0;
	_ =	sdelay $0x1  }
0x16d: {  	v44 =	vld.idx.msk [tilespmem:v3+s17+$0x0], $0xffff  }
0x16e: {  	v47 =	vld.idx.msk [tilespmem:v3+s18+$0x0], $0xffff  }
0x16f: {  	v45 =	vld.idx.msk [tilespmem:v40+s17+$0x0], $0xffff  }
0x170: {  	v46 =	vld.idx.msk [tilespmem:v42+s17+$0x0], $0xffff  }
0x171: {  	v2 =	vld.idx.msk [tilespmem:v1+s19+$0x0], $0xffff  }
0x172: {  	v4 =	vld.idx.msk [tilespmem:v1+s20+$0x0], $0xffff  }
0x173: {  	v41 =	vld.idx.msk [tilespmem:v1+s21+$0x0], $0xffff  }
0x174: {  	v43 =	vld.idx.msk [tilespmem:v1+s22+$0x0], $0xffff  }
0x175: {  	v1 =	vld.idx.msk [tilespmem:v1+s23+$0x0], $0xffff  }
0x176: {  	v48 =	vld.idx.msk [tilespmem:v40+s18+$0x0], $0xffff  }
0x177: {  	v49 =	vld.idx.msk [tilespmem:v42+s18+$0x0], $0xffff  }
0x178: {  	v2 =	vsub.f32 v44, v2  }
0x179: {  	v4 =	vsub.f32 v45, v4  }
0x17a: {  	v50 =	vmul.f32 v47, v1;
	v6 =	vsub.f32 v46, v41;
	v2 =	vmul.f32 v2, v43  }
0x17b: {  	v51 =	vmul.f32 v48, v1;
	v4 =	vmul.f32 v4, v43  }
0x17c: {  	v1 =	vmul.f32 v49, v1;
	v6 =	vmul.f32 v6, v43;
	v2 =	vadd.f32 v50, v2  }
0x17d: {  	v4 =	vadd.f32 v51, v4  }
0x17e: {  	v1 =	vadd.f32 v1, v6;
	[tilespmem:v3+s24+$0x0] =	vst.idx.msk $0xffff, v2  }
0x17f: {  	[tilespmem:v40+s24+$0x0] =	vst.idx.msk $0xffff, v4  }
0x180: {  	v54 =	vadd.s32 s28, v0;
	s31 =	sadd.s32 $0xFFFFFFFE, s28;
	[tilespmem:v42+s24+$0x0] =	vst.idx.msk $0xffff, v1  }
0x181: {  	v3 =	vadd.s32 s31, v0;
	v1 =	vld [tilespmem:s29+$0x10]  }
0x182: {  	s31 =	sadd.s32 $0xFFFFFFFF, s28  }
0x183: {  	v52 =	vadd.s32 s31, v0;
	_ =	sdelay $0x1  }
0x184: {  	v58 =	vld.idx.msk [tilespmem:v54+s17+$0x0], $0xffff  }
0x185: {  	v56 =	vld.idx.msk [tilespmem:v3+s17+$0x0], $0xffff  }
0x186: {  	v59 =	vld.idx.msk [tilespmem:v3+s18+$0x0], $0xffff  }
0x187: {  	v57 =	vld.idx.msk [tilespmem:v52+s17+$0x0], $0xffff  }
0x188: {  	v2 =	vld.idx.msk [tilespmem:v1+s19+$0x0], $0xffff  }
0x189: {  	v4 =	vld.idx.msk [tilespmem:v1+s20+$0x0], $0xffff  }
0x18a: {  	v53 =	vld.idx.msk [tilespmem:v1+s21+$0x0], $0xffff  }
0x18b: {  	v55 =	vld.idx.msk [tilespmem:v1+s22+$0x0], $0xffff  }
0x18c: {  	v1 =	vld.idx.msk [tilespmem:v1+s23+$0x0], $0xffff  }
0x18d: {  	v60 =	vld.idx.msk [tilespmem:v52+s18+$0x0], $0xffff  }
0x18e: {  	v61 =	vld.idx.msk [tilespmem:v54+s18+$0x0], $0xffff  }
0x18f: {  	v2 =	vsub.f32 v56, v2  }
0x190: {  	v4 =	vsub.f32 v57, v4  }
0x191: {  	s26 =	sadd.s32 $0x4, s26;
	v62 =	vmul.f32 v59, v1;
	v6 =	vsub.f32 v58, v53;
	v2 =	vmul.f32 v2, v55  }
0x192: {  	p0 =	slt.u32 s26, $0x24;
	v63 =	vmul.f32 v60, v1;
	v4 =	vmul.f32 v4, v55  }
.Ltmp0:
0x193: {  	v1 =	vmul.f32 v61, v1;
	v6 =	vmul.f32 v6, v55;
	v2 =	vadd.f32 v62, v2;
	(pc) =	sbr.rel @p0 .LBB2_2-.Ltmp0, $4  }
0x194: {  	v4 =	vadd.f32 v63, v4  }
0x195: {  	v1 =	vadd.f32 v1, v6;
	[tilespmem:v3+s24+$0x0] =	vst.idx.msk $0xffff, v2  }
0x196: {  	[tilespmem:v52+s24+$0x0] =	vst.idx.msk $0xffff, v4  }
0x197: {  	s28 =	sadd.s32 $0xC0, s28;
	s29 =	sadd.s32 $0x40, s29;
	[tilespmem:v54+s24+$0x0] =	vst.idx.msk $0xffff, v1  }
0x198: {  	s25 =	sadd.s32 $0x1, s25  }
0x199: {  	p0 =	sne.s32 s25, s11  }
.Ltmp1:
0x19a: {  	_ = 	snop;
	(pc) =	sbr.rel @p0 .LBB2_1-.Ltmp1, $4  }
0x19b: {  	[hbm4b:s10+s3] =	stream.linear.scatter [tilespmem:s24], [sflag:$0x1], $0x780, $0x38;
	[tilespmem:$0x6700] =	vst v63  }
0x19c: {  	_ =	swait.ge [sflag:s12], $0x780  }
0x19d: {  	[sflag:s12] =	ssyncset.done $0x0  }
0x19e: {  	[sflag:s12] =	ssyncadd.s32 $0xFFFFF880  }
0x19f: {  	_ =	sfence.sel $0x180000  }
0x1a0: {  	[bflag:$0x0] =	sbarrier.arrive $0xFFFF  }
0x1a1: {  	p0 =	sne.s32 s1, $0x0;
	_ =	strace $0x9000004A  }
0x1a2: {  	s0 =	sadd.s32 @!p0 $0x100000, s0;
	[bflag:$0x2] =	sbarrier.arrive $0xFFFF  }
0x1a3: {  	[sflag:s0] =	ssyncadd.tile.s32 @!p0 $0x1;
	_ =	shalt  }
.Lfunc_end2:
_tile_overlayer_lowered:
.L_overlay_start_2:
0x1a4: {  	(tag) =	ssettag $0x2  }
0x1a5: {  	s0 =	rddreg [dreg:$0x0];
	s2 =	stileid.u32  }
0x1a6: {  	s1 =	rddreg [dreg:$0x1];
	p0 =	sne.s32 s2, $0x0  }
0x1a7: {  	s3 =	rddreg [dreg:$0x2];
	[bflag:$0x3] =	sbarrier.arrive $0xFFFF;
	s2 =	simm.s32 @!p0 $0x1C01  }
0x1a8: {  	[timem:s3], [sflag:s2] =	dma.local @!p0 [hbm:s0], s1  }
0x1a9: {  	s0 =	simm.s32 @!p0 $0x1  }
0x1aa: {  	_ =	swait.ge @!p0 [sflag:s0], s1  }
0x1ab: {  	s1 =	ssub.s32 @!p0 $0x0, s1;
	[sflag:s0] =	ssyncset.done @!p0 $0x0  }
0x1ac: {  	[sflag:s0] =	ssyncadd.s32 @!p0 s1  }
0x1ad: {  	[bflag:$0x3] =	sbarrier.arrive $0xFFFF  }
0x1ae: {  	_ =	shalt  }

</sc_bundles>
